<compile_context>
chip_gen: v7x
topology: tpu7x:2x2x1
jax: 0.10.2.dev20260603
libtpu: 0.0.44.dev20260713+nightly
codegen_flags: <defaults>
</compile_context>

<pallas_src>
import jax
import jax.numpy as jnp
from jax import lax
from jax.experimental import pallas as pl
from jax.experimental.pallas import tpu as pltpu
from jax.experimental.pallas import tpu_sc as plsc

N = 10000
E = 320000
D = 128
EPS = 1e-5

NC = 2
NS = 16
NW = NC * NS

CHUNK = 128
EPW = 10240
E_PAD = EPW * NW
N_CHUNKS = EPW // CHUNK
WROWS = CHUNK // 16
N_PAD = 10112
ROWS_PT = N_PAD // NS
IDX_ROWS = E_PAD // 128
W_ROWS = E_PAD // 16


def _spmm_kernel(src_hbm, dst_hbm, w_hbm, x_hbm, out_hbm, accum,
                 srcv0, dstv0, dstx0, wv0, rows0, semi0, semg0, sems0,
                 srcv1, dstv1, dstx1, wv1, rows1, semi1, semg1, sems1):
    cid = lax.axis_index("c")
    sid = lax.axis_index("s")
    wid = cid * NS + sid
    bufs = ((srcv0, dstv0, dstx0, wv0, rows0, semi0, semg0, sems0),
            (srcv1, dstv1, dstx1, wv1, rows1, semi1, semg1, sems1))

    idx_base = wid * (EPW // 128)
    w_base = wid * (EPW // 16)

    def idx_issue(k, b):
        srcv, dstv, _, wv, _, semi, _, _ = bufs[b]
        rb = jnp.minimum(idx_base + k, IDX_ROWS - 1)
        wb = jnp.minimum(w_base + k * WROWS, W_ROWS - WROWS)
        pltpu.async_copy(src_hbm.at[pl.ds(rb, 1)], srcv, semi)
        pltpu.async_copy(dst_hbm.at[pl.ds(rb, 1)], dstv, semi)
        pltpu.async_copy(w_hbm.at[pl.ds(wb, WROWS)], wv, semi)

    def idx_wait(b):
        srcv, dstv, _, wv, _, semi, _, _ = bufs[b]
        pltpu.make_async_copy(src_hbm.at[pl.ds(0, 1)], srcv, semi).wait()
        pltpu.make_async_copy(dst_hbm.at[pl.ds(0, 1)], dstv, semi).wait()
        pltpu.make_async_copy(w_hbm.at[pl.ds(0, WROWS)], wv, semi).wait()

    def gather_issue(b):
        srcv, _, _, _, rows, _, semg, _ = bufs[b]
        pltpu.async_copy(x_hbm.at[srcv.at[0, pl.ds(0, 64)]],
                         rows.at[pl.ds(0, 64)], semg)
        pltpu.async_copy(x_hbm.at[srcv.at[0, pl.ds(64, 64)]],
                         rows.at[pl.ds(64, 64)], semg)

    def gather_wait(b):
        srcv, _, _, _, rows, _, semg, _ = bufs[b]
        pltpu.make_async_copy(x_hbm.at[srcv.at[0, pl.ds(0, 64)]],
                              rows.at[pl.ds(0, 64)], semg).wait()
        pltpu.make_async_copy(x_hbm.at[srcv.at[0, pl.ds(64, 64)]],
                              rows.at[pl.ds(64, 64)], semg).wait()

    def scatter_issue(b):
        _, _, dstx, _, rows, _, _, sems = bufs[b]
        pltpu.async_copy(rows, accum.at[dstx.at[0]], sems, add=True)

    def scatter_wait(b):
        _, _, dstx, _, rows, _, _, sems = bufs[b]
        pltpu.make_async_copy(rows, accum.at[dstx.at[0]], sems).wait()

    def _zero_row(i, c):
        for j in range(D // 16):
            rows0[i, pl.ds(j * 16, 16)] = jnp.zeros((16,), jnp.float32)
        return c
    lax.fori_loop(0, CHUNK, _zero_row, 0)
    base = sid * ROWS_PT
    for t in range(ROWS_PT // CHUNK):
        pltpu.sync_copy(rows0.at[pl.ds(0, CHUNK)],
                        accum.at[pl.ds(base + t * CHUNK, CHUNK)])
    rem = ROWS_PT % CHUNK
    pltpu.sync_copy(rows0.at[pl.ds(0, rem)],
                    accum.at[pl.ds(base + ROWS_PT - rem, rem)])
    plsc.subcore_barrier()

    idx_issue(0, 0)
    idx_wait(0)
    gather_issue(0)
    idx_issue(1, 1)

    def _super(k2, c):
        for j in range(2):
            k = k2 * 2 + j
            srcv, dstv, dstx, wv, rows, semi, semg, sems = bufs[j]
            b1 = 1 - j
            gather_wait(j)
            idx_wait(b1)

            @pl.when(k >= 1)
            def _():
                scatter_wait(b1)
            gather_issue(b1)

            def _grp(g, cc):
                w16 = wv[g]
                for r in range(16):
                    ws = w16[r]
                    row = g * 16 + r
                    for jj in range(D // 16):
                        rows[row, pl.ds(jj * 16, 16)] = (
                            rows[row, pl.ds(jj * 16, 16)] * ws)
                return cc
            lax.fori_loop(0, WROWS, _grp, 0)

            for jj in range(128 // 16):
                dstx[0, pl.ds(jj * 16, 16)] = dstv[0, pl.ds(jj * 16, 16)]
            scatter_issue(j)
            idx_issue(k + 2, j)
        return c
    lax.fori_loop(0, N_CHUNKS // 2, _super, 0)

    gather_wait(0)
    idx_wait(1)
    scatter_wait(1)

    plsc.subcore_barrier()
    pltpu.sync_copy(accum.at[pl.ds(base, ROWS_PT)],
                    out_hbm.at[cid, pl.ds(base, ROWS_PT)])


@jax.jit
def _sc_spmm_call(src2d, dst2d, w16d, x):
    mesh = plsc.VectorSubcoreMesh(core_axis_name="c", subcore_axis_name="s",
                                  num_cores=NC, num_subcores=NS)
    buf_scratch = []
    for _ in range(2):
        buf_scratch += [
            pltpu.VMEM((1, 128), jnp.int32),
            pltpu.VMEM((1, 128), jnp.int32),
            pltpu.VMEM((1, 128), jnp.int32),
            pltpu.VMEM((WROWS, 16), jnp.float32),
            pltpu.VMEM((CHUNK, D), jnp.float32),
            pltpu.SemaphoreType.DMA,
            pltpu.SemaphoreType.DMA,
            pltpu.SemaphoreType.DMA,
        ]
    f = pl.kernel(
        _spmm_kernel,
        out_type=jax.ShapeDtypeStruct((NC, N_PAD, D), jnp.float32),
        mesh=mesh,
        scratch_types=[pltpu.VMEM_SHARED((N_PAD, D), jnp.float32)]
        + buf_scratch,
    )
    return f(src2d, dst2d, w16d, x)


def _bn1_body(p_ref, g_ref, b_ref, o_ref):
    x = p_ref[0, :N, :] + p_ref[1, :N, :]
    inv_n = jnp.float32(1.0 / N)
    mean = jnp.sum(x, axis=0, keepdims=True) * inv_n
    msq = jnp.sum(x * x, axis=0, keepdims=True) * inv_n
    var = msq - mean * mean
    inv = lax.rsqrt(var + EPS) * g_ref[...]
    o_ref[...] = (x - mean) * inv + b_ref[...]


def _bn2_body(p_ref, x1_ref, g_ref, b_ref, o_ref):
    x = p_ref[0, :N, :] + p_ref[1, :N, :]
    inv_n = jnp.float32(1.0 / N)
    mean = jnp.sum(x, axis=0, keepdims=True) * inv_n
    msq = jnp.sum(x * x, axis=0, keepdims=True) * inv_n
    var = msq - mean * mean
    inv = lax.rsqrt(var + EPS) * g_ref[...]
    y = (x - mean) * inv + b_ref[...]
    o_ref[...] = (x1_ref[...] + y) * jnp.float32(0.5)


@jax.jit
def _bn1(partials, gamma, beta):
    return pl.pallas_call(
        _bn1_body,
        out_shape=jax.ShapeDtypeStruct((N, D), jnp.float32),
    )(partials, gamma.reshape(1, D), beta.reshape(1, D))


@jax.jit
def _bn2(partials, x1, gamma, beta):
    return pl.pallas_call(
        _bn2_body,
        out_shape=jax.ShapeDtypeStruct((N, D), jnp.float32),
    )(partials, x1, gamma.reshape(1, D), beta.reshape(1, D))


def kernel(edge_index, edge_weight, W, gamma1, beta1, gamma2, beta2):
    src = edge_index[0].astype(jnp.int32)
    dst = edge_index[1].astype(jnp.int32)
    w = edge_weight.astype(jnp.float32)
    pad = E_PAD - E
    src = jnp.concatenate([src, jnp.zeros((pad,), jnp.int32)])
    dst = jnp.concatenate([dst, jnp.zeros((pad,), jnp.int32)])
    w = jnp.concatenate([w, jnp.zeros((pad,), jnp.float32)])
    src2d = src.reshape(E_PAD // 128, 128)
    dst2d = dst.reshape(E_PAD // 128, 128)
    w16d = w.reshape(E_PAD // 16, 16)

    p1 = _sc_spmm_call(src2d, dst2d, w16d, W)
    x1 = _bn1(p1, gamma1, beta1)
    p2 = _sc_spmm_call(src2d, dst2d, w16d, x1)
    return _bn2(p2, x1, gamma2, beta2)

# --- scband reference (transcript-rebuilt; emitter-appended) ---
"""Pipeline reference for scband-strc-16604343566780 (READ-ONLY COPY).

The authoritative reference and input builder live on the scoring server;
editing this copy changes nothing except your own understanding.
"""

import jax, jax.numpy as jnp
import numpy as np

N = 10000
E = 320000
D = 128
POWER = 2
EPS = 1e-5


def setup_inputs(seed: int = 0) -> dict:
    key = jax.random.key(seed)
    k1, k2, k3 = jax.random.split(key, 3)
    edge_index = jax.random.randint(k1, (2, E), 0, N)
    edge_weight = jax.random.uniform(k2, (E,), dtype=jnp.float32)
    # learned parameter W: [in_channels=N, out_channels=D] (kaiming-uniform-like init)
    bound = 1.0 / np.sqrt(N)
    W = jax.random.uniform(k3, (N, D), dtype=jnp.float32, minval=-bound, maxval=bound)
    # BatchNorm1d affine params for each of the `power` BN layers
    gamma1 = jnp.ones((D,), dtype=jnp.float32)
    beta1 = jnp.zeros((D,), dtype=jnp.float32)
    gamma2 = jnp.ones((D,), dtype=jnp.float32)
    beta2 = jnp.zeros((D,), dtype=jnp.float32)
    return {
        "edge_index": edge_index,
        "edge_weight": edge_weight,
        "W": W,
        "gamma1": gamma1,
        "beta1": beta1,
        "gamma2": gamma2,
        "beta2": beta2,
    }


def _spmm(edge_index, edge_weight, X, n_nodes):
    # sparse A @ X where A is given in COO (src -> dst) form with weights
    src = edge_index[0]
    dst = edge_index[1]
    msgs = edge_weight[:, None] * jnp.take(X, src, axis=0)
    return jax.ops.segment_sum(msgs, dst, num_segments=n_nodes)


def _batchnorm_train(x, gamma, beta):
    # BatchNorm1d in train mode: biased batch stats over dim 0
    mean = x.mean(axis=0)
    var = x.var(axis=0)
    return (x - mean) / jnp.sqrt(var + EPS) * gamma + beta


def reference(edge_index, edge_weight, W, gamma1, beta1, gamma2, beta2):
    n_nodes = W.shape[0]
    bn_params = ((gamma1, beta1), (gamma2, beta2))
    cur = W
    xAs = []
    for i in range(POWER):
        temp = _spmm(edge_index, edge_weight, cur, n_nodes)
        g, b = bn_params[i]
        cur = _batchnorm_train(temp, g, b)
        xAs.append(cur)
    return jnp.stack(xAs).mean(axis=0)

if __name__ == "__main__":
    import jax
    _d = setup_inputs()
    print(jax.jit(kernel)(*tuple(_d.values())))

</pallas_src>

<mosaic_0001>
#map = affine_map<(d0, d1) -> (0, 0)>
#map1 = affine_map<(d0, d1) -> (0, 0, 0)>
module attributes {stable_mosaic.version = 14 : i64} {
  func.func @_spmm_kernel(%arg0: i32, %arg1: i32, %arg2: memref<2560x128xi32, #tpu.memory_space<hbm>>, %arg3: memref<2560x128xi32, #tpu.memory_space<hbm>>, %arg4: memref<20480x16xf32, #tpu.memory_space<hbm>>, %arg5: memref<10000x128xf32, #tpu.memory_space<hbm>>, %arg6: memref<2x10112x128xf32, #tpu.memory_space<hbm>>, %arg7: memref<10112x128xf32, #tpu.memory_space<vmem_shared>>, %arg8: memref<1x128xi32, #tpu.memory_space<vmem>>, %arg9: memref<1x128xi32, #tpu.memory_space<vmem>>, %arg10: memref<1x128xi32, #tpu.memory_space<vmem>>, %arg11: memref<8x16xf32, #tpu.memory_space<vmem>>, %arg12: memref<128x128xf32, #tpu.memory_space<vmem>>, %arg13: memref<!tpu.dma_semaphore, #tpu.memory_space<semaphore_mem>>, %arg14: memref<!tpu.dma_semaphore, #tpu.memory_space<semaphore_mem>>, %arg15: memref<!tpu.dma_semaphore, #tpu.memory_space<semaphore_mem>>, %arg16: memref<1x128xi32, #tpu.memory_space<vmem>>, %arg17: memref<1x128xi32, #tpu.memory_space<vmem>>, %arg18: memref<1x128xi32, #tpu.memory_space<vmem>>, %arg19: memref<8x16xf32, #tpu.memory_space<vmem>>, %arg20: memref<128x128xf32, #tpu.memory_space<vmem>>, %arg21: memref<!tpu.dma_semaphore, #tpu.memory_space<semaphore_mem>>, %arg22: memref<!tpu.dma_semaphore, #tpu.memory_space<semaphore_mem>>, %arg23: memref<!tpu.dma_semaphore, #tpu.memory_space<semaphore_mem>>) attributes {dimension_semantics = [#tpu.dimension_semantics<core_parallel>, #tpu.dimension_semantics<subcore_parallel>], iteration_bounds = array<i64: 2, 16>, scalar_prefetch = 0 : i64, scratch_operands = 17 : i64, tpu.core_type = #tpu.core_type<sc_vector_subcore>, window_params = [{transform_indices = #map}, {transform_indices = #map}, {transform_indices = #map}, {transform_indices = #map}, {transform_indices = #map1}]} {
    %mul3A = arith.constant 16 : i32
    %mul3A_0 = arith.muli %arg0, %mul3A : i32
    %add3A = arith.addi %mul3A_0, %arg1 : i32
    %mul3A_1 = arith.constant 80 : i32
    %mul3A_2 = arith.muli %add3A, %mul3A_1 : i32
    %mul3A_3 = arith.constant 640 : i32
    %mul3A_4 = arith.muli %add3A, %mul3A_3 : i32
    %scan3A = arith.constant 0 : i32
    %scan3A_5 = arith.constant 0 : i32
    %scan3A_6 = arith.constant 128 : i32
    %scan3A_7 = arith.addi %scan3A_5, %scan3A_6 : i32
    %scan3A_8 = arith.constant 1 : i32
    scf.for %scan3A_150 = %scan3A_5 to %scan3A_7 step %scan3A_8  : i32 {
      %broadcast_in_dim3A = arith.constant 0.000000e+00 : f32
      %broadcast_in_dim3A_151 = vector.broadcast %broadcast_in_dim3A : f32 to vector<16xf32>
      %swap3A = arith.index_cast %scan3A_150 : i32 to index
      %swap3A_152 = arith.constant 0 : index
      %swap3A_153 = tpu.vector_load %arg12[%swap3A, %swap3A_152] {strides = array<i32>} : memref<128x128xf32, #tpu.memory_space<vmem>>, vector<1x16xf32>,
      %swap3A_154 = vector.shape_cast %swap3A_153 : vector<1x16xf32> to vector<16xf32>
      %swap3A_155 = vector.shape_cast %broadcast_in_dim3A_151 : vector<16xf32> to vector<1x16xf32>
      tpu.vector_store %arg12[%swap3A, %swap3A_152], %swap3A_155 {strides = array<i32>} : memref<128x128xf32, #tpu.memory_space<vmem>>, vector<1x16xf32>,
      %broadcast_in_dim3A_156 = arith.constant 0.000000e+00 : f32
      %broadcast_in_dim3A_157 = vector.broadcast %broadcast_in_dim3A_156 : f32 to vector<16xf32>
      %swap3A_158 = arith.index_cast %scan3A_150 : i32 to index
      %swap3A_159 = arith.constant 16 : index
      %swap3A_160 = tpu.vector_load %arg12[%swap3A_158, %swap3A_159] {strides = array<i32>} : memref<128x128xf32, #tpu.memory_space<vmem>>, vector<1x16xf32>,
      %swap3A_161 = vector.shape_cast %swap3A_160 : vector<1x16xf32> to vector<16xf32>
      %swap3A_162 = vector.shape_cast %broadcast_in_dim3A_157 : vector<16xf32> to vector<1x16xf32>
      tpu.vector_store %arg12[%swap3A_158, %swap3A_159], %swap3A_162 {strides = array<i32>} : memref<128x128xf32, #tpu.memory_space<vmem>>, vector<1x16xf32>,
      %broadcast_in_dim3A_163 = arith.constant 0.000000e+00 : f32
      %broadcast_in_dim3A_164 = vector.broadcast %broadcast_in_dim3A_163 : f32 to vector<16xf32>
      %swap3A_165 = arith.index_cast %scan3A_150 : i32 to index
      %swap3A_166 = arith.constant 32 : index
      %swap3A_167 = tpu.vector_load %arg12[%swap3A_165, %swap3A_166] {strides = array<i32>} : memref<128x128xf32, #tpu.memory_space<vmem>>, vector<1x16xf32>,
      %swap3A_168 = vector.shape_cast %swap3A_167 : vector<1x16xf32> to vector<16xf32>
      %swap3A_169 = vector.shape_cast %broadcast_in_dim3A_164 : vector<16xf32> to vector<1x16xf32>
      tpu.vector_store %arg12[%swap3A_165, %swap3A_166], %swap3A_169 {strides = array<i32>} : memref<128x128xf32, #tpu.memory_space<vmem>>, vector<1x16xf32>,
      %broadcast_in_dim3A_170 = arith.constant 0.000000e+00 : f32
      %broadcast_in_dim3A_171 = vector.broadcast %broadcast_in_dim3A_170 : f32 to vector<16xf32>
      %swap3A_172 = arith.index_cast %scan3A_150 : i32 to index
      %swap3A_173 = arith.constant 48 : index
      %swap3A_174 = tpu.vector_load %arg12[%swap3A_172, %swap3A_173] {strides = array<i32>} : memref<128x128xf32, #tpu.memory_space<vmem>>, vector<1x16xf32>,
      %swap3A_175 = vector.shape_cast %swap3A_174 : vector<1x16xf32> to vector<16xf32>
      %swap3A_176 = vector.shape_cast %broadcast_in_dim3A_171 : vector<16xf32> to vector<1x16xf32>
      tpu.vector_store %arg12[%swap3A_172, %swap3A_173], %swap3A_176 {strides = array<i32>} : memref<128x128xf32, #tpu.memory_space<vmem>>, vector<1x16xf32>,
      %broadcast_in_dim3A_177 = arith.constant 0.000000e+00 : f32
      %broadcast_in_dim3A_178 = vector.broadcast %broadcast_in_dim3A_177 : f32 to vector<16xf32>
      %swap3A_179 = arith.index_cast %scan3A_150 : i32 to index
      %swap3A_180 = arith.constant 64 : index
      %swap3A_181 = tpu.vector_load %arg12[%swap3A_179, %swap3A_180] {strides = array<i32>} : memref<128x128xf32, #tpu.memory_space<vmem>>, vector<1x16xf32>,
      %swap3A_182 = vector.shape_cast %swap3A_181 : vector<1x16xf32> to vector<16xf32>
      %swap3A_183 = vector.shape_cast %broadcast_in_dim3A_178 : vector<16xf32> to vector<1x16xf32>
      tpu.vector_store %arg12[%swap3A_179, %swap3A_180], %swap3A_183 {strides = array<i32>} : memref<128x128xf32, #tpu.memory_space<vmem>>, vector<1x16xf32>,
      %broadcast_in_dim3A_184 = arith.constant 0.000000e+00 : f32
      %broadcast_in_dim3A_185 = vector.broadcast %broadcast_in_dim3A_184 : f32 to vector<16xf32>
      %swap3A_186 = arith.index_cast %scan3A_150 : i32 to index
      %swap3A_187 = arith.constant 80 : index
      %swap3A_188 = tpu.vector_load %arg12[%swap3A_186, %swap3A_187] {strides = array<i32>} : memref<128x128xf32, #tpu.memory_space<vmem>>, vector<1x16xf32>,
      %swap3A_189 = vector.shape_cast %swap3A_188 : vector<1x16xf32> to vector<16xf32>
      %swap3A_190 = vector.shape_cast %broadcast_in_dim3A_185 : vector<16xf32> to vector<1x16xf32>
      tpu.vector_store %arg12[%swap3A_186, %swap3A_187], %swap3A_190 {strides = array<i32>} : memref<128x128xf32, #tpu.memory_space<vmem>>, vector<1x16xf32>,
      %broadcast_in_dim3A_191 = arith.constant 0.000000e+00 : f32
      %broadcast_in_dim3A_192 = vector.broadcast %broadcast_in_dim3A_191 : f32 to vector<16xf32>
      %swap3A_193 = arith.index_cast %scan3A_150 : i32 to index
      %swap3A_194 = arith.constant 96 : index
      %swap3A_195 = tpu.vector_load %arg12[%swap3A_193, %swap3A_194] {strides = array<i32>} : memref<128x128xf32, #tpu.memory_space<vmem>>, vector<1x16xf32>,
      %swap3A_196 = vector.shape_cast %swap3A_195 : vector<1x16xf32> to vector<16xf32>
      %swap3A_197 = vector.shape_cast %broadcast_in_dim3A_192 : vector<16xf32> to vector<1x16xf32>
      tpu.vector_store %arg12[%swap3A_193, %swap3A_194], %swap3A_197 {strides = array<i32>} : memref<128x128xf32, #tpu.memory_space<vmem>>, vector<1x16xf32>,
      %broadcast_in_dim3A_198 = arith.constant 0.000000e+00 : f32
      %broadcast_in_dim3A_199 = vector.broadcast %broadcast_in_dim3A_198 : f32 to vector<16xf32>
      %swap3A_200 = arith.index_cast %scan3A_150 : i32 to index
      %swap3A_201 = arith.constant 112 : index
      %swap3A_202 = tpu.vector_load %arg12[%swap3A_200, %swap3A_201] {strides = array<i32>} : memref<128x128xf32, #tpu.memory_space<vmem>>, vector<1x16xf32>,
      %swap3A_203 = vector.shape_cast %swap3A_202 : vector<1x16xf32> to vector<16xf32>
      %swap3A_204 = vector.shape_cast %broadcast_in_dim3A_199 : vector<16xf32> to vector<1x16xf32>
      tpu.vector_store %arg12[%swap3A_200, %swap3A_201], %swap3A_204 {strides = array<i32>} : memref<128x128xf32, #tpu.memory_space<vmem>>, vector<1x16xf32>,
    }
    %scan3A_9 = arith.constant 128 : i32
    %mul3A_10 = arith.constant 632 : i32
    %mul3A_11 = arith.muli %arg1, %mul3A_10 : i32
    %add3A_12 = arith.constant 0 : i32
    %add3A_13 = arith.addi %mul3A_11, %add3A_12 : i32
    "tpu.region"() ({
      %run_scoped3A = tpu.sem_alloc : memref<!tpu.dma_semaphore, #tpu.memory_space<semaphore_mem>>
      %dma_start3A_150 = arith.constant 0 : i32
      %dma_start3A_151 = arith.constant 0 : i32
      %dma_start3A_152 = tpu.memref_slice %arg12[%dma_start3A_150, %dma_start3A_151] : memref<128x128xf32, #tpu.memory_space<vmem>> -> memref<128x128xf32, #tpu.memory_space<vmem>>
      %dma_start3A_153 = arith.constant 0 : i32
      %dma_start3A_154 = tpu.memref_slice %arg7[%add3A_13, %dma_start3A_153] : memref<10112x128xf32, #tpu.memory_space<vmem_shared>> -> memref<128x128xf32, #tpu.memory_space<vmem_shared>>
      %dma_start3A_155 = arith.constant 0 : i32
      %dma_start3A_156 = tpu.memref_slice %arg7[%add3A_13, %dma_start3A_155] : memref<10112x128xf32, #tpu.memory_space<vmem_shared>> -> memref<128x128xf32, #tpu.memory_space<vmem_shared>>
      %dma_start3A_157 = arith.constant 0 : i32
      %dma_start3A_158 = arith.constant 0 : i32
      %dma_start3A_159 = tpu.memref_slice %arg12[%dma_start3A_157, %dma_start3A_158] : memref<128x128xf32, #tpu.memory_space<vmem>> -> memref<128x128xf32, #tpu.memory_space<vmem>>
      tpu.enqueue_dma source(%dma_start3A_159 : memref<128x128xf32, #tpu.memory_space<vmem>>) target(%dma_start3A_156 : memref<128x128xf32, #tpu.memory_space<vmem_shared>>) target_semaphore(%run_scoped3A : memref<!tpu.dma_semaphore, #tpu.memory_space<semaphore_mem>>)
      %dma_wait3A_160 = arith.constant 0 : i32
      %dma_wait3A_161 = arith.constant 0 : i32
      %dma_wait3A_162 = tpu.memref_slice %arg12[%dma_wait3A_160, %dma_wait3A_161] : memref<128x128xf32, #tpu.memory_space<vmem>> -> memref<128x128xf32, #tpu.memory_space<vmem>>
      %dma_wait3A_163 = arith.constant 0 : i32
      %dma_wait3A_164 = tpu.memref_slice %arg7[%add3A_13, %dma_wait3A_163] : memref<10112x128xf32, #tpu.memory_space<vmem_shared>> -> memref<128x128xf32, #tpu.memory_space<vmem_shared>>
      %dma_wait3A_165 = arith.constant 0 : i32
      %dma_wait3A_166 = tpu.memref_slice %arg7[%add3A_13, %dma_wait3A_165] : memref<10112x128xf32, #tpu.memory_space<vmem_shared>> -> memref<128x128xf32, #tpu.memory_space<vmem_shared>>
      %dma_wait3A_167 = arith.constant 0 : i32
      %dma_wait3A_168 = arith.constant 0 : i32
      %dma_wait3A_169 = tpu.memref_slice %arg12[%dma_wait3A_167, %dma_wait3A_168] : memref<128x128xf32, #tpu.memory_space<vmem>> -> memref<128x128xf32, #tpu.memory_space<vmem>>
      tpu.wait_dma2 semaphore(%run_scoped3A : memref<!tpu.dma_semaphore, #tpu.memory_space<semaphore_mem>>) src(%dma_wait3A_169 : memref<128x128xf32, #tpu.memory_space<vmem>>) dst(%dma_wait3A_166 : memref<128x128xf32, #tpu.memory_space<vmem_shared>>)
      tpu.yield
    }) : () -> ()
    %add3A_14 = arith.constant 128 : i32
    %add3A_15 = arith.addi %mul3A_11, %add3A_14 : i32
    "tpu.region"() ({
      %run_scoped3A = tpu.sem_alloc : memref<!tpu.dma_semaphore, #tpu.memory_space<semaphore_mem>>
      %dma_start3A_150 = arith.constant 0 : i32
      %dma_start3A_151 = arith.constant 0 : i32
      %dma_start3A_152 = tpu.memref_slice %arg12[%dma_start3A_150, %dma_start3A_151] : memref<128x128xf32, #tpu.memory_space<vmem>> -> memref<128x128xf32, #tpu.memory_space<vmem>>
      %dma_start3A_153 = arith.constant 0 : i32
      %dma_start3A_154 = tpu.memref_slice %arg7[%add3A_15, %dma_start3A_153] : memref<10112x128xf32, #tpu.memory_space<vmem_shared>> -> memref<128x128xf32, #tpu.memory_space<vmem_shared>>
      %dma_start3A_155 = arith.constant 0 : i32
      %dma_start3A_156 = tpu.memref_slice %arg7[%add3A_15, %dma_start3A_155] : memref<10112x128xf32, #tpu.memory_space<vmem_shared>> -> memref<128x128xf32, #tpu.memory_space<vmem_shared>>
      %dma_start3A_157 = arith.constant 0 : i32
      %dma_start3A_158 = arith.constant 0 : i32
      %dma_start3A_159 = tpu.memref_slice %arg12[%dma_start3A_157, %dma_start3A_158] : memref<128x128xf32, #tpu.memory_space<vmem>> -> memref<128x128xf32, #tpu.memory_space<vmem>>
      tpu.enqueue_dma source(%dma_start3A_159 : memref<128x128xf32, #tpu.memory_space<vmem>>) target(%dma_start3A_156 : memref<128x128xf32, #tpu.memory_space<vmem_shared>>) target_semaphore(%run_scoped3A : memref<!tpu.dma_semaphore, #tpu.memory_space<semaphore_mem>>)
      %dma_wait3A_160 = arith.constant 0 : i32
      %dma_wait3A_161 = arith.constant 0 : i32
      %dma_wait3A_162 = tpu.memref_slice %arg12[%dma_wait3A_160, %dma_wait3A_161] : memref<128x128xf32, #tpu.memory_space<vmem>> -> memref<128x128xf32, #tpu.memory_space<vmem>>
      %dma_wait3A_163 = arith.constant 0 : i32
      %dma_wait3A_164 = tpu.memref_slice %arg7[%add3A_15, %dma_wait3A_163] : memref<10112x128xf32, #tpu.memory_space<vmem_shared>> -> memref<128x128xf32, #tpu.memory_space<vmem_shared>>
      %dma_wait3A_165 = arith.constant 0 : i32
      %dma_wait3A_166 = tpu.memref_slice %arg7[%add3A_15, %dma_wait3A_165] : memref<10112x128xf32, #tpu.memory_space<vmem_shared>> -> memref<128x128xf32, #tpu.memory_space<vmem_shared>>
      %dma_wait3A_167 = arith.constant 0 : i32
      %dma_wait3A_168 = arith.constant 0 : i32
      %dma_wait3A_169 = tpu.memref_slice %arg12[%dma_wait3A_167, %dma_wait3A_168] : memref<128x128xf32, #tpu.memory_space<vmem>> -> memref<128x128xf32, #tpu.memory_space<vmem>>
      tpu.wait_dma2 semaphore(%run_scoped3A : memref<!tpu.dma_semaphore, #tpu.memory_space<semaphore_mem>>) src(%dma_wait3A_169 : memref<128x128xf32, #tpu.memory_space<vmem>>) dst(%dma_wait3A_166 : memref<128x128xf32, #tpu.memory_space<vmem_shared>>)
      tpu.yield
    }) : () -> ()
    %add3A_16 = arith.constant 256 : i32
    %add3A_17 = arith.addi %mul3A_11, %add3A_16 : i32
    "tpu.region"() ({
      %run_scoped3A = tpu.sem_alloc : memref<!tpu.dma_semaphore, #tpu.memory_space<semaphore_mem>>
      %dma_start3A_150 = arith.constant 0 : i32
      %dma_start3A_151 = arith.constant 0 : i32
      %dma_start3A_152 = tpu.memref_slice %arg12[%dma_start3A_150, %dma_start3A_151] : memref<128x128xf32, #tpu.memory_space<vmem>> -> memref<128x128xf32, #tpu.memory_space<vmem>>
      %dma_start3A_153 = arith.constant 0 : i32
      %dma_start3A_154 = tpu.memref_slice %arg7[%add3A_17, %dma_start3A_153] : memref<10112x128xf32, #tpu.memory_space<vmem_shared>> -> memref<128x128xf32, #tpu.memory_space<vmem_shared>>
      %dma_start3A_155 = arith.constant 0 : i32
      %dma_start3A_156 = tpu.memref_slice %arg7[%add3A_17, %dma_start3A_155] : memref<10112x128xf32, #tpu.memory_space<vmem_shared>> -> memref<128x128xf32, #tpu.memory_space<vmem_shared>>
      %dma_start3A_157 = arith.constant 0 : i32
      %dma_start3A_158 = arith.constant 0 : i32
      %dma_start3A_159 = tpu.memref_slice %arg12[%dma_start3A_157, %dma_start3A_158] : memref<128x128xf32, #tpu.memory_space<vmem>> -> memref<128x128xf32, #tpu.memory_space<vmem>>
      tpu.enqueue_dma source(%dma_start3A_159 : memref<128x128xf32, #tpu.memory_space<vmem>>) target(%dma_start3A_156 : memref<128x128xf32, #tpu.memory_space<vmem_shared>>) target_semaphore(%run_scoped3A : memref<!tpu.dma_semaphore, #tpu.memory_space<semaphore_mem>>)
      %dma_wait3A_160 = arith.constant 0 : i32
      %dma_wait3A_161 = arith.constant 0 : i32
      %dma_wait3A_162 = tpu.memref_slice %arg12[%dma_wait3A_160, %dma_wait3A_161] : memref<128x128xf32, #tpu.memory_space<vmem>> -> memref<128x128xf32, #tpu.memory_space<vmem>>
      %dma_wait3A_163 = arith.constant 0 : i32
      %dma_wait3A_164 = tpu.memref_slice %arg7[%add3A_17, %dma_wait3A_163] : memref<10112x128xf32, #tpu.memory_space<vmem_shared>> -> memref<128x128xf32, #tpu.memory_space<vmem_shared>>
      %dma_wait3A_165 = arith.constant 0 : i32
      %dma_wait3A_166 = tpu.memref_slice %arg7[%add3A_17, %dma_wait3A_165] : memref<10112x128xf32, #tpu.memory_space<vmem_shared>> -> memref<128x128xf32, #tpu.memory_space<vmem_shared>>
      %dma_wait3A_167 = arith.constant 0 : i32
      %dma_wait3A_168 = arith.constant 0 : i32
      %dma_wait3A_169 = tpu.memref_slice %arg12[%dma_wait3A_167, %dma_wait3A_168] : memref<128x128xf32, #tpu.memory_space<vmem>> -> memref<128x128xf32, #tpu.memory_space<vmem>>
      tpu.wait_dma2 semaphore(%run_scoped3A : memref<!tpu.dma_semaphore, #tpu.memory_space<semaphore_mem>>) src(%dma_wait3A_169 : memref<128x128xf32, #tpu.memory_space<vmem>>) dst(%dma_wait3A_166 : memref<128x128xf32, #tpu.memory_space<vmem_shared>>)
      tpu.yield
    }) : () -> ()
    %add3A_18 = arith.constant 384 : i32
    %add3A_19 = arith.addi %mul3A_11, %add3A_18 : i32
    "tpu.region"() ({
      %run_scoped3A = tpu.sem_alloc : memref<!tpu.dma_semaphore, #tpu.memory_space<semaphore_mem>>
      %dma_start3A_150 = arith.constant 0 : i32
      %dma_start3A_151 = arith.constant 0 : i32
      %dma_start3A_152 = tpu.memref_slice %arg12[%dma_start3A_150, %dma_start3A_151] : memref<128x128xf32, #tpu.memory_space<vmem>> -> memref<128x128xf32, #tpu.memory_space<vmem>>
      %dma_start3A_153 = arith.constant 0 : i32
      %dma_start3A_154 = tpu.memref_slice %arg7[%add3A_19, %dma_start3A_153] : memref<10112x128xf32, #tpu.memory_space<vmem_shared>> -> memref<128x128xf32, #tpu.memory_space<vmem_shared>>
      %dma_start3A_155 = arith.constant 0 : i32
      %dma_start3A_156 = tpu.memref_slice %arg7[%add3A_19, %dma_start3A_155] : memref<10112x128xf32, #tpu.memory_space<vmem_shared>> -> memref<128x128xf32, #tpu.memory_space<vmem_shared>>
      %dma_start3A_157 = arith.constant 0 : i32
      %dma_start3A_158 = arith.constant 0 : i32
      %dma_start3A_159 = tpu.memref_slice %arg12[%dma_start3A_157, %dma_start3A_158] : memref<128x128xf32, #tpu.memory_space<vmem>> -> memref<128x128xf32, #tpu.memory_space<vmem>>
      tpu.enqueue_dma source(%dma_start3A_159 : memref<128x128xf32, #tpu.memory_space<vmem>>) target(%dma_start3A_156 : memref<128x128xf32, #tpu.memory_space<vmem_shared>>) target_semaphore(%run_scoped3A : memref<!tpu.dma_semaphore, #tpu.memory_space<semaphore_mem>>)
      %dma_wait3A_160 = arith.constant 0 : i32
      %dma_wait3A_161 = arith.constant 0 : i32
      %dma_wait3A_162 = tpu.memref_slice %arg12[%dma_wait3A_160, %dma_wait3A_161] : memref<128x128xf32, #tpu.memory_space<vmem>> -> memref<128x128xf32, #tpu.memory_space<vmem>>
      %dma_wait3A_163 = arith.constant 0 : i32
      %dma_wait3A_164 = tpu.memref_slice %arg7[%add3A_19, %dma_wait3A_163] : memref<10112x128xf32, #tpu.memory_space<vmem_shared>> -> memref<128x128xf32, #tpu.memory_space<vmem_shared>>
      %dma_wait3A_165 = arith.constant 0 : i32
      %dma_wait3A_166 = tpu.memref_slice %arg7[%add3A_19, %dma_wait3A_165] : memref<10112x128xf32, #tpu.memory_space<vmem_shared>> -> memref<128x128xf32, #tpu.memory_space<vmem_shared>>
      %dma_wait3A_167 = arith.constant 0 : i32
      %dma_wait3A_168 = arith.constant 0 : i32
      %dma_wait3A_169 = tpu.memref_slice %arg12[%dma_wait3A_167, %dma_wait3A_168] : memref<128x128xf32, #tpu.memory_space<vmem>> -> memref<128x128xf32, #tpu.memory_space<vmem>>
      tpu.wait_dma2 semaphore(%run_scoped3A : memref<!tpu.dma_semaphore, #tpu.memory_space<semaphore_mem>>) src(%dma_wait3A_169 : memref<128x128xf32, #tpu.memory_space<vmem>>) dst(%dma_wait3A_166 : memref<128x128xf32, #tpu.memory_space<vmem_shared>>)
      tpu.yield
    }) : () -> ()
    %add3A_20 = arith.constant 632 : i32
    %add3A_21 = arith.addi %mul3A_11, %add3A_20 : i32
    %sub3A = arith.constant 120 : i32
    %sub3A_22 = arith.subi %add3A_21, %sub3A : i32
    "tpu.region"() ({
      %run_scoped3A = tpu.sem_alloc : memref<!tpu.dma_semaphore, #tpu.memory_space<semaphore_mem>>
      %dma_start3A_150 = arith.constant 0 : i32
      %dma_start3A_151 = arith.constant 0 : i32
      %dma_start3A_152 = tpu.memref_slice %arg12[%dma_start3A_150, %dma_start3A_151] : memref<128x128xf32, #tpu.memory_space<vmem>> -> memref<120x128xf32, #tpu.memory_space<vmem>>
      %dma_start3A_153 = arith.constant 0 : i32
      %dma_start3A_154 = tpu.memref_slice %arg7[%sub3A_22, %dma_start3A_153] : memref<10112x128xf32, #tpu.memory_space<vmem_shared>> -> memref<120x128xf32, #tpu.memory_space<vmem_shared>>
      %dma_start3A_155 = arith.constant 0 : i32
      %dma_start3A_156 = tpu.memref_slice %arg7[%sub3A_22, %dma_start3A_155] : memref<10112x128xf32, #tpu.memory_space<vmem_shared>> -> memref<120x128xf32, #tpu.memory_space<vmem_shared>>
      %dma_start3A_157 = arith.constant 0 : i32
      %dma_start3A_158 = arith.constant 0 : i32
      %dma_start3A_159 = tpu.memref_slice %arg12[%dma_start3A_157, %dma_start3A_158] : memref<128x128xf32, #tpu.memory_space<vmem>> -> memref<120x128xf32, #tpu.memory_space<vmem>>
      tpu.enqueue_dma source(%dma_start3A_159 : memref<120x128xf32, #tpu.memory_space<vmem>>) target(%dma_start3A_156 : memref<120x128xf32, #tpu.memory_space<vmem_shared>>) target_semaphore(%run_scoped3A : memref<!tpu.dma_semaphore, #tpu.memory_space<semaphore_mem>>)
      %dma_wait3A_160 = arith.constant 0 : i32
      %dma_wait3A_161 = arith.constant 0 : i32
      %dma_wait3A_162 = tpu.memref_slice %arg12[%dma_wait3A_160, %dma_wait3A_161] : memref<128x128xf32, #tpu.memory_space<vmem>> -> memref<120x128xf32, #tpu.memory_space<vmem>>
      %dma_wait3A_163 = arith.constant 0 : i32
      %dma_wait3A_164 = tpu.memref_slice %arg7[%sub3A_22, %dma_wait3A_163] : memref<10112x128xf32, #tpu.memory_space<vmem_shared>> -> memref<120x128xf32, #tpu.memory_space<vmem_shared>>
      %dma_wait3A_165 = arith.constant 0 : i32
      %dma_wait3A_166 = tpu.memref_slice %arg7[%sub3A_22, %dma_wait3A_165] : memref<10112x128xf32, #tpu.memory_space<vmem_shared>> -> memref<120x128xf32, #tpu.memory_space<vmem_shared>>
      %dma_wait3A_167 = arith.constant 0 : i32
      %dma_wait3A_168 = arith.constant 0 : i32
      %dma_wait3A_169 = tpu.memref_slice %arg12[%dma_wait3A_167, %dma_wait3A_168] : memref<128x128xf32, #tpu.memory_space<vmem>> -> memref<120x128xf32, #tpu.memory_space<vmem>>
      tpu.wait_dma2 semaphore(%run_scoped3A : memref<!tpu.dma_semaphore, #tpu.memory_space<semaphore_mem>>) src(%dma_wait3A_169 : memref<120x128xf32, #tpu.memory_space<vmem>>) dst(%dma_wait3A_166 : memref<120x128xf32, #tpu.memory_space<vmem_shared>>)
      tpu.yield
    }) : () -> ()
    %barrier3A = arith.constant 0 : index
    tpu.barrier barrier_id(%barrier3A)
    %add3A_23 = arith.constant 0 : i32
    %add3A_24 = arith.addi %mul3A_2, %add3A_23 : i32
    %min3A = arith.constant 2559 : i32
    %min3A_25 = arith.minsi %add3A_24, %min3A : i32
    %add3A_26 = arith.constant 0 : i32
    %add3A_27 = arith.addi %mul3A_4, %add3A_26 : i32
    %min3A_28 = arith.constant 20472 : i32
    %min3A_29 = arith.minsi %add3A_27, %min3A_28 : i32
    %dma_start3A = arith.constant 0 : i32
    %dma_start3A_30 = tpu.memref_slice %arg2[%min3A_25, %dma_start3A] : memref<2560x128xi32, #tpu.memory_space<hbm>> -> memref<1x128xi32, #tpu.memory_space<hbm>>
    %dma_start3A_31 = arith.constant 0 : i32
    %dma_start3A_32 = tpu.memref_slice %arg2[%min3A_25, %dma_start3A_31] : memref<2560x128xi32, #tpu.memory_space<hbm>> -> memref<1x128xi32, #tpu.memory_space<hbm>>
    tpu.enqueue_dma source(%dma_start3A_32 : memref<1x128xi32, #tpu.memory_space<hbm>>) target(%arg8 : memref<1x128xi32, #tpu.memory_space<vmem>>) target_semaphore(%arg13 : memref<!tpu.dma_semaphore, #tpu.memory_space<semaphore_mem>>)
    %dma_start3A_33 = arith.constant 0 : i32
    %dma_start3A_34 = tpu.memref_slice %arg3[%min3A_25, %dma_start3A_33] : memref<2560x128xi32, #tpu.memory_space<hbm>> -> memref<1x128xi32, #tpu.memory_space<hbm>>
    %dma_start3A_35 = arith.constant 0 : i32
    %dma_start3A_36 = tpu.memref_slice %arg3[%min3A_25, %dma_start3A_35] : memref<2560x128xi32, #tpu.memory_space<hbm>> -> memref<1x128xi32, #tpu.memory_space<hbm>>
    tpu.enqueue_dma source(%dma_start3A_36 : memref<1x128xi32, #tpu.memory_space<hbm>>) target(%arg9 : memref<1x128xi32, #tpu.memory_space<vmem>>) target_semaphore(%arg13 : memref<!tpu.dma_semaphore, #tpu.memory_space<semaphore_mem>>)
    %dma_start3A_37 = arith.constant 0 : i32
    %dma_start3A_38 = tpu.memref_slice %arg4[%min3A_29, %dma_start3A_37] : memref<20480x16xf32, #tpu.memory_space<hbm>> -> memref<8x16xf32, #tpu.memory_space<hbm>>
    %dma_start3A_39 = arith.constant 0 : i32
    %dma_start3A_40 = tpu.memref_slice %arg4[%min3A_29, %dma_start3A_39] : memref<20480x16xf32, #tpu.memory_space<hbm>> -> memref<8x16xf32, #tpu.memory_space<hbm>>
    tpu.enqueue_dma source(%dma_start3A_40 : memref<8x16xf32, #tpu.memory_space<hbm>>) target(%arg11 : memref<8x16xf32, #tpu.memory_space<vmem>>) target_semaphore(%arg13 : memref<!tpu.dma_semaphore, #tpu.memory_space<semaphore_mem>>)
    %dma_wait3A = arith.constant 0 : i32
    %dma_wait3A_41 = arith.constant 0 : i32
    %dma_wait3A_42 = tpu.memref_slice %arg2[%dma_wait3A, %dma_wait3A_41] : memref<2560x128xi32, #tpu.memory_space<hbm>> -> memref<1x128xi32, #tpu.memory_space<hbm>>
    %dma_wait3A_43 = arith.constant 0 : i32
    %dma_wait3A_44 = arith.constant 0 : i32
    %dma_wait3A_45 = tpu.memref_slice %arg2[%dma_wait3A_43, %dma_wait3A_44] : memref<2560x128xi32, #tpu.memory_space<hbm>> -> memref<1x128xi32, #tpu.memory_space<hbm>>
    tpu.wait_dma2 semaphore(%arg13 : memref<!tpu.dma_semaphore, #tpu.memory_space<semaphore_mem>>) src(%dma_wait3A_45 : memref<1x128xi32, #tpu.memory_space<hbm>>) dst(%arg8 : memref<1x128xi32, #tpu.memory_space<vmem>>)
    %dma_wait3A_46 = arith.constant 0 : i32
    %dma_wait3A_47 = arith.constant 0 : i32
    %dma_wait3A_48 = tpu.memref_slice %arg3[%dma_wait3A_46, %dma_wait3A_47] : memref<2560x128xi32, #tpu.memory_space<hbm>> -> memref<1x128xi32, #tpu.memory_space<hbm>>
    %dma_wait3A_49 = arith.constant 0 : i32
    %dma_wait3A_50 = arith.constant 0 : i32
    %dma_wait3A_51 = tpu.memref_slice %arg3[%dma_wait3A_49, %dma_wait3A_50] : memref<2560x128xi32, #tpu.memory_space<hbm>> -> memref<1x128xi32, #tpu.memory_space<hbm>>
    tpu.wait_dma2 semaphore(%arg13 : memref<!tpu.dma_semaphore, #tpu.memory_space<semaphore_mem>>) src(%dma_wait3A_51 : memref<1x128xi32, #tpu.memory_space<hbm>>) dst(%arg9 : memref<1x128xi32, #tpu.memory_space<vmem>>)
    %dma_wait3A_52 = arith.constant 0 : i32
    %dma_wait3A_53 = arith.constant 0 : i32
    %dma_wait3A_54 = tpu.memref_slice %arg4[%dma_wait3A_52, %dma_wait3A_53] : memref<20480x16xf32, #tpu.memory_space<hbm>> -> memref<8x16xf32, #tpu.memory_space<hbm>>
    %dma_wait3A_55 = arith.constant 0 : i32
    %dma_wait3A_56 = arith.constant 0 : i32
    %dma_wait3A_57 = tpu.memref_slice %arg4[%dma_wait3A_55, %dma_wait3A_56] : memref<20480x16xf32, #tpu.memory_space<hbm>> -> memref<8x16xf32, #tpu.memory_space<hbm>>
    tpu.wait_dma2 semaphore(%arg13 : memref<!tpu.dma_semaphore, #tpu.memory_space<semaphore_mem>>) src(%dma_wait3A_57 : memref<8x16xf32, #tpu.memory_space<hbm>>) dst(%arg11 : memref<8x16xf32, #tpu.memory_space<vmem>>)
    %dma_start3A_58 = arith.constant 0 : i32
    %dma_start3A_59 = arith.constant 0 : i32
    %dma_start3A_60 = arith.constant 0 : i32
    %dma_start3A_61 = tpu.memref_slice %arg12[%dma_start3A_59, %dma_start3A_60] : memref<128x128xf32, #tpu.memory_space<vmem>> -> memref<64x128xf32, #tpu.memory_space<vmem>>
    %dma_start3A_62 = arith.constant 0 : i32
    %dma_start3A_63 = tpu.memref_slice %arg8[%dma_start3A_58, %dma_start3A_62] : memref<1x128xi32, #tpu.memory_space<vmem>> -> memref<1x64xi32, #tpu.memory_space<vmem>>
    %dma_start3A_64 = tpu.memref_squeeze %dma_start3A_63 : memref<1x64xi32, #tpu.memory_space<vmem>> -> memref<64xi32, #tpu.memory_space<vmem>>
    %dma_start3A_65 = arith.constant 0 : i32
    %dma_start3A_66 = arith.constant 0 : i32
    %dma_start3A_67 = tpu.memref_slice %arg5[%dma_start3A_65, %dma_start3A_66] : memref<10000x128xf32, #tpu.memory_space<hbm>> -> memref<10000x128xf32, #tpu.memory_space<hbm>>
    tpu.enqueue_indirect_dma source(%dma_start3A_67 : memref<10000x128xf32, #tpu.memory_space<hbm>>) target(%dma_start3A_61 : memref<64x128xf32, #tpu.memory_space<vmem>>) offsets(%dma_start3A_64 : memref<64xi32, #tpu.memory_space<vmem>>) semaphore(%arg14 : memref<!tpu.dma_semaphore, #tpu.memory_space<semaphore_mem>>)
    %dma_start3A_68 = arith.constant 0 : i32
    %dma_start3A_69 = arith.constant 64 : i32
    %dma_start3A_70 = arith.constant 0 : i32
    %dma_start3A_71 = tpu.memref_slice %arg12[%dma_start3A_69, %dma_start3A_70] : memref<128x128xf32, #tpu.memory_space<vmem>> -> memref<64x128xf32, #tpu.memory_space<vmem>>
    %dma_start3A_72 = arith.constant 64 : i32
    %dma_start3A_73 = tpu.memref_slice %arg8[%dma_start3A_68, %dma_start3A_72] : memref<1x128xi32, #tpu.memory_space<vmem>> -> memref<1x64xi32, #tpu.memory_space<vmem>>
    %dma_start3A_74 = tpu.memref_squeeze %dma_start3A_73 : memref<1x64xi32, #tpu.memory_space<vmem>> -> memref<64xi32, #tpu.memory_space<vmem>>
    %dma_start3A_75 = arith.constant 0 : i32
    %dma_start3A_76 = arith.constant 0 : i32
    %dma_start3A_77 = tpu.memref_slice %arg5[%dma_start3A_75, %dma_start3A_76] : memref<10000x128xf32, #tpu.memory_space<hbm>> -> memref<10000x128xf32, #tpu.memory_space<hbm>>
    tpu.enqueue_indirect_dma source(%dma_start3A_77 : memref<10000x128xf32, #tpu.memory_space<hbm>>) target(%dma_start3A_71 : memref<64x128xf32, #tpu.memory_space<vmem>>) offsets(%dma_start3A_74 : memref<64xi32, #tpu.memory_space<vmem>>) semaphore(%arg14 : memref<!tpu.dma_semaphore, #tpu.memory_space<semaphore_mem>>)
    %add3A_78 = arith.constant 1 : i32
    %add3A_79 = arith.addi %mul3A_2, %add3A_78 : i32
    %min3A_80 = arith.constant 2559 : i32
    %min3A_81 = arith.minsi %add3A_79, %min3A_80 : i32
    %add3A_82 = arith.constant 8 : i32
    %add3A_83 = arith.addi %mul3A_4, %add3A_82 : i32
    %min3A_84 = arith.constant 20472 : i32
    %min3A_85 = arith.minsi %add3A_83, %min3A_84 : i32
    %dma_start3A_86 = arith.constant 0 : i32
    %dma_start3A_87 = tpu.memref_slice %arg2[%min3A_81, %dma_start3A_86] : memref<2560x128xi32, #tpu.memory_space<hbm>> -> memref<1x128xi32, #tpu.memory_space<hbm>>
    %dma_start3A_88 = arith.constant 0 : i32
    %dma_start3A_89 = tpu.memref_slice %arg2[%min3A_81, %dma_start3A_88] : memref<2560x128xi32, #tpu.memory_space<hbm>> -> memref<1x128xi32, #tpu.memory_space<hbm>>
    tpu.enqueue_dma source(%dma_start3A_89 : memref<1x128xi32, #tpu.memory_space<hbm>>) target(%arg16 : memref<1x128xi32, #tpu.memory_space<vmem>>) target_semaphore(%arg21 : memref<!tpu.dma_semaphore, #tpu.memory_space<semaphore_mem>>)
    %dma_start3A_90 = arith.constant 0 : i32
    %dma_start3A_91 = tpu.memref_slice %arg3[%min3A_81, %dma_start3A_90] : memref<2560x128xi32, #tpu.memory_space<hbm>> -> memref<1x128xi32, #tpu.memory_space<hbm>>
    %dma_start3A_92 = arith.constant 0 : i32
    %dma_start3A_93 = tpu.memref_slice %arg3[%min3A_81, %dma_start3A_92] : memref<2560x128xi32, #tpu.memory_space<hbm>> -> memref<1x128xi32, #tpu.memory_space<hbm>>
    tpu.enqueue_dma source(%dma_start3A_93 : memref<1x128xi32, #tpu.memory_space<hbm>>) target(%arg17 : memref<1x128xi32, #tpu.memory_space<vmem>>) target_semaphore(%arg21 : memref<!tpu.dma_semaphore, #tpu.memory_space<semaphore_mem>>)
    %dma_start3A_94 = arith.constant 0 : i32
    %dma_start3A_95 = tpu.memref_slice %arg4[%min3A_85, %dma_start3A_94] : memref<20480x16xf32, #tpu.memory_space<hbm>> -> memref<8x16xf32, #tpu.memory_space<hbm>>
    %dma_start3A_96 = arith.constant 0 : i32
    %dma_start3A_97 = tpu.memref_slice %arg4[%min3A_85, %dma_start3A_96] : memref<20480x16xf32, #tpu.memory_space<hbm>> -> memref<8x16xf32, #tpu.memory_space<hbm>>
    tpu.enqueue_dma source(%dma_start3A_97 : memref<8x16xf32, #tpu.memory_space<hbm>>) target(%arg19 : memref<8x16xf32, #tpu.memory_space<vmem>>) target_semaphore(%arg21 : memref<!tpu.dma_semaphore, #tpu.memory_space<semaphore_mem>>)
    %scan3A_98 = arith.constant 0 : i32
    %scan3A_99 = arith.constant 0 : i32
    %scan3A_100 = arith.constant 40 : i32
    %scan3A_101 = arith.addi %scan3A_99, %scan3A_100 : i32
    %scan3A_102 = arith.constant 1 : i32
    scf.for %scan3A_150 = %scan3A_99 to %scan3A_101 step %scan3A_102  : i32 {
      %mul3A_151 = arith.constant 2 : i32
      %mul3A_152 = arith.muli %scan3A_150, %mul3A_151 : i32
      %add3A_153 = arith.constant 0 : i32
      %add3A_154 = arith.addi %mul3A_152, %add3A_153 : i32
      %dma_wait3A_155 = arith.constant 0 : i32
      %dma_wait3A_156 = arith.constant 0 : i32
      %dma_wait3A_157 = arith.constant 0 : i32
      %dma_wait3A_158 = tpu.memref_slice %arg12[%dma_wait3A_156, %dma_wait3A_157] : memref<128x128xf32, #tpu.memory_space<vmem>> -> memref<64x128xf32, #tpu.memory_space<vmem>>
      %dma_wait3A_159 = arith.constant 0 : i32
      %dma_wait3A_160 = tpu.memref_slice %arg8[%dma_wait3A_155, %dma_wait3A_159] : memref<1x128xi32, #tpu.memory_space<vmem>> -> memref<1x64xi32, #tpu.memory_space<vmem>>
      %dma_wait3A_161 = tpu.memref_squeeze %dma_wait3A_160 : memref<1x64xi32, #tpu.memory_space<vmem>> -> memref<64xi32, #tpu.memory_space<vmem>>
      %dma_wait3A_162 = arith.constant 0 : i32
      %dma_wait3A_163 = arith.constant 0 : i32
      %dma_wait3A_164 = tpu.memref_slice %arg5[%dma_wait3A_162, %dma_wait3A_163] : memref<10000x128xf32, #tpu.memory_space<hbm>> -> memref<10000x128xf32, #tpu.memory_space<hbm>>
      tpu.wait_indirect_dma semaphore(%arg14 : memref<!tpu.dma_semaphore, #tpu.memory_space<semaphore_mem>>) src(%dma_wait3A_164 : memref<10000x128xf32, #tpu.memory_space<hbm>>) dst(%dma_wait3A_158 : memref<64x128xf32, #tpu.memory_space<vmem>>)
      %dma_wait3A_165 = arith.constant 0 : i32
      %dma_wait3A_166 = arith.constant 64 : i32
      %dma_wait3A_167 = arith.constant 0 : i32
      %dma_wait3A_168 = tpu.memref_slice %arg12[%dma_wait3A_166, %dma_wait3A_167] : memref<128x128xf32, #tpu.memory_space<vmem>> -> memref<64x128xf32, #tpu.memory_space<vmem>>
      %dma_wait3A_169 = arith.constant 64 : i32
      %dma_wait3A_170 = tpu.memref_slice %arg8[%dma_wait3A_165, %dma_wait3A_169] : memref<1x128xi32, #tpu.memory_space<vmem>> -> memref<1x64xi32, #tpu.memory_space<vmem>>
      %dma_wait3A_171 = tpu.memref_squeeze %dma_wait3A_170 : memref<1x64xi32, #tpu.memory_space<vmem>> -> memref<64xi32, #tpu.memory_space<vmem>>
      %dma_wait3A_172 = arith.constant 0 : i32
      %dma_wait3A_173 = arith.constant 0 : i32
      %dma_wait3A_174 = tpu.memref_slice %arg5[%dma_wait3A_172, %dma_wait3A_173] : memref<10000x128xf32, #tpu.memory_space<hbm>> -> memref<10000x128xf32, #tpu.memory_space<hbm>>
      tpu.wait_indirect_dma semaphore(%arg14 : memref<!tpu.dma_semaphore, #tpu.memory_space<semaphore_mem>>) src(%dma_wait3A_174 : memref<10000x128xf32, #tpu.memory_space<hbm>>) dst(%dma_wait3A_168 : memref<64x128xf32, #tpu.memory_space<vmem>>)
      %dma_wait3A_175 = arith.constant 0 : i32
      %dma_wait3A_176 = arith.constant 0 : i32
      %dma_wait3A_177 = tpu.memref_slice %arg2[%dma_wait3A_175, %dma_wait3A_176] : memref<2560x128xi32, #tpu.memory_space<hbm>> -> memref<1x128xi32, #tpu.memory_space<hbm>>
      %dma_wait3A_178 = arith.constant 0 : i32
      %dma_wait3A_179 = arith.constant 0 : i32
      %dma_wait3A_180 = tpu.memref_slice %arg2[%dma_wait3A_178, %dma_wait3A_179] : memref<2560x128xi32, #tpu.memory_space<hbm>> -> memref<1x128xi32, #tpu.memory_space<hbm>>
      tpu.wait_dma2 semaphore(%arg21 : memref<!tpu.dma_semaphore, #tpu.memory_space<semaphore_mem>>) src(%dma_wait3A_180 : memref<1x128xi32, #tpu.memory_space<hbm>>) dst(%arg16 : memref<1x128xi32, #tpu.memory_space<vmem>>)
      %dma_wait3A_181 = arith.constant 0 : i32
      %dma_wait3A_182 = arith.constant 0 : i32
      %dma_wait3A_183 = tpu.memref_slice %arg3[%dma_wait3A_181, %dma_wait3A_182] : memref<2560x128xi32, #tpu.memory_space<hbm>> -> memref<1x128xi32, #tpu.memory_space<hbm>>
      %dma_wait3A_184 = arith.constant 0 : i32
      %dma_wait3A_185 = arith.constant 0 : i32
      %dma_wait3A_186 = tpu.memref_slice %arg3[%dma_wait3A_184, %dma_wait3A_185] : memref<2560x128xi32, #tpu.memory_space<hbm>> -> memref<1x128xi32, #tpu.memory_space<hbm>>
      tpu.wait_dma2 semaphore(%arg21 : memref<!tpu.dma_semaphore, #tpu.memory_space<semaphore_mem>>) src(%dma_wait3A_186 : memref<1x128xi32, #tpu.memory_space<hbm>>) dst(%arg17 : memref<1x128xi32, #tpu.memory_space<vmem>>)
      %dma_wait3A_187 = arith.constant 0 : i32
      %dma_wait3A_188 = arith.constant 0 : i32
      %dma_wait3A_189 = tpu.memref_slice %arg4[%dma_wait3A_187, %dma_wait3A_188] : memref<20480x16xf32, #tpu.memory_space<hbm>> -> memref<8x16xf32, #tpu.memory_space<hbm>>
      %dma_wait3A_190 = arith.constant 0 : i32
      %dma_wait3A_191 = arith.constant 0 : i32
      %dma_wait3A_192 = tpu.memref_slice %arg4[%dma_wait3A_190, %dma_wait3A_191] : memref<20480x16xf32, #tpu.memory_space<hbm>> -> memref<8x16xf32, #tpu.memory_space<hbm>>
      tpu.wait_dma2 semaphore(%arg21 : memref<!tpu.dma_semaphore, #tpu.memory_space<semaphore_mem>>) src(%dma_wait3A_192 : memref<8x16xf32, #tpu.memory_space<hbm>>) dst(%arg19 : memref<8x16xf32, #tpu.memory_space<vmem>>)
      %ge3A = arith.constant 1 : i32
      %ge3A_193 = arith.cmpi sge, %add3A_154, %ge3A : i32
      %convert_element_type3A = arith.extui %ge3A_193 : i1 to i32
      %cond3A = arith.constant 0 : i32
      %cond3A_194 = arith.cmpi ne, %convert_element_type3A, %cond3A : i32
      scf.if %cond3A_194 {
        %dma_wait3A_526 = arith.constant 0 : i32
        %dma_wait3A_527 = arith.constant 0 : i32
        %dma_wait3A_528 = tpu.memref_slice %arg18[%dma_wait3A_526, %dma_wait3A_527] : memref<1x128xi32, #tpu.memory_space<vmem>> -> memref<1x128xi32, #tpu.memory_space<vmem>>
        %dma_wait3A_529 = tpu.memref_squeeze %dma_wait3A_528 : memref<1x128xi32, #tpu.memory_space<vmem>> -> memref<128xi32, #tpu.memory_space<vmem>>
        %dma_wait3A_530 = arith.constant 0 : i32
        %dma_wait3A_531 = arith.constant 0 : i32
        %dma_wait3A_532 = tpu.memref_slice %arg7[%dma_wait3A_530, %dma_wait3A_531] : memref<10112x128xf32, #tpu.memory_space<vmem_shared>> -> memref<10112x128xf32, #tpu.memory_space<vmem_shared>>
        tpu.wait_indirect_dma semaphore(%arg23 : memref<!tpu.dma_semaphore, #tpu.memory_space<semaphore_mem>>) src(%arg20 : memref<128x128xf32, #tpu.memory_space<vmem>>) dst(%dma_wait3A_532 : memref<10112x128xf32, #tpu.memory_space<vmem_shared>>)
      } else {
      }
      %dma_start3A_195 = arith.constant 0 : i32
      %dma_start3A_196 = arith.constant 0 : i32
      %dma_start3A_197 = arith.constant 0 : i32
      %dma_start3A_198 = tpu.memref_slice %arg20[%dma_start3A_196, %dma_start3A_197] : memref<128x128xf32, #tpu.memory_space<vmem>> -> memref<64x128xf32, #tpu.memory_space<vmem>>
      %dma_start3A_199 = arith.constant 0 : i32
      %dma_start3A_200 = tpu.memref_slice %arg16[%dma_start3A_195, %dma_start3A_199] : memref<1x128xi32, #tpu.memory_space<vmem>> -> memref<1x64xi32, #tpu.memory_space<vmem>>
      %dma_start3A_201 = tpu.memref_squeeze %dma_start3A_200 : memref<1x64xi32, #tpu.memory_space<vmem>> -> memref<64xi32, #tpu.memory_space<vmem>>
      %dma_start3A_202 = arith.constant 0 : i32
      %dma_start3A_203 = arith.constant 0 : i32
      %dma_start3A_204 = tpu.memref_slice %arg5[%dma_start3A_202, %dma_start3A_203] : memref<10000x128xf32, #tpu.memory_space<hbm>> -> memref<10000x128xf32, #tpu.memory_space<hbm>>
      tpu.enqueue_indirect_dma source(%dma_start3A_204 : memref<10000x128xf32, #tpu.memory_space<hbm>>) target(%dma_start3A_198 : memref<64x128xf32, #tpu.memory_space<vmem>>) offsets(%dma_start3A_201 : memref<64xi32, #tpu.memory_space<vmem>>) semaphore(%arg22 : memref<!tpu.dma_semaphore, #tpu.memory_space<semaphore_mem>>)
      %dma_start3A_205 = arith.constant 0 : i32
      %dma_start3A_206 = arith.constant 64 : i32
      %dma_start3A_207 = arith.constant 0 : i32
      %dma_start3A_208 = tpu.memref_slice %arg20[%dma_start3A_206, %dma_start3A_207] : memref<128x128xf32, #tpu.memory_space<vmem>> -> memref<64x128xf32, #tpu.memory_space<vmem>>
      %dma_start3A_209 = arith.constant 64 : i32
      %dma_start3A_210 = tpu.memref_slice %arg16[%dma_start3A_205, %dma_start3A_209] : memref<1x128xi32, #tpu.memory_space<vmem>> -> memref<1x64xi32, #tpu.memory_space<vmem>>
      %dma_start3A_211 = tpu.memref_squeeze %dma_start3A_210 : memref<1x64xi32, #tpu.memory_space<vmem>> -> memref<64xi32, #tpu.memory_space<vmem>>
      %dma_start3A_212 = arith.constant 0 : i32
      %dma_start3A_213 = arith.constant 0 : i32
      %dma_start3A_214 = tpu.memref_slice %arg5[%dma_start3A_212, %dma_start3A_213] : memref<10000x128xf32, #tpu.memory_space<hbm>> -> memref<10000x128xf32, #tpu.memory_space<hbm>>
      tpu.enqueue_indirect_dma source(%dma_start3A_214 : memref<10000x128xf32, #tpu.memory_space<hbm>>) target(%dma_start3A_208 : memref<64x128xf32, #tpu.memory_space<vmem>>) offsets(%dma_start3A_211 : memref<64xi32, #tpu.memory_space<vmem>>) semaphore(%arg22 : memref<!tpu.dma_semaphore, #tpu.memory_space<semaphore_mem>>)
      %scan3A_215 = arith.constant 0 : i32
      %scan3A_216 = arith.constant 0 : i32
      %scan3A_217 = arith.constant 8 : i32
      %scan3A_218 = arith.addi %scan3A_216, %scan3A_217 : i32
      %scan3A_219 = arith.constant 1 : i32
      scf.for %scan3A_526 = %scan3A_216 to %scan3A_218 step %scan3A_219  : i32 {
        %get3A_527 = arith.index_cast %scan3A_526 : i32 to index
        %get3A_528 = arith.constant 0 : index
        %get3A_529 = tpu.vector_load %arg11[%get3A_527, %get3A_528] {strides = array<i32>} : memref<8x16xf32, #tpu.memory_space<vmem>>, vector<1x16xf32>,
        %get3A_530 = vector.shape_cast %get3A_529 : vector<1x16xf32> to vector<16xf32>
        %slice3A = vector.extract_strided_slice %get3A_530 {offsets = [0], sizes = [1], strides = [1]} : vector<16xf32> to vector<1xf32>
        %squeeze3A = vector.extract %slice3A[0] : f32 from vector<1xf32>
        %mul3A_531 = arith.constant 16 : i32
        %mul3A_532 = arith.muli %scan3A_526, %mul3A_531 : i32
        %add3A_533 = arith.constant 0 : i32
        %add3A_534 = arith.addi %mul3A_532, %add3A_533 : i32
        %get3A_535 = arith.index_cast %add3A_534 : i32 to index
        %get3A_536 = arith.constant 0 : index
        %get3A_537 = tpu.vector_load %arg12[%get3A_535, %get3A_536] {strides = array<i32>} : memref<128x128xf32, #tpu.memory_space<vmem>>, vector<1x16xf32>,
        %get3A_538 = vector.shape_cast %get3A_537 : vector<1x16xf32> to vector<16xf32>
        %mul3A_539 = vector.broadcast %squeeze3A : f32 to vector<16xf32>
        %mul3A_540 = arith.mulf %get3A_538, %mul3A_539 : vector<16xf32>
        %swap3A_541 = arith.index_cast %add3A_534 : i32 to index
        %swap3A_542 = arith.constant 0 : index
        %swap3A_543 = tpu.vector_load %arg12[%swap3A_541, %swap3A_542] {strides = array<i32>} : memref<128x128xf32, #tpu.memory_space<vmem>>, vector<1x16xf32>,
        %swap3A_544 = vector.shape_cast %swap3A_543 : vector<1x16xf32> to vector<16xf32>
        %swap3A_545 = vector.shape_cast %mul3A_540 : vector<16xf32> to vector<1x16xf32>
        tpu.vector_store %arg12[%swap3A_541, %swap3A_542], %swap3A_545 {strides = array<i32>} : memref<128x128xf32, #tpu.memory_space<vmem>>, vector<1x16xf32>,
        %get3A_546 = arith.index_cast %add3A_534 : i32 to index
        %get3A_547 = arith.constant 16 : index
        %get3A_548 = tpu.vector_load %arg12[%get3A_546, %get3A_547] {strides = array<i32>} : memref<128x128xf32, #tpu.memory_space<vmem>>, vector<1x16xf32>,
        %get3A_549 = vector.shape_cast %get3A_548 : vector<1x16xf32> to vector<16xf32>
        %mul3A_550 = vector.broadcast %squeeze3A : f32 to vector<16xf32>
        %mul3A_551 = arith.mulf %get3A_549, %mul3A_550 : vector<16xf32>
        %swap3A_552 = arith.index_cast %add3A_534 : i32 to index
        %swap3A_553 = arith.constant 16 : index
        %swap3A_554 = tpu.vector_load %arg12[%swap3A_552, %swap3A_553] {strides = array<i32>} : memref<128x128xf32, #tpu.memory_space<vmem>>, vector<1x16xf32>,
        %swap3A_555 = vector.shape_cast %swap3A_554 : vector<1x16xf32> to vector<16xf32>
        %swap3A_556 = vector.shape_cast %mul3A_551 : vector<16xf32> to vector<1x16xf32>
        tpu.vector_store %arg12[%swap3A_552, %swap3A_553], %swap3A_556 {strides = array<i32>} : memref<128x128xf32, #tpu.memory_space<vmem>>, vector<1x16xf32>,
        %get3A_557 = arith.index_cast %add3A_534 : i32 to index
        %get3A_558 = arith.constant 32 : index
        %get3A_559 = tpu.vector_load %arg12[%get3A_557, %get3A_558] {strides = array<i32>} : memref<128x128xf32, #tpu.memory_space<vmem>>, vector<1x16xf32>,
        %get3A_560 = vector.shape_cast %get3A_559 : vector<1x16xf32> to vector<16xf32>
        %mul3A_561 = vector.broadcast %squeeze3A : f32 to vector<16xf32>
        %mul3A_562 = arith.mulf %get3A_560, %mul3A_561 : vector<16xf32>
        %swap3A_563 = arith.index_cast %add3A_534 : i32 to index
        %swap3A_564 = arith.constant 32 : index
        %swap3A_565 = tpu.vector_load %arg12[%swap3A_563, %swap3A_564] {strides = array<i32>} : memref<128x128xf32, #tpu.memory_space<vmem>>, vector<1x16xf32>,
        %swap3A_566 = vector.shape_cast %swap3A_565 : vector<1x16xf32> to vector<16xf32>
        %swap3A_567 = vector.shape_cast %mul3A_562 : vector<16xf32> to vector<1x16xf32>
        tpu.vector_store %arg12[%swap3A_563, %swap3A_564], %swap3A_567 {strides = array<i32>} : memref<128x128xf32, #tpu.memory_space<vmem>>, vector<1x16xf32>,
        %get3A_568 = arith.index_cast %add3A_534 : i32 to index
        %get3A_569 = arith.constant 48 : index
        %get3A_570 = tpu.vector_load %arg12[%get3A_568, %get3A_569] {strides = array<i32>} : memref<128x128xf32, #tpu.memory_space<vmem>>, vector<1x16xf32>,
        %get3A_571 = vector.shape_cast %get3A_570 : vector<1x16xf32> to vector<16xf32>
        %mul3A_572 = vector.broadcast %squeeze3A : f32 to vector<16xf32>
        %mul3A_573 = arith.mulf %get3A_571, %mul3A_572 : vector<16xf32>
        %swap3A_574 = arith.index_cast %add3A_534 : i32 to index
        %swap3A_575 = arith.constant 48 : index
        %swap3A_576 = tpu.vector_load %arg12[%swap3A_574, %swap3A_575] {strides = array<i32>} : memref<128x128xf32, #tpu.memory_space<vmem>>, vector<1x16xf32>,
        %swap3A_577 = vector.shape_cast %swap3A_576 : vector<1x16xf32> to vector<16xf32>
        %swap3A_578 = vector.shape_cast %mul3A_573 : vector<16xf32> to vector<1x16xf32>
        tpu.vector_store %arg12[%swap3A_574, %swap3A_575], %swap3A_578 {strides = array<i32>} : memref<128x128xf32, #tpu.memory_space<vmem>>, vector<1x16xf32>,
        %get3A_579 = arith.index_cast %add3A_534 : i32 to index
        %get3A_580 = arith.constant 64 : index
        %get3A_581 = tpu.vector_load %arg12[%get3A_579, %get3A_580] {strides = array<i32>} : memref<128x128xf32, #tpu.memory_space<vmem>>, vector<1x16xf32>,
        %get3A_582 = vector.shape_cast %get3A_581 : vector<1x16xf32> to vector<16xf32>
        %mul3A_583 = vector.broadcast %squeeze3A : f32 to vector<16xf32>
        %mul3A_584 = arith.mulf %get3A_582, %mul3A_583 : vector<16xf32>
        %swap3A_585 = arith.index_cast %add3A_534 : i32 to index
        %swap3A_586 = arith.constant 64 : index
        %swap3A_587 = tpu.vector_load %arg12[%swap3A_585, %swap3A_586] {strides = array<i32>} : memref<128x128xf32, #tpu.memory_space<vmem>>, vector<1x16xf32>,
        %swap3A_588 = vector.shape_cast %swap3A_587 : vector<1x16xf32> to vector<16xf32>
        %swap3A_589 = vector.shape_cast %mul3A_584 : vector<16xf32> to vector<1x16xf32>
        tpu.vector_store %arg12[%swap3A_585, %swap3A_586], %swap3A_589 {strides = array<i32>} : memref<128x128xf32, #tpu.memory_space<vmem>>, vector<1x16xf32>,
        %get3A_590 = arith.index_cast %add3A_534 : i32 to index
        %get3A_591 = arith.constant 80 : index
        %get3A_592 = tpu.vector_load %arg12[%get3A_590, %get3A_591] {strides = array<i32>} : memref<128x128xf32, #tpu.memory_space<vmem>>, vector<1x16xf32>,
        %get3A_593 = vector.shape_cast %get3A_592 : vector<1x16xf32> to vector<16xf32>
        %mul3A_594 = vector.broadcast %squeeze3A : f32 to vector<16xf32>
        %mul3A_595 = arith.mulf %get3A_593, %mul3A_594 : vector<16xf32>
        %swap3A_596 = arith.index_cast %add3A_534 : i32 to index
        %swap3A_597 = arith.constant 80 : index
        %swap3A_598 = tpu.vector_load %arg12[%swap3A_596, %swap3A_597] {strides = array<i32>} : memref<128x128xf32, #tpu.memory_space<vmem>>, vector<1x16xf32>,
        %swap3A_599 = vector.shape_cast %swap3A_598 : vector<1x16xf32> to vector<16xf32>
        %swap3A_600 = vector.shape_cast %mul3A_595 : vector<16xf32> to vector<1x16xf32>
        tpu.vector_store %arg12[%swap3A_596, %swap3A_597], %swap3A_600 {strides = array<i32>} : memref<128x128xf32, #tpu.memory_space<vmem>>, vector<1x16xf32>,
        %get3A_601 = arith.index_cast %add3A_534 : i32 to index
        %get3A_602 = arith.constant 96 : index
        %get3A_603 = tpu.vector_load %arg12[%get3A_601, %get3A_602] {strides = array<i32>} : memref<128x128xf32, #tpu.memory_space<vmem>>, vector<1x16xf32>,
        %get3A_604 = vector.shape_cast %get3A_603 : vector<1x16xf32> to vector<16xf32>
        %mul3A_605 = vector.broadcast %squeeze3A : f32 to vector<16xf32>
        %mul3A_606 = arith.mulf %get3A_604, %mul3A_605 : vector<16xf32>
        %swap3A_607 = arith.index_cast %add3A_534 : i32 to index
        %swap3A_608 = arith.constant 96 : index
        %swap3A_609 = tpu.vector_load %arg12[%swap3A_607, %swap3A_608] {strides = array<i32>} : memref<128x128xf32, #tpu.memory_space<vmem>>, vector<1x16xf32>,
        %swap3A_610 = vector.shape_cast %swap3A_609 : vector<1x16xf32> to vector<16xf32>
        %swap3A_611 = vector.shape_cast %mul3A_606 : vector<16xf32> to vector<1x16xf32>
        tpu.vector_store %arg12[%swap3A_607, %swap3A_608], %swap3A_611 {strides = array<i32>} : memref<128x128xf32, #tpu.memory_space<vmem>>, vector<1x16xf32>,
        %get3A_612 = arith.index_cast %add3A_534 : i32 to index
        %get3A_613 = arith.constant 112 : index
        %get3A_614 = tpu.vector_load %arg12[%get3A_612, %get3A_613] {strides = array<i32>} : memref<128x128xf32, #tpu.memory_space<vmem>>, vector<1x16xf32>,
        %get3A_615 = vector.shape_cast %get3A_614 : vector<1x16xf32> to vector<16xf32>
        %mul3A_616 = vector.broadcast %squeeze3A : f32 to vector<16xf32>
        %mul3A_617 = arith.mulf %get3A_615, %mul3A_616 : vector<16xf32>
        %swap3A_618 = arith.index_cast %add3A_534 : i32 to index
        %swap3A_619 = arith.constant 112 : index
        %swap3A_620 = tpu.vector_load %arg12[%swap3A_618, %swap3A_619] {strides = array<i32>} : memref<128x128xf32, #tpu.memory_space<vmem>>, vector<1x16xf32>,
        %swap3A_621 = vector.shape_cast %swap3A_620 : vector<1x16xf32> to vector<16xf32>
        %swap3A_622 = vector.shape_cast %mul3A_617 : vector<16xf32> to vector<1x16xf32>
        tpu.vector_store %arg12[%swap3A_618, %swap3A_619], %swap3A_622 {strides = array<i32>} : memref<128x128xf32, #tpu.memory_space<vmem>>, vector<1x16xf32>,
        %slice3A_623 = vector.extract_strided_slice %get3A_530 {offsets = [1], sizes = [1], strides = [1]} : vector<16xf32> to vector<1xf32>
        %squeeze3A_624 = vector.extract %slice3A_623[0] : f32 from vector<1xf32>
        %mul3A_625 = arith.constant 16 : i32
        %mul3A_626 = arith.muli %scan3A_526, %mul3A_625 : i32
        %add3A_627 = arith.constant 1 : i32
        %add3A_628 = arith.addi %mul3A_626, %add3A_627 : i32
        %get3A_629 = arith.index_cast %add3A_628 : i32 to index
        %get3A_630 = arith.constant 0 : index
        %get3A_631 = tpu.vector_load %arg12[%get3A_629, %get3A_630] {strides = array<i32>} : memref<128x128xf32, #tpu.memory_space<vmem>>, vector<1x16xf32>,
        %get3A_632 = vector.shape_cast %get3A_631 : vector<1x16xf32> to vector<16xf32>
        %mul3A_633 = vector.broadcast %squeeze3A_624 : f32 to vector<16xf32>
        %mul3A_634 = arith.mulf %get3A_632, %mul3A_633 : vector<16xf32>
        %swap3A_635 = arith.index_cast %add3A_628 : i32 to index
        %swap3A_636 = arith.constant 0 : index
        %swap3A_637 = tpu.vector_load %arg12[%swap3A_635, %swap3A_636] {strides = array<i32>} : memref<128x128xf32, #tpu.memory_space<vmem>>, vector<1x16xf32>,
        %swap3A_638 = vector.shape_cast %swap3A_637 : vector<1x16xf32> to vector<16xf32>
        %swap3A_639 = vector.shape_cast %mul3A_634 : vector<16xf32> to vector<1x16xf32>
        tpu.vector_store %arg12[%swap3A_635, %swap3A_636], %swap3A_639 {strides = array<i32>} : memref<128x128xf32, #tpu.memory_space<vmem>>, vector<1x16xf32>,
        %get3A_640 = arith.index_cast %add3A_628 : i32 to index
        %get3A_641 = arith.constant 16 : index
        %get3A_642 = tpu.vector_load %arg12[%get3A_640, %get3A_641] {strides = array<i32>} : memref<128x128xf32, #tpu.memory_space<vmem>>, vector<1x16xf32>,
        %get3A_643 = vector.shape_cast %get3A_642 : vector<1x16xf32> to vector<16xf32>
        %mul3A_644 = vector.broadcast %squeeze3A_624 : f32 to vector<16xf32>
        %mul3A_645 = arith.mulf %get3A_643, %mul3A_644 : vector<16xf32>
        %swap3A_646 = arith.index_cast %add3A_628 : i32 to index
        %swap3A_647 = arith.constant 16 : index
        %swap3A_648 = tpu.vector_load %arg12[%swap3A_646, %swap3A_647] {strides = array<i32>} : memref<128x128xf32, #tpu.memory_space<vmem>>, vector<1x16xf32>,
        %swap3A_649 = vector.shape_cast %swap3A_648 : vector<1x16xf32> to vector<16xf32>
        %swap3A_650 = vector.shape_cast %mul3A_645 : vector<16xf32> to vector<1x16xf32>
        tpu.vector_store %arg12[%swap3A_646, %swap3A_647], %swap3A_650 {strides = array<i32>} : memref<128x128xf32, #tpu.memory_space<vmem>>, vector<1x16xf32>,
        %get3A_651 = arith.index_cast %add3A_628 : i32 to index
        %get3A_652 = arith.constant 32 : index
        %get3A_653 = tpu.vector_load %arg12[%get3A_651, %get3A_652] {strides = array<i32>} : memref<128x128xf32, #tpu.memory_space<vmem>>, vector<1x16xf32>,
        %get3A_654 = vector.shape_cast %get3A_653 : vector<1x16xf32> to vector<16xf32>
        %mul3A_655 = vector.broadcast %squeeze3A_624 : f32 to vector<16xf32>
        %mul3A_656 = arith.mulf %get3A_654, %mul3A_655 : vector<16xf32>
        %swap3A_657 = arith.index_cast %add3A_628 : i32 to index
        %swap3A_658 = arith.constant 32 : index
        %swap3A_659 = tpu.vector_load %arg12[%swap3A_657, %swap3A_658] {strides = array<i32>} : memref<128x128xf32, #tpu.memory_space<vmem>>, vector<1x16xf32>,
        %swap3A_660 = vector.shape_cast %swap3A_659 : vector<1x16xf32> to vector<16xf32>
        %swap3A_661 = vector.shape_cast %mul3A_656 : vector<16xf32> to vector<1x16xf32>
        tpu.vector_store %arg12[%swap3A_657, %swap3A_658], %swap3A_661 {strides = array<i32>} : memref<128x128xf32, #tpu.memory_space<vmem>>, vector<1x16xf32>,
        %get3A_662 = arith.index_cast %add3A_628 : i32 to index
        %get3A_663 = arith.constant 48 : index
        %get3A_664 = tpu.vector_load %arg12[%get3A_662, %get3A_663] {strides = array<i32>} : memref<128x128xf32, #tpu.memory_space<vmem>>, vector<1x16xf32>,
        %get3A_665 = vector.shape_cast %get3A_664 : vector<1x16xf32> to vector<16xf32>
        %mul3A_666 = vector.broadcast %squeeze3A_624 : f32 to vector<16xf32>
        %mul3A_667 = arith.mulf %get3A_665, %mul3A_666 : vector<16xf32>
        %swap3A_668 = arith.index_cast %add3A_628 : i32 to index
        %swap3A_669 = arith.constant 48 : index
        %swap3A_670 = tpu.vector_load %arg12[%swap3A_668, %swap3A_669] {strides = array<i32>} : memref<128x128xf32, #tpu.memory_space<vmem>>, vector<1x16xf32>,
        %swap3A_671 = vector.shape_cast %swap3A_670 : vector<1x16xf32> to vector<16xf32>
        %swap3A_672 = vector.shape_cast %mul3A_667 : vector<16xf32> to vector<1x16xf32>
        tpu.vector_store %arg12[%swap3A_668, %swap3A_669], %swap3A_672 {strides = array<i32>} : memref<128x128xf32, #tpu.memory_space<vmem>>, vector<1x16xf32>,
        %get3A_673 = arith.index_cast %add3A_628 : i32 to index
        %get3A_674 = arith.constant 64 : index
        %get3A_675 = tpu.vector_load %arg12[%get3A_673, %get3A_674] {strides = array<i32>} : memref<128x128xf32, #tpu.memory_space<vmem>>, vector<1x16xf32>,
        %get3A_676 = vector.shape_cast %get3A_675 : vector<1x16xf32> to vector<16xf32>
        %mul3A_677 = vector.broadcast %squeeze3A_624 : f32 to vector<16xf32>
        %mul3A_678 = arith.mulf %get3A_676, %mul3A_677 : vector<16xf32>
        %swap3A_679 = arith.index_cast %add3A_628 : i32 to index
        %swap3A_680 = arith.constant 64 : index
        %swap3A_681 = tpu.vector_load %arg12[%swap3A_679, %swap3A_680] {strides = array<i32>} : memref<128x128xf32, #tpu.memory_space<vmem>>, vector<1x16xf32>,
        %swap3A_682 = vector.shape_cast %swap3A_681 : vector<1x16xf32> to vector<16xf32>
        %swap3A_683 = vector.shape_cast %mul3A_678 : vector<16xf32> to vector<1x16xf32>
        tpu.vector_store %arg12[%swap3A_679, %swap3A_680], %swap3A_683 {strides = array<i32>} : memref<128x128xf32, #tpu.memory_space<vmem>>, vector<1x16xf32>,
        %get3A_684 = arith.index_cast %add3A_628 : i32 to index
        %get3A_685 = arith.constant 80 : index
        %get3A_686 = tpu.vector_load %arg12[%get3A_684, %get3A_685] {strides = array<i32>} : memref<128x128xf32, #tpu.memory_space<vmem>>, vector<1x16xf32>,
        %get3A_687 = vector.shape_cast %get3A_686 : vector<1x16xf32> to vector<16xf32>
        %mul3A_688 = vector.broadcast %squeeze3A_624 : f32 to vector<16xf32>
        %mul3A_689 = arith.mulf %get3A_687, %mul3A_688 : vector<16xf32>
        %swap3A_690 = arith.index_cast %add3A_628 : i32 to index
        %swap3A_691 = arith.constant 80 : index
        %swap3A_692 = tpu.vector_load %arg12[%swap3A_690, %swap3A_691] {strides = array<i32>} : memref<128x128xf32, #tpu.memory_space<vmem>>, vector<1x16xf32>,
        %swap3A_693 = vector.shape_cast %swap3A_692 : vector<1x16xf32> to vector<16xf32>
        %swap3A_694 = vector.shape_cast %mul3A_689 : vector<16xf32> to vector<1x16xf32>
        tpu.vector_store %arg12[%swap3A_690, %swap3A_691], %swap3A_694 {strides = array<i32>} : memref<128x128xf32, #tpu.memory_space<vmem>>, vector<1x16xf32>,
        %get3A_695 = arith.index_cast %add3A_628 : i32 to index
        %get3A_696 = arith.constant 96 : index
        %get3A_697 = tpu.vector_load %arg12[%get3A_695, %get3A_696] {strides = array<i32>} : memref<128x128xf32, #tpu.memory_space<vmem>>, vector<1x16xf32>,
        %get3A_698 = vector.shape_cast %get3A_697 : vector<1x16xf32> to vector<16xf32>
        %mul3A_699 = vector.broadcast %squeeze3A_624 : f32 to vector<16xf32>
        %mul3A_700 = arith.mulf %get3A_698, %mul3A_699 : vector<16xf32>
        %swap3A_701 = arith.index_cast %add3A_628 : i32 to index
        %swap3A_702 = arith.constant 96 : index
        %swap3A_703 = tpu.vector_load %arg12[%swap3A_701, %swap3A_702] {strides = array<i32>} : memref<128x128xf32, #tpu.memory_space<vmem>>, vector<1x16xf32>,
        %swap3A_704 = vector.shape_cast %swap3A_703 : vector<1x16xf32> to vector<16xf32>
        %swap3A_705 = vector.shape_cast %mul3A_700 : vector<16xf32> to vector<1x16xf32>
        tpu.vector_store %arg12[%swap3A_701, %swap3A_702], %swap3A_705 {strides = array<i32>} : memref<128x128xf32, #tpu.memory_space<vmem>>, vector<1x16xf32>,
        %get3A_706 = arith.index_cast %add3A_628 : i32 to index
        %get3A_707 = arith.constant 112 : index
        %get3A_708 = tpu.vector_load %arg12[%get3A_706, %get3A_707] {strides = array<i32>} : memref<128x128xf32, #tpu.memory_space<vmem>>, vector<1x16xf32>,
        %get3A_709 = vector.shape_cast %get3A_708 : vector<1x16xf32> to vector<16xf32>
        %mul3A_710 = vector.broadcast %squeeze3A_624 : f32 to vector<16xf32>
        %mul3A_711 = arith.mulf %get3A_709, %mul3A_710 : vector<16xf32>
        %swap3A_712 = arith.index_cast %add3A_628 : i32 to index
        %swap3A_713 = arith.constant 112 : index
        %swap3A_714 = tpu.vector_load %arg12[%swap3A_712, %swap3A_713] {strides = array<i32>} : memref<128x128xf32, #tpu.memory_space<vmem>>, vector<1x16xf32>,
        %swap3A_715 = vector.shape_cast %swap3A_714 : vector<1x16xf32> to vector<16xf32>
        %swap3A_716 = vector.shape_cast %mul3A_711 : vector<16xf32> to vector<1x16xf32>
        tpu.vector_store %arg12[%swap3A_712, %swap3A_713], %swap3A_716 {strides = array<i32>} : memref<128x128xf32, #tpu.memory_space<vmem>>, vector<1x16xf32>,
        %slice3A_717 = vector.extract_strided_slice %get3A_530 {offsets = [2], sizes = [1], strides = [1]} : vector<16xf32> to vector<1xf32>
        %squeeze3A_718 = vector.extract %slice3A_717[0] : f32 from vector<1xf32>
        %mul3A_719 = arith.constant 16 : i32
        %mul3A_720 = arith.muli %scan3A_526, %mul3A_719 : i32
        %add3A_721 = arith.constant 2 : i32
        %add3A_722 = arith.addi %mul3A_720, %add3A_721 : i32
        %get3A_723 = arith.index_cast %add3A_722 : i32 to index
        %get3A_724 = arith.constant 0 : index
        %get3A_725 = tpu.vector_load %arg12[%get3A_723, %get3A_724] {strides = array<i32>} : memref<128x128xf32, #tpu.memory_space<vmem>>, vector<1x16xf32>,
        %get3A_726 = vector.shape_cast %get3A_725 : vector<1x16xf32> to vector<16xf32>
        %mul3A_727 = vector.broadcast %squeeze3A_718 : f32 to vector<16xf32>
        %mul3A_728 = arith.mulf %get3A_726, %mul3A_727 : vector<16xf32>
        %swap3A_729 = arith.index_cast %add3A_722 : i32 to index
        %swap3A_730 = arith.constant 0 : index
        %swap3A_731 = tpu.vector_load %arg12[%swap3A_729, %swap3A_730] {strides = array<i32>} : memref<128x128xf32, #tpu.memory_space<vmem>>, vector<1x16xf32>,
        %swap3A_732 = vector.shape_cast %swap3A_731 : vector<1x16xf32> to vector<16xf32>
        %swap3A_733 = vector.shape_cast %mul3A_728 : vector<16xf32> to vector<1x16xf32>
        tpu.vector_store %arg12[%swap3A_729, %swap3A_730], %swap3A_733 {strides = array<i32>} : memref<128x128xf32, #tpu.memory_space<vmem>>, vector<1x16xf32>,
        %get3A_734 = arith.index_cast %add3A_722 : i32 to index
        %get3A_735 = arith.constant 16 : index
        %get3A_736 = tpu.vector_load %arg12[%get3A_734, %get3A_735] {strides = array<i32>} : memref<128x128xf32, #tpu.memory_space<vmem>>, vector<1x16xf32>,
        %get3A_737 = vector.shape_cast %get3A_736 : vector<1x16xf32> to vector<16xf32>
        %mul3A_738 = vector.broadcast %squeeze3A_718 : f32 to vector<16xf32>
        %mul3A_739 = arith.mulf %get3A_737, %mul3A_738 : vector<16xf32>
        %swap3A_740 = arith.index_cast %add3A_722 : i32 to index
        %swap3A_741 = arith.constant 16 : index
        %swap3A_742 = tpu.vector_load %arg12[%swap3A_740, %swap3A_741] {strides = array<i32>} : memref<128x128xf32, #tpu.memory_space<vmem>>, vector<1x16xf32>,
        %swap3A_743 = vector.shape_cast %swap3A_742 : vector<1x16xf32> to vector<16xf32>
        %swap3A_744 = vector.shape_cast %mul3A_739 : vector<16xf32> to vector<1x16xf32>
        tpu.vector_store %arg12[%swap3A_740, %swap3A_741], %swap3A_744 {strides = array<i32>} : memref<128x128xf32, #tpu.memory_space<vmem>>, vector<1x16xf32>,
        %get3A_745 = arith.index_cast %add3A_722 : i32 to index
        %get3A_746 = arith.constant 32 : index
        %get3A_747 = tpu.vector_load %arg12[%get3A_745, %get3A_746] {strides = array<i32>} : memref<128x128xf32, #tpu.memory_space<vmem>>, vector<1x16xf32>,
        %get3A_748 = vector.shape_cast %get3A_747 : vector<1x16xf32> to vector<16xf32>
        %mul3A_749 = vector.broadcast %squeeze3A_718 : f32 to vector<16xf32>
        %mul3A_750 = arith.mulf %get3A_748, %mul3A_749 : vector<16xf32>
        %swap3A_751 = arith.index_cast %add3A_722 : i32 to index
        %swap3A_752 = arith.constant 32 : index
        %swap3A_753 = tpu.vector_load %arg12[%swap3A_751, %swap3A_752] {strides = array<i32>} : memref<128x128xf32, #tpu.memory_space<vmem>>, vector<1x16xf32>,
        %swap3A_754 = vector.shape_cast %swap3A_753 : vector<1x16xf32> to vector<16xf32>
        %swap3A_755 = vector.shape_cast %mul3A_750 : vector<16xf32> to vector<1x16xf32>
        tpu.vector_store %arg12[%swap3A_751, %swap3A_752], %swap3A_755 {strides = array<i32>} : memref<128x128xf32, #tpu.memory_space<vmem>>, vector<1x16xf32>,
        %get3A_756 = arith.index_cast %add3A_722 : i32 to index
        %get3A_757 = arith.constant 48 : index
        %get3A_758 = tpu.vector_load %arg12[%get3A_756, %get3A_757] {strides = array<i32>} : memref<128x128xf32, #tpu.memory_space<vmem>>, vector<1x16xf32>,
        %get3A_759 = vector.shape_cast %get3A_758 : vector<1x16xf32> to vector<16xf32>
        %mul3A_760 = vector.broadcast %squeeze3A_718 : f32 to vector<16xf32>
        %mul3A_761 = arith.mulf %get3A_759, %mul3A_760 : vector<16xf32>
        %swap3A_762 = arith.index_cast %add3A_722 : i32 to index
        %swap3A_763 = arith.constant 48 : index
        %swap3A_764 = tpu.vector_load %arg12[%swap3A_762, %swap3A_763] {strides = array<i32>} : memref<128x128xf32, #tpu.memory_space<vmem>>, vector<1x16xf32>,
        %swap3A_765 = vector.shape_cast %swap3A_764 : vector<1x16xf32> to vector<16xf32>
        %swap3A_766 = vector.shape_cast %mul3A_761 : vector<16xf32> to vector<1x16xf32>
        tpu.vector_store %arg12[%swap3A_762, %swap3A_763], %swap3A_766 {strides = array<i32>} : memref<128x128xf32, #tpu.memory_space<vmem>>, vector<1x16xf32>,
        %get3A_767 = arith.index_cast %add3A_722 : i32 to index
        %get3A_768 = arith.constant 64 : index
        %get3A_769 = tpu.vector_load %arg12[%get3A_767, %get3A_768] {strides = array<i32>} : memref<128x128xf32, #tpu.memory_space<vmem>>, vector<1x16xf32>,
        %get3A_770 = vector.shape_cast %get3A_769 : vector<1x16xf32> to vector<16xf32>
        %mul3A_771 = vector.broadcast %squeeze3A_718 : f32 to vector<16xf32>
        %mul3A_772 = arith.mulf %get3A_770, %mul3A_771 : vector<16xf32>
        %swap3A_773 = arith.index_cast %add3A_722 : i32 to index
        %swap3A_774 = arith.constant 64 : index
        %swap3A_775 = tpu.vector_load %arg12[%swap3A_773, %swap3A_774] {strides = array<i32>} : memref<128x128xf32, #tpu.memory_space<vmem>>, vector<1x16xf32>,
        %swap3A_776 = vector.shape_cast %swap3A_775 : vector<1x16xf32> to vector<16xf32>
        %swap3A_777 = vector.shape_cast %mul3A_772 : vector<16xf32> to vector<1x16xf32>
        tpu.vector_store %arg12[%swap3A_773, %swap3A_774], %swap3A_777 {strides = array<i32>} : memref<128x128xf32, #tpu.memory_space<vmem>>, vector<1x16xf32>,
        %get3A_778 = arith.index_cast %add3A_722 : i32 to index
        %get3A_779 = arith.constant 80 : index
        %get3A_780 = tpu.vector_load %arg12[%get3A_778, %get3A_779] {strides = array<i32>} : memref<128x128xf32, #tpu.memory_space<vmem>>, vector<1x16xf32>,
        %get3A_781 = vector.shape_cast %get3A_780 : vector<1x16xf32> to vector<16xf32>
        %mul3A_782 = vector.broadcast %squeeze3A_718 : f32 to vector<16xf32>
        %mul3A_783 = arith.mulf %get3A_781, %mul3A_782 : vector<16xf32>
        %swap3A_784 = arith.index_cast %add3A_722 : i32 to index
        %swap3A_785 = arith.constant 80 : index
        %swap3A_786 = tpu.vector_load %arg12[%swap3A_784, %swap3A_785] {strides = array<i32>} : memref<128x128xf32, #tpu.memory_space<vmem>>, vector<1x16xf32>,
        %swap3A_787 = vector.shape_cast %swap3A_786 : vector<1x16xf32> to vector<16xf32>
        %swap3A_788 = vector.shape_cast %mul3A_783 : vector<16xf32> to vector<1x16xf32>
        tpu.vector_store %arg12[%swap3A_784, %swap3A_785], %swap3A_788 {strides = array<i32>} : memref<128x128xf32, #tpu.memory_space<vmem>>, vector<1x16xf32>,
        %get3A_789 = arith.index_cast %add3A_722 : i32 to index
        %get3A_790 = arith.constant 96 : index
        %get3A_791 = tpu.vector_load %arg12[%get3A_789, %get3A_790] {strides = array<i32>} : memref<128x128xf32, #tpu.memory_space<vmem>>, vector<1x16xf32>,
        %get3A_792 = vector.shape_cast %get3A_791 : vector<1x16xf32> to vector<16xf32>
        %mul3A_793 = vector.broadcast %squeeze3A_718 : f32 to vector<16xf32>
        %mul3A_794 = arith.mulf %get3A_792, %mul3A_793 : vector<16xf32>
        %swap3A_795 = arith.index_cast %add3A_722 : i32 to index
        %swap3A_796 = arith.constant 96 : index
        %swap3A_797 = tpu.vector_load %arg12[%swap3A_795, %swap3A_796] {strides = array<i32>} : memref<128x128xf32, #tpu.memory_space<vmem>>, vector<1x16xf32>,
        %swap3A_798 = vector.shape_cast %swap3A_797 : vector<1x16xf32> to vector<16xf32>
        %swap3A_799 = vector.shape_cast %mul3A_794 : vector<16xf32> to vector<1x16xf32>
        tpu.vector_store %arg12[%swap3A_795, %swap3A_796], %swap3A_799 {strides = array<i32>} : memref<128x128xf32, #tpu.memory_space<vmem>>, vector<1x16xf32>,
        %get3A_800 = arith.index_cast %add3A_722 : i32 to index
        %get3A_801 = arith.constant 112 : index
        %get3A_802 = tpu.vector_load %arg12[%get3A_800, %get3A_801] {strides = array<i32>} : memref<128x128xf32, #tpu.memory_space<vmem>>, vector<1x16xf32>,
        %get3A_803 = vector.shape_cast %get3A_802 : vector<1x16xf32> to vector<16xf32>
        %mul3A_804 = vector.broadcast %squeeze3A_718 : f32 to vector<16xf32>
        %mul3A_805 = arith.mulf %get3A_803, %mul3A_804 : vector<16xf32>
        %swap3A_806 = arith.index_cast %add3A_722 : i32 to index
        %swap3A_807 = arith.constant 112 : index
        %swap3A_808 = tpu.vector_load %arg12[%swap3A_806, %swap3A_807] {strides = array<i32>} : memref<128x128xf32, #tpu.memory_space<vmem>>, vector<1x16xf32>,
        %swap3A_809 = vector.shape_cast %swap3A_808 : vector<1x16xf32> to vector<16xf32>
        %swap3A_810 = vector.shape_cast %mul3A_805 : vector<16xf32> to vector<1x16xf32>
        tpu.vector_store %arg12[%swap3A_806, %swap3A_807], %swap3A_810 {strides = array<i32>} : memref<128x128xf32, #tpu.memory_space<vmem>>, vector<1x16xf32>,
        %slice3A_811 = vector.extract_strided_slice %get3A_530 {offsets = [3], sizes = [1], strides = [1]} : vector<16xf32> to vector<1xf32>
        %squeeze3A_812 = vector.extract %slice3A_811[0] : f32 from vector<1xf32>
        %mul3A_813 = arith.constant 16 : i32
        %mul3A_814 = arith.muli %scan3A_526, %mul3A_813 : i32
        %add3A_815 = arith.constant 3 : i32
        %add3A_816 = arith.addi %mul3A_814, %add3A_815 : i32
        %get3A_817 = arith.index_cast %add3A_816 : i32 to index
        %get3A_818 = arith.constant 0 : index
        %get3A_819 = tpu.vector_load %arg12[%get3A_817, %get3A_818] {strides = array<i32>} : memref<128x128xf32, #tpu.memory_space<vmem>>, vector<1x16xf32>,
        %get3A_820 = vector.shape_cast %get3A_819 : vector<1x16xf32> to vector<16xf32>
        %mul3A_821 = vector.broadcast %squeeze3A_812 : f32 to vector<16xf32>
        %mul3A_822 = arith.mulf %get3A_820, %mul3A_821 : vector<16xf32>
        %swap3A_823 = arith.index_cast %add3A_816 : i32 to index
        %swap3A_824 = arith.constant 0 : index
        %swap3A_825 = tpu.vector_load %arg12[%swap3A_823, %swap3A_824] {strides = array<i32>} : memref<128x128xf32, #tpu.memory_space<vmem>>, vector<1x16xf32>,
        %swap3A_826 = vector.shape_cast %swap3A_825 : vector<1x16xf32> to vector<16xf32>
        %swap3A_827 = vector.shape_cast %mul3A_822 : vector<16xf32> to vector<1x16xf32>
        tpu.vector_store %arg12[%swap3A_823, %swap3A_824], %swap3A_827 {strides = array<i32>} : memref<128x128xf32, #tpu.memory_space<vmem>>, vector<1x16xf32>,
        %get3A_828 = arith.index_cast %add3A_816 : i32 to index
        %get3A_829 = arith.constant 16 : index
        %get3A_830 = tpu.vector_load %arg12[%get3A_828, %get3A_829] {strides = array<i32>} : memref<128x128xf32, #tpu.memory_space<vmem>>, vector<1x16xf32>,
        %get3A_831 = vector.shape_cast %get3A_830 : vector<1x16xf32> to vector<16xf32>
        %mul3A_832 = vector.broadcast %squeeze3A_812 : f32 to vector<16xf32>
        %mul3A_833 = arith.mulf %get3A_831, %mul3A_832 : vector<16xf32>
        %swap3A_834 = arith.index_cast %add3A_816 : i32 to index
        %swap3A_835 = arith.constant 16 : index
        %swap3A_836 = tpu.vector_load %arg12[%swap3A_834, %swap3A_835] {strides = array<i32>} : memref<128x128xf32, #tpu.memory_space<vmem>>, vector<1x16xf32>,
        %swap3A_837 = vector.shape_cast %swap3A_836 : vector<1x16xf32> to vector<16xf32>
        %swap3A_838 = vector.shape_cast %mul3A_833 : vector<16xf32> to vector<1x16xf32>
        tpu.vector_store %arg12[%swap3A_834, %swap3A_835], %swap3A_838 {strides = array<i32>} : memref<128x128xf32, #tpu.memory_space<vmem>>, vector<1x16xf32>,
        %get3A_839 = arith.index_cast %add3A_816 : i32 to index
        %get3A_840 = arith.constant 32 : index
        %get3A_841 = tpu.vector_load %arg12[%get3A_839, %get3A_840] {strides = array<i32>} : memref<128x128xf32, #tpu.memory_space<vmem>>, vector<1x16xf32>,
        %get3A_842 = vector.shape_cast %get3A_841 : vector<1x16xf32> to vector<16xf32>
        %mul3A_843 = vector.broadcast %squeeze3A_812 : f32 to vector<16xf32>
        %mul3A_844 = arith.mulf %get3A_842, %mul3A_843 : vector<16xf32>
        %swap3A_845 = arith.index_cast %add3A_816 : i32 to index
        %swap3A_846 = arith.constant 32 : index
        %swap3A_847 = tpu.vector_load %arg12[%swap3A_845, %swap3A_846] {strides = array<i32>} : memref<128x128xf32, #tpu.memory_space<vmem>>, vector<1x16xf32>,
        %swap3A_848 = vector.shape_cast %swap3A_847 : vector<1x16xf32> to vector<16xf32>
        %swap3A_849 = vector.shape_cast %mul3A_844 : vector<16xf32> to vector<1x16xf32>
        tpu.vector_store %arg12[%swap3A_845, %swap3A_846], %swap3A_849 {strides = array<i32>} : memref<128x128xf32, #tpu.memory_space<vmem>>, vector<1x16xf32>,
        %get3A_850 = arith.index_cast %add3A_816 : i32 to index
        %get3A_851 = arith.constant 48 : index
        %get3A_852 = tpu.vector_load %arg12[%get3A_850, %get3A_851] {strides = array<i32>} : memref<128x128xf32, #tpu.memory_space<vmem>>, vector<1x16xf32>,
        %get3A_853 = vector.shape_cast %get3A_852 : vector<1x16xf32> to vector<16xf32>
        %mul3A_854 = vector.broadcast %squeeze3A_812 : f32 to vector<16xf32>
        %mul3A_855 = arith.mulf %get3A_853, %mul3A_854 : vector<16xf32>
        %swap3A_856 = arith.index_cast %add3A_816 : i32 to index
        %swap3A_857 = arith.constant 48 : index
        %swap3A_858 = tpu.vector_load %arg12[%swap3A_856, %swap3A_857] {strides = array<i32>} : memref<128x128xf32, #tpu.memory_space<vmem>>, vector<1x16xf32>,
        %swap3A_859 = vector.shape_cast %swap3A_858 : vector<1x16xf32> to vector<16xf32>
        %swap3A_860 = vector.shape_cast %mul3A_855 : vector<16xf32> to vector<1x16xf32>
        tpu.vector_store %arg12[%swap3A_856, %swap3A_857], %swap3A_860 {strides = array<i32>} : memref<128x128xf32, #tpu.memory_space<vmem>>, vector<1x16xf32>,
        %get3A_861 = arith.index_cast %add3A_816 : i32 to index
        %get3A_862 = arith.constant 64 : index
        %get3A_863 = tpu.vector_load %arg12[%get3A_861, %get3A_862] {strides = array<i32>} : memref<128x128xf32, #tpu.memory_space<vmem>>, vector<1x16xf32>,
        %get3A_864 = vector.shape_cast %get3A_863 : vector<1x16xf32> to vector<16xf32>
        %mul3A_865 = vector.broadcast %squeeze3A_812 : f32 to vector<16xf32>
        %mul3A_866 = arith.mulf %get3A_864, %mul3A_865 : vector<16xf32>
        %swap3A_867 = arith.index_cast %add3A_816 : i32 to index
        %swap3A_868 = arith.constant 64 : index
        %swap3A_869 = tpu.vector_load %arg12[%swap3A_867, %swap3A_868] {strides = array<i32>} : memref<128x128xf32, #tpu.memory_space<vmem>>, vector<1x16xf32>,
        %swap3A_870 = vector.shape_cast %swap3A_869 : vector<1x16xf32> to vector<16xf32>
        %swap3A_871 = vector.shape_cast %mul3A_866 : vector<16xf32> to vector<1x16xf32>
        tpu.vector_store %arg12[%swap3A_867, %swap3A_868], %swap3A_871 {strides = array<i32>} : memref<128x128xf32, #tpu.memory_space<vmem>>, vector<1x16xf32>,
        %get3A_872 = arith.index_cast %add3A_816 : i32 to index
        %get3A_873 = arith.constant 80 : index
        %get3A_874 = tpu.vector_load %arg12[%get3A_872, %get3A_873] {strides = array<i32>} : memref<128x128xf32, #tpu.memory_space<vmem>>, vector<1x16xf32>,
        %get3A_875 = vector.shape_cast %get3A_874 : vector<1x16xf32> to vector<16xf32>
        %mul3A_876 = vector.broadcast %squeeze3A_812 : f32 to vector<16xf32>
        %mul3A_877 = arith.mulf %get3A_875, %mul3A_876 : vector<16xf32>
        %swap3A_878 = arith.index_cast %add3A_816 : i32 to index
        %swap3A_879 = arith.constant 80 : index
        %swap3A_880 = tpu.vector_load %arg12[%swap3A_878, %swap3A_879] {strides = array<i32>} : memref<128x128xf32, #tpu.memory_space<vmem>>, vector<1x16xf32>,
        %swap3A_881 = vector.shape_cast %swap3A_880 : vector<1x16xf32> to vector<16xf32>
        %swap3A_882 = vector.shape_cast %mul3A_877 : vector<16xf32> to vector<1x16xf32>
        tpu.vector_store %arg12[%swap3A_878, %swap3A_879], %swap3A_882 {strides = array<i32>} : memref<128x128xf32, #tpu.memory_space<vmem>>, vector<1x16xf32>,
        %get3A_883 = arith.index_cast %add3A_816 : i32 to index
        %get3A_884 = arith.constant 96 : index
        %get3A_885 = tpu.vector_load %arg12[%get3A_883, %get3A_884] {strides = array<i32>} : memref<128x128xf32, #tpu.memory_space<vmem>>, vector<1x16xf32>,
        %get3A_886 = vector.shape_cast %get3A_885 : vector<1x16xf32> to vector<16xf32>
        %mul3A_887 = vector.broadcast %squeeze3A_812 : f32 to vector<16xf32>
        %mul3A_888 = arith.mulf %get3A_886, %mul3A_887 : vector<16xf32>
        %swap3A_889 = arith.index_cast %add3A_816 : i32 to index
        %swap3A_890 = arith.constant 96 : index
        %swap3A_891 = tpu.vector_load %arg12[%swap3A_889, %swap3A_890] {strides = array<i32>} : memref<128x128xf32, #tpu.memory_space<vmem>>, vector<1x16xf32>,
        %swap3A_892 = vector.shape_cast %swap3A_891 : vector<1x16xf32> to vector<16xf32>
        %swap3A_893 = vector.shape_cast %mul3A_888 : vector<16xf32> to vector<1x16xf32>
        tpu.vector_store %arg12[%swap3A_889, %swap3A_890], %swap3A_893 {strides = array<i32>} : memref<128x128xf32, #tpu.memory_space<vmem>>, vector<1x16xf32>,
        %get3A_894 = arith.index_cast %add3A_816 : i32 to index
        %get3A_895 = arith.constant 112 : index
        %get3A_896 = tpu.vector_load %arg12[%get3A_894, %get3A_895] {strides = array<i32>} : memref<128x128xf32, #tpu.memory_space<vmem>>, vector<1x16xf32>,
        %get3A_897 = vector.shape_cast %get3A_896 : vector<1x16xf32> to vector<16xf32>
        %mul3A_898 = vector.broadcast %squeeze3A_812 : f32 to vector<16xf32>
        %mul3A_899 = arith.mulf %get3A_897, %mul3A_898 : vector<16xf32>
        %swap3A_900 = arith.index_cast %add3A_816 : i32 to index
        %swap3A_901 = arith.constant 112 : index
        %swap3A_902 = tpu.vector_load %arg12[%swap3A_900, %swap3A_901] {strides = array<i32>} : memref<128x128xf32, #tpu.memory_space<vmem>>, vector<1x16xf32>,
        %swap3A_903 = vector.shape_cast %swap3A_902 : vector<1x16xf32> to vector<16xf32>
        %swap3A_904 = vector.shape_cast %mul3A_899 : vector<16xf32> to vector<1x16xf32>
        tpu.vector_store %arg12[%swap3A_900, %swap3A_901], %swap3A_904 {strides = array<i32>} : memref<128x128xf32, #tpu.memory_space<vmem>>, vector<1x16xf32>,
        %slice3A_905 = vector.extract_strided_slice %get3A_530 {offsets = [4], sizes = [1], strides = [1]} : vector<16xf32> to vector<1xf32>
        %squeeze3A_906 = vector.extract %slice3A_905[0] : f32 from vector<1xf32>
        %mul3A_907 = arith.constant 16 : i32
        %mul3A_908 = arith.muli %scan3A_526, %mul3A_907 : i32
        %add3A_909 = arith.constant 4 : i32
        %add3A_910 = arith.addi %mul3A_908, %add3A_909 : i32
        %get3A_911 = arith.index_cast %add3A_910 : i32 to index
        %get3A_912 = arith.constant 0 : index
        %get3A_913 = tpu.vector_load %arg12[%get3A_911, %get3A_912] {strides = array<i32>} : memref<128x128xf32, #tpu.memory_space<vmem>>, vector<1x16xf32>,
        %get3A_914 = vector.shape_cast %get3A_913 : vector<1x16xf32> to vector<16xf32>
        %mul3A_915 = vector.broadcast %squeeze3A_906 : f32 to vector<16xf32>
        %mul3A_916 = arith.mulf %get3A_914, %mul3A_915 : vector<16xf32>
        %swap3A_917 = arith.index_cast %add3A_910 : i32 to index
        %swap3A_918 = arith.constant 0 : index
        %swap3A_919 = tpu.vector_load %arg12[%swap3A_917, %swap3A_918] {strides = array<i32>} : memref<128x128xf32, #tpu.memory_space<vmem>>, vector<1x16xf32>,
        %swap3A_920 = vector.shape_cast %swap3A_919 : vector<1x16xf32> to vector<16xf32>
        %swap3A_921 = vector.shape_cast %mul3A_916 : vector<16xf32> to vector<1x16xf32>
        tpu.vector_store %arg12[%swap3A_917, %swap3A_918], %swap3A_921 {strides = array<i32>} : memref<128x128xf32, #tpu.memory_space<vmem>>, vector<1x16xf32>,
        %get3A_922 = arith.index_cast %add3A_910 : i32 to index
        %get3A_923 = arith.constant 16 : index
        %get3A_924 = tpu.vector_load %arg12[%get3A_922, %get3A_923] {strides = array<i32>} : memref<128x128xf32, #tpu.memory_space<vmem>>, vector<1x16xf32>,
        %get3A_925 = vector.shape_cast %get3A_924 : vector<1x16xf32> to vector<16xf32>
        %mul3A_926 = vector.broadcast %squeeze3A_906 : f32 to vector<16xf32>
        %mul3A_927 = arith.mulf %get3A_925, %mul3A_926 : vector<16xf32>
        %swap3A_928 = arith.index_cast %add3A_910 : i32 to index
        %swap3A_929 = arith.constant 16 : index
        %swap3A_930 = tpu.vector_load %arg12[%swap3A_928, %swap3A_929] {strides = array<i32>} : memref<128x128xf32, #tpu.memory_space<vmem>>, vector<1x16xf32>,
        %swap3A_931 = vector.shape_cast %swap3A_930 : vector<1x16xf32> to vector<16xf32>
        %swap3A_932 = vector.shape_cast %mul3A_927 : vector<16xf32> to vector<1x16xf32>
        tpu.vector_store %arg12[%swap3A_928, %swap3A_929], %swap3A_932 {strides = array<i32>} : memref<128x128xf32, #tpu.memory_space<vmem>>, vector<1x16xf32>,
        %get3A_933 = arith.index_cast %add3A_910 : i32 to index
        %get3A_934 = arith.constant 32 : index
        %get3A_935 = tpu.vector_load %arg12[%get3A_933, %get3A_934] {strides = array<i32>} : memref<128x128xf32, #tpu.memory_space<vmem>>, vector<1x16xf32>,
        %get3A_936 = vector.shape_cast %get3A_935 : vector<1x16xf32> to vector<16xf32>
        %mul3A_937 = vector.broadcast %squeeze3A_906 : f32 to vector<16xf32>
        %mul3A_938 = arith.mulf %get3A_936, %mul3A_937 : vector<16xf32>
        %swap3A_939 = arith.index_cast %add3A_910 : i32 to index
        %swap3A_940 = arith.constant 32 : index
        %swap3A_941 = tpu.vector_load %arg12[%swap3A_939, %swap3A_940] {strides = array<i32>} : memref<128x128xf32, #tpu.memory_space<vmem>>, vector<1x16xf32>,
        %swap3A_942 = vector.shape_cast %swap3A_941 : vector<1x16xf32> to vector<16xf32>
        %swap3A_943 = vector.shape_cast %mul3A_938 : vector<16xf32> to vector<1x16xf32>
        tpu.vector_store %arg12[%swap3A_939, %swap3A_940], %swap3A_943 {strides = array<i32>} : memref<128x128xf32, #tpu.memory_space<vmem>>, vector<1x16xf32>,
        %get3A_944 = arith.index_cast %add3A_910 : i32 to index
        %get3A_945 = arith.constant 48 : index
        %get3A_946 = tpu.vector_load %arg12[%get3A_944, %get3A_945] {strides = array<i32>} : memref<128x128xf32, #tpu.memory_space<vmem>>, vector<1x16xf32>,
        %get3A_947 = vector.shape_cast %get3A_946 : vector<1x16xf32> to vector<16xf32>
        %mul3A_948 = vector.broadcast %squeeze3A_906 : f32 to vector<16xf32>
        %mul3A_949 = arith.mulf %get3A_947, %mul3A_948 : vector<16xf32>
        %swap3A_950 = arith.index_cast %add3A_910 : i32 to index
        %swap3A_951 = arith.constant 48 : index
        %swap3A_952 = tpu.vector_load %arg12[%swap3A_950, %swap3A_951] {strides = array<i32>} : memref<128x128xf32, #tpu.memory_space<vmem>>, vector<1x16xf32>,
        %swap3A_953 = vector.shape_cast %swap3A_952 : vector<1x16xf32> to vector<16xf32>
        %swap3A_954 = vector.shape_cast %mul3A_949 : vector<16xf32> to vector<1x16xf32>
        tpu.vector_store %arg12[%swap3A_950, %swap3A_951], %swap3A_954 {strides = array<i32>} : memref<128x128xf32, #tpu.memory_space<vmem>>, vector<1x16xf32>,
        %get3A_955 = arith.index_cast %add3A_910 : i32 to index
        %get3A_956 = arith.constant 64 : index
        %get3A_957 = tpu.vector_load %arg12[%get3A_955, %get3A_956] {strides = array<i32>} : memref<128x128xf32, #tpu.memory_space<vmem>>, vector<1x16xf32>,
        %get3A_958 = vector.shape_cast %get3A_957 : vector<1x16xf32> to vector<16xf32>
        %mul3A_959 = vector.broadcast %squeeze3A_906 : f32 to vector<16xf32>
        %mul3A_960 = arith.mulf %get3A_958, %mul3A_959 : vector<16xf32>
        %swap3A_961 = arith.index_cast %add3A_910 : i32 to index
        %swap3A_962 = arith.constant 64 : index
        %swap3A_963 = tpu.vector_load %arg12[%swap3A_961, %swap3A_962] {strides = array<i32>} : memref<128x128xf32, #tpu.memory_space<vmem>>, vector<1x16xf32>,
        %swap3A_964 = vector.shape_cast %swap3A_963 : vector<1x16xf32> to vector<16xf32>
        %swap3A_965 = vector.shape_cast %mul3A_960 : vector<16xf32> to vector<1x16xf32>
        tpu.vector_store %arg12[%swap3A_961, %swap3A_962], %swap3A_965 {strides = array<i32>} : memref<128x128xf32, #tpu.memory_space<vmem>>, vector<1x16xf32>,
        %get3A_966 = arith.index_cast %add3A_910 : i32 to index
        %get3A_967 = arith.constant 80 : index
        %get3A_968 = tpu.vector_load %arg12[%get3A_966, %get3A_967] {strides = array<i32>} : memref<128x128xf32, #tpu.memory_space<vmem>>, vector<1x16xf32>,
        %get3A_969 = vector.shape_cast %get3A_968 : vector<1x16xf32> to vector<16xf32>
        %mul3A_970 = vector.broadcast %squeeze3A_906 : f32 to vector<16xf32>
        %mul3A_971 = arith.mulf %get3A_969, %mul3A_970 : vector<16xf32>
        %swap3A_972 = arith.index_cast %add3A_910 : i32 to index
        %swap3A_973 = arith.constant 80 : index
        %swap3A_974 = tpu.vector_load %arg12[%swap3A_972, %swap3A_973] {strides = array<i32>} : memref<128x128xf32, #tpu.memory_space<vmem>>, vector<1x16xf32>,
        %swap3A_975 = vector.shape_cast %swap3A_974 : vector<1x16xf32> to vector<16xf32>
        %swap3A_976 = vector.shape_cast %mul3A_971 : vector<16xf32> to vector<1x16xf32>
        tpu.vector_store %arg12[%swap3A_972, %swap3A_973], %swap3A_976 {strides = array<i32>} : memref<128x128xf32, #tpu.memory_space<vmem>>, vector<1x16xf32>,
        %get3A_977 = arith.index_cast %add3A_910 : i32 to index
        %get3A_978 = arith.constant 96 : index
        %get3A_979 = tpu.vector_load %arg12[%get3A_977, %get3A_978] {strides = array<i32>} : memref<128x128xf32, #tpu.memory_space<vmem>>, vector<1x16xf32>,
        %get3A_980 = vector.shape_cast %get3A_979 : vector<1x16xf32> to vector<16xf32>
        %mul3A_981 = vector.broadcast %squeeze3A_906 : f32 to vector<16xf32>
        %mul3A_982 = arith.mulf %get3A_980, %mul3A_981 : vector<16xf32>
        %swap3A_983 = arith.index_cast %add3A_910 : i32 to index
        %swap3A_984 = arith.constant 96 : index
        %swap3A_985 = tpu.vector_load %arg12[%swap3A_983, %swap3A_984] {strides = array<i32>} : memref<128x128xf32, #tpu.memory_space<vmem>>, vector<1x16xf32>,
        %swap3A_986 = vector.shape_cast %swap3A_985 : vector<1x16xf32> to vector<16xf32>
        %swap3A_987 = vector.shape_cast %mul3A_982 : vector<16xf32> to vector<1x16xf32>
        tpu.vector_store %arg12[%swap3A_983, %swap3A_984], %swap3A_987 {strides = array<i32>} : memref<128x128xf32, #tpu.memory_space<vmem>>, vector<1x16xf32>,
        %get3A_988 = arith.index_cast %add3A_910 : i32 to index
        %get3A_989 = arith.constant 112 : index
        %get3A_990 = tpu.vector_load %arg12[%get3A_988, %get3A_989] {strides = array<i32>} : memref<128x128xf32, #tpu.memory_space<vmem>>, vector<1x16xf32>,
        %get3A_991 = vector.shape_cast %get3A_990 : vector<1x16xf32> to vector<16xf32>
        %mul3A_992 = vector.broadcast %squeeze3A_906 : f32 to vector<16xf32>
        %mul3A_993 = arith.mulf %get3A_991, %mul3A_992 : vector<16xf32>
        %swap3A_994 = arith.index_cast %add3A_910 : i32 to index
        %swap3A_995 = arith.constant 112 : index
        %swap3A_996 = tpu.vector_load %arg12[%swap3A_994, %swap3A_995] {strides = array<i32>} : memref<128x128xf32, #tpu.memory_space<vmem>>, vector<1x16xf32>,
        %swap3A_997 = vector.shape_cast %swap3A_996 : vector<1x16xf32> to vector<16xf32>
        %swap3A_998 = vector.shape_cast %mul3A_993 : vector<16xf32> to vector<1x16xf32>
        tpu.vector_store %arg12[%swap3A_994, %swap3A_995], %swap3A_998 {strides = array<i32>} : memref<128x128xf32, #tpu.memory_space<vmem>>, vector<1x16xf32>,
        %slice3A_999 = vector.extract_strided_slice %get3A_530 {offsets = [5], sizes = [1], strides = [1]} : vector<16xf32> to vector<1xf32>
        %squeeze3A_1000 = vector.extract %slice3A_999[0] : f32 from vector<1xf32>
        %mul3A_1001 = arith.constant 16 : i32
        %mul3A_1002 = arith.muli %scan3A_526, %mul3A_1001 : i32
        %add3A_1003 = arith.constant 5 : i32
        %add3A_1004 = arith.addi %mul3A_1002, %add3A_1003 : i32
        %get3A_1005 = arith.index_cast %add3A_1004 : i32 to index
        %get3A_1006 = arith.constant 0 : index
        %get3A_1007 = tpu.vector_load %arg12[%get3A_1005, %get3A_1006] {strides = array<i32>} : memref<128x128xf32, #tpu.memory_space<vmem>>, vector<1x16xf32>,
        %get3A_1008 = vector.shape_cast %get3A_1007 : vector<1x16xf32> to vector<16xf32>
        %mul3A_1009 = vector.broadcast %squeeze3A_1000 : f32 to vector<16xf32>
        %mul3A_1010 = arith.mulf %get3A_1008, %mul3A_1009 : vector<16xf32>
        %swap3A_1011 = arith.index_cast %add3A_1004 : i32 to index
        %swap3A_1012 = arith.constant 0 : index
        %swap3A_1013 = tpu.vector_load %arg12[%swap3A_1011, %swap3A_1012] {strides = array<i32>} : memref<128x128xf32, #tpu.memory_space<vmem>>, vector<1x16xf32>,
        %swap3A_1014 = vector.shape_cast %swap3A_1013 : vector<1x16xf32> to vector<16xf32>
        %swap3A_1015 = vector.shape_cast %mul3A_1010 : vector<16xf32> to vector<1x16xf32>
        tpu.vector_store %arg12[%swap3A_1011, %swap3A_1012], %swap3A_1015 {strides = array<i32>} : memref<128x128xf32, #tpu.memory_space<vmem>>, vector<1x16xf32>,
        %get3A_1016 = arith.index_cast %add3A_1004 : i32 to index
        %get3A_1017 = arith.constant 16 : index
        %get3A_1018 = tpu.vector_load %arg12[%get3A_1016, %get3A_1017] {strides = array<i32>} : memref<128x128xf32, #tpu.memory_space<vmem>>, vector<1x16xf32>,
        %get3A_1019 = vector.shape_cast %get3A_1018 : vector<1x16xf32> to vector<16xf32>
        %mul3A_1020 = vector.broadcast %squeeze3A_1000 : f32 to vector<16xf32>
        %mul3A_1021 = arith.mulf %get3A_1019, %mul3A_1020 : vector<16xf32>
        %swap3A_1022 = arith.index_cast %add3A_1004 : i32 to index
        %swap3A_1023 = arith.constant 16 : index
        %swap3A_1024 = tpu.vector_load %arg12[%swap3A_1022, %swap3A_1023] {strides = array<i32>} : memref<128x128xf32, #tpu.memory_space<vmem>>, vector<1x16xf32>,
        %swap3A_1025 = vector.shape_cast %swap3A_1024 : vector<1x16xf32> to vector<16xf32>
        %swap3A_1026 = vector.shape_cast %mul3A_1021 : vector<16xf32> to vector<1x16xf32>
        tpu.vector_store %arg12[%swap3A_1022, %swap3A_1023], %swap3A_1026 {strides = array<i32>} : memref<128x128xf32, #tpu.memory_space<vmem>>, vector<1x16xf32>,
        %get3A_1027 = arith.index_cast %add3A_1004 : i32 to index
        %get3A_1028 = arith.constant 32 : index
        %get3A_1029 = tpu.vector_load %arg12[%get3A_1027, %get3A_1028] {strides = array<i32>} : memref<128x128xf32, #tpu.memory_space<vmem>>, vector<1x16xf32>,
        %get3A_1030 = vector.shape_cast %get3A_1029 : vector<1x16xf32> to vector<16xf32>
        %mul3A_1031 = vector.broadcast %squeeze3A_1000 : f32 to vector<16xf32>
        %mul3A_1032 = arith.mulf %get3A_1030, %mul3A_1031 : vector<16xf32>
        %swap3A_1033 = arith.index_cast %add3A_1004 : i32 to index
        %swap3A_1034 = arith.constant 32 : index
        %swap3A_1035 = tpu.vector_load %arg12[%swap3A_1033, %swap3A_1034] {strides = array<i32>} : memref<128x128xf32, #tpu.memory_space<vmem>>, vector<1x16xf32>,
        %swap3A_1036 = vector.shape_cast %swap3A_1035 : vector<1x16xf32> to vector<16xf32>
        %swap3A_1037 = vector.shape_cast %mul3A_1032 : vector<16xf32> to vector<1x16xf32>
        tpu.vector_store %arg12[%swap3A_1033, %swap3A_1034], %swap3A_1037 {strides = array<i32>} : memref<128x128xf32, #tpu.memory_space<vmem>>, vector<1x16xf32>,
        %get3A_1038 = arith.index_cast %add3A_1004 : i32 to index
        %get3A_1039 = arith.constant 48 : index
        %get3A_1040 = tpu.vector_load %arg12[%get3A_1038, %get3A_1039] {strides = array<i32>} : memref<128x128xf32, #tpu.memory_space<vmem>>, vector<1x16xf32>,
        %get3A_1041 = vector.shape_cast %get3A_1040 : vector<1x16xf32> to vector<16xf32>
        %mul3A_1042 = vector.broadcast %squeeze3A_1000 : f32 to vector<16xf32>
        %mul3A_1043 = arith.mulf %get3A_1041, %mul3A_1042 : vector<16xf32>
        %swap3A_1044 = arith.index_cast %add3A_1004 : i32 to index
        %swap3A_1045 = arith.constant 48 : index
        %swap3A_1046 = tpu.vector_load %arg12[%swap3A_1044, %swap3A_1045] {strides = array<i32>} : memref<128x128xf32, #tpu.memory_space<vmem>>, vector<1x16xf32>,
        %swap3A_1047 = vector.shape_cast %swap3A_1046 : vector<1x16xf32> to vector<16xf32>
        %swap3A_1048 = vector.shape_cast %mul3A_1043 : vector<16xf32> to vector<1x16xf32>
        tpu.vector_store %arg12[%swap3A_1044, %swap3A_1045], %swap3A_1048 {strides = array<i32>} : memref<128x128xf32, #tpu.memory_space<vmem>>, vector<1x16xf32>,
        %get3A_1049 = arith.index_cast %add3A_1004 : i32 to index
        %get3A_1050 = arith.constant 64 : index
        %get3A_1051 = tpu.vector_load %arg12[%get3A_1049, %get3A_1050] {strides = array<i32>} : memref<128x128xf32, #tpu.memory_space<vmem>>, vector<1x16xf32>,
        %get3A_1052 = vector.shape_cast %get3A_1051 : vector<1x16xf32> to vector<16xf32>
        %mul3A_1053 = vector.broadcast %squeeze3A_1000 : f32 to vector<16xf32>
        %mul3A_1054 = arith.mulf %get3A_1052, %mul3A_1053 : vector<16xf32>
        %swap3A_1055 = arith.index_cast %add3A_1004 : i32 to index
        %swap3A_1056 = arith.constant 64 : index
        %swap3A_1057 = tpu.vector_load %arg12[%swap3A_1055, %swap3A_1056] {strides = array<i32>} : memref<128x128xf32, #tpu.memory_space<vmem>>, vector<1x16xf32>,
        %swap3A_1058 = vector.shape_cast %swap3A_1057 : vector<1x16xf32> to vector<16xf32>
        %swap3A_1059 = vector.shape_cast %mul3A_1054 : vector<16xf32> to vector<1x16xf32>
        tpu.vector_store %arg12[%swap3A_1055, %swap3A_1056], %swap3A_1059 {strides = array<i32>} : memref<128x128xf32, #tpu.memory_space<vmem>>, vector<1x16xf32>,
        %get3A_1060 = arith.index_cast %add3A_1004 : i32 to index
        %get3A_1061 = arith.constant 80 : index
        %get3A_1062 = tpu.vector_load %arg12[%get3A_1060, %get3A_1061] {strides = array<i32>} : memref<128x128xf32, #tpu.memory_space<vmem>>, vector<1x16xf32>,
        %get3A_1063 = vector.shape_cast %get3A_1062 : vector<1x16xf32> to vector<16xf32>
        %mul3A_1064 = vector.broadcast %squeeze3A_1000 : f32 to vector<16xf32>
        %mul3A_1065 = arith.mulf %get3A_1063, %mul3A_1064 : vector<16xf32>
        %swap3A_1066 = arith.index_cast %add3A_1004 : i32 to index
        %swap3A_1067 = arith.constant 80 : index
        %swap3A_1068 = tpu.vector_load %arg12[%swap3A_1066, %swap3A_1067] {strides = array<i32>} : memref<128x128xf32, #tpu.memory_space<vmem>>, vector<1x16xf32>,
        %swap3A_1069 = vector.shape_cast %swap3A_1068 : vector<1x16xf32> to vector<16xf32>
        %swap3A_1070 = vector.shape_cast %mul3A_1065 : vector<16xf32> to vector<1x16xf32>
        tpu.vector_store %arg12[%swap3A_1066, %swap3A_1067], %swap3A_1070 {strides = array<i32>} : memref<128x128xf32, #tpu.memory_space<vmem>>, vector<1x16xf32>,
        %get3A_1071 = arith.index_cast %add3A_1004 : i32 to index
        %get3A_1072 = arith.constant 96 : index
        %get3A_1073 = tpu.vector_load %arg12[%get3A_1071, %get3A_1072] {strides = array<i32>} : memref<128x128xf32, #tpu.memory_space<vmem>>, vector<1x16xf32>,
        %get3A_1074 = vector.shape_cast %get3A_1073 : vector<1x16xf32> to vector<16xf32>
        %mul3A_1075 = vector.broadcast %squeeze3A_1000 : f32 to vector<16xf32>
        %mul3A_1076 = arith.mulf %get3A_1074, %mul3A_1075 : vector<16xf32>
        %swap3A_1077 = arith.index_cast %add3A_1004 : i32 to index
        %swap3A_1078 = arith.constant 96 : index
        %swap3A_1079 = tpu.vector_load %arg12[%swap3A_1077, %swap3A_1078] {strides = array<i32>} : memref<128x128xf32, #tpu.memory_space<vmem>>, vector<1x16xf32>,
        %swap3A_1080 = vector.shape_cast %swap3A_1079 : vector<1x16xf32> to vector<16xf32>
        %swap3A_1081 = vector.shape_cast %mul3A_1076 : vector<16xf32> to vector<1x16xf32>
        tpu.vector_store %arg12[%swap3A_1077, %swap3A_1078], %swap3A_1081 {strides = array<i32>} : memref<128x128xf32, #tpu.memory_space<vmem>>, vector<1x16xf32>,
        %get3A_1082 = arith.index_cast %add3A_1004 : i32 to index
        %get3A_1083 = arith.constant 112 : index
        %get3A_1084 = tpu.vector_load %arg12[%get3A_1082, %get3A_1083] {strides = array<i32>} : memref<128x128xf32, #tpu.memory_space<vmem>>, vector<1x16xf32>,
        %get3A_1085 = vector.shape_cast %get3A_1084 : vector<1x16xf32> to vector<16xf32>
        %mul3A_1086 = vector.broadcast %squeeze3A_1000 : f32 to vector<16xf32>
        %mul3A_1087 = arith.mulf %get3A_1085, %mul3A_1086 : vector<16xf32>
        %swap3A_1088 = arith.index_cast %add3A_1004 : i32 to index
        %swap3A_1089 = arith.constant 112 : index
        %swap3A_1090 = tpu.vector_load %arg12[%swap3A_1088, %swap3A_1089] {strides = array<i32>} : memref<128x128xf32, #tpu.memory_space<vmem>>, vector<1x16xf32>,
        %swap3A_1091 = vector.shape_cast %swap3A_1090 : vector<1x16xf32> to vector<16xf32>
        %swap3A_1092 = vector.shape_cast %mul3A_1087 : vector<16xf32> to vector<1x16xf32>
        tpu.vector_store %arg12[%swap3A_1088, %swap3A_1089], %swap3A_1092 {strides = array<i32>} : memref<128x128xf32, #tpu.memory_space<vmem>>, vector<1x16xf32>,
        %slice3A_1093 = vector.extract_strided_slice %get3A_530 {offsets = [6], sizes = [1], strides = [1]} : vector<16xf32> to vector<1xf32>
        %squeeze3A_1094 = vector.extract %slice3A_1093[0] : f32 from vector<1xf32>
        %mul3A_1095 = arith.constant 16 : i32
        %mul3A_1096 = arith.muli %scan3A_526, %mul3A_1095 : i32
        %add3A_1097 = arith.constant 6 : i32
        %add3A_1098 = arith.addi %mul3A_1096, %add3A_1097 : i32
        %get3A_1099 = arith.index_cast %add3A_1098 : i32 to index
        %get3A_1100 = arith.constant 0 : index
        %get3A_1101 = tpu.vector_load %arg12[%get3A_1099, %get3A_1100] {strides = array<i32>} : memref<128x128xf32, #tpu.memory_space<vmem>>, vector<1x16xf32>,
        %get3A_1102 = vector.shape_cast %get3A_1101 : vector<1x16xf32> to vector<16xf32>
        %mul3A_1103 = vector.broadcast %squeeze3A_1094 : f32 to vector<16xf32>
        %mul3A_1104 = arith.mulf %get3A_1102, %mul3A_1103 : vector<16xf32>
        %swap3A_1105 = arith.index_cast %add3A_1098 : i32 to index
        %swap3A_1106 = arith.constant 0 : index
        %swap3A_1107 = tpu.vector_load %arg12[%swap3A_1105, %swap3A_1106] {strides = array<i32>} : memref<128x128xf32, #tpu.memory_space<vmem>>, vector<1x16xf32>,
        %swap3A_1108 = vector.shape_cast %swap3A_1107 : vector<1x16xf32> to vector<16xf32>
        %swap3A_1109 = vector.shape_cast %mul3A_1104 : vector<16xf32> to vector<1x16xf32>
        tpu.vector_store %arg12[%swap3A_1105, %swap3A_1106], %swap3A_1109 {strides = array<i32>} : memref<128x128xf32, #tpu.memory_space<vmem>>, vector<1x16xf32>,
        %get3A_1110 = arith.index_cast %add3A_1098 : i32 to index
        %get3A_1111 = arith.constant 16 : index
        %get3A_1112 = tpu.vector_load %arg12[%get3A_1110, %get3A_1111] {strides = array<i32>} : memref<128x128xf32, #tpu.memory_space<vmem>>, vector<1x16xf32>,
        %get3A_1113 = vector.shape_cast %get3A_1112 : vector<1x16xf32> to vector<16xf32>
        %mul3A_1114 = vector.broadcast %squeeze3A_1094 : f32 to vector<16xf32>
        %mul3A_1115 = arith.mulf %get3A_1113, %mul3A_1114 : vector<16xf32>
        %swap3A_1116 = arith.index_cast %add3A_1098 : i32 to index
        %swap3A_1117 = arith.constant 16 : index
        %swap3A_1118 = tpu.vector_load %arg12[%swap3A_1116, %swap3A_1117] {strides = array<i32>} : memref<128x128xf32, #tpu.memory_space<vmem>>, vector<1x16xf32>,
        %swap3A_1119 = vector.shape_cast %swap3A_1118 : vector<1x16xf32> to vector<16xf32>
        %swap3A_1120 = vector.shape_cast %mul3A_1115 : vector<16xf32> to vector<1x16xf32>
        tpu.vector_store %arg12[%swap3A_1116, %swap3A_1117], %swap3A_1120 {strides = array<i32>} : memref<128x128xf32, #tpu.memory_space<vmem>>, vector<1x16xf32>,
        %get3A_1121 = arith.index_cast %add3A_1098 : i32 to index
        %get3A_1122 = arith.constant 32 : index
        %get3A_1123 = tpu.vector_load %arg12[%get3A_1121, %get3A_1122] {strides = array<i32>} : memref<128x128xf32, #tpu.memory_space<vmem>>, vector<1x16xf32>,
        %get3A_1124 = vector.shape_cast %get3A_1123 : vector<1x16xf32> to vector<16xf32>
        %mul3A_1125 = vector.broadcast %squeeze3A_1094 : f32 to vector<16xf32>
        %mul3A_1126 = arith.mulf %get3A_1124, %mul3A_1125 : vector<16xf32>
        %swap3A_1127 = arith.index_cast %add3A_1098 : i32 to index
        %swap3A_1128 = arith.constant 32 : index
        %swap3A_1129 = tpu.vector_load %arg12[%swap3A_1127, %swap3A_1128] {strides = array<i32>} : memref<128x128xf32, #tpu.memory_space<vmem>>, vector<1x16xf32>,
        %swap3A_1130 = vector.shape_cast %swap3A_1129 : vector<1x16xf32> to vector<16xf32>
        %swap3A_1131 = vector.shape_cast %mul3A_1126 : vector<16xf32> to vector<1x16xf32>
        tpu.vector_store %arg12[%swap3A_1127, %swap3A_1128], %swap3A_1131 {strides = array<i32>} : memref<128x128xf32, #tpu.memory_space<vmem>>, vector<1x16xf32>,
        %get3A_1132 = arith.index_cast %add3A_1098 : i32 to index
        %get3A_1133 = arith.constant 48 : index
        %get3A_1134 = tpu.vector_load %arg12[%get3A_1132, %get3A_1133] {strides = array<i32>} : memref<128x128xf32, #tpu.memory_space<vmem>>, vector<1x16xf32>,
        %get3A_1135 = vector.shape_cast %get3A_1134 : vector<1x16xf32> to vector<16xf32>
        %mul3A_1136 = vector.broadcast %squeeze3A_1094 : f32 to vector<16xf32>
        %mul3A_1137 = arith.mulf %get3A_1135, %mul3A_1136 : vector<16xf32>
        %swap3A_1138 = arith.index_cast %add3A_1098 : i32 to index
        %swap3A_1139 = arith.constant 48 : index
        %swap3A_1140 = tpu.vector_load %arg12[%swap3A_1138, %swap3A_1139] {strides = array<i32>} : memref<128x128xf32, #tpu.memory_space<vmem>>, vector<1x16xf32>,
        %swap3A_1141 = vector.shape_cast %swap3A_1140 : vector<1x16xf32> to vector<16xf32>
        %swap3A_1142 = vector.shape_cast %mul3A_1137 : vector<16xf32> to vector<1x16xf32>
        tpu.vector_store %arg12[%swap3A_1138, %swap3A_1139], %swap3A_1142 {strides = array<i32>} : memref<128x128xf32, #tpu.memory_space<vmem>>, vector<1x16xf32>,
        %get3A_1143 = arith.index_cast %add3A_1098 : i32 to index
        %get3A_1144 = arith.constant 64 : index
        %get3A_1145 = tpu.vector_load %arg12[%get3A_1143, %get3A_1144] {strides = array<i32>} : memref<128x128xf32, #tpu.memory_space<vmem>>, vector<1x16xf32>,
        %get3A_1146 = vector.shape_cast %get3A_1145 : vector<1x16xf32> to vector<16xf32>
        %mul3A_1147 = vector.broadcast %squeeze3A_1094 : f32 to vector<16xf32>
        %mul3A_1148 = arith.mulf %get3A_1146, %mul3A_1147 : vector<16xf32>
        %swap3A_1149 = arith.index_cast %add3A_1098 : i32 to index
        %swap3A_1150 = arith.constant 64 : index
        %swap3A_1151 = tpu.vector_load %arg12[%swap3A_1149, %swap3A_1150] {strides = array<i32>} : memref<128x128xf32, #tpu.memory_space<vmem>>, vector<1x16xf32>,
        %swap3A_1152 = vector.shape_cast %swap3A_1151 : vector<1x16xf32> to vector<16xf32>
        %swap3A_1153 = vector.shape_cast %mul3A_1148 : vector<16xf32> to vector<1x16xf32>
        tpu.vector_store %arg12[%swap3A_1149, %swap3A_1150], %swap3A_1153 {strides = array<i32>} : memref<128x128xf32, #tpu.memory_space<vmem>>, vector<1x16xf32>,
        %get3A_1154 = arith.index_cast %add3A_1098 : i32 to index
        %get3A_1155 = arith.constant 80 : index
        %get3A_1156 = tpu.vector_load %arg12[%get3A_1154, %get3A_1155] {strides = array<i32>} : memref<128x128xf32, #tpu.memory_space<vmem>>, vector<1x16xf32>,
        %get3A_1157 = vector.shape_cast %get3A_1156 : vector<1x16xf32> to vector<16xf32>
        %mul3A_1158 = vector.broadcast %squeeze3A_1094 : f32 to vector<16xf32>
        %mul3A_1159 = arith.mulf %get3A_1157, %mul3A_1158 : vector<16xf32>
        %swap3A_1160 = arith.index_cast %add3A_1098 : i32 to index
        %swap3A_1161 = arith.constant 80 : index
        %swap3A_1162 = tpu.vector_load %arg12[%swap3A_1160, %swap3A_1161] {strides = array<i32>} : memref<128x128xf32, #tpu.memory_space<vmem>>, vector<1x16xf32>,
        %swap3A_1163 = vector.shape_cast %swap3A_1162 : vector<1x16xf32> to vector<16xf32>
        %swap3A_1164 = vector.shape_cast %mul3A_1159 : vector<16xf32> to vector<1x16xf32>
        tpu.vector_store %arg12[%swap3A_1160, %swap3A_1161], %swap3A_1164 {strides = array<i32>} : memref<128x128xf32, #tpu.memory_space<vmem>>, vector<1x16xf32>,
        %get3A_1165 = arith.index_cast %add3A_1098 : i32 to index
        %get3A_1166 = arith.constant 96 : index
        %get3A_1167 = tpu.vector_load %arg12[%get3A_1165, %get3A_1166] {strides = array<i32>} : memref<128x128xf32, #tpu.memory_space<vmem>>, vector<1x16xf32>,
        %get3A_1168 = vector.shape_cast %get3A_1167 : vector<1x16xf32> to vector<16xf32>
        %mul3A_1169 = vector.broadcast %squeeze3A_1094 : f32 to vector<16xf32>
        %mul3A_1170 = arith.mulf %get3A_1168, %mul3A_1169 : vector<16xf32>
        %swap3A_1171 = arith.index_cast %add3A_1098 : i32 to index
        %swap3A_1172 = arith.constant 96 : index
        %swap3A_1173 = tpu.vector_load %arg12[%swap3A_1171, %swap3A_1172] {strides = array<i32>} : memref<128x128xf32, #tpu.memory_space<vmem>>, vector<1x16xf32>,
        %swap3A_1174 = vector.shape_cast %swap3A_1173 : vector<1x16xf32> to vector<16xf32>
        %swap3A_1175 = vector.shape_cast %mul3A_1170 : vector<16xf32> to vector<1x16xf32>
        tpu.vector_store %arg12[%swap3A_1171, %swap3A_1172], %swap3A_1175 {strides = array<i32>} : memref<128x128xf32, #tpu.memory_space<vmem>>, vector<1x16xf32>,
        %get3A_1176 = arith.index_cast %add3A_1098 : i32 to index
        %get3A_1177 = arith.constant 112 : index
        %get3A_1178 = tpu.vector_load %arg12[%get3A_1176, %get3A_1177] {strides = array<i32>} : memref<128x128xf32, #tpu.memory_space<vmem>>, vector<1x16xf32>,
        %get3A_1179 = vector.shape_cast %get3A_1178 : vector<1x16xf32> to vector<16xf32>
        %mul3A_1180 = vector.broadcast %squeeze3A_1094 : f32 to vector<16xf32>
        %mul3A_1181 = arith.mulf %get3A_1179, %mul3A_1180 : vector<16xf32>
        %swap3A_1182 = arith.index_cast %add3A_1098 : i32 to index
        %swap3A_1183 = arith.constant 112 : index
        %swap3A_1184 = tpu.vector_load %arg12[%swap3A_1182, %swap3A_1183] {strides = array<i32>} : memref<128x128xf32, #tpu.memory_space<vmem>>, vector<1x16xf32>,
        %swap3A_1185 = vector.shape_cast %swap3A_1184 : vector<1x16xf32> to vector<16xf32>
        %swap3A_1186 = vector.shape_cast %mul3A_1181 : vector<16xf32> to vector<1x16xf32>
        tpu.vector_store %arg12[%swap3A_1182, %swap3A_1183], %swap3A_1186 {strides = array<i32>} : memref<128x128xf32, #tpu.memory_space<vmem>>, vector<1x16xf32>,
        %slice3A_1187 = vector.extract_strided_slice %get3A_530 {offsets = [7], sizes = [1], strides = [1]} : vector<16xf32> to vector<1xf32>
        %squeeze3A_1188 = vector.extract %slice3A_1187[0] : f32 from vector<1xf32>
        %mul3A_1189 = arith.constant 16 : i32
        %mul3A_1190 = arith.muli %scan3A_526, %mul3A_1189 : i32
        %add3A_1191 = arith.constant 7 : i32
        %add3A_1192 = arith.addi %mul3A_1190, %add3A_1191 : i32
        %get3A_1193 = arith.index_cast %add3A_1192 : i32 to index
        %get3A_1194 = arith.constant 0 : index
        %get3A_1195 = tpu.vector_load %arg12[%get3A_1193, %get3A_1194] {strides = array<i32>} : memref<128x128xf32, #tpu.memory_space<vmem>>, vector<1x16xf32>,
        %get3A_1196 = vector.shape_cast %get3A_1195 : vector<1x16xf32> to vector<16xf32>
        %mul3A_1197 = vector.broadcast %squeeze3A_1188 : f32 to vector<16xf32>
        %mul3A_1198 = arith.mulf %get3A_1196, %mul3A_1197 : vector<16xf32>
        %swap3A_1199 = arith.index_cast %add3A_1192 : i32 to index
        %swap3A_1200 = arith.constant 0 : index
        %swap3A_1201 = tpu.vector_load %arg12[%swap3A_1199, %swap3A_1200] {strides = array<i32>} : memref<128x128xf32, #tpu.memory_space<vmem>>, vector<1x16xf32>,
        %swap3A_1202 = vector.shape_cast %swap3A_1201 : vector<1x16xf32> to vector<16xf32>
        %swap3A_1203 = vector.shape_cast %mul3A_1198 : vector<16xf32> to vector<1x16xf32>
        tpu.vector_store %arg12[%swap3A_1199, %swap3A_1200], %swap3A_1203 {strides = array<i32>} : memref<128x128xf32, #tpu.memory_space<vmem>>, vector<1x16xf32>,
        %get3A_1204 = arith.index_cast %add3A_1192 : i32 to index
        %get3A_1205 = arith.constant 16 : index
        %get3A_1206 = tpu.vector_load %arg12[%get3A_1204, %get3A_1205] {strides = array<i32>} : memref<128x128xf32, #tpu.memory_space<vmem>>, vector<1x16xf32>,
        %get3A_1207 = vector.shape_cast %get3A_1206 : vector<1x16xf32> to vector<16xf32>
        %mul3A_1208 = vector.broadcast %squeeze3A_1188 : f32 to vector<16xf32>
        %mul3A_1209 = arith.mulf %get3A_1207, %mul3A_1208 : vector<16xf32>
        %swap3A_1210 = arith.index_cast %add3A_1192 : i32 to index
        %swap3A_1211 = arith.constant 16 : index
        %swap3A_1212 = tpu.vector_load %arg12[%swap3A_1210, %swap3A_1211] {strides = array<i32>} : memref<128x128xf32, #tpu.memory_space<vmem>>, vector<1x16xf32>,
        %swap3A_1213 = vector.shape_cast %swap3A_1212 : vector<1x16xf32> to vector<16xf32>
        %swap3A_1214 = vector.shape_cast %mul3A_1209 : vector<16xf32> to vector<1x16xf32>
        tpu.vector_store %arg12[%swap3A_1210, %swap3A_1211], %swap3A_1214 {strides = array<i32>} : memref<128x128xf32, #tpu.memory_space<vmem>>, vector<1x16xf32>,
        %get3A_1215 = arith.index_cast %add3A_1192 : i32 to index
        %get3A_1216 = arith.constant 32 : index
        %get3A_1217 = tpu.vector_load %arg12[%get3A_1215, %get3A_1216] {strides = array<i32>} : memref<128x128xf32, #tpu.memory_space<vmem>>, vector<1x16xf32>,
        %get3A_1218 = vector.shape_cast %get3A_1217 : vector<1x16xf32> to vector<16xf32>
        %mul3A_1219 = vector.broadcast %squeeze3A_1188 : f32 to vector<16xf32>
        %mul3A_1220 = arith.mulf %get3A_1218, %mul3A_1219 : vector<16xf32>
        %swap3A_1221 = arith.index_cast %add3A_1192 : i32 to index
        %swap3A_1222 = arith.constant 32 : index
        %swap3A_1223 = tpu.vector_load %arg12[%swap3A_1221, %swap3A_1222] {strides = array<i32>} : memref<128x128xf32, #tpu.memory_space<vmem>>, vector<1x16xf32>,
        %swap3A_1224 = vector.shape_cast %swap3A_1223 : vector<1x16xf32> to vector<16xf32>
        %swap3A_1225 = vector.shape_cast %mul3A_1220 : vector<16xf32> to vector<1x16xf32>
        tpu.vector_store %arg12[%swap3A_1221, %swap3A_1222], %swap3A_1225 {strides = array<i32>} : memref<128x128xf32, #tpu.memory_space<vmem>>, vector<1x16xf32>,
        %get3A_1226 = arith.index_cast %add3A_1192 : i32 to index
        %get3A_1227 = arith.constant 48 : index
        %get3A_1228 = tpu.vector_load %arg12[%get3A_1226, %get3A_1227] {strides = array<i32>} : memref<128x128xf32, #tpu.memory_space<vmem>>, vector<1x16xf32>,
        %get3A_1229 = vector.shape_cast %get3A_1228 : vector<1x16xf32> to vector<16xf32>
        %mul3A_1230 = vector.broadcast %squeeze3A_1188 : f32 to vector<16xf32>
        %mul3A_1231 = arith.mulf %get3A_1229, %mul3A_1230 : vector<16xf32>
        %swap3A_1232 = arith.index_cast %add3A_1192 : i32 to index
        %swap3A_1233 = arith.constant 48 : index
        %swap3A_1234 = tpu.vector_load %arg12[%swap3A_1232, %swap3A_1233] {strides = array<i32>} : memref<128x128xf32, #tpu.memory_space<vmem>>, vector<1x16xf32>,
        %swap3A_1235 = vector.shape_cast %swap3A_1234 : vector<1x16xf32> to vector<16xf32>
        %swap3A_1236 = vector.shape_cast %mul3A_1231 : vector<16xf32> to vector<1x16xf32>
        tpu.vector_store %arg12[%swap3A_1232, %swap3A_1233], %swap3A_1236 {strides = array<i32>} : memref<128x128xf32, #tpu.memory_space<vmem>>, vector<1x16xf32>,
        %get3A_1237 = arith.index_cast %add3A_1192 : i32 to index
        %get3A_1238 = arith.constant 64 : index
        %get3A_1239 = tpu.vector_load %arg12[%get3A_1237, %get3A_1238] {strides = array<i32>} : memref<128x128xf32, #tpu.memory_space<vmem>>, vector<1x16xf32>,
        %get3A_1240 = vector.shape_cast %get3A_1239 : vector<1x16xf32> to vector<16xf32>
        %mul3A_1241 = vector.broadcast %squeeze3A_1188 : f32 to vector<16xf32>
        %mul3A_1242 = arith.mulf %get3A_1240, %mul3A_1241 : vector<16xf32>
        %swap3A_1243 = arith.index_cast %add3A_1192 : i32 to index
        %swap3A_1244 = arith.constant 64 : index
        %swap3A_1245 = tpu.vector_load %arg12[%swap3A_1243, %swap3A_1244] {strides = array<i32>} : memref<128x128xf32, #tpu.memory_space<vmem>>, vector<1x16xf32>,
        %swap3A_1246 = vector.shape_cast %swap3A_1245 : vector<1x16xf32> to vector<16xf32>
        %swap3A_1247 = vector.shape_cast %mul3A_1242 : vector<16xf32> to vector<1x16xf32>
        tpu.vector_store %arg12[%swap3A_1243, %swap3A_1244], %swap3A_1247 {strides = array<i32>} : memref<128x128xf32, #tpu.memory_space<vmem>>, vector<1x16xf32>,
        %get3A_1248 = arith.index_cast %add3A_1192 : i32 to index
        %get3A_1249 = arith.constant 80 : index
        %get3A_1250 = tpu.vector_load %arg12[%get3A_1248, %get3A_1249] {strides = array<i32>} : memref<128x128xf32, #tpu.memory_space<vmem>>, vector<1x16xf32>,
        %get3A_1251 = vector.shape_cast %get3A_1250 : vector<1x16xf32> to vector<16xf32>
        %mul3A_1252 = vector.broadcast %squeeze3A_1188 : f32 to vector<16xf32>
        %mul3A_1253 = arith.mulf %get3A_1251, %mul3A_1252 : vector<16xf32>
        %swap3A_1254 = arith.index_cast %add3A_1192 : i32 to index
        %swap3A_1255 = arith.constant 80 : index
        %swap3A_1256 = tpu.vector_load %arg12[%swap3A_1254, %swap3A_1255] {strides = array<i32>} : memref<128x128xf32, #tpu.memory_space<vmem>>, vector<1x16xf32>,
        %swap3A_1257 = vector.shape_cast %swap3A_1256 : vector<1x16xf32> to vector<16xf32>
        %swap3A_1258 = vector.shape_cast %mul3A_1253 : vector<16xf32> to vector<1x16xf32>
        tpu.vector_store %arg12[%swap3A_1254, %swap3A_1255], %swap3A_1258 {strides = array<i32>} : memref<128x128xf32, #tpu.memory_space<vmem>>, vector<1x16xf32>,
        %get3A_1259 = arith.index_cast %add3A_1192 : i32 to index
        %get3A_1260 = arith.constant 96 : index
        %get3A_1261 = tpu.vector_load %arg12[%get3A_1259, %get3A_1260] {strides = array<i32>} : memref<128x128xf32, #tpu.memory_space<vmem>>, vector<1x16xf32>,
        %get3A_1262 = vector.shape_cast %get3A_1261 : vector<1x16xf32> to vector<16xf32>
        %mul3A_1263 = vector.broadcast %squeeze3A_1188 : f32 to vector<16xf32>
        %mul3A_1264 = arith.mulf %get3A_1262, %mul3A_1263 : vector<16xf32>
        %swap3A_1265 = arith.index_cast %add3A_1192 : i32 to index
        %swap3A_1266 = arith.constant 96 : index
        %swap3A_1267 = tpu.vector_load %arg12[%swap3A_1265, %swap3A_1266] {strides = array<i32>} : memref<128x128xf32, #tpu.memory_space<vmem>>, vector<1x16xf32>,
        %swap3A_1268 = vector.shape_cast %swap3A_1267 : vector<1x16xf32> to vector<16xf32>
        %swap3A_1269 = vector.shape_cast %mul3A_1264 : vector<16xf32> to vector<1x16xf32>
        tpu.vector_store %arg12[%swap3A_1265, %swap3A_1266], %swap3A_1269 {strides = array<i32>} : memref<128x128xf32, #tpu.memory_space<vmem>>, vector<1x16xf32>,
        %get3A_1270 = arith.index_cast %add3A_1192 : i32 to index
        %get3A_1271 = arith.constant 112 : index
        %get3A_1272 = tpu.vector_load %arg12[%get3A_1270, %get3A_1271] {strides = array<i32>} : memref<128x128xf32, #tpu.memory_space<vmem>>, vector<1x16xf32>,
        %get3A_1273 = vector.shape_cast %get3A_1272 : vector<1x16xf32> to vector<16xf32>
        %mul3A_1274 = vector.broadcast %squeeze3A_1188 : f32 to vector<16xf32>
        %mul3A_1275 = arith.mulf %get3A_1273, %mul3A_1274 : vector<16xf32>
        %swap3A_1276 = arith.index_cast %add3A_1192 : i32 to index
        %swap3A_1277 = arith.constant 112 : index
        %swap3A_1278 = tpu.vector_load %arg12[%swap3A_1276, %swap3A_1277] {strides = array<i32>} : memref<128x128xf32, #tpu.memory_space<vmem>>, vector<1x16xf32>,
        %swap3A_1279 = vector.shape_cast %swap3A_1278 : vector<1x16xf32> to vector<16xf32>
        %swap3A_1280 = vector.shape_cast %mul3A_1275 : vector<16xf32> to vector<1x16xf32>
        tpu.vector_store %arg12[%swap3A_1276, %swap3A_1277], %swap3A_1280 {strides = array<i32>} : memref<128x128xf32, #tpu.memory_space<vmem>>, vector<1x16xf32>,
        %slice3A_1281 = vector.extract_strided_slice %get3A_530 {offsets = [8], sizes = [1], strides = [1]} : vector<16xf32> to vector<1xf32>
        %squeeze3A_1282 = vector.extract %slice3A_1281[0] : f32 from vector<1xf32>
        %mul3A_1283 = arith.constant 16 : i32
        %mul3A_1284 = arith.muli %scan3A_526, %mul3A_1283 : i32
        %add3A_1285 = arith.constant 8 : i32
        %add3A_1286 = arith.addi %mul3A_1284, %add3A_1285 : i32
        %get3A_1287 = arith.index_cast %add3A_1286 : i32 to index
        %get3A_1288 = arith.constant 0 : index
        %get3A_1289 = tpu.vector_load %arg12[%get3A_1287, %get3A_1288] {strides = array<i32>} : memref<128x128xf32, #tpu.memory_space<vmem>>, vector<1x16xf32>,
        %get3A_1290 = vector.shape_cast %get3A_1289 : vector<1x16xf32> to vector<16xf32>
        %mul3A_1291 = vector.broadcast %squeeze3A_1282 : f32 to vector<16xf32>
        %mul3A_1292 = arith.mulf %get3A_1290, %mul3A_1291 : vector<16xf32>
        %swap3A_1293 = arith.index_cast %add3A_1286 : i32 to index
        %swap3A_1294 = arith.constant 0 : index
        %swap3A_1295 = tpu.vector_load %arg12[%swap3A_1293, %swap3A_1294] {strides = array<i32>} : memref<128x128xf32, #tpu.memory_space<vmem>>, vector<1x16xf32>,
        %swap3A_1296 = vector.shape_cast %swap3A_1295 : vector<1x16xf32> to vector<16xf32>
        %swap3A_1297 = vector.shape_cast %mul3A_1292 : vector<16xf32> to vector<1x16xf32>
        tpu.vector_store %arg12[%swap3A_1293, %swap3A_1294], %swap3A_1297 {strides = array<i32>} : memref<128x128xf32, #tpu.memory_space<vmem>>, vector<1x16xf32>,
        %get3A_1298 = arith.index_cast %add3A_1286 : i32 to index
        %get3A_1299 = arith.constant 16 : index
        %get3A_1300 = tpu.vector_load %arg12[%get3A_1298, %get3A_1299] {strides = array<i32>} : memref<128x128xf32, #tpu.memory_space<vmem>>, vector<1x16xf32>,
        %get3A_1301 = vector.shape_cast %get3A_1300 : vector<1x16xf32> to vector<16xf32>
        %mul3A_1302 = vector.broadcast %squeeze3A_1282 : f32 to vector<16xf32>
        %mul3A_1303 = arith.mulf %get3A_1301, %mul3A_1302 : vector<16xf32>
        %swap3A_1304 = arith.index_cast %add3A_1286 : i32 to index
        %swap3A_1305 = arith.constant 16 : index
        %swap3A_1306 = tpu.vector_load %arg12[%swap3A_1304, %swap3A_1305] {strides = array<i32>} : memref<128x128xf32, #tpu.memory_space<vmem>>, vector<1x16xf32>,
        %swap3A_1307 = vector.shape_cast %swap3A_1306 : vector<1x16xf32> to vector<16xf32>
        %swap3A_1308 = vector.shape_cast %mul3A_1303 : vector<16xf32> to vector<1x16xf32>
        tpu.vector_store %arg12[%swap3A_1304, %swap3A_1305], %swap3A_1308 {strides = array<i32>} : memref<128x128xf32, #tpu.memory_space<vmem>>, vector<1x16xf32>,
        %get3A_1309 = arith.index_cast %add3A_1286 : i32 to index
        %get3A_1310 = arith.constant 32 : index
        %get3A_1311 = tpu.vector_load %arg12[%get3A_1309, %get3A_1310] {strides = array<i32>} : memref<128x128xf32, #tpu.memory_space<vmem>>, vector<1x16xf32>,
        %get3A_1312 = vector.shape_cast %get3A_1311 : vector<1x16xf32> to vector<16xf32>
        %mul3A_1313 = vector.broadcast %squeeze3A_1282 : f32 to vector<16xf32>
        %mul3A_1314 = arith.mulf %get3A_1312, %mul3A_1313 : vector<16xf32>
        %swap3A_1315 = arith.index_cast %add3A_1286 : i32 to index
        %swap3A_1316 = arith.constant 32 : index
        %swap3A_1317 = tpu.vector_load %arg12[%swap3A_1315, %swap3A_1316] {strides = array<i32>} : memref<128x128xf32, #tpu.memory_space<vmem>>, vector<1x16xf32>,
        %swap3A_1318 = vector.shape_cast %swap3A_1317 : vector<1x16xf32> to vector<16xf32>
        %swap3A_1319 = vector.shape_cast %mul3A_1314 : vector<16xf32> to vector<1x16xf32>
        tpu.vector_store %arg12[%swap3A_1315, %swap3A_1316], %swap3A_1319 {strides = array<i32>} : memref<128x128xf32, #tpu.memory_space<vmem>>, vector<1x16xf32>,
        %get3A_1320 = arith.index_cast %add3A_1286 : i32 to index
        %get3A_1321 = arith.constant 48 : index
        %get3A_1322 = tpu.vector_load %arg12[%get3A_1320, %get3A_1321] {strides = array<i32>} : memref<128x128xf32, #tpu.memory_space<vmem>>, vector<1x16xf32>,
        %get3A_1323 = vector.shape_cast %get3A_1322 : vector<1x16xf32> to vector<16xf32>
        %mul3A_1324 = vector.broadcast %squeeze3A_1282 : f32 to vector<16xf32>
        %mul3A_1325 = arith.mulf %get3A_1323, %mul3A_1324 : vector<16xf32>
        %swap3A_1326 = arith.index_cast %add3A_1286 : i32 to index
        %swap3A_1327 = arith.constant 48 : index
        %swap3A_1328 = tpu.vector_load %arg12[%swap3A_1326, %swap3A_1327] {strides = array<i32>} : memref<128x128xf32, #tpu.memory_space<vmem>>, vector<1x16xf32>,
        %swap3A_1329 = vector.shape_cast %swap3A_1328 : vector<1x16xf32> to vector<16xf32>
        %swap3A_1330 = vector.shape_cast %mul3A_1325 : vector<16xf32> to vector<1x16xf32>
        tpu.vector_store %arg12[%swap3A_1326, %swap3A_1327], %swap3A_1330 {strides = array<i32>} : memref<128x128xf32, #tpu.memory_space<vmem>>, vector<1x16xf32>,
        %get3A_1331 = arith.index_cast %add3A_1286 : i32 to index
        %get3A_1332 = arith.constant 64 : index
        %get3A_1333 = tpu.vector_load %arg12[%get3A_1331, %get3A_1332] {strides = array<i32>} : memref<128x128xf32, #tpu.memory_space<vmem>>, vector<1x16xf32>,
        %get3A_1334 = vector.shape_cast %get3A_1333 : vector<1x16xf32> to vector<16xf32>
        %mul3A_1335 = vector.broadcast %squeeze3A_1282 : f32 to vector<16xf32>
        %mul3A_1336 = arith.mulf %get3A_1334, %mul3A_1335 : vector<16xf32>
        %swap3A_1337 = arith.index_cast %add3A_1286 : i32 to index
        %swap3A_1338 = arith.constant 64 : index
        %swap3A_1339 = tpu.vector_load %arg12[%swap3A_1337, %swap3A_1338] {strides = array<i32>} : memref<128x128xf32, #tpu.memory_space<vmem>>, vector<1x16xf32>,
        %swap3A_1340 = vector.shape_cast %swap3A_1339 : vector<1x16xf32> to vector<16xf32>
        %swap3A_1341 = vector.shape_cast %mul3A_1336 : vector<16xf32> to vector<1x16xf32>
        tpu.vector_store %arg12[%swap3A_1337, %swap3A_1338], %swap3A_1341 {strides = array<i32>} : memref<128x128xf32, #tpu.memory_space<vmem>>, vector<1x16xf32>,
        %get3A_1342 = arith.index_cast %add3A_1286 : i32 to index
        %get3A_1343 = arith.constant 80 : index
        %get3A_1344 = tpu.vector_load %arg12[%get3A_1342, %get3A_1343] {strides = array<i32>} : memref<128x128xf32, #tpu.memory_space<vmem>>, vector<1x16xf32>,
        %get3A_1345 = vector.shape_cast %get3A_1344 : vector<1x16xf32> to vector<16xf32>
        %mul3A_1346 = vector.broadcast %squeeze3A_1282 : f32 to vector<16xf32>
        %mul3A_1347 = arith.mulf %get3A_1345, %mul3A_1346 : vector<16xf32>
        %swap3A_1348 = arith.index_cast %add3A_1286 : i32 to index
        %swap3A_1349 = arith.constant 80 : index
        %swap3A_1350 = tpu.vector_load %arg12[%swap3A_1348, %swap3A_1349] {strides = array<i32>} : memref<128x128xf32, #tpu.memory_space<vmem>>, vector<1x16xf32>,
        %swap3A_1351 = vector.shape_cast %swap3A_1350 : vector<1x16xf32> to vector<16xf32>
        %swap3A_1352 = vector.shape_cast %mul3A_1347 : vector<16xf32> to vector<1x16xf32>
        tpu.vector_store %arg12[%swap3A_1348, %swap3A_1349], %swap3A_1352 {strides = array<i32>} : memref<128x128xf32, #tpu.memory_space<vmem>>, vector<1x16xf32>,
        %get3A_1353 = arith.index_cast %add3A_1286 : i32 to index
        %get3A_1354 = arith.constant 96 : index
        %get3A_1355 = tpu.vector_load %arg12[%get3A_1353, %get3A_1354] {strides = array<i32>} : memref<128x128xf32, #tpu.memory_space<vmem>>, vector<1x16xf32>,
        %get3A_1356 = vector.shape_cast %get3A_1355 : vector<1x16xf32> to vector<16xf32>
        %mul3A_1357 = vector.broadcast %squeeze3A_1282 : f32 to vector<16xf32>
        %mul3A_1358 = arith.mulf %get3A_1356, %mul3A_1357 : vector<16xf32>
        %swap3A_1359 = arith.index_cast %add3A_1286 : i32 to index
        %swap3A_1360 = arith.constant 96 : index
        %swap3A_1361 = tpu.vector_load %arg12[%swap3A_1359, %swap3A_1360] {strides = array<i32>} : memref<128x128xf32, #tpu.memory_space<vmem>>, vector<1x16xf32>,
        %swap3A_1362 = vector.shape_cast %swap3A_1361 : vector<1x16xf32> to vector<16xf32>
        %swap3A_1363 = vector.shape_cast %mul3A_1358 : vector<16xf32> to vector<1x16xf32>
        tpu.vector_store %arg12[%swap3A_1359, %swap3A_1360], %swap3A_1363 {strides = array<i32>} : memref<128x128xf32, #tpu.memory_space<vmem>>, vector<1x16xf32>,
        %get3A_1364 = arith.index_cast %add3A_1286 : i32 to index
        %get3A_1365 = arith.constant 112 : index
        %get3A_1366 = tpu.vector_load %arg12[%get3A_1364, %get3A_1365] {strides = array<i32>} : memref<128x128xf32, #tpu.memory_space<vmem>>, vector<1x16xf32>,
        %get3A_1367 = vector.shape_cast %get3A_1366 : vector<1x16xf32> to vector<16xf32>
        %mul3A_1368 = vector.broadcast %squeeze3A_1282 : f32 to vector<16xf32>
        %mul3A_1369 = arith.mulf %get3A_1367, %mul3A_1368 : vector<16xf32>
        %swap3A_1370 = arith.index_cast %add3A_1286 : i32 to index
        %swap3A_1371 = arith.constant 112 : index
        %swap3A_1372 = tpu.vector_load %arg12[%swap3A_1370, %swap3A_1371] {strides = array<i32>} : memref<128x128xf32, #tpu.memory_space<vmem>>, vector<1x16xf32>,
        %swap3A_1373 = vector.shape_cast %swap3A_1372 : vector<1x16xf32> to vector<16xf32>
        %swap3A_1374 = vector.shape_cast %mul3A_1369 : vector<16xf32> to vector<1x16xf32>
        tpu.vector_store %arg12[%swap3A_1370, %swap3A_1371], %swap3A_1374 {strides = array<i32>} : memref<128x128xf32, #tpu.memory_space<vmem>>, vector<1x16xf32>,
        %slice3A_1375 = vector.extract_strided_slice %get3A_530 {offsets = [9], sizes = [1], strides = [1]} : vector<16xf32> to vector<1xf32>
        %squeeze3A_1376 = vector.extract %slice3A_1375[0] : f32 from vector<1xf32>
        %mul3A_1377 = arith.constant 16 : i32
        %mul3A_1378 = arith.muli %scan3A_526, %mul3A_1377 : i32
        %add3A_1379 = arith.constant 9 : i32
        %add3A_1380 = arith.addi %mul3A_1378, %add3A_1379 : i32
        %get3A_1381 = arith.index_cast %add3A_1380 : i32 to index
        %get3A_1382 = arith.constant 0 : index
        %get3A_1383 = tpu.vector_load %arg12[%get3A_1381, %get3A_1382] {strides = array<i32>} : memref<128x128xf32, #tpu.memory_space<vmem>>, vector<1x16xf32>,
        %get3A_1384 = vector.shape_cast %get3A_1383 : vector<1x16xf32> to vector<16xf32>
        %mul3A_1385 = vector.broadcast %squeeze3A_1376 : f32 to vector<16xf32>
        %mul3A_1386 = arith.mulf %get3A_1384, %mul3A_1385 : vector<16xf32>
        %swap3A_1387 = arith.index_cast %add3A_1380 : i32 to index
        %swap3A_1388 = arith.constant 0 : index
        %swap3A_1389 = tpu.vector_load %arg12[%swap3A_1387, %swap3A_1388] {strides = array<i32>} : memref<128x128xf32, #tpu.memory_space<vmem>>, vector<1x16xf32>,
        %swap3A_1390 = vector.shape_cast %swap3A_1389 : vector<1x16xf32> to vector<16xf32>
        %swap3A_1391 = vector.shape_cast %mul3A_1386 : vector<16xf32> to vector<1x16xf32>
        tpu.vector_store %arg12[%swap3A_1387, %swap3A_1388], %swap3A_1391 {strides = array<i32>} : memref<128x128xf32, #tpu.memory_space<vmem>>, vector<1x16xf32>,
        %get3A_1392 = arith.index_cast %add3A_1380 : i32 to index
        %get3A_1393 = arith.constant 16 : index
        %get3A_1394 = tpu.vector_load %arg12[%get3A_1392, %get3A_1393] {strides = array<i32>} : memref<128x128xf32, #tpu.memory_space<vmem>>, vector<1x16xf32>,
        %get3A_1395 = vector.shape_cast %get3A_1394 : vector<1x16xf32> to vector<16xf32>
        %mul3A_1396 = vector.broadcast %squeeze3A_1376 : f32 to vector<16xf32>
        %mul3A_1397 = arith.mulf %get3A_1395, %mul3A_1396 : vector<16xf32>
        %swap3A_1398 = arith.index_cast %add3A_1380 : i32 to index
        %swap3A_1399 = arith.constant 16 : index
        %swap3A_1400 = tpu.vector_load %arg12[%swap3A_1398, %swap3A_1399] {strides = array<i32>} : memref<128x128xf32, #tpu.memory_space<vmem>>, vector<1x16xf32>,
        %swap3A_1401 = vector.shape_cast %swap3A_1400 : vector<1x16xf32> to vector<16xf32>
        %swap3A_1402 = vector.shape_cast %mul3A_1397 : vector<16xf32> to vector<1x16xf32>
        tpu.vector_store %arg12[%swap3A_1398, %swap3A_1399], %swap3A_1402 {strides = array<i32>} : memref<128x128xf32, #tpu.memory_space<vmem>>, vector<1x16xf32>,
        %get3A_1403 = arith.index_cast %add3A_1380 : i32 to index
        %get3A_1404 = arith.constant 32 : index
        %get3A_1405 = tpu.vector_load %arg12[%get3A_1403, %get3A_1404] {strides = array<i32>} : memref<128x128xf32, #tpu.memory_space<vmem>>, vector<1x16xf32>,
        %get3A_1406 = vector.shape_cast %get3A_1405 : vector<1x16xf32> to vector<16xf32>
        %mul3A_1407 = vector.broadcast %squeeze3A_1376 : f32 to vector<16xf32>
        %mul3A_1408 = arith.mulf %get3A_1406, %mul3A_1407 : vector<16xf32>
        %swap3A_1409 = arith.index_cast %add3A_1380 : i32 to index
        %swap3A_1410 = arith.constant 32 : index
        %swap3A_1411 = tpu.vector_load %arg12[%swap3A_1409, %swap3A_1410] {strides = array<i32>} : memref<128x128xf32, #tpu.memory_space<vmem>>, vector<1x16xf32>,
        %swap3A_1412 = vector.shape_cast %swap3A_1411 : vector<1x16xf32> to vector<16xf32>
        %swap3A_1413 = vector.shape_cast %mul3A_1408 : vector<16xf32> to vector<1x16xf32>
        tpu.vector_store %arg12[%swap3A_1409, %swap3A_1410], %swap3A_1413 {strides = array<i32>} : memref<128x128xf32, #tpu.memory_space<vmem>>, vector<1x16xf32>,
        %get3A_1414 = arith.index_cast %add3A_1380 : i32 to index
        %get3A_1415 = arith.constant 48 : index
        %get3A_1416 = tpu.vector_load %arg12[%get3A_1414, %get3A_1415] {strides = array<i32>} : memref<128x128xf32, #tpu.memory_space<vmem>>, vector<1x16xf32>,
        %get3A_1417 = vector.shape_cast %get3A_1416 : vector<1x16xf32> to vector<16xf32>
        %mul3A_1418 = vector.broadcast %squeeze3A_1376 : f32 to vector<16xf32>
        %mul3A_1419 = arith.mulf %get3A_1417, %mul3A_1418 : vector<16xf32>
        %swap3A_1420 = arith.index_cast %add3A_1380 : i32 to index
        %swap3A_1421 = arith.constant 48 : index
        %swap3A_1422 = tpu.vector_load %arg12[%swap3A_1420, %swap3A_1421] {strides = array<i32>} : memref<128x128xf32, #tpu.memory_space<vmem>>, vector<1x16xf32>,
        %swap3A_1423 = vector.shape_cast %swap3A_1422 : vector<1x16xf32> to vector<16xf32>
        %swap3A_1424 = vector.shape_cast %mul3A_1419 : vector<16xf32> to vector<1x16xf32>
        tpu.vector_store %arg12[%swap3A_1420, %swap3A_1421], %swap3A_1424 {strides = array<i32>} : memref<128x128xf32, #tpu.memory_space<vmem>>, vector<1x16xf32>,
        %get3A_1425 = arith.index_cast %add3A_1380 : i32 to index
        %get3A_1426 = arith.constant 64 : index
        %get3A_1427 = tpu.vector_load %arg12[%get3A_1425, %get3A_1426] {strides = array<i32>} : memref<128x128xf32, #tpu.memory_space<vmem>>, vector<1x16xf32>,
        %get3A_1428 = vector.shape_cast %get3A_1427 : vector<1x16xf32> to vector<16xf32>
        %mul3A_1429 = vector.broadcast %squeeze3A_1376 : f32 to vector<16xf32>
        %mul3A_1430 = arith.mulf %get3A_1428, %mul3A_1429 : vector<16xf32>
        %swap3A_1431 = arith.index_cast %add3A_1380 : i32 to index
        %swap3A_1432 = arith.constant 64 : index
        %swap3A_1433 = tpu.vector_load %arg12[%swap3A_1431, %swap3A_1432] {strides = array<i32>} : memref<128x128xf32, #tpu.memory_space<vmem>>, vector<1x16xf32>,
        %swap3A_1434 = vector.shape_cast %swap3A_1433 : vector<1x16xf32> to vector<16xf32>
        %swap3A_1435 = vector.shape_cast %mul3A_1430 : vector<16xf32> to vector<1x16xf32>
        tpu.vector_store %arg12[%swap3A_1431, %swap3A_1432], %swap3A_1435 {strides = array<i32>} : memref<128x128xf32, #tpu.memory_space<vmem>>, vector<1x16xf32>,
        %get3A_1436 = arith.index_cast %add3A_1380 : i32 to index
        %get3A_1437 = arith.constant 80 : index
        %get3A_1438 = tpu.vector_load %arg12[%get3A_1436, %get3A_1437] {strides = array<i32>} : memref<128x128xf32, #tpu.memory_space<vmem>>, vector<1x16xf32>,
        %get3A_1439 = vector.shape_cast %get3A_1438 : vector<1x16xf32> to vector<16xf32>
        %mul3A_1440 = vector.broadcast %squeeze3A_1376 : f32 to vector<16xf32>
        %mul3A_1441 = arith.mulf %get3A_1439, %mul3A_1440 : vector<16xf32>
        %swap3A_1442 = arith.index_cast %add3A_1380 : i32 to index
        %swap3A_1443 = arith.constant 80 : index
        %swap3A_1444 = tpu.vector_load %arg12[%swap3A_1442, %swap3A_1443] {strides = array<i32>} : memref<128x128xf32, #tpu.memory_space<vmem>>, vector<1x16xf32>,
        %swap3A_1445 = vector.shape_cast %swap3A_1444 : vector<1x16xf32> to vector<16xf32>
        %swap3A_1446 = vector.shape_cast %mul3A_1441 : vector<16xf32> to vector<1x16xf32>
        tpu.vector_store %arg12[%swap3A_1442, %swap3A_1443], %swap3A_1446 {strides = array<i32>} : memref<128x128xf32, #tpu.memory_space<vmem>>, vector<1x16xf32>,
        %get3A_1447 = arith.index_cast %add3A_1380 : i32 to index
        %get3A_1448 = arith.constant 96 : index
        %get3A_1449 = tpu.vector_load %arg12[%get3A_1447, %get3A_1448] {strides = array<i32>} : memref<128x128xf32, #tpu.memory_space<vmem>>, vector<1x16xf32>,
        %get3A_1450 = vector.shape_cast %get3A_1449 : vector<1x16xf32> to vector<16xf32>
        %mul3A_1451 = vector.broadcast %squeeze3A_1376 : f32 to vector<16xf32>
        %mul3A_1452 = arith.mulf %get3A_1450, %mul3A_1451 : vector<16xf32>
        %swap3A_1453 = arith.index_cast %add3A_1380 : i32 to index
        %swap3A_1454 = arith.constant 96 : index
        %swap3A_1455 = tpu.vector_load %arg12[%swap3A_1453, %swap3A_1454] {strides = array<i32>} : memref<128x128xf32, #tpu.memory_space<vmem>>, vector<1x16xf32>,
        %swap3A_1456 = vector.shape_cast %swap3A_1455 : vector<1x16xf32> to vector<16xf32>
        %swap3A_1457 = vector.shape_cast %mul3A_1452 : vector<16xf32> to vector<1x16xf32>
        tpu.vector_store %arg12[%swap3A_1453, %swap3A_1454], %swap3A_1457 {strides = array<i32>} : memref<128x128xf32, #tpu.memory_space<vmem>>, vector<1x16xf32>,
        %get3A_1458 = arith.index_cast %add3A_1380 : i32 to index
        %get3A_1459 = arith.constant 112 : index
        %get3A_1460 = tpu.vector_load %arg12[%get3A_1458, %get3A_1459] {strides = array<i32>} : memref<128x128xf32, #tpu.memory_space<vmem>>, vector<1x16xf32>,
        %get3A_1461 = vector.shape_cast %get3A_1460 : vector<1x16xf32> to vector<16xf32>
        %mul3A_1462 = vector.broadcast %squeeze3A_1376 : f32 to vector<16xf32>
        %mul3A_1463 = arith.mulf %get3A_1461, %mul3A_1462 : vector<16xf32>
        %swap3A_1464 = arith.index_cast %add3A_1380 : i32 to index
        %swap3A_1465 = arith.constant 112 : index
        %swap3A_1466 = tpu.vector_load %arg12[%swap3A_1464, %swap3A_1465] {strides = array<i32>} : memref<128x128xf32, #tpu.memory_space<vmem>>, vector<1x16xf32>,
        %swap3A_1467 = vector.shape_cast %swap3A_1466 : vector<1x16xf32> to vector<16xf32>
        %swap3A_1468 = vector.shape_cast %mul3A_1463 : vector<16xf32> to vector<1x16xf32>
        tpu.vector_store %arg12[%swap3A_1464, %swap3A_1465], %swap3A_1468 {strides = array<i32>} : memref<128x128xf32, #tpu.memory_space<vmem>>, vector<1x16xf32>,
        %slice3A_1469 = vector.extract_strided_slice %get3A_530 {offsets = [10], sizes = [1], strides = [1]} : vector<16xf32> to vector<1xf32>
        %squeeze3A_1470 = vector.extract %slice3A_1469[0] : f32 from vector<1xf32>
        %mul3A_1471 = arith.constant 16 : i32
        %mul3A_1472 = arith.muli %scan3A_526, %mul3A_1471 : i32
        %add3A_1473 = arith.constant 10 : i32
        %add3A_1474 = arith.addi %mul3A_1472, %add3A_1473 : i32
        %get3A_1475 = arith.index_cast %add3A_1474 : i32 to index
        %get3A_1476 = arith.constant 0 : index
        %get3A_1477 = tpu.vector_load %arg12[%get3A_1475, %get3A_1476] {strides = array<i32>} : memref<128x128xf32, #tpu.memory_space<vmem>>, vector<1x16xf32>,
        %get3A_1478 = vector.shape_cast %get3A_1477 : vector<1x16xf32> to vector<16xf32>
        %mul3A_1479 = vector.broadcast %squeeze3A_1470 : f32 to vector<16xf32>
        %mul3A_1480 = arith.mulf %get3A_1478, %mul3A_1479 : vector<16xf32>
        %swap3A_1481 = arith.index_cast %add3A_1474 : i32 to index
        %swap3A_1482 = arith.constant 0 : index
        %swap3A_1483 = tpu.vector_load %arg12[%swap3A_1481, %swap3A_1482] {strides = array<i32>} : memref<128x128xf32, #tpu.memory_space<vmem>>, vector<1x16xf32>,
        %swap3A_1484 = vector.shape_cast %swap3A_1483 : vector<1x16xf32> to vector<16xf32>
        %swap3A_1485 = vector.shape_cast %mul3A_1480 : vector<16xf32> to vector<1x16xf32>
        tpu.vector_store %arg12[%swap3A_1481, %swap3A_1482], %swap3A_1485 {strides = array<i32>} : memref<128x128xf32, #tpu.memory_space<vmem>>, vector<1x16xf32>,
        %get3A_1486 = arith.index_cast %add3A_1474 : i32 to index
        %get3A_1487 = arith.constant 16 : index
        %get3A_1488 = tpu.vector_load %arg12[%get3A_1486, %get3A_1487] {strides = array<i32>} : memref<128x128xf32, #tpu.memory_space<vmem>>, vector<1x16xf32>,
        %get3A_1489 = vector.shape_cast %get3A_1488 : vector<1x16xf32> to vector<16xf32>
        %mul3A_1490 = vector.broadcast %squeeze3A_1470 : f32 to vector<16xf32>
        %mul3A_1491 = arith.mulf %get3A_1489, %mul3A_1490 : vector<16xf32>
        %swap3A_1492 = arith.index_cast %add3A_1474 : i32 to index
        %swap3A_1493 = arith.constant 16 : index
        %swap3A_1494 = tpu.vector_load %arg12[%swap3A_1492, %swap3A_1493] {strides = array<i32>} : memref<128x128xf32, #tpu.memory_space<vmem>>, vector<1x16xf32>,
        %swap3A_1495 = vector.shape_cast %swap3A_1494 : vector<1x16xf32> to vector<16xf32>
        %swap3A_1496 = vector.shape_cast %mul3A_1491 : vector<16xf32> to vector<1x16xf32>
        tpu.vector_store %arg12[%swap3A_1492, %swap3A_1493], %swap3A_1496 {strides = array<i32>} : memref<128x128xf32, #tpu.memory_space<vmem>>, vector<1x16xf32>,
        %get3A_1497 = arith.index_cast %add3A_1474 : i32 to index
        %get3A_1498 = arith.constant 32 : index
        %get3A_1499 = tpu.vector_load %arg12[%get3A_1497, %get3A_1498] {strides = array<i32>} : memref<128x128xf32, #tpu.memory_space<vmem>>, vector<1x16xf32>,
        %get3A_1500 = vector.shape_cast %get3A_1499 : vector<1x16xf32> to vector<16xf32>
        %mul3A_1501 = vector.broadcast %squeeze3A_1470 : f32 to vector<16xf32>
        %mul3A_1502 = arith.mulf %get3A_1500, %mul3A_1501 : vector<16xf32>
        %swap3A_1503 = arith.index_cast %add3A_1474 : i32 to index
        %swap3A_1504 = arith.constant 32 : index
        %swap3A_1505 = tpu.vector_load %arg12[%swap3A_1503, %swap3A_1504] {strides = array<i32>} : memref<128x128xf32, #tpu.memory_space<vmem>>, vector<1x16xf32>,
        %swap3A_1506 = vector.shape_cast %swap3A_1505 : vector<1x16xf32> to vector<16xf32>
        %swap3A_1507 = vector.shape_cast %mul3A_1502 : vector<16xf32> to vector<1x16xf32>
        tpu.vector_store %arg12[%swap3A_1503, %swap3A_1504], %swap3A_1507 {strides = array<i32>} : memref<128x128xf32, #tpu.memory_space<vmem>>, vector<1x16xf32>,
        %get3A_1508 = arith.index_cast %add3A_1474 : i32 to index
        %get3A_1509 = arith.constant 48 : index
        %get3A_1510 = tpu.vector_load %arg12[%get3A_1508, %get3A_1509] {strides = array<i32>} : memref<128x128xf32, #tpu.memory_space<vmem>>, vector<1x16xf32>,
        %get3A_1511 = vector.shape_cast %get3A_1510 : vector<1x16xf32> to vector<16xf32>
        %mul3A_1512 = vector.broadcast %squeeze3A_1470 : f32 to vector<16xf32>
        %mul3A_1513 = arith.mulf %get3A_1511, %mul3A_1512 : vector<16xf32>
        %swap3A_1514 = arith.index_cast %add3A_1474 : i32 to index
        %swap3A_1515 = arith.constant 48 : index
        %swap3A_1516 = tpu.vector_load %arg12[%swap3A_1514, %swap3A_1515] {strides = array<i32>} : memref<128x128xf32, #tpu.memory_space<vmem>>, vector<1x16xf32>,
        %swap3A_1517 = vector.shape_cast %swap3A_1516 : vector<1x16xf32> to vector<16xf32>
        %swap3A_1518 = vector.shape_cast %mul3A_1513 : vector<16xf32> to vector<1x16xf32>
        tpu.vector_store %arg12[%swap3A_1514, %swap3A_1515], %swap3A_1518 {strides = array<i32>} : memref<128x128xf32, #tpu.memory_space<vmem>>, vector<1x16xf32>,
        %get3A_1519 = arith.index_cast %add3A_1474 : i32 to index
        %get3A_1520 = arith.constant 64 : index
        %get3A_1521 = tpu.vector_load %arg12[%get3A_1519, %get3A_1520] {strides = array<i32>} : memref<128x128xf32, #tpu.memory_space<vmem>>, vector<1x16xf32>,
        %get3A_1522 = vector.shape_cast %get3A_1521 : vector<1x16xf32> to vector<16xf32>
        %mul3A_1523 = vector.broadcast %squeeze3A_1470 : f32 to vector<16xf32>
        %mul3A_1524 = arith.mulf %get3A_1522, %mul3A_1523 : vector<16xf32>
        %swap3A_1525 = arith.index_cast %add3A_1474 : i32 to index
        %swap3A_1526 = arith.constant 64 : index
        %swap3A_1527 = tpu.vector_load %arg12[%swap3A_1525, %swap3A_1526] {strides = array<i32>} : memref<128x128xf32, #tpu.memory_space<vmem>>, vector<1x16xf32>,
        %swap3A_1528 = vector.shape_cast %swap3A_1527 : vector<1x16xf32> to vector<16xf32>
        %swap3A_1529 = vector.shape_cast %mul3A_1524 : vector<16xf32> to vector<1x16xf32>
        tpu.vector_store %arg12[%swap3A_1525, %swap3A_1526], %swap3A_1529 {strides = array<i32>} : memref<128x128xf32, #tpu.memory_space<vmem>>, vector<1x16xf32>,
        %get3A_1530 = arith.index_cast %add3A_1474 : i32 to index
        %get3A_1531 = arith.constant 80 : index
        %get3A_1532 = tpu.vector_load %arg12[%get3A_1530, %get3A_1531] {strides = array<i32>} : memref<128x128xf32, #tpu.memory_space<vmem>>, vector<1x16xf32>,
        %get3A_1533 = vector.shape_cast %get3A_1532 : vector<1x16xf32> to vector<16xf32>
        %mul3A_1534 = vector.broadcast %squeeze3A_1470 : f32 to vector<16xf32>
        %mul3A_1535 = arith.mulf %get3A_1533, %mul3A_1534 : vector<16xf32>
        %swap3A_1536 = arith.index_cast %add3A_1474 : i32 to index
        %swap3A_1537 = arith.constant 80 : index
        %swap3A_1538 = tpu.vector_load %arg12[%swap3A_1536, %swap3A_1537] {strides = array<i32>} : memref<128x128xf32, #tpu.memory_space<vmem>>, vector<1x16xf32>,
        %swap3A_1539 = vector.shape_cast %swap3A_1538 : vector<1x16xf32> to vector<16xf32>
        %swap3A_1540 = vector.shape_cast %mul3A_1535 : vector<16xf32> to vector<1x16xf32>
        tpu.vector_store %arg12[%swap3A_1536, %swap3A_1537], %swap3A_1540 {strides = array<i32>} : memref<128x128xf32, #tpu.memory_space<vmem>>, vector<1x16xf32>,
        %get3A_1541 = arith.index_cast %add3A_1474 : i32 to index
        %get3A_1542 = arith.constant 96 : index
        %get3A_1543 = tpu.vector_load %arg12[%get3A_1541, %get3A_1542] {strides = array<i32>} : memref<128x128xf32, #tpu.memory_space<vmem>>, vector<1x16xf32>,
        %get3A_1544 = vector.shape_cast %get3A_1543 : vector<1x16xf32> to vector<16xf32>
        %mul3A_1545 = vector.broadcast %squeeze3A_1470 : f32 to vector<16xf32>
        %mul3A_1546 = arith.mulf %get3A_1544, %mul3A_1545 : vector<16xf32>
        %swap3A_1547 = arith.index_cast %add3A_1474 : i32 to index
        %swap3A_1548 = arith.constant 96 : index
        %swap3A_1549 = tpu.vector_load %arg12[%swap3A_1547, %swap3A_1548] {strides = array<i32>} : memref<128x128xf32, #tpu.memory_space<vmem>>, vector<1x16xf32>,
        %swap3A_1550 = vector.shape_cast %swap3A_1549 : vector<1x16xf32> to vector<16xf32>
        %swap3A_1551 = vector.shape_cast %mul3A_1546 : vector<16xf32> to vector<1x16xf32>
        tpu.vector_store %arg12[%swap3A_1547, %swap3A_1548], %swap3A_1551 {strides = array<i32>} : memref<128x128xf32, #tpu.memory_space<vmem>>, vector<1x16xf32>,
        %get3A_1552 = arith.index_cast %add3A_1474 : i32 to index
        %get3A_1553 = arith.constant 112 : index
        %get3A_1554 = tpu.vector_load %arg12[%get3A_1552, %get3A_1553] {strides = array<i32>} : memref<128x128xf32, #tpu.memory_space<vmem>>, vector<1x16xf32>,
        %get3A_1555 = vector.shape_cast %get3A_1554 : vector<1x16xf32> to vector<16xf32>
        %mul3A_1556 = vector.broadcast %squeeze3A_1470 : f32 to vector<16xf32>
        %mul3A_1557 = arith.mulf %get3A_1555, %mul3A_1556 : vector<16xf32>
        %swap3A_1558 = arith.index_cast %add3A_1474 : i32 to index
        %swap3A_1559 = arith.constant 112 : index
        %swap3A_1560 = tpu.vector_load %arg12[%swap3A_1558, %swap3A_1559] {strides = array<i32>} : memref<128x128xf32, #tpu.memory_space<vmem>>, vector<1x16xf32>,
        %swap3A_1561 = vector.shape_cast %swap3A_1560 : vector<1x16xf32> to vector<16xf32>
        %swap3A_1562 = vector.shape_cast %mul3A_1557 : vector<16xf32> to vector<1x16xf32>
        tpu.vector_store %arg12[%swap3A_1558, %swap3A_1559], %swap3A_1562 {strides = array<i32>} : memref<128x128xf32, #tpu.memory_space<vmem>>, vector<1x16xf32>,
        %slice3A_1563 = vector.extract_strided_slice %get3A_530 {offsets = [11], sizes = [1], strides = [1]} : vector<16xf32> to vector<1xf32>
        %squeeze3A_1564 = vector.extract %slice3A_1563[0] : f32 from vector<1xf32>
        %mul3A_1565 = arith.constant 16 : i32
        %mul3A_1566 = arith.muli %scan3A_526, %mul3A_1565 : i32
        %add3A_1567 = arith.constant 11 : i32
        %add3A_1568 = arith.addi %mul3A_1566, %add3A_1567 : i32
        %get3A_1569 = arith.index_cast %add3A_1568 : i32 to index
        %get3A_1570 = arith.constant 0 : index
        %get3A_1571 = tpu.vector_load %arg12[%get3A_1569, %get3A_1570] {strides = array<i32>} : memref<128x128xf32, #tpu.memory_space<vmem>>, vector<1x16xf32>,
        %get3A_1572 = vector.shape_cast %get3A_1571 : vector<1x16xf32> to vector<16xf32>
        %mul3A_1573 = vector.broadcast %squeeze3A_1564 : f32 to vector<16xf32>
        %mul3A_1574 = arith.mulf %get3A_1572, %mul3A_1573 : vector<16xf32>
        %swap3A_1575 = arith.index_cast %add3A_1568 : i32 to index
        %swap3A_1576 = arith.constant 0 : index
        %swap3A_1577 = tpu.vector_load %arg12[%swap3A_1575, %swap3A_1576] {strides = array<i32>} : memref<128x128xf32, #tpu.memory_space<vmem>>, vector<1x16xf32>,
        %swap3A_1578 = vector.shape_cast %swap3A_1577 : vector<1x16xf32> to vector<16xf32>
        %swap3A_1579 = vector.shape_cast %mul3A_1574 : vector<16xf32> to vector<1x16xf32>
        tpu.vector_store %arg12[%swap3A_1575, %swap3A_1576], %swap3A_1579 {strides = array<i32>} : memref<128x128xf32, #tpu.memory_space<vmem>>, vector<1x16xf32>,
        %get3A_1580 = arith.index_cast %add3A_1568 : i32 to index
        %get3A_1581 = arith.constant 16 : index
        %get3A_1582 = tpu.vector_load %arg12[%get3A_1580, %get3A_1581] {strides = array<i32>} : memref<128x128xf32, #tpu.memory_space<vmem>>, vector<1x16xf32>,
        %get3A_1583 = vector.shape_cast %get3A_1582 : vector<1x16xf32> to vector<16xf32>
        %mul3A_1584 = vector.broadcast %squeeze3A_1564 : f32 to vector<16xf32>
        %mul3A_1585 = arith.mulf %get3A_1583, %mul3A_1584 : vector<16xf32>
        %swap3A_1586 = arith.index_cast %add3A_1568 : i32 to index
        %swap3A_1587 = arith.constant 16 : index
        %swap3A_1588 = tpu.vector_load %arg12[%swap3A_1586, %swap3A_1587] {strides = array<i32>} : memref<128x128xf32, #tpu.memory_space<vmem>>, vector<1x16xf32>,
        %swap3A_1589 = vector.shape_cast %swap3A_1588 : vector<1x16xf32> to vector<16xf32>
        %swap3A_1590 = vector.shape_cast %mul3A_1585 : vector<16xf32> to vector<1x16xf32>
        tpu.vector_store %arg12[%swap3A_1586, %swap3A_1587], %swap3A_1590 {strides = array<i32>} : memref<128x128xf32, #tpu.memory_space<vmem>>, vector<1x16xf32>,
        %get3A_1591 = arith.index_cast %add3A_1568 : i32 to index
        %get3A_1592 = arith.constant 32 : index
        %get3A_1593 = tpu.vector_load %arg12[%get3A_1591, %get3A_1592] {strides = array<i32>} : memref<128x128xf32, #tpu.memory_space<vmem>>, vector<1x16xf32>,
        %get3A_1594 = vector.shape_cast %get3A_1593 : vector<1x16xf32> to vector<16xf32>
        %mul3A_1595 = vector.broadcast %squeeze3A_1564 : f32 to vector<16xf32>
        %mul3A_1596 = arith.mulf %get3A_1594, %mul3A_1595 : vector<16xf32>
        %swap3A_1597 = arith.index_cast %add3A_1568 : i32 to index
        %swap3A_1598 = arith.constant 32 : index
        %swap3A_1599 = tpu.vector_load %arg12[%swap3A_1597, %swap3A_1598] {strides = array<i32>} : memref<128x128xf32, #tpu.memory_space<vmem>>, vector<1x16xf32>,
        %swap3A_1600 = vector.shape_cast %swap3A_1599 : vector<1x16xf32> to vector<16xf32>
        %swap3A_1601 = vector.shape_cast %mul3A_1596 : vector<16xf32> to vector<1x16xf32>
        tpu.vector_store %arg12[%swap3A_1597, %swap3A_1598], %swap3A_1601 {strides = array<i32>} : memref<128x128xf32, #tpu.memory_space<vmem>>, vector<1x16xf32>,
        %get3A_1602 = arith.index_cast %add3A_1568 : i32 to index
        %get3A_1603 = arith.constant 48 : index
        %get3A_1604 = tpu.vector_load %arg12[%get3A_1602, %get3A_1603] {strides = array<i32>} : memref<128x128xf32, #tpu.memory_space<vmem>>, vector<1x16xf32>,
        %get3A_1605 = vector.shape_cast %get3A_1604 : vector<1x16xf32> to vector<16xf32>
        %mul3A_1606 = vector.broadcast %squeeze3A_1564 : f32 to vector<16xf32>
        %mul3A_1607 = arith.mulf %get3A_1605, %mul3A_1606 : vector<16xf32>
        %swap3A_1608 = arith.index_cast %add3A_1568 : i32 to index
        %swap3A_1609 = arith.constant 48 : index
        %swap3A_1610 = tpu.vector_load %arg12[%swap3A_1608, %swap3A_1609] {strides = array<i32>} : memref<128x128xf32, #tpu.memory_space<vmem>>, vector<1x16xf32>,
        %swap3A_1611 = vector.shape_cast %swap3A_1610 : vector<1x16xf32> to vector<16xf32>
        %swap3A_1612 = vector.shape_cast %mul3A_1607 : vector<16xf32> to vector<1x16xf32>
        tpu.vector_store %arg12[%swap3A_1608, %swap3A_1609], %swap3A_1612 {strides = array<i32>} : memref<128x128xf32, #tpu.memory_space<vmem>>, vector<1x16xf32>,
        %get3A_1613 = arith.index_cast %add3A_1568 : i32 to index
        %get3A_1614 = arith.constant 64 : index
        %get3A_1615 = tpu.vector_load %arg12[%get3A_1613, %get3A_1614] {strides = array<i32>} : memref<128x128xf32, #tpu.memory_space<vmem>>, vector<1x16xf32>,
        %get3A_1616 = vector.shape_cast %get3A_1615 : vector<1x16xf32> to vector<16xf32>
        %mul3A_1617 = vector.broadcast %squeeze3A_1564 : f32 to vector<16xf32>
        %mul3A_1618 = arith.mulf %get3A_1616, %mul3A_1617 : vector<16xf32>
        %swap3A_1619 = arith.index_cast %add3A_1568 : i32 to index
        %swap3A_1620 = arith.constant 64 : index
        %swap3A_1621 = tpu.vector_load %arg12[%swap3A_1619, %swap3A_1620] {strides = array<i32>} : memref<128x128xf32, #tpu.memory_space<vmem>>, vector<1x16xf32>,
        %swap3A_1622 = vector.shape_cast %swap3A_1621 : vector<1x16xf32> to vector<16xf32>
        %swap3A_1623 = vector.shape_cast %mul3A_1618 : vector<16xf32> to vector<1x16xf32>
        tpu.vector_store %arg12[%swap3A_1619, %swap3A_1620], %swap3A_1623 {strides = array<i32>} : memref<128x128xf32, #tpu.memory_space<vmem>>, vector<1x16xf32>,
        %get3A_1624 = arith.index_cast %add3A_1568 : i32 to index
        %get3A_1625 = arith.constant 80 : index
        %get3A_1626 = tpu.vector_load %arg12[%get3A_1624, %get3A_1625] {strides = array<i32>} : memref<128x128xf32, #tpu.memory_space<vmem>>, vector<1x16xf32>,
        %get3A_1627 = vector.shape_cast %get3A_1626 : vector<1x16xf32> to vector<16xf32>
        %mul3A_1628 = vector.broadcast %squeeze3A_1564 : f32 to vector<16xf32>
        %mul3A_1629 = arith.mulf %get3A_1627, %mul3A_1628 : vector<16xf32>
        %swap3A_1630 = arith.index_cast %add3A_1568 : i32 to index
        %swap3A_1631 = arith.constant 80 : index
        %swap3A_1632 = tpu.vector_load %arg12[%swap3A_1630, %swap3A_1631] {strides = array<i32>} : memref<128x128xf32, #tpu.memory_space<vmem>>, vector<1x16xf32>,
        %swap3A_1633 = vector.shape_cast %swap3A_1632 : vector<1x16xf32> to vector<16xf32>
        %swap3A_1634 = vector.shape_cast %mul3A_1629 : vector<16xf32> to vector<1x16xf32>
        tpu.vector_store %arg12[%swap3A_1630, %swap3A_1631], %swap3A_1634 {strides = array<i32>} : memref<128x128xf32, #tpu.memory_space<vmem>>, vector<1x16xf32>,
        %get3A_1635 = arith.index_cast %add3A_1568 : i32 to index
        %get3A_1636 = arith.constant 96 : index
        %get3A_1637 = tpu.vector_load %arg12[%get3A_1635, %get3A_1636] {strides = array<i32>} : memref<128x128xf32, #tpu.memory_space<vmem>>, vector<1x16xf32>,
        %get3A_1638 = vector.shape_cast %get3A_1637 : vector<1x16xf32> to vector<16xf32>
        %mul3A_1639 = vector.broadcast %squeeze3A_1564 : f32 to vector<16xf32>
        %mul3A_1640 = arith.mulf %get3A_1638, %mul3A_1639 : vector<16xf32>
        %swap3A_1641 = arith.index_cast %add3A_1568 : i32 to index
        %swap3A_1642 = arith.constant 96 : index
        %swap3A_1643 = tpu.vector_load %arg12[%swap3A_1641, %swap3A_1642] {strides = array<i32>} : memref<128x128xf32, #tpu.memory_space<vmem>>, vector<1x16xf32>,
        %swap3A_1644 = vector.shape_cast %swap3A_1643 : vector<1x16xf32> to vector<16xf32>
        %swap3A_1645 = vector.shape_cast %mul3A_1640 : vector<16xf32> to vector<1x16xf32>
        tpu.vector_store %arg12[%swap3A_1641, %swap3A_1642], %swap3A_1645 {strides = array<i32>} : memref<128x128xf32, #tpu.memory_space<vmem>>, vector<1x16xf32>,
        %get3A_1646 = arith.index_cast %add3A_1568 : i32 to index
        %get3A_1647 = arith.constant 112 : index
        %get3A_1648 = tpu.vector_load %arg12[%get3A_1646, %get3A_1647] {strides = array<i32>} : memref<128x128xf32, #tpu.memory_space<vmem>>, vector<1x16xf32>,
        %get3A_1649 = vector.shape_cast %get3A_1648 : vector<1x16xf32> to vector<16xf32>
        %mul3A_1650 = vector.broadcast %squeeze3A_1564 : f32 to vector<16xf32>
        %mul3A_1651 = arith.mulf %get3A_1649, %mul3A_1650 : vector<16xf32>
        %swap3A_1652 = arith.index_cast %add3A_1568 : i32 to index
        %swap3A_1653 = arith.constant 112 : index
        %swap3A_1654 = tpu.vector_load %arg12[%swap3A_1652, %swap3A_1653] {strides = array<i32>} : memref<128x128xf32, #tpu.memory_space<vmem>>, vector<1x16xf32>,
        %swap3A_1655 = vector.shape_cast %swap3A_1654 : vector<1x16xf32> to vector<16xf32>
        %swap3A_1656 = vector.shape_cast %mul3A_1651 : vector<16xf32> to vector<1x16xf32>
        tpu.vector_store %arg12[%swap3A_1652, %swap3A_1653], %swap3A_1656 {strides = array<i32>} : memref<128x128xf32, #tpu.memory_space<vmem>>, vector<1x16xf32>,
        %slice3A_1657 = vector.extract_strided_slice %get3A_530 {offsets = [12], sizes = [1], strides = [1]} : vector<16xf32> to vector<1xf32>
        %squeeze3A_1658 = vector.extract %slice3A_1657[0] : f32 from vector<1xf32>
        %mul3A_1659 = arith.constant 16 : i32
        %mul3A_1660 = arith.muli %scan3A_526, %mul3A_1659 : i32
        %add3A_1661 = arith.constant 12 : i32
        %add3A_1662 = arith.addi %mul3A_1660, %add3A_1661 : i32
        %get3A_1663 = arith.index_cast %add3A_1662 : i32 to index
        %get3A_1664 = arith.constant 0 : index
        %get3A_1665 = tpu.vector_load %arg12[%get3A_1663, %get3A_1664] {strides = array<i32>} : memref<128x128xf32, #tpu.memory_space<vmem>>, vector<1x16xf32>,
        %get3A_1666 = vector.shape_cast %get3A_1665 : vector<1x16xf32> to vector<16xf32>
        %mul3A_1667 = vector.broadcast %squeeze3A_1658 : f32 to vector<16xf32>
        %mul3A_1668 = arith.mulf %get3A_1666, %mul3A_1667 : vector<16xf32>
        %swap3A_1669 = arith.index_cast %add3A_1662 : i32 to index
        %swap3A_1670 = arith.constant 0 : index
        %swap3A_1671 = tpu.vector_load %arg12[%swap3A_1669, %swap3A_1670] {strides = array<i32>} : memref<128x128xf32, #tpu.memory_space<vmem>>, vector<1x16xf32>,
        %swap3A_1672 = vector.shape_cast %swap3A_1671 : vector<1x16xf32> to vector<16xf32>
        %swap3A_1673 = vector.shape_cast %mul3A_1668 : vector<16xf32> to vector<1x16xf32>
        tpu.vector_store %arg12[%swap3A_1669, %swap3A_1670], %swap3A_1673 {strides = array<i32>} : memref<128x128xf32, #tpu.memory_space<vmem>>, vector<1x16xf32>,
        %get3A_1674 = arith.index_cast %add3A_1662 : i32 to index
        %get3A_1675 = arith.constant 16 : index
        %get3A_1676 = tpu.vector_load %arg12[%get3A_1674, %get3A_1675] {strides = array<i32>} : memref<128x128xf32, #tpu.memory_space<vmem>>, vector<1x16xf32>,
        %get3A_1677 = vector.shape_cast %get3A_1676 : vector<1x16xf32> to vector<16xf32>
        %mul3A_1678 = vector.broadcast %squeeze3A_1658 : f32 to vector<16xf32>
        %mul3A_1679 = arith.mulf %get3A_1677, %mul3A_1678 : vector<16xf32>
        %swap3A_1680 = arith.index_cast %add3A_1662 : i32 to index
        %swap3A_1681 = arith.constant 16 : index
        %swap3A_1682 = tpu.vector_load %arg12[%swap3A_1680, %swap3A_1681] {strides = array<i32>} : memref<128x128xf32, #tpu.memory_space<vmem>>, vector<1x16xf32>,
        %swap3A_1683 = vector.shape_cast %swap3A_1682 : vector<1x16xf32> to vector<16xf32>
        %swap3A_1684 = vector.shape_cast %mul3A_1679 : vector<16xf32> to vector<1x16xf32>
        tpu.vector_store %arg12[%swap3A_1680, %swap3A_1681], %swap3A_1684 {strides = array<i32>} : memref<128x128xf32, #tpu.memory_space<vmem>>, vector<1x16xf32>,
        %get3A_1685 = arith.index_cast %add3A_1662 : i32 to index
        %get3A_1686 = arith.constant 32 : index
        %get3A_1687 = tpu.vector_load %arg12[%get3A_1685, %get3A_1686] {strides = array<i32>} : memref<128x128xf32, #tpu.memory_space<vmem>>, vector<1x16xf32>,
        %get3A_1688 = vector.shape_cast %get3A_1687 : vector<1x16xf32> to vector<16xf32>
        %mul3A_1689 = vector.broadcast %squeeze3A_1658 : f32 to vector<16xf32>
        %mul3A_1690 = arith.mulf %get3A_1688, %mul3A_1689 : vector<16xf32>
        %swap3A_1691 = arith.index_cast %add3A_1662 : i32 to index
        %swap3A_1692 = arith.constant 32 : index
        %swap3A_1693 = tpu.vector_load %arg12[%swap3A_1691, %swap3A_1692] {strides = array<i32>} : memref<128x128xf32, #tpu.memory_space<vmem>>, vector<1x16xf32>,
        %swap3A_1694 = vector.shape_cast %swap3A_1693 : vector<1x16xf32> to vector<16xf32>
        %swap3A_1695 = vector.shape_cast %mul3A_1690 : vector<16xf32> to vector<1x16xf32>
        tpu.vector_store %arg12[%swap3A_1691, %swap3A_1692], %swap3A_1695 {strides = array<i32>} : memref<128x128xf32, #tpu.memory_space<vmem>>, vector<1x16xf32>,
        %get3A_1696 = arith.index_cast %add3A_1662 : i32 to index
        %get3A_1697 = arith.constant 48 : index
        %get3A_1698 = tpu.vector_load %arg12[%get3A_1696, %get3A_1697] {strides = array<i32>} : memref<128x128xf32, #tpu.memory_space<vmem>>, vector<1x16xf32>,
        %get3A_1699 = vector.shape_cast %get3A_1698 : vector<1x16xf32> to vector<16xf32>
        %mul3A_1700 = vector.broadcast %squeeze3A_1658 : f32 to vector<16xf32>
        %mul3A_1701 = arith.mulf %get3A_1699, %mul3A_1700 : vector<16xf32>
        %swap3A_1702 = arith.index_cast %add3A_1662 : i32 to index
        %swap3A_1703 = arith.constant 48 : index
        %swap3A_1704 = tpu.vector_load %arg12[%swap3A_1702, %swap3A_1703] {strides = array<i32>} : memref<128x128xf32, #tpu.memory_space<vmem>>, vector<1x16xf32>,
        %swap3A_1705 = vector.shape_cast %swap3A_1704 : vector<1x16xf32> to vector<16xf32>
        %swap3A_1706 = vector.shape_cast %mul3A_1701 : vector<16xf32> to vector<1x16xf32>
        tpu.vector_store %arg12[%swap3A_1702, %swap3A_1703], %swap3A_1706 {strides = array<i32>} : memref<128x128xf32, #tpu.memory_space<vmem>>, vector<1x16xf32>,
        %get3A_1707 = arith.index_cast %add3A_1662 : i32 to index
        %get3A_1708 = arith.constant 64 : index
        %get3A_1709 = tpu.vector_load %arg12[%get3A_1707, %get3A_1708] {strides = array<i32>} : memref<128x128xf32, #tpu.memory_space<vmem>>, vector<1x16xf32>,
        %get3A_1710 = vector.shape_cast %get3A_1709 : vector<1x16xf32> to vector<16xf32>
        %mul3A_1711 = vector.broadcast %squeeze3A_1658 : f32 to vector<16xf32>
        %mul3A_1712 = arith.mulf %get3A_1710, %mul3A_1711 : vector<16xf32>
        %swap3A_1713 = arith.index_cast %add3A_1662 : i32 to index
        %swap3A_1714 = arith.constant 64 : index
        %swap3A_1715 = tpu.vector_load %arg12[%swap3A_1713, %swap3A_1714] {strides = array<i32>} : memref<128x128xf32, #tpu.memory_space<vmem>>, vector<1x16xf32>,
        %swap3A_1716 = vector.shape_cast %swap3A_1715 : vector<1x16xf32> to vector<16xf32>
        %swap3A_1717 = vector.shape_cast %mul3A_1712 : vector<16xf32> to vector<1x16xf32>
        tpu.vector_store %arg12[%swap3A_1713, %swap3A_1714], %swap3A_1717 {strides = array<i32>} : memref<128x128xf32, #tpu.memory_space<vmem>>, vector<1x16xf32>,
        %get3A_1718 = arith.index_cast %add3A_1662 : i32 to index
        %get3A_1719 = arith.constant 80 : index
        %get3A_1720 = tpu.vector_load %arg12[%get3A_1718, %get3A_1719] {strides = array<i32>} : memref<128x128xf32, #tpu.memory_space<vmem>>, vector<1x16xf32>,
        %get3A_1721 = vector.shape_cast %get3A_1720 : vector<1x16xf32> to vector<16xf32>
        %mul3A_1722 = vector.broadcast %squeeze3A_1658 : f32 to vector<16xf32>
        %mul3A_1723 = arith.mulf %get3A_1721, %mul3A_1722 : vector<16xf32>
        %swap3A_1724 = arith.index_cast %add3A_1662 : i32 to index
        %swap3A_1725 = arith.constant 80 : index
        %swap3A_1726 = tpu.vector_load %arg12[%swap3A_1724, %swap3A_1725] {strides = array<i32>} : memref<128x128xf32, #tpu.memory_space<vmem>>, vector<1x16xf32>,
        %swap3A_1727 = vector.shape_cast %swap3A_1726 : vector<1x16xf32> to vector<16xf32>
        %swap3A_1728 = vector.shape_cast %mul3A_1723 : vector<16xf32> to vector<1x16xf32>
        tpu.vector_store %arg12[%swap3A_1724, %swap3A_1725], %swap3A_1728 {strides = array<i32>} : memref<128x128xf32, #tpu.memory_space<vmem>>, vector<1x16xf32>,
        %get3A_1729 = arith.index_cast %add3A_1662 : i32 to index
        %get3A_1730 = arith.constant 96 : index
        %get3A_1731 = tpu.vector_load %arg12[%get3A_1729, %get3A_1730] {strides = array<i32>} : memref<128x128xf32, #tpu.memory_space<vmem>>, vector<1x16xf32>,
        %get3A_1732 = vector.shape_cast %get3A_1731 : vector<1x16xf32> to vector<16xf32>
        %mul3A_1733 = vector.broadcast %squeeze3A_1658 : f32 to vector<16xf32>
        %mul3A_1734 = arith.mulf %get3A_1732, %mul3A_1733 : vector<16xf32>
        %swap3A_1735 = arith.index_cast %add3A_1662 : i32 to index
        %swap3A_1736 = arith.constant 96 : index
        %swap3A_1737 = tpu.vector_load %arg12[%swap3A_1735, %swap3A_1736] {strides = array<i32>} : memref<128x128xf32, #tpu.memory_space<vmem>>, vector<1x16xf32>,
        %swap3A_1738 = vector.shape_cast %swap3A_1737 : vector<1x16xf32> to vector<16xf32>
        %swap3A_1739 = vector.shape_cast %mul3A_1734 : vector<16xf32> to vector<1x16xf32>
        tpu.vector_store %arg12[%swap3A_1735, %swap3A_1736], %swap3A_1739 {strides = array<i32>} : memref<128x128xf32, #tpu.memory_space<vmem>>, vector<1x16xf32>,
        %get3A_1740 = arith.index_cast %add3A_1662 : i32 to index
        %get3A_1741 = arith.constant 112 : index
        %get3A_1742 = tpu.vector_load %arg12[%get3A_1740, %get3A_1741] {strides = array<i32>} : memref<128x128xf32, #tpu.memory_space<vmem>>, vector<1x16xf32>,
        %get3A_1743 = vector.shape_cast %get3A_1742 : vector<1x16xf32> to vector<16xf32>
        %mul3A_1744 = vector.broadcast %squeeze3A_1658 : f32 to vector<16xf32>
        %mul3A_1745 = arith.mulf %get3A_1743, %mul3A_1744 : vector<16xf32>
        %swap3A_1746 = arith.index_cast %add3A_1662 : i32 to index
        %swap3A_1747 = arith.constant 112 : index
        %swap3A_1748 = tpu.vector_load %arg12[%swap3A_1746, %swap3A_1747] {strides = array<i32>} : memref<128x128xf32, #tpu.memory_space<vmem>>, vector<1x16xf32>,
        %swap3A_1749 = vector.shape_cast %swap3A_1748 : vector<1x16xf32> to vector<16xf32>
        %swap3A_1750 = vector.shape_cast %mul3A_1745 : vector<16xf32> to vector<1x16xf32>
        tpu.vector_store %arg12[%swap3A_1746, %swap3A_1747], %swap3A_1750 {strides = array<i32>} : memref<128x128xf32, #tpu.memory_space<vmem>>, vector<1x16xf32>,
        %slice3A_1751 = vector.extract_strided_slice %get3A_530 {offsets = [13], sizes = [1], strides = [1]} : vector<16xf32> to vector<1xf32>
        %squeeze3A_1752 = vector.extract %slice3A_1751[0] : f32 from vector<1xf32>
        %mul3A_1753 = arith.constant 16 : i32
        %mul3A_1754 = arith.muli %scan3A_526, %mul3A_1753 : i32
        %add3A_1755 = arith.constant 13 : i32
        %add3A_1756 = arith.addi %mul3A_1754, %add3A_1755 : i32
        %get3A_1757 = arith.index_cast %add3A_1756 : i32 to index
        %get3A_1758 = arith.constant 0 : index
        %get3A_1759 = tpu.vector_load %arg12[%get3A_1757, %get3A_1758] {strides = array<i32>} : memref<128x128xf32, #tpu.memory_space<vmem>>, vector<1x16xf32>,
        %get3A_1760 = vector.shape_cast %get3A_1759 : vector<1x16xf32> to vector<16xf32>
        %mul3A_1761 = vector.broadcast %squeeze3A_1752 : f32 to vector<16xf32>
        %mul3A_1762 = arith.mulf %get3A_1760, %mul3A_1761 : vector<16xf32>
        %swap3A_1763 = arith.index_cast %add3A_1756 : i32 to index
        %swap3A_1764 = arith.constant 0 : index
        %swap3A_1765 = tpu.vector_load %arg12[%swap3A_1763, %swap3A_1764] {strides = array<i32>} : memref<128x128xf32, #tpu.memory_space<vmem>>, vector<1x16xf32>,
        %swap3A_1766 = vector.shape_cast %swap3A_1765 : vector<1x16xf32> to vector<16xf32>
        %swap3A_1767 = vector.shape_cast %mul3A_1762 : vector<16xf32> to vector<1x16xf32>
        tpu.vector_store %arg12[%swap3A_1763, %swap3A_1764], %swap3A_1767 {strides = array<i32>} : memref<128x128xf32, #tpu.memory_space<vmem>>, vector<1x16xf32>,
        %get3A_1768 = arith.index_cast %add3A_1756 : i32 to index
        %get3A_1769 = arith.constant 16 : index
        %get3A_1770 = tpu.vector_load %arg12[%get3A_1768, %get3A_1769] {strides = array<i32>} : memref<128x128xf32, #tpu.memory_space<vmem>>, vector<1x16xf32>,
        %get3A_1771 = vector.shape_cast %get3A_1770 : vector<1x16xf32> to vector<16xf32>
        %mul3A_1772 = vector.broadcast %squeeze3A_1752 : f32 to vector<16xf32>
        %mul3A_1773 = arith.mulf %get3A_1771, %mul3A_1772 : vector<16xf32>
        %swap3A_1774 = arith.index_cast %add3A_1756 : i32 to index
        %swap3A_1775 = arith.constant 16 : index
        %swap3A_1776 = tpu.vector_load %arg12[%swap3A_1774, %swap3A_1775] {strides = array<i32>} : memref<128x128xf32, #tpu.memory_space<vmem>>, vector<1x16xf32>,
        %swap3A_1777 = vector.shape_cast %swap3A_1776 : vector<1x16xf32> to vector<16xf32>
        %swap3A_1778 = vector.shape_cast %mul3A_1773 : vector<16xf32> to vector<1x16xf32>
        tpu.vector_store %arg12[%swap3A_1774, %swap3A_1775], %swap3A_1778 {strides = array<i32>} : memref<128x128xf32, #tpu.memory_space<vmem>>, vector<1x16xf32>,
        %get3A_1779 = arith.index_cast %add3A_1756 : i32 to index
        %get3A_1780 = arith.constant 32 : index
        %get3A_1781 = tpu.vector_load %arg12[%get3A_1779, %get3A_1780] {strides = array<i32>} : memref<128x128xf32, #tpu.memory_space<vmem>>, vector<1x16xf32>,
        %get3A_1782 = vector.shape_cast %get3A_1781 : vector<1x16xf32> to vector<16xf32>
        %mul3A_1783 = vector.broadcast %squeeze3A_1752 : f32 to vector<16xf32>
        %mul3A_1784 = arith.mulf %get3A_1782, %mul3A_1783 : vector<16xf32>
        %swap3A_1785 = arith.index_cast %add3A_1756 : i32 to index
        %swap3A_1786 = arith.constant 32 : index
        %swap3A_1787 = tpu.vector_load %arg12[%swap3A_1785, %swap3A_1786] {strides = array<i32>} : memref<128x128xf32, #tpu.memory_space<vmem>>, vector<1x16xf32>,
        %swap3A_1788 = vector.shape_cast %swap3A_1787 : vector<1x16xf32> to vector<16xf32>
        %swap3A_1789 = vector.shape_cast %mul3A_1784 : vector<16xf32> to vector<1x16xf32>
        tpu.vector_store %arg12[%swap3A_1785, %swap3A_1786], %swap3A_1789 {strides = array<i32>} : memref<128x128xf32, #tpu.memory_space<vmem>>, vector<1x16xf32>,
        %get3A_1790 = arith.index_cast %add3A_1756 : i32 to index
        %get3A_1791 = arith.constant 48 : index
        %get3A_1792 = tpu.vector_load %arg12[%get3A_1790, %get3A_1791] {strides = array<i32>} : memref<128x128xf32, #tpu.memory_space<vmem>>, vector<1x16xf32>,
        %get3A_1793 = vector.shape_cast %get3A_1792 : vector<1x16xf32> to vector<16xf32>
        %mul3A_1794 = vector.broadcast %squeeze3A_1752 : f32 to vector<16xf32>
        %mul3A_1795 = arith.mulf %get3A_1793, %mul3A_1794 : vector<16xf32>
        %swap3A_1796 = arith.index_cast %add3A_1756 : i32 to index
        %swap3A_1797 = arith.constant 48 : index
        %swap3A_1798 = tpu.vector_load %arg12[%swap3A_1796, %swap3A_1797] {strides = array<i32>} : memref<128x128xf32, #tpu.memory_space<vmem>>, vector<1x16xf32>,
        %swap3A_1799 = vector.shape_cast %swap3A_1798 : vector<1x16xf32> to vector<16xf32>
        %swap3A_1800 = vector.shape_cast %mul3A_1795 : vector<16xf32> to vector<1x16xf32>
        tpu.vector_store %arg12[%swap3A_1796, %swap3A_1797], %swap3A_1800 {strides = array<i32>} : memref<128x128xf32, #tpu.memory_space<vmem>>, vector<1x16xf32>,
        %get3A_1801 = arith.index_cast %add3A_1756 : i32 to index
        %get3A_1802 = arith.constant 64 : index
        %get3A_1803 = tpu.vector_load %arg12[%get3A_1801, %get3A_1802] {strides = array<i32>} : memref<128x128xf32, #tpu.memory_space<vmem>>, vector<1x16xf32>,
        %get3A_1804 = vector.shape_cast %get3A_1803 : vector<1x16xf32> to vector<16xf32>
        %mul3A_1805 = vector.broadcast %squeeze3A_1752 : f32 to vector<16xf32>
        %mul3A_1806 = arith.mulf %get3A_1804, %mul3A_1805 : vector<16xf32>
        %swap3A_1807 = arith.index_cast %add3A_1756 : i32 to index
        %swap3A_1808 = arith.constant 64 : index
        %swap3A_1809 = tpu.vector_load %arg12[%swap3A_1807, %swap3A_1808] {strides = array<i32>} : memref<128x128xf32, #tpu.memory_space<vmem>>, vector<1x16xf32>,
        %swap3A_1810 = vector.shape_cast %swap3A_1809 : vector<1x16xf32> to vector<16xf32>
        %swap3A_1811 = vector.shape_cast %mul3A_1806 : vector<16xf32> to vector<1x16xf32>
        tpu.vector_store %arg12[%swap3A_1807, %swap3A_1808], %swap3A_1811 {strides = array<i32>} : memref<128x128xf32, #tpu.memory_space<vmem>>, vector<1x16xf32>,
        %get3A_1812 = arith.index_cast %add3A_1756 : i32 to index
        %get3A_1813 = arith.constant 80 : index
        %get3A_1814 = tpu.vector_load %arg12[%get3A_1812, %get3A_1813] {strides = array<i32>} : memref<128x128xf32, #tpu.memory_space<vmem>>, vector<1x16xf32>,
        %get3A_1815 = vector.shape_cast %get3A_1814 : vector<1x16xf32> to vector<16xf32>
        %mul3A_1816 = vector.broadcast %squeeze3A_1752 : f32 to vector<16xf32>
        %mul3A_1817 = arith.mulf %get3A_1815, %mul3A_1816 : vector<16xf32>
        %swap3A_1818 = arith.index_cast %add3A_1756 : i32 to index
        %swap3A_1819 = arith.constant 80 : index
        %swap3A_1820 = tpu.vector_load %arg12[%swap3A_1818, %swap3A_1819] {strides = array<i32>} : memref<128x128xf32, #tpu.memory_space<vmem>>, vector<1x16xf32>,
        %swap3A_1821 = vector.shape_cast %swap3A_1820 : vector<1x16xf32> to vector<16xf32>
        %swap3A_1822 = vector.shape_cast %mul3A_1817 : vector<16xf32> to vector<1x16xf32>
        tpu.vector_store %arg12[%swap3A_1818, %swap3A_1819], %swap3A_1822 {strides = array<i32>} : memref<128x128xf32, #tpu.memory_space<vmem>>, vector<1x16xf32>,
        %get3A_1823 = arith.index_cast %add3A_1756 : i32 to index
        %get3A_1824 = arith.constant 96 : index
        %get3A_1825 = tpu.vector_load %arg12[%get3A_1823, %get3A_1824] {strides = array<i32>} : memref<128x128xf32, #tpu.memory_space<vmem>>, vector<1x16xf32>,
        %get3A_1826 = vector.shape_cast %get3A_1825 : vector<1x16xf32> to vector<16xf32>
        %mul3A_1827 = vector.broadcast %squeeze3A_1752 : f32 to vector<16xf32>
        %mul3A_1828 = arith.mulf %get3A_1826, %mul3A_1827 : vector<16xf32>
        %swap3A_1829 = arith.index_cast %add3A_1756 : i32 to index
        %swap3A_1830 = arith.constant 96 : index
        %swap3A_1831 = tpu.vector_load %arg12[%swap3A_1829, %swap3A_1830] {strides = array<i32>} : memref<128x128xf32, #tpu.memory_space<vmem>>, vector<1x16xf32>,
        %swap3A_1832 = vector.shape_cast %swap3A_1831 : vector<1x16xf32> to vector<16xf32>
        %swap3A_1833 = vector.shape_cast %mul3A_1828 : vector<16xf32> to vector<1x16xf32>
        tpu.vector_store %arg12[%swap3A_1829, %swap3A_1830], %swap3A_1833 {strides = array<i32>} : memref<128x128xf32, #tpu.memory_space<vmem>>, vector<1x16xf32>,
        %get3A_1834 = arith.index_cast %add3A_1756 : i32 to index
        %get3A_1835 = arith.constant 112 : index
        %get3A_1836 = tpu.vector_load %arg12[%get3A_1834, %get3A_1835] {strides = array<i32>} : memref<128x128xf32, #tpu.memory_space<vmem>>, vector<1x16xf32>,
        %get3A_1837 = vector.shape_cast %get3A_1836 : vector<1x16xf32> to vector<16xf32>
        %mul3A_1838 = vector.broadcast %squeeze3A_1752 : f32 to vector<16xf32>
        %mul3A_1839 = arith.mulf %get3A_1837, %mul3A_1838 : vector<16xf32>
        %swap3A_1840 = arith.index_cast %add3A_1756 : i32 to index
        %swap3A_1841 = arith.constant 112 : index
        %swap3A_1842 = tpu.vector_load %arg12[%swap3A_1840, %swap3A_1841] {strides = array<i32>} : memref<128x128xf32, #tpu.memory_space<vmem>>, vector<1x16xf32>,
        %swap3A_1843 = vector.shape_cast %swap3A_1842 : vector<1x16xf32> to vector<16xf32>
        %swap3A_1844 = vector.shape_cast %mul3A_1839 : vector<16xf32> to vector<1x16xf32>
        tpu.vector_store %arg12[%swap3A_1840, %swap3A_1841], %swap3A_1844 {strides = array<i32>} : memref<128x128xf32, #tpu.memory_space<vmem>>, vector<1x16xf32>,
        %slice3A_1845 = vector.extract_strided_slice %get3A_530 {offsets = [14], sizes = [1], strides = [1]} : vector<16xf32> to vector<1xf32>
        %squeeze3A_1846 = vector.extract %slice3A_1845[0] : f32 from vector<1xf32>
        %mul3A_1847 = arith.constant 16 : i32
        %mul3A_1848 = arith.muli %scan3A_526, %mul3A_1847 : i32
        %add3A_1849 = arith.constant 14 : i32
        %add3A_1850 = arith.addi %mul3A_1848, %add3A_1849 : i32
        %get3A_1851 = arith.index_cast %add3A_1850 : i32 to index
        %get3A_1852 = arith.constant 0 : index
        %get3A_1853 = tpu.vector_load %arg12[%get3A_1851, %get3A_1852] {strides = array<i32>} : memref<128x128xf32, #tpu.memory_space<vmem>>, vector<1x16xf32>,
        %get3A_1854 = vector.shape_cast %get3A_1853 : vector<1x16xf32> to vector<16xf32>
        %mul3A_1855 = vector.broadcast %squeeze3A_1846 : f32 to vector<16xf32>
        %mul3A_1856 = arith.mulf %get3A_1854, %mul3A_1855 : vector<16xf32>
        %swap3A_1857 = arith.index_cast %add3A_1850 : i32 to index
        %swap3A_1858 = arith.constant 0 : index
        %swap3A_1859 = tpu.vector_load %arg12[%swap3A_1857, %swap3A_1858] {strides = array<i32>} : memref<128x128xf32, #tpu.memory_space<vmem>>, vector<1x16xf32>,
        %swap3A_1860 = vector.shape_cast %swap3A_1859 : vector<1x16xf32> to vector<16xf32>
        %swap3A_1861 = vector.shape_cast %mul3A_1856 : vector<16xf32> to vector<1x16xf32>
        tpu.vector_store %arg12[%swap3A_1857, %swap3A_1858], %swap3A_1861 {strides = array<i32>} : memref<128x128xf32, #tpu.memory_space<vmem>>, vector<1x16xf32>,
        %get3A_1862 = arith.index_cast %add3A_1850 : i32 to index
        %get3A_1863 = arith.constant 16 : index
        %get3A_1864 = tpu.vector_load %arg12[%get3A_1862, %get3A_1863] {strides = array<i32>} : memref<128x128xf32, #tpu.memory_space<vmem>>, vector<1x16xf32>,
        %get3A_1865 = vector.shape_cast %get3A_1864 : vector<1x16xf32> to vector<16xf32>
        %mul3A_1866 = vector.broadcast %squeeze3A_1846 : f32 to vector<16xf32>
        %mul3A_1867 = arith.mulf %get3A_1865, %mul3A_1866 : vector<16xf32>
        %swap3A_1868 = arith.index_cast %add3A_1850 : i32 to index
        %swap3A_1869 = arith.constant 16 : index
        %swap3A_1870 = tpu.vector_load %arg12[%swap3A_1868, %swap3A_1869] {strides = array<i32>} : memref<128x128xf32, #tpu.memory_space<vmem>>, vector<1x16xf32>,
        %swap3A_1871 = vector.shape_cast %swap3A_1870 : vector<1x16xf32> to vector<16xf32>
        %swap3A_1872 = vector.shape_cast %mul3A_1867 : vector<16xf32> to vector<1x16xf32>
        tpu.vector_store %arg12[%swap3A_1868, %swap3A_1869], %swap3A_1872 {strides = array<i32>} : memref<128x128xf32, #tpu.memory_space<vmem>>, vector<1x16xf32>,
        %get3A_1873 = arith.index_cast %add3A_1850 : i32 to index
        %get3A_1874 = arith.constant 32 : index
        %get3A_1875 = tpu.vector_load %arg12[%get3A_1873, %get3A_1874] {strides = array<i32>} : memref<128x128xf32, #tpu.memory_space<vmem>>, vector<1x16xf32>,
        %get3A_1876 = vector.shape_cast %get3A_1875 : vector<1x16xf32> to vector<16xf32>
        %mul3A_1877 = vector.broadcast %squeeze3A_1846 : f32 to vector<16xf32>
        %mul3A_1878 = arith.mulf %get3A_1876, %mul3A_1877 : vector<16xf32>
        %swap3A_1879 = arith.index_cast %add3A_1850 : i32 to index
        %swap3A_1880 = arith.constant 32 : index
        %swap3A_1881 = tpu.vector_load %arg12[%swap3A_1879, %swap3A_1880] {strides = array<i32>} : memref<128x128xf32, #tpu.memory_space<vmem>>, vector<1x16xf32>,
        %swap3A_1882 = vector.shape_cast %swap3A_1881 : vector<1x16xf32> to vector<16xf32>
        %swap3A_1883 = vector.shape_cast %mul3A_1878 : vector<16xf32> to vector<1x16xf32>
        tpu.vector_store %arg12[%swap3A_1879, %swap3A_1880], %swap3A_1883 {strides = array<i32>} : memref<128x128xf32, #tpu.memory_space<vmem>>, vector<1x16xf32>,
        %get3A_1884 = arith.index_cast %add3A_1850 : i32 to index
        %get3A_1885 = arith.constant 48 : index
        %get3A_1886 = tpu.vector_load %arg12[%get3A_1884, %get3A_1885] {strides = array<i32>} : memref<128x128xf32, #tpu.memory_space<vmem>>, vector<1x16xf32>,
        %get3A_1887 = vector.shape_cast %get3A_1886 : vector<1x16xf32> to vector<16xf32>
        %mul3A_1888 = vector.broadcast %squeeze3A_1846 : f32 to vector<16xf32>
        %mul3A_1889 = arith.mulf %get3A_1887, %mul3A_1888 : vector<16xf32>
        %swap3A_1890 = arith.index_cast %add3A_1850 : i32 to index
        %swap3A_1891 = arith.constant 48 : index
        %swap3A_1892 = tpu.vector_load %arg12[%swap3A_1890, %swap3A_1891] {strides = array<i32>} : memref<128x128xf32, #tpu.memory_space<vmem>>, vector<1x16xf32>,
        %swap3A_1893 = vector.shape_cast %swap3A_1892 : vector<1x16xf32> to vector<16xf32>
        %swap3A_1894 = vector.shape_cast %mul3A_1889 : vector<16xf32> to vector<1x16xf32>
        tpu.vector_store %arg12[%swap3A_1890, %swap3A_1891], %swap3A_1894 {strides = array<i32>} : memref<128x128xf32, #tpu.memory_space<vmem>>, vector<1x16xf32>,
        %get3A_1895 = arith.index_cast %add3A_1850 : i32 to index
        %get3A_1896 = arith.constant 64 : index
        %get3A_1897 = tpu.vector_load %arg12[%get3A_1895, %get3A_1896] {strides = array<i32>} : memref<128x128xf32, #tpu.memory_space<vmem>>, vector<1x16xf32>,
        %get3A_1898 = vector.shape_cast %get3A_1897 : vector<1x16xf32> to vector<16xf32>
        %mul3A_1899 = vector.broadcast %squeeze3A_1846 : f32 to vector<16xf32>
        %mul3A_1900 = arith.mulf %get3A_1898, %mul3A_1899 : vector<16xf32>
        %swap3A_1901 = arith.index_cast %add3A_1850 : i32 to index
        %swap3A_1902 = arith.constant 64 : index
        %swap3A_1903 = tpu.vector_load %arg12[%swap3A_1901, %swap3A_1902] {strides = array<i32>} : memref<128x128xf32, #tpu.memory_space<vmem>>, vector<1x16xf32>,
        %swap3A_1904 = vector.shape_cast %swap3A_1903 : vector<1x16xf32> to vector<16xf32>
        %swap3A_1905 = vector.shape_cast %mul3A_1900 : vector<16xf32> to vector<1x16xf32>
        tpu.vector_store %arg12[%swap3A_1901, %swap3A_1902], %swap3A_1905 {strides = array<i32>} : memref<128x128xf32, #tpu.memory_space<vmem>>, vector<1x16xf32>,
        %get3A_1906 = arith.index_cast %add3A_1850 : i32 to index
        %get3A_1907 = arith.constant 80 : index
        %get3A_1908 = tpu.vector_load %arg12[%get3A_1906, %get3A_1907] {strides = array<i32>} : memref<128x128xf32, #tpu.memory_space<vmem>>, vector<1x16xf32>,
        %get3A_1909 = vector.shape_cast %get3A_1908 : vector<1x16xf32> to vector<16xf32>
        %mul3A_1910 = vector.broadcast %squeeze3A_1846 : f32 to vector<16xf32>
        %mul3A_1911 = arith.mulf %get3A_1909, %mul3A_1910 : vector<16xf32>
        %swap3A_1912 = arith.index_cast %add3A_1850 : i32 to index
        %swap3A_1913 = arith.constant 80 : index
        %swap3A_1914 = tpu.vector_load %arg12[%swap3A_1912, %swap3A_1913] {strides = array<i32>} : memref<128x128xf32, #tpu.memory_space<vmem>>, vector<1x16xf32>,
        %swap3A_1915 = vector.shape_cast %swap3A_1914 : vector<1x16xf32> to vector<16xf32>
        %swap3A_1916 = vector.shape_cast %mul3A_1911 : vector<16xf32> to vector<1x16xf32>
        tpu.vector_store %arg12[%swap3A_1912, %swap3A_1913], %swap3A_1916 {strides = array<i32>} : memref<128x128xf32, #tpu.memory_space<vmem>>, vector<1x16xf32>,
        %get3A_1917 = arith.index_cast %add3A_1850 : i32 to index
        %get3A_1918 = arith.constant 96 : index
        %get3A_1919 = tpu.vector_load %arg12[%get3A_1917, %get3A_1918] {strides = array<i32>} : memref<128x128xf32, #tpu.memory_space<vmem>>, vector<1x16xf32>,
        %get3A_1920 = vector.shape_cast %get3A_1919 : vector<1x16xf32> to vector<16xf32>
        %mul3A_1921 = vector.broadcast %squeeze3A_1846 : f32 to vector<16xf32>
        %mul3A_1922 = arith.mulf %get3A_1920, %mul3A_1921 : vector<16xf32>
        %swap3A_1923 = arith.index_cast %add3A_1850 : i32 to index
        %swap3A_1924 = arith.constant 96 : index
        %swap3A_1925 = tpu.vector_load %arg12[%swap3A_1923, %swap3A_1924] {strides = array<i32>} : memref<128x128xf32, #tpu.memory_space<vmem>>, vector<1x16xf32>,
        %swap3A_1926 = vector.shape_cast %swap3A_1925 : vector<1x16xf32> to vector<16xf32>
        %swap3A_1927 = vector.shape_cast %mul3A_1922 : vector<16xf32> to vector<1x16xf32>
        tpu.vector_store %arg12[%swap3A_1923, %swap3A_1924], %swap3A_1927 {strides = array<i32>} : memref<128x128xf32, #tpu.memory_space<vmem>>, vector<1x16xf32>,
        %get3A_1928 = arith.index_cast %add3A_1850 : i32 to index
        %get3A_1929 = arith.constant 112 : index
        %get3A_1930 = tpu.vector_load %arg12[%get3A_1928, %get3A_1929] {strides = array<i32>} : memref<128x128xf32, #tpu.memory_space<vmem>>, vector<1x16xf32>,
        %get3A_1931 = vector.shape_cast %get3A_1930 : vector<1x16xf32> to vector<16xf32>
        %mul3A_1932 = vector.broadcast %squeeze3A_1846 : f32 to vector<16xf32>
        %mul3A_1933 = arith.mulf %get3A_1931, %mul3A_1932 : vector<16xf32>
        %swap3A_1934 = arith.index_cast %add3A_1850 : i32 to index
        %swap3A_1935 = arith.constant 112 : index
        %swap3A_1936 = tpu.vector_load %arg12[%swap3A_1934, %swap3A_1935] {strides = array<i32>} : memref<128x128xf32, #tpu.memory_space<vmem>>, vector<1x16xf32>,
        %swap3A_1937 = vector.shape_cast %swap3A_1936 : vector<1x16xf32> to vector<16xf32>
        %swap3A_1938 = vector.shape_cast %mul3A_1933 : vector<16xf32> to vector<1x16xf32>
        tpu.vector_store %arg12[%swap3A_1934, %swap3A_1935], %swap3A_1938 {strides = array<i32>} : memref<128x128xf32, #tpu.memory_space<vmem>>, vector<1x16xf32>,
        %slice3A_1939 = vector.extract_strided_slice %get3A_530 {offsets = [15], sizes = [1], strides = [1]} : vector<16xf32> to vector<1xf32>
        %squeeze3A_1940 = vector.extract %slice3A_1939[0] : f32 from vector<1xf32>
        %mul3A_1941 = arith.constant 16 : i32
        %mul3A_1942 = arith.muli %scan3A_526, %mul3A_1941 : i32
        %add3A_1943 = arith.constant 15 : i32
        %add3A_1944 = arith.addi %mul3A_1942, %add3A_1943 : i32
        %get3A_1945 = arith.index_cast %add3A_1944 : i32 to index
        %get3A_1946 = arith.constant 0 : index
        %get3A_1947 = tpu.vector_load %arg12[%get3A_1945, %get3A_1946] {strides = array<i32>} : memref<128x128xf32, #tpu.memory_space<vmem>>, vector<1x16xf32>,
        %get3A_1948 = vector.shape_cast %get3A_1947 : vector<1x16xf32> to vector<16xf32>
        %mul3A_1949 = vector.broadcast %squeeze3A_1940 : f32 to vector<16xf32>
        %mul3A_1950 = arith.mulf %get3A_1948, %mul3A_1949 : vector<16xf32>
        %swap3A_1951 = arith.index_cast %add3A_1944 : i32 to index
        %swap3A_1952 = arith.constant 0 : index
        %swap3A_1953 = tpu.vector_load %arg12[%swap3A_1951, %swap3A_1952] {strides = array<i32>} : memref<128x128xf32, #tpu.memory_space<vmem>>, vector<1x16xf32>,
        %swap3A_1954 = vector.shape_cast %swap3A_1953 : vector<1x16xf32> to vector<16xf32>
        %swap3A_1955 = vector.shape_cast %mul3A_1950 : vector<16xf32> to vector<1x16xf32>
        tpu.vector_store %arg12[%swap3A_1951, %swap3A_1952], %swap3A_1955 {strides = array<i32>} : memref<128x128xf32, #tpu.memory_space<vmem>>, vector<1x16xf32>,
        %get3A_1956 = arith.index_cast %add3A_1944 : i32 to index
        %get3A_1957 = arith.constant 16 : index
        %get3A_1958 = tpu.vector_load %arg12[%get3A_1956, %get3A_1957] {strides = array<i32>} : memref<128x128xf32, #tpu.memory_space<vmem>>, vector<1x16xf32>,
        %get3A_1959 = vector.shape_cast %get3A_1958 : vector<1x16xf32> to vector<16xf32>
        %mul3A_1960 = vector.broadcast %squeeze3A_1940 : f32 to vector<16xf32>
        %mul3A_1961 = arith.mulf %get3A_1959, %mul3A_1960 : vector<16xf32>
        %swap3A_1962 = arith.index_cast %add3A_1944 : i32 to index
        %swap3A_1963 = arith.constant 16 : index
        %swap3A_1964 = tpu.vector_load %arg12[%swap3A_1962, %swap3A_1963] {strides = array<i32>} : memref<128x128xf32, #tpu.memory_space<vmem>>, vector<1x16xf32>,
        %swap3A_1965 = vector.shape_cast %swap3A_1964 : vector<1x16xf32> to vector<16xf32>
        %swap3A_1966 = vector.shape_cast %mul3A_1961 : vector<16xf32> to vector<1x16xf32>
        tpu.vector_store %arg12[%swap3A_1962, %swap3A_1963], %swap3A_1966 {strides = array<i32>} : memref<128x128xf32, #tpu.memory_space<vmem>>, vector<1x16xf32>,
        %get3A_1967 = arith.index_cast %add3A_1944 : i32 to index
        %get3A_1968 = arith.constant 32 : index
        %get3A_1969 = tpu.vector_load %arg12[%get3A_1967, %get3A_1968] {strides = array<i32>} : memref<128x128xf32, #tpu.memory_space<vmem>>, vector<1x16xf32>,
        %get3A_1970 = vector.shape_cast %get3A_1969 : vector<1x16xf32> to vector<16xf32>
        %mul3A_1971 = vector.broadcast %squeeze3A_1940 : f32 to vector<16xf32>
        %mul3A_1972 = arith.mulf %get3A_1970, %mul3A_1971 : vector<16xf32>
        %swap3A_1973 = arith.index_cast %add3A_1944 : i32 to index
        %swap3A_1974 = arith.constant 32 : index
        %swap3A_1975 = tpu.vector_load %arg12[%swap3A_1973, %swap3A_1974] {strides = array<i32>} : memref<128x128xf32, #tpu.memory_space<vmem>>, vector<1x16xf32>,
        %swap3A_1976 = vector.shape_cast %swap3A_1975 : vector<1x16xf32> to vector<16xf32>
        %swap3A_1977 = vector.shape_cast %mul3A_1972 : vector<16xf32> to vector<1x16xf32>
        tpu.vector_store %arg12[%swap3A_1973, %swap3A_1974], %swap3A_1977 {strides = array<i32>} : memref<128x128xf32, #tpu.memory_space<vmem>>, vector<1x16xf32>,
        %get3A_1978 = arith.index_cast %add3A_1944 : i32 to index
        %get3A_1979 = arith.constant 48 : index
        %get3A_1980 = tpu.vector_load %arg12[%get3A_1978, %get3A_1979] {strides = array<i32>} : memref<128x128xf32, #tpu.memory_space<vmem>>, vector<1x16xf32>,
        %get3A_1981 = vector.shape_cast %get3A_1980 : vector<1x16xf32> to vector<16xf32>
        %mul3A_1982 = vector.broadcast %squeeze3A_1940 : f32 to vector<16xf32>
        %mul3A_1983 = arith.mulf %get3A_1981, %mul3A_1982 : vector<16xf32>
        %swap3A_1984 = arith.index_cast %add3A_1944 : i32 to index
        %swap3A_1985 = arith.constant 48 : index
        %swap3A_1986 = tpu.vector_load %arg12[%swap3A_1984, %swap3A_1985] {strides = array<i32>} : memref<128x128xf32, #tpu.memory_space<vmem>>, vector<1x16xf32>,
        %swap3A_1987 = vector.shape_cast %swap3A_1986 : vector<1x16xf32> to vector<16xf32>
        %swap3A_1988 = vector.shape_cast %mul3A_1983 : vector<16xf32> to vector<1x16xf32>
        tpu.vector_store %arg12[%swap3A_1984, %swap3A_1985], %swap3A_1988 {strides = array<i32>} : memref<128x128xf32, #tpu.memory_space<vmem>>, vector<1x16xf32>,
        %get3A_1989 = arith.index_cast %add3A_1944 : i32 to index
        %get3A_1990 = arith.constant 64 : index
        %get3A_1991 = tpu.vector_load %arg12[%get3A_1989, %get3A_1990] {strides = array<i32>} : memref<128x128xf32, #tpu.memory_space<vmem>>, vector<1x16xf32>,
        %get3A_1992 = vector.shape_cast %get3A_1991 : vector<1x16xf32> to vector<16xf32>
        %mul3A_1993 = vector.broadcast %squeeze3A_1940 : f32 to vector<16xf32>
        %mul3A_1994 = arith.mulf %get3A_1992, %mul3A_1993 : vector<16xf32>
        %swap3A_1995 = arith.index_cast %add3A_1944 : i32 to index
        %swap3A_1996 = arith.constant 64 : index
        %swap3A_1997 = tpu.vector_load %arg12[%swap3A_1995, %swap3A_1996] {strides = array<i32>} : memref<128x128xf32, #tpu.memory_space<vmem>>, vector<1x16xf32>,
        %swap3A_1998 = vector.shape_cast %swap3A_1997 : vector<1x16xf32> to vector<16xf32>
        %swap3A_1999 = vector.shape_cast %mul3A_1994 : vector<16xf32> to vector<1x16xf32>
        tpu.vector_store %arg12[%swap3A_1995, %swap3A_1996], %swap3A_1999 {strides = array<i32>} : memref<128x128xf32, #tpu.memory_space<vmem>>, vector<1x16xf32>,
        %get3A_2000 = arith.index_cast %add3A_1944 : i32 to index
        %get3A_2001 = arith.constant 80 : index
        %get3A_2002 = tpu.vector_load %arg12[%get3A_2000, %get3A_2001] {strides = array<i32>} : memref<128x128xf32, #tpu.memory_space<vmem>>, vector<1x16xf32>,
        %get3A_2003 = vector.shape_cast %get3A_2002 : vector<1x16xf32> to vector<16xf32>
        %mul3A_2004 = vector.broadcast %squeeze3A_1940 : f32 to vector<16xf32>
        %mul3A_2005 = arith.mulf %get3A_2003, %mul3A_2004 : vector<16xf32>
        %swap3A_2006 = arith.index_cast %add3A_1944 : i32 to index
        %swap3A_2007 = arith.constant 80 : index
        %swap3A_2008 = tpu.vector_load %arg12[%swap3A_2006, %swap3A_2007] {strides = array<i32>} : memref<128x128xf32, #tpu.memory_space<vmem>>, vector<1x16xf32>,
        %swap3A_2009 = vector.shape_cast %swap3A_2008 : vector<1x16xf32> to vector<16xf32>
        %swap3A_2010 = vector.shape_cast %mul3A_2005 : vector<16xf32> to vector<1x16xf32>
        tpu.vector_store %arg12[%swap3A_2006, %swap3A_2007], %swap3A_2010 {strides = array<i32>} : memref<128x128xf32, #tpu.memory_space<vmem>>, vector<1x16xf32>,
        %get3A_2011 = arith.index_cast %add3A_1944 : i32 to index
        %get3A_2012 = arith.constant 96 : index
        %get3A_2013 = tpu.vector_load %arg12[%get3A_2011, %get3A_2012] {strides = array<i32>} : memref<128x128xf32, #tpu.memory_space<vmem>>, vector<1x16xf32>,
        %get3A_2014 = vector.shape_cast %get3A_2013 : vector<1x16xf32> to vector<16xf32>
        %mul3A_2015 = vector.broadcast %squeeze3A_1940 : f32 to vector<16xf32>
        %mul3A_2016 = arith.mulf %get3A_2014, %mul3A_2015 : vector<16xf32>
        %swap3A_2017 = arith.index_cast %add3A_1944 : i32 to index
        %swap3A_2018 = arith.constant 96 : index
        %swap3A_2019 = tpu.vector_load %arg12[%swap3A_2017, %swap3A_2018] {strides = array<i32>} : memref<128x128xf32, #tpu.memory_space<vmem>>, vector<1x16xf32>,
        %swap3A_2020 = vector.shape_cast %swap3A_2019 : vector<1x16xf32> to vector<16xf32>
        %swap3A_2021 = vector.shape_cast %mul3A_2016 : vector<16xf32> to vector<1x16xf32>
        tpu.vector_store %arg12[%swap3A_2017, %swap3A_2018], %swap3A_2021 {strides = array<i32>} : memref<128x128xf32, #tpu.memory_space<vmem>>, vector<1x16xf32>,
        %get3A_2022 = arith.index_cast %add3A_1944 : i32 to index
        %get3A_2023 = arith.constant 112 : index
        %get3A_2024 = tpu.vector_load %arg12[%get3A_2022, %get3A_2023] {strides = array<i32>} : memref<128x128xf32, #tpu.memory_space<vmem>>, vector<1x16xf32>,
        %get3A_2025 = vector.shape_cast %get3A_2024 : vector<1x16xf32> to vector<16xf32>
        %mul3A_2026 = vector.broadcast %squeeze3A_1940 : f32 to vector<16xf32>
        %mul3A_2027 = arith.mulf %get3A_2025, %mul3A_2026 : vector<16xf32>
        %swap3A_2028 = arith.index_cast %add3A_1944 : i32 to index
        %swap3A_2029 = arith.constant 112 : index
        %swap3A_2030 = tpu.vector_load %arg12[%swap3A_2028, %swap3A_2029] {strides = array<i32>} : memref<128x128xf32, #tpu.memory_space<vmem>>, vector<1x16xf32>,
        %swap3A_2031 = vector.shape_cast %swap3A_2030 : vector<1x16xf32> to vector<16xf32>
        %swap3A_2032 = vector.shape_cast %mul3A_2027 : vector<16xf32> to vector<1x16xf32>
        tpu.vector_store %arg12[%swap3A_2028, %swap3A_2029], %swap3A_2032 {strides = array<i32>} : memref<128x128xf32, #tpu.memory_space<vmem>>, vector<1x16xf32>,
      }
      %scan3A_220 = arith.constant 8 : i32
      %get3A = arith.constant 0 : i32
      %get3A_221 = arith.index_cast %get3A : i32 to index
      %get3A_222 = arith.constant 0 : index
      %get3A_223 = tpu.vector_load %arg9[%get3A_221, %get3A_222] {strides = array<i32>} : memref<1x128xi32, #tpu.memory_space<vmem>>, vector<1x16xi32>,
      %get3A_224 = vector.shape_cast %get3A_223 : vector<1x16xi32> to vector<16xi32>
      %swap3A = arith.constant 0 : i32
      %swap3A_225 = arith.index_cast %swap3A : i32 to index
      %swap3A_226 = arith.constant 0 : index
      %swap3A_227 = tpu.vector_load %arg10[%swap3A_225, %swap3A_226] {strides = array<i32>} : memref<1x128xi32, #tpu.memory_space<vmem>>, vector<1x16xi32>,
      %swap3A_228 = vector.shape_cast %swap3A_227 : vector<1x16xi32> to vector<16xi32>
      %swap3A_229 = vector.shape_cast %get3A_224 : vector<16xi32> to vector<1x16xi32>
      tpu.vector_store %arg10[%swap3A_225, %swap3A_226], %swap3A_229 {strides = array<i32>} : memref<1x128xi32, #tpu.memory_space<vmem>>, vector<1x16xi32>,
      %get3A_230 = arith.constant 0 : i32
      %get3A_231 = arith.index_cast %get3A_230 : i32 to index
      %get3A_232 = arith.constant 16 : index
      %get3A_233 = tpu.vector_load %arg9[%get3A_231, %get3A_232] {strides = array<i32>} : memref<1x128xi32, #tpu.memory_space<vmem>>, vector<1x16xi32>,
      %get3A_234 = vector.shape_cast %get3A_233 : vector<1x16xi32> to vector<16xi32>
      %swap3A_235 = arith.constant 0 : i32
      %swap3A_236 = arith.index_cast %swap3A_235 : i32 to index
      %swap3A_237 = arith.constant 16 : index
      %swap3A_238 = tpu.vector_load %arg10[%swap3A_236, %swap3A_237] {strides = array<i32>} : memref<1x128xi32, #tpu.memory_space<vmem>>, vector<1x16xi32>,
      %swap3A_239 = vector.shape_cast %swap3A_238 : vector<1x16xi32> to vector<16xi32>
      %swap3A_240 = vector.shape_cast %get3A_234 : vector<16xi32> to vector<1x16xi32>
      tpu.vector_store %arg10[%swap3A_236, %swap3A_237], %swap3A_240 {strides = array<i32>} : memref<1x128xi32, #tpu.memory_space<vmem>>, vector<1x16xi32>,
      %get3A_241 = arith.constant 0 : i32
      %get3A_242 = arith.index_cast %get3A_241 : i32 to index
      %get3A_243 = arith.constant 32 : index
      %get3A_244 = tpu.vector_load %arg9[%get3A_242, %get3A_243] {strides = array<i32>} : memref<1x128xi32, #tpu.memory_space<vmem>>, vector<1x16xi32>,
      %get3A_245 = vector.shape_cast %get3A_244 : vector<1x16xi32> to vector<16xi32>
      %swap3A_246 = arith.constant 0 : i32
      %swap3A_247 = arith.index_cast %swap3A_246 : i32 to index
      %swap3A_248 = arith.constant 32 : index
      %swap3A_249 = tpu.vector_load %arg10[%swap3A_247, %swap3A_248] {strides = array<i32>} : memref<1x128xi32, #tpu.memory_space<vmem>>, vector<1x16xi32>,
      %swap3A_250 = vector.shape_cast %swap3A_249 : vector<1x16xi32> to vector<16xi32>
      %swap3A_251 = vector.shape_cast %get3A_245 : vector<16xi32> to vector<1x16xi32>
      tpu.vector_store %arg10[%swap3A_247, %swap3A_248], %swap3A_251 {strides = array<i32>} : memref<1x128xi32, #tpu.memory_space<vmem>>, vector<1x16xi32>,
      %get3A_252 = arith.constant 0 : i32
      %get3A_253 = arith.index_cast %get3A_252 : i32 to index
      %get3A_254 = arith.constant 48 : index
      %get3A_255 = tpu.vector_load %arg9[%get3A_253, %get3A_254] {strides = array<i32>} : memref<1x128xi32, #tpu.memory_space<vmem>>, vector<1x16xi32>,
      %get3A_256 = vector.shape_cast %get3A_255 : vector<1x16xi32> to vector<16xi32>
      %swap3A_257 = arith.constant 0 : i32
      %swap3A_258 = arith.index_cast %swap3A_257 : i32 to index
      %swap3A_259 = arith.constant 48 : index
      %swap3A_260 = tpu.vector_load %arg10[%swap3A_258, %swap3A_259] {strides = array<i32>} : memref<1x128xi32, #tpu.memory_space<vmem>>, vector<1x16xi32>,
      %swap3A_261 = vector.shape_cast %swap3A_260 : vector<1x16xi32> to vector<16xi32>
      %swap3A_262 = vector.shape_cast %get3A_256 : vector<16xi32> to vector<1x16xi32>
      tpu.vector_store %arg10[%swap3A_258, %swap3A_259], %swap3A_262 {strides = array<i32>} : memref<1x128xi32, #tpu.memory_space<vmem>>, vector<1x16xi32>,
      %get3A_263 = arith.constant 0 : i32
      %get3A_264 = arith.index_cast %get3A_263 : i32 to index
      %get3A_265 = arith.constant 64 : index
      %get3A_266 = tpu.vector_load %arg9[%get3A_264, %get3A_265] {strides = array<i32>} : memref<1x128xi32, #tpu.memory_space<vmem>>, vector<1x16xi32>,
      %get3A_267 = vector.shape_cast %get3A_266 : vector<1x16xi32> to vector<16xi32>
      %swap3A_268 = arith.constant 0 : i32
      %swap3A_269 = arith.index_cast %swap3A_268 : i32 to index
      %swap3A_270 = arith.constant 64 : index
      %swap3A_271 = tpu.vector_load %arg10[%swap3A_269, %swap3A_270] {strides = array<i32>} : memref<1x128xi32, #tpu.memory_space<vmem>>, vector<1x16xi32>,
      %swap3A_272 = vector.shape_cast %swap3A_271 : vector<1x16xi32> to vector<16xi32>
      %swap3A_273 = vector.shape_cast %get3A_267 : vector<16xi32> to vector<1x16xi32>
      tpu.vector_store %arg10[%swap3A_269, %swap3A_270], %swap3A_273 {strides = array<i32>} : memref<1x128xi32, #tpu.memory_space<vmem>>, vector<1x16xi32>,
      %get3A_274 = arith.constant 0 : i32
      %get3A_275 = arith.index_cast %get3A_274 : i32 to index
      %get3A_276 = arith.constant 80 : index
      %get3A_277 = tpu.vector_load %arg9[%get3A_275, %get3A_276] {strides = array<i32>} : memref<1x128xi32, #tpu.memory_space<vmem>>, vector<1x16xi32>,
      %get3A_278 = vector.shape_cast %get3A_277 : vector<1x16xi32> to vector<16xi32>
      %swap3A_279 = arith.constant 0 : i32
      %swap3A_280 = arith.index_cast %swap3A_279 : i32 to index
      %swap3A_281 = arith.constant 80 : index
      %swap3A_282 = tpu.vector_load %arg10[%swap3A_280, %swap3A_281] {strides = array<i32>} : memref<1x128xi32, #tpu.memory_space<vmem>>, vector<1x16xi32>,
      %swap3A_283 = vector.shape_cast %swap3A_282 : vector<1x16xi32> to vector<16xi32>
      %swap3A_284 = vector.shape_cast %get3A_278 : vector<16xi32> to vector<1x16xi32>
      tpu.vector_store %arg10[%swap3A_280, %swap3A_281], %swap3A_284 {strides = array<i32>} : memref<1x128xi32, #tpu.memory_space<vmem>>, vector<1x16xi32>,
      %get3A_285 = arith.constant 0 : i32
      %get3A_286 = arith.index_cast %get3A_285 : i32 to index
      %get3A_287 = arith.constant 96 : index
      %get3A_288 = tpu.vector_load %arg9[%get3A_286, %get3A_287] {strides = array<i32>} : memref<1x128xi32, #tpu.memory_space<vmem>>, vector<1x16xi32>,
      %get3A_289 = vector.shape_cast %get3A_288 : vector<1x16xi32> to vector<16xi32>
      %swap3A_290 = arith.constant 0 : i32
      %swap3A_291 = arith.index_cast %swap3A_290 : i32 to index
      %swap3A_292 = arith.constant 96 : index
      %swap3A_293 = tpu.vector_load %arg10[%swap3A_291, %swap3A_292] {strides = array<i32>} : memref<1x128xi32, #tpu.memory_space<vmem>>, vector<1x16xi32>,
      %swap3A_294 = vector.shape_cast %swap3A_293 : vector<1x16xi32> to vector<16xi32>
      %swap3A_295 = vector.shape_cast %get3A_289 : vector<16xi32> to vector<1x16xi32>
      tpu.vector_store %arg10[%swap3A_291, %swap3A_292], %swap3A_295 {strides = array<i32>} : memref<1x128xi32, #tpu.memory_space<vmem>>, vector<1x16xi32>,
      %get3A_296 = arith.constant 0 : i32
      %get3A_297 = arith.index_cast %get3A_296 : i32 to index
      %get3A_298 = arith.constant 112 : index
      %get3A_299 = tpu.vector_load %arg9[%get3A_297, %get3A_298] {strides = array<i32>} : memref<1x128xi32, #tpu.memory_space<vmem>>, vector<1x16xi32>,
      %get3A_300 = vector.shape_cast %get3A_299 : vector<1x16xi32> to vector<16xi32>
      %swap3A_301 = arith.constant 0 : i32
      %swap3A_302 = arith.index_cast %swap3A_301 : i32 to index
      %swap3A_303 = arith.constant 112 : index
      %swap3A_304 = tpu.vector_load %arg10[%swap3A_302, %swap3A_303] {strides = array<i32>} : memref<1x128xi32, #tpu.memory_space<vmem>>, vector<1x16xi32>,
      %swap3A_305 = vector.shape_cast %swap3A_304 : vector<1x16xi32> to vector<16xi32>
      %swap3A_306 = vector.shape_cast %get3A_300 : vector<16xi32> to vector<1x16xi32>
      tpu.vector_store %arg10[%swap3A_302, %swap3A_303], %swap3A_306 {strides = array<i32>} : memref<1x128xi32, #tpu.memory_space<vmem>>, vector<1x16xi32>,
      %dma_start3A_307 = arith.constant 0 : i32
      %dma_start3A_308 = arith.constant 0 : i32
      %dma_start3A_309 = tpu.memref_slice %arg10[%dma_start3A_307, %dma_start3A_308] : memref<1x128xi32, #tpu.memory_space<vmem>> -> memref<1x128xi32, #tpu.memory_space<vmem>>
      %dma_start3A_310 = tpu.memref_squeeze %dma_start3A_309 : memref<1x128xi32, #tpu.memory_space<vmem>> -> memref<128xi32, #tpu.memory_space<vmem>>
      %dma_start3A_311 = arith.constant 0 : i32
      %dma_start3A_312 = arith.constant 0 : i32
      %dma_start3A_313 = tpu.memref_slice %arg7[%dma_start3A_311, %dma_start3A_312] : memref<10112x128xf32, #tpu.memory_space<vmem_shared>> -> memref<10112x128xf32, #tpu.memory_space<vmem_shared>>
      tpu.enqueue_indirect_dma source(%arg12 : memref<128x128xf32, #tpu.memory_space<vmem>>) target(%dma_start3A_313 : memref<10112x128xf32, #tpu.memory_space<vmem_shared>>) offsets(%dma_start3A_310 : memref<128xi32, #tpu.memory_space<vmem>>) semaphore(%arg15 : memref<!tpu.dma_semaphore, #tpu.memory_space<semaphore_mem>>) {add = true}
      %add3A_314 = arith.constant 2 : i32
      %add3A_315 = arith.addi %add3A_154, %add3A_314 : i32
      %add3A_316 = arith.addi %mul3A_2, %add3A_315 : i32
      %min3A_317 = arith.constant 2559 : i32
      %min3A_318 = arith.minsi %add3A_316, %min3A_317 : i32
      %mul3A_319 = arith.constant 8 : i32
      %mul3A_320 = arith.muli %add3A_315, %mul3A_319 : i32
      %add3A_321 = arith.addi %mul3A_4, %mul3A_320 : i32
      %min3A_322 = arith.constant 20472 : i32
      %min3A_323 = arith.minsi %add3A_321, %min3A_322 : i32
      %dma_start3A_324 = arith.constant 0 : i32
      %dma_start3A_325 = tpu.memref_slice %arg2[%min3A_318, %dma_start3A_324] : memref<2560x128xi32, #tpu.memory_space<hbm>> -> memref<1x128xi32, #tpu.memory_space<hbm>>
      %dma_start3A_326 = arith.constant 0 : i32
      %dma_start3A_327 = tpu.memref_slice %arg2[%min3A_318, %dma_start3A_326] : memref<2560x128xi32, #tpu.memory_space<hbm>> -> memref<1x128xi32, #tpu.memory_space<hbm>>
      tpu.enqueue_dma source(%dma_start3A_327 : memref<1x128xi32, #tpu.memory_space<hbm>>) target(%arg8 : memref<1x128xi32, #tpu.memory_space<vmem>>) target_semaphore(%arg13 : memref<!tpu.dma_semaphore, #tpu.memory_space<semaphore_mem>>)
      %dma_start3A_328 = arith.constant 0 : i32
      %dma_start3A_329 = tpu.memref_slice %arg3[%min3A_318, %dma_start3A_328] : memref<2560x128xi32, #tpu.memory_space<hbm>> -> memref<1x128xi32, #tpu.memory_space<hbm>>
      %dma_start3A_330 = arith.constant 0 : i32
      %dma_start3A_331 = tpu.memref_slice %arg3[%min3A_318, %dma_start3A_330] : memref<2560x128xi32, #tpu.memory_space<hbm>> -> memref<1x128xi32, #tpu.memory_space<hbm>>
      tpu.enqueue_dma source(%dma_start3A_331 : memref<1x128xi32, #tpu.memory_space<hbm>>) target(%arg9 : memref<1x128xi32, #tpu.memory_space<vmem>>) target_semaphore(%arg13 : memref<!tpu.dma_semaphore, #tpu.memory_space<semaphore_mem>>)
      %dma_start3A_332 = arith.constant 0 : i32
      %dma_start3A_333 = tpu.memref_slice %arg4[%min3A_323, %dma_start3A_332] : memref<20480x16xf32, #tpu.memory_space<hbm>> -> memref<8x16xf32, #tpu.memory_space<hbm>>
      %dma_start3A_334 = arith.constant 0 : i32
      %dma_start3A_335 = tpu.memref_slice %arg4[%min3A_323, %dma_start3A_334] : memref<20480x16xf32, #tpu.memory_space<hbm>> -> memref<8x16xf32, #tpu.memory_space<hbm>>
      tpu.enqueue_dma source(%dma_start3A_335 : memref<8x16xf32, #tpu.memory_space<hbm>>) target(%arg11 : memref<8x16xf32, #tpu.memory_space<vmem>>) target_semaphore(%arg13 : memref<!tpu.dma_semaphore, #tpu.memory_space<semaphore_mem>>)
      %mul3A_336 = arith.constant 2 : i32
      %mul3A_337 = arith.muli %scan3A_150, %mul3A_336 : i32
      %add3A_338 = arith.constant 1 : i32
      %add3A_339 = arith.addi %mul3A_337, %add3A_338 : i32
      %dma_wait3A_340 = arith.constant 0 : i32
      %dma_wait3A_341 = arith.constant 0 : i32
      %dma_wait3A_342 = arith.constant 0 : i32
      %dma_wait3A_343 = tpu.memref_slice %arg20[%dma_wait3A_341, %dma_wait3A_342] : memref<128x128xf32, #tpu.memory_space<vmem>> -> memref<64x128xf32, #tpu.memory_space<vmem>>
      %dma_wait3A_344 = arith.constant 0 : i32
      %dma_wait3A_345 = tpu.memref_slice %arg16[%dma_wait3A_340, %dma_wait3A_344] : memref<1x128xi32, #tpu.memory_space<vmem>> -> memref<1x64xi32, #tpu.memory_space<vmem>>
      %dma_wait3A_346 = tpu.memref_squeeze %dma_wait3A_345 : memref<1x64xi32, #tpu.memory_space<vmem>> -> memref<64xi32, #tpu.memory_space<vmem>>
      %dma_wait3A_347 = arith.constant 0 : i32
      %dma_wait3A_348 = arith.constant 0 : i32
      %dma_wait3A_349 = tpu.memref_slice %arg5[%dma_wait3A_347, %dma_wait3A_348] : memref<10000x128xf32, #tpu.memory_space<hbm>> -> memref<10000x128xf32, #tpu.memory_space<hbm>>
      tpu.wait_indirect_dma semaphore(%arg22 : memref<!tpu.dma_semaphore, #tpu.memory_space<semaphore_mem>>) src(%dma_wait3A_349 : memref<10000x128xf32, #tpu.memory_space<hbm>>) dst(%dma_wait3A_343 : memref<64x128xf32, #tpu.memory_space<vmem>>)
      %dma_wait3A_350 = arith.constant 0 : i32
      %dma_wait3A_351 = arith.constant 64 : i32
      %dma_wait3A_352 = arith.constant 0 : i32
      %dma_wait3A_353 = tpu.memref_slice %arg20[%dma_wait3A_351, %dma_wait3A_352] : memref<128x128xf32, #tpu.memory_space<vmem>> -> memref<64x128xf32, #tpu.memory_space<vmem>>
      %dma_wait3A_354 = arith.constant 64 : i32
      %dma_wait3A_355 = tpu.memref_slice %arg16[%dma_wait3A_350, %dma_wait3A_354] : memref<1x128xi32, #tpu.memory_space<vmem>> -> memref<1x64xi32, #tpu.memory_space<vmem>>
      %dma_wait3A_356 = tpu.memref_squeeze %dma_wait3A_355 : memref<1x64xi32, #tpu.memory_space<vmem>> -> memref<64xi32, #tpu.memory_space<vmem>>
      %dma_wait3A_357 = arith.constant 0 : i32
      %dma_wait3A_358 = arith.constant 0 : i32
      %dma_wait3A_359 = tpu.memref_slice %arg5[%dma_wait3A_357, %dma_wait3A_358] : memref<10000x128xf32, #tpu.memory_space<hbm>> -> memref<10000x128xf32, #tpu.memory_space<hbm>>
      tpu.wait_indirect_dma semaphore(%arg22 : memref<!tpu.dma_semaphore, #tpu.memory_space<semaphore_mem>>) src(%dma_wait3A_359 : memref<10000x128xf32, #tpu.memory_space<hbm>>) dst(%dma_wait3A_353 : memref<64x128xf32, #tpu.memory_space<vmem>>)
      %dma_wait3A_360 = arith.constant 0 : i32
      %dma_wait3A_361 = arith.constant 0 : i32
      %dma_wait3A_362 = tpu.memref_slice %arg2[%dma_wait3A_360, %dma_wait3A_361] : memref<2560x128xi32, #tpu.memory_space<hbm>> -> memref<1x128xi32, #tpu.memory_space<hbm>>
      %dma_wait3A_363 = arith.constant 0 : i32
      %dma_wait3A_364 = arith.constant 0 : i32
      %dma_wait3A_365 = tpu.memref_slice %arg2[%dma_wait3A_363, %dma_wait3A_364] : memref<2560x128xi32, #tpu.memory_space<hbm>> -> memref<1x128xi32, #tpu.memory_space<hbm>>
      tpu.wait_dma2 semaphore(%arg13 : memref<!tpu.dma_semaphore, #tpu.memory_space<semaphore_mem>>) src(%dma_wait3A_365 : memref<1x128xi32, #tpu.memory_space<hbm>>) dst(%arg8 : memref<1x128xi32, #tpu.memory_space<vmem>>)
      %dma_wait3A_366 = arith.constant 0 : i32
      %dma_wait3A_367 = arith.constant 0 : i32
      %dma_wait3A_368 = tpu.memref_slice %arg3[%dma_wait3A_366, %dma_wait3A_367] : memref<2560x128xi32, #tpu.memory_space<hbm>> -> memref<1x128xi32, #tpu.memory_space<hbm>>
      %dma_wait3A_369 = arith.constant 0 : i32
      %dma_wait3A_370 = arith.constant 0 : i32
      %dma_wait3A_371 = tpu.memref_slice %arg3[%dma_wait3A_369, %dma_wait3A_370] : memref<2560x128xi32, #tpu.memory_space<hbm>> -> memref<1x128xi32, #tpu.memory_space<hbm>>
      tpu.wait_dma2 semaphore(%arg13 : memref<!tpu.dma_semaphore, #tpu.memory_space<semaphore_mem>>) src(%dma_wait3A_371 : memref<1x128xi32, #tpu.memory_space<hbm>>) dst(%arg9 : memref<1x128xi32, #tpu.memory_space<vmem>>)
      %dma_wait3A_372 = arith.constant 0 : i32
      %dma_wait3A_373 = arith.constant 0 : i32
      %dma_wait3A_374 = tpu.memref_slice %arg4[%dma_wait3A_372, %dma_wait3A_373] : memref<20480x16xf32, #tpu.memory_space<hbm>> -> memref<8x16xf32, #tpu.memory_space<hbm>>
      %dma_wait3A_375 = arith.constant 0 : i32
      %dma_wait3A_376 = arith.constant 0 : i32
      %dma_wait3A_377 = tpu.memref_slice %arg4[%dma_wait3A_375, %dma_wait3A_376] : memref<20480x16xf32, #tpu.memory_space<hbm>> -> memref<8x16xf32, #tpu.memory_space<hbm>>
      tpu.wait_dma2 semaphore(%arg13 : memref<!tpu.dma_semaphore, #tpu.memory_space<semaphore_mem>>) src(%dma_wait3A_377 : memref<8x16xf32, #tpu.memory_space<hbm>>) dst(%arg11 : memref<8x16xf32, #tpu.memory_space<vmem>>)
      %ge3A_378 = arith.constant 1 : i32
      %ge3A_379 = arith.cmpi sge, %add3A_339, %ge3A_378 : i32
      %convert_element_type3A_380 = arith.extui %ge3A_379 : i1 to i32
      %cond3A_381 = arith.constant 0 : i32
      %cond3A_382 = arith.cmpi ne, %convert_element_type3A_380, %cond3A_381 : i32
      scf.if %cond3A_382 {
        %dma_wait3A_526 = arith.constant 0 : i32
        %dma_wait3A_527 = arith.constant 0 : i32
        %dma_wait3A_528 = tpu.memref_slice %arg10[%dma_wait3A_526, %dma_wait3A_527] : memref<1x128xi32, #tpu.memory_space<vmem>> -> memref<1x128xi32, #tpu.memory_space<vmem>>
        %dma_wait3A_529 = tpu.memref_squeeze %dma_wait3A_528 : memref<1x128xi32, #tpu.memory_space<vmem>> -> memref<128xi32, #tpu.memory_space<vmem>>
        %dma_wait3A_530 = arith.constant 0 : i32
        %dma_wait3A_531 = arith.constant 0 : i32
        %dma_wait3A_532 = tpu.memref_slice %arg7[%dma_wait3A_530, %dma_wait3A_531] : memref<10112x128xf32, #tpu.memory_space<vmem_shared>> -> memref<10112x128xf32, #tpu.memory_space<vmem_shared>>
        tpu.wait_indirect_dma semaphore(%arg15 : memref<!tpu.dma_semaphore, #tpu.memory_space<semaphore_mem>>) src(%arg12 : memref<128x128xf32, #tpu.memory_space<vmem>>) dst(%dma_wait3A_532 : memref<10112x128xf32, #tpu.memory_space<vmem_shared>>)
      } else {
      }
      %dma_start3A_383 = arith.constant 0 : i32
      %dma_start3A_384 = arith.constant 0 : i32
      %dma_start3A_385 = arith.constant 0 : i32
      %dma_start3A_386 = tpu.memref_slice %arg12[%dma_start3A_384, %dma_start3A_385] : memref<128x128xf32, #tpu.memory_space<vmem>> -> memref<64x128xf32, #tpu.memory_space<vmem>>
      %dma_start3A_387 = arith.constant 0 : i32
      %dma_start3A_388 = tpu.memref_slice %arg8[%dma_start3A_383, %dma_start3A_387] : memref<1x128xi32, #tpu.memory_space<vmem>> -> memref<1x64xi32, #tpu.memory_space<vmem>>
      %dma_start3A_389 = tpu.memref_squeeze %dma_start3A_388 : memref<1x64xi32, #tpu.memory_space<vmem>> -> memref<64xi32, #tpu.memory_space<vmem>>
      %dma_start3A_390 = arith.constant 0 : i32
      %dma_start3A_391 = arith.constant 0 : i32
      %dma_start3A_392 = tpu.memref_slice %arg5[%dma_start3A_390, %dma_start3A_391] : memref<10000x128xf32, #tpu.memory_space<hbm>> -> memref<10000x128xf32, #tpu.memory_space<hbm>>
      tpu.enqueue_indirect_dma source(%dma_start3A_392 : memref<10000x128xf32, #tpu.memory_space<hbm>>) target(%dma_start3A_386 : memref<64x128xf32, #tpu.memory_space<vmem>>) offsets(%dma_start3A_389 : memref<64xi32, #tpu.memory_space<vmem>>) semaphore(%arg14 : memref<!tpu.dma_semaphore, #tpu.memory_space<semaphore_mem>>)
      %dma_start3A_393 = arith.constant 0 : i32
      %dma_start3A_394 = arith.constant 64 : i32
      %dma_start3A_395 = arith.constant 0 : i32
      %dma_start3A_396 = tpu.memref_slice %arg12[%dma_start3A_394, %dma_start3A_395] : memref<128x128xf32, #tpu.memory_space<vmem>> -> memref<64x128xf32, #tpu.memory_space<vmem>>
      %dma_start3A_397 = arith.constant 64 : i32
      %dma_start3A_398 = tpu.memref_slice %arg8[%dma_start3A_393, %dma_start3A_397] : memref<1x128xi32, #tpu.memory_space<vmem>> -> memref<1x64xi32, #tpu.memory_space<vmem>>
      %dma_start3A_399 = tpu.memref_squeeze %dma_start3A_398 : memref<1x64xi32, #tpu.memory_space<vmem>> -> memref<64xi32, #tpu.memory_space<vmem>>
      %dma_start3A_400 = arith.constant 0 : i32
      %dma_start3A_401 = arith.constant 0 : i32
      %dma_start3A_402 = tpu.memref_slice %arg5[%dma_start3A_400, %dma_start3A_401] : memref<10000x128xf32, #tpu.memory_space<hbm>> -> memref<10000x128xf32, #tpu.memory_space<hbm>>
      tpu.enqueue_indirect_dma source(%dma_start3A_402 : memref<10000x128xf32, #tpu.memory_space<hbm>>) target(%dma_start3A_396 : memref<64x128xf32, #tpu.memory_space<vmem>>) offsets(%dma_start3A_399 : memref<64xi32, #tpu.memory_space<vmem>>) semaphore(%arg14 : memref<!tpu.dma_semaphore, #tpu.memory_space<semaphore_mem>>)
      %scan3A_403 = arith.constant 0 : i32
      %scan3A_404 = arith.constant 0 : i32
      %scan3A_405 = arith.constant 8 : i32
      %scan3A_406 = arith.addi %scan3A_404, %scan3A_405 : i32
      %scan3A_407 = arith.constant 1 : i32
      scf.for %scan3A_526 = %scan3A_404 to %scan3A_406 step %scan3A_407  : i32 {
        %get3A_527 = arith.index_cast %scan3A_526 : i32 to index
        %get3A_528 = arith.constant 0 : index
        %get3A_529 = tpu.vector_load %arg19[%get3A_527, %get3A_528] {strides = array<i32>} : memref<8x16xf32, #tpu.memory_space<vmem>>, vector<1x16xf32>,
        %get3A_530 = vector.shape_cast %get3A_529 : vector<1x16xf32> to vector<16xf32>
        %slice3A = vector.extract_strided_slice %get3A_530 {offsets = [0], sizes = [1], strides = [1]} : vector<16xf32> to vector<1xf32>
        %squeeze3A = vector.extract %slice3A[0] : f32 from vector<1xf32>
        %mul3A_531 = arith.constant 16 : i32
        %mul3A_532 = arith.muli %scan3A_526, %mul3A_531 : i32
        %add3A_533 = arith.constant 0 : i32
        %add3A_534 = arith.addi %mul3A_532, %add3A_533 : i32
        %get3A_535 = arith.index_cast %add3A_534 : i32 to index
        %get3A_536 = arith.constant 0 : index
        %get3A_537 = tpu.vector_load %arg20[%get3A_535, %get3A_536] {strides = array<i32>} : memref<128x128xf32, #tpu.memory_space<vmem>>, vector<1x16xf32>,
        %get3A_538 = vector.shape_cast %get3A_537 : vector<1x16xf32> to vector<16xf32>
        %mul3A_539 = vector.broadcast %squeeze3A : f32 to vector<16xf32>
        %mul3A_540 = arith.mulf %get3A_538, %mul3A_539 : vector<16xf32>
        %swap3A_541 = arith.index_cast %add3A_534 : i32 to index
        %swap3A_542 = arith.constant 0 : index
        %swap3A_543 = tpu.vector_load %arg20[%swap3A_541, %swap3A_542] {strides = array<i32>} : memref<128x128xf32, #tpu.memory_space<vmem>>, vector<1x16xf32>,
        %swap3A_544 = vector.shape_cast %swap3A_543 : vector<1x16xf32> to vector<16xf32>
        %swap3A_545 = vector.shape_cast %mul3A_540 : vector<16xf32> to vector<1x16xf32>
        tpu.vector_store %arg20[%swap3A_541, %swap3A_542], %swap3A_545 {strides = array<i32>} : memref<128x128xf32, #tpu.memory_space<vmem>>, vector<1x16xf32>,
        %get3A_546 = arith.index_cast %add3A_534 : i32 to index
        %get3A_547 = arith.constant 16 : index
        %get3A_548 = tpu.vector_load %arg20[%get3A_546, %get3A_547] {strides = array<i32>} : memref<128x128xf32, #tpu.memory_space<vmem>>, vector<1x16xf32>,
        %get3A_549 = vector.shape_cast %get3A_548 : vector<1x16xf32> to vector<16xf32>
        %mul3A_550 = vector.broadcast %squeeze3A : f32 to vector<16xf32>
        %mul3A_551 = arith.mulf %get3A_549, %mul3A_550 : vector<16xf32>
        %swap3A_552 = arith.index_cast %add3A_534 : i32 to index
        %swap3A_553 = arith.constant 16 : index
        %swap3A_554 = tpu.vector_load %arg20[%swap3A_552, %swap3A_553] {strides = array<i32>} : memref<128x128xf32, #tpu.memory_space<vmem>>, vector<1x16xf32>,
        %swap3A_555 = vector.shape_cast %swap3A_554 : vector<1x16xf32> to vector<16xf32>
        %swap3A_556 = vector.shape_cast %mul3A_551 : vector<16xf32> to vector<1x16xf32>
        tpu.vector_store %arg20[%swap3A_552, %swap3A_553], %swap3A_556 {strides = array<i32>} : memref<128x128xf32, #tpu.memory_space<vmem>>, vector<1x16xf32>,
        %get3A_557 = arith.index_cast %add3A_534 : i32 to index
        %get3A_558 = arith.constant 32 : index
        %get3A_559 = tpu.vector_load %arg20[%get3A_557, %get3A_558] {strides = array<i32>} : memref<128x128xf32, #tpu.memory_space<vmem>>, vector<1x16xf32>,
        %get3A_560 = vector.shape_cast %get3A_559 : vector<1x16xf32> to vector<16xf32>
        %mul3A_561 = vector.broadcast %squeeze3A : f32 to vector<16xf32>
        %mul3A_562 = arith.mulf %get3A_560, %mul3A_561 : vector<16xf32>
        %swap3A_563 = arith.index_cast %add3A_534 : i32 to index
        %swap3A_564 = arith.constant 32 : index
        %swap3A_565 = tpu.vector_load %arg20[%swap3A_563, %swap3A_564] {strides = array<i32>} : memref<128x128xf32, #tpu.memory_space<vmem>>, vector<1x16xf32>,
        %swap3A_566 = vector.shape_cast %swap3A_565 : vector<1x16xf32> to vector<16xf32>
        %swap3A_567 = vector.shape_cast %mul3A_562 : vector<16xf32> to vector<1x16xf32>
        tpu.vector_store %arg20[%swap3A_563, %swap3A_564], %swap3A_567 {strides = array<i32>} : memref<128x128xf32, #tpu.memory_space<vmem>>, vector<1x16xf32>,
        %get3A_568 = arith.index_cast %add3A_534 : i32 to index
        %get3A_569 = arith.constant 48 : index
        %get3A_570 = tpu.vector_load %arg20[%get3A_568, %get3A_569] {strides = array<i32>} : memref<128x128xf32, #tpu.memory_space<vmem>>, vector<1x16xf32>,
        %get3A_571 = vector.shape_cast %get3A_570 : vector<1x16xf32> to vector<16xf32>
        %mul3A_572 = vector.broadcast %squeeze3A : f32 to vector<16xf32>
        %mul3A_573 = arith.mulf %get3A_571, %mul3A_572 : vector<16xf32>
        %swap3A_574 = arith.index_cast %add3A_534 : i32 to index
        %swap3A_575 = arith.constant 48 : index
        %swap3A_576 = tpu.vector_load %arg20[%swap3A_574, %swap3A_575] {strides = array<i32>} : memref<128x128xf32, #tpu.memory_space<vmem>>, vector<1x16xf32>,
        %swap3A_577 = vector.shape_cast %swap3A_576 : vector<1x16xf32> to vector<16xf32>
        %swap3A_578 = vector.shape_cast %mul3A_573 : vector<16xf32> to vector<1x16xf32>
        tpu.vector_store %arg20[%swap3A_574, %swap3A_575], %swap3A_578 {strides = array<i32>} : memref<128x128xf32, #tpu.memory_space<vmem>>, vector<1x16xf32>,
        %get3A_579 = arith.index_cast %add3A_534 : i32 to index
        %get3A_580 = arith.constant 64 : index
        %get3A_581 = tpu.vector_load %arg20[%get3A_579, %get3A_580] {strides = array<i32>} : memref<128x128xf32, #tpu.memory_space<vmem>>, vector<1x16xf32>,
        %get3A_582 = vector.shape_cast %get3A_581 : vector<1x16xf32> to vector<16xf32>
        %mul3A_583 = vector.broadcast %squeeze3A : f32 to vector<16xf32>
        %mul3A_584 = arith.mulf %get3A_582, %mul3A_583 : vector<16xf32>
        %swap3A_585 = arith.index_cast %add3A_534 : i32 to index
        %swap3A_586 = arith.constant 64 : index
        %swap3A_587 = tpu.vector_load %arg20[%swap3A_585, %swap3A_586] {strides = array<i32>} : memref<128x128xf32, #tpu.memory_space<vmem>>, vector<1x16xf32>,
        %swap3A_588 = vector.shape_cast %swap3A_587 : vector<1x16xf32> to vector<16xf32>
        %swap3A_589 = vector.shape_cast %mul3A_584 : vector<16xf32> to vector<1x16xf32>
        tpu.vector_store %arg20[%swap3A_585, %swap3A_586], %swap3A_589 {strides = array<i32>} : memref<128x128xf32, #tpu.memory_space<vmem>>, vector<1x16xf32>,
        %get3A_590 = arith.index_cast %add3A_534 : i32 to index
        %get3A_591 = arith.constant 80 : index
        %get3A_592 = tpu.vector_load %arg20[%get3A_590, %get3A_591] {strides = array<i32>} : memref<128x128xf32, #tpu.memory_space<vmem>>, vector<1x16xf32>,
        %get3A_593 = vector.shape_cast %get3A_592 : vector<1x16xf32> to vector<16xf32>
        %mul3A_594 = vector.broadcast %squeeze3A : f32 to vector<16xf32>
        %mul3A_595 = arith.mulf %get3A_593, %mul3A_594 : vector<16xf32>
        %swap3A_596 = arith.index_cast %add3A_534 : i32 to index
        %swap3A_597 = arith.constant 80 : index
        %swap3A_598 = tpu.vector_load %arg20[%swap3A_596, %swap3A_597] {strides = array<i32>} : memref<128x128xf32, #tpu.memory_space<vmem>>, vector<1x16xf32>,
        %swap3A_599 = vector.shape_cast %swap3A_598 : vector<1x16xf32> to vector<16xf32>
        %swap3A_600 = vector.shape_cast %mul3A_595 : vector<16xf32> to vector<1x16xf32>
        tpu.vector_store %arg20[%swap3A_596, %swap3A_597], %swap3A_600 {strides = array<i32>} : memref<128x128xf32, #tpu.memory_space<vmem>>, vector<1x16xf32>,
        %get3A_601 = arith.index_cast %add3A_534 : i32 to index
        %get3A_602 = arith.constant 96 : index
        %get3A_603 = tpu.vector_load %arg20[%get3A_601, %get3A_602] {strides = array<i32>} : memref<128x128xf32, #tpu.memory_space<vmem>>, vector<1x16xf32>,
        %get3A_604 = vector.shape_cast %get3A_603 : vector<1x16xf32> to vector<16xf32>
        %mul3A_605 = vector.broadcast %squeeze3A : f32 to vector<16xf32>
        %mul3A_606 = arith.mulf %get3A_604, %mul3A_605 : vector<16xf32>
        %swap3A_607 = arith.index_cast %add3A_534 : i32 to index
        %swap3A_608 = arith.constant 96 : index
        %swap3A_609 = tpu.vector_load %arg20[%swap3A_607, %swap3A_608] {strides = array<i32>} : memref<128x128xf32, #tpu.memory_space<vmem>>, vector<1x16xf32>,
        %swap3A_610 = vector.shape_cast %swap3A_609 : vector<1x16xf32> to vector<16xf32>
        %swap3A_611 = vector.shape_cast %mul3A_606 : vector<16xf32> to vector<1x16xf32>
        tpu.vector_store %arg20[%swap3A_607, %swap3A_608], %swap3A_611 {strides = array<i32>} : memref<128x128xf32, #tpu.memory_space<vmem>>, vector<1x16xf32>,
        %get3A_612 = arith.index_cast %add3A_534 : i32 to index
        %get3A_613 = arith.constant 112 : index
        %get3A_614 = tpu.vector_load %arg20[%get3A_612, %get3A_613] {strides = array<i32>} : memref<128x128xf32, #tpu.memory_space<vmem>>, vector<1x16xf32>,
        %get3A_615 = vector.shape_cast %get3A_614 : vector<1x16xf32> to vector<16xf32>
        %mul3A_616 = vector.broadcast %squeeze3A : f32 to vector<16xf32>
        %mul3A_617 = arith.mulf %get3A_615, %mul3A_616 : vector<16xf32>
        %swap3A_618 = arith.index_cast %add3A_534 : i32 to index
        %swap3A_619 = arith.constant 112 : index
        %swap3A_620 = tpu.vector_load %arg20[%swap3A_618, %swap3A_619] {strides = array<i32>} : memref<128x128xf32, #tpu.memory_space<vmem>>, vector<1x16xf32>,
        %swap3A_621 = vector.shape_cast %swap3A_620 : vector<1x16xf32> to vector<16xf32>
        %swap3A_622 = vector.shape_cast %mul3A_617 : vector<16xf32> to vector<1x16xf32>
        tpu.vector_store %arg20[%swap3A_618, %swap3A_619], %swap3A_622 {strides = array<i32>} : memref<128x128xf32, #tpu.memory_space<vmem>>, vector<1x16xf32>,
        %slice3A_623 = vector.extract_strided_slice %get3A_530 {offsets = [1], sizes = [1], strides = [1]} : vector<16xf32> to vector<1xf32>
        %squeeze3A_624 = vector.extract %slice3A_623[0] : f32 from vector<1xf32>
        %mul3A_625 = arith.constant 16 : i32
        %mul3A_626 = arith.muli %scan3A_526, %mul3A_625 : i32
        %add3A_627 = arith.constant 1 : i32
        %add3A_628 = arith.addi %mul3A_626, %add3A_627 : i32
        %get3A_629 = arith.index_cast %add3A_628 : i32 to index
        %get3A_630 = arith.constant 0 : index
        %get3A_631 = tpu.vector_load %arg20[%get3A_629, %get3A_630] {strides = array<i32>} : memref<128x128xf32, #tpu.memory_space<vmem>>, vector<1x16xf32>,
        %get3A_632 = vector.shape_cast %get3A_631 : vector<1x16xf32> to vector<16xf32>
        %mul3A_633 = vector.broadcast %squeeze3A_624 : f32 to vector<16xf32>
        %mul3A_634 = arith.mulf %get3A_632, %mul3A_633 : vector<16xf32>
        %swap3A_635 = arith.index_cast %add3A_628 : i32 to index
        %swap3A_636 = arith.constant 0 : index
        %swap3A_637 = tpu.vector_load %arg20[%swap3A_635, %swap3A_636] {strides = array<i32>} : memref<128x128xf32, #tpu.memory_space<vmem>>, vector<1x16xf32>,
        %swap3A_638 = vector.shape_cast %swap3A_637 : vector<1x16xf32> to vector<16xf32>
        %swap3A_639 = vector.shape_cast %mul3A_634 : vector<16xf32> to vector<1x16xf32>
        tpu.vector_store %arg20[%swap3A_635, %swap3A_636], %swap3A_639 {strides = array<i32>} : memref<128x128xf32, #tpu.memory_space<vmem>>, vector<1x16xf32>,
        %get3A_640 = arith.index_cast %add3A_628 : i32 to index
        %get3A_641 = arith.constant 16 : index
        %get3A_642 = tpu.vector_load %arg20[%get3A_640, %get3A_641] {strides = array<i32>} : memref<128x128xf32, #tpu.memory_space<vmem>>, vector<1x16xf32>,
        %get3A_643 = vector.shape_cast %get3A_642 : vector<1x16xf32> to vector<16xf32>
        %mul3A_644 = vector.broadcast %squeeze3A_624 : f32 to vector<16xf32>
        %mul3A_645 = arith.mulf %get3A_643, %mul3A_644 : vector<16xf32>
        %swap3A_646 = arith.index_cast %add3A_628 : i32 to index
        %swap3A_647 = arith.constant 16 : index
        %swap3A_648 = tpu.vector_load %arg20[%swap3A_646, %swap3A_647] {strides = array<i32>} : memref<128x128xf32, #tpu.memory_space<vmem>>, vector<1x16xf32>,
        %swap3A_649 = vector.shape_cast %swap3A_648 : vector<1x16xf32> to vector<16xf32>
        %swap3A_650 = vector.shape_cast %mul3A_645 : vector<16xf32> to vector<1x16xf32>
        tpu.vector_store %arg20[%swap3A_646, %swap3A_647], %swap3A_650 {strides = array<i32>} : memref<128x128xf32, #tpu.memory_space<vmem>>, vector<1x16xf32>,
        %get3A_651 = arith.index_cast %add3A_628 : i32 to index
        %get3A_652 = arith.constant 32 : index
        %get3A_653 = tpu.vector_load %arg20[%get3A_651, %get3A_652] {strides = array<i32>} : memref<128x128xf32, #tpu.memory_space<vmem>>, vector<1x16xf32>,
        %get3A_654 = vector.shape_cast %get3A_653 : vector<1x16xf32> to vector<16xf32>
        %mul3A_655 = vector.broadcast %squeeze3A_624 : f32 to vector<16xf32>
        %mul3A_656 = arith.mulf %get3A_654, %mul3A_655 : vector<16xf32>
        %swap3A_657 = arith.index_cast %add3A_628 : i32 to index
        %swap3A_658 = arith.constant 32 : index
        %swap3A_659 = tpu.vector_load %arg20[%swap3A_657, %swap3A_658] {strides = array<i32>} : memref<128x128xf32, #tpu.memory_space<vmem>>, vector<1x16xf32>,
        %swap3A_660 = vector.shape_cast %swap3A_659 : vector<1x16xf32> to vector<16xf32>
        %swap3A_661 = vector.shape_cast %mul3A_656 : vector<16xf32> to vector<1x16xf32>
        tpu.vector_store %arg20[%swap3A_657, %swap3A_658], %swap3A_661 {strides = array<i32>} : memref<128x128xf32, #tpu.memory_space<vmem>>, vector<1x16xf32>,
        %get3A_662 = arith.index_cast %add3A_628 : i32 to index
        %get3A_663 = arith.constant 48 : index
        %get3A_664 = tpu.vector_load %arg20[%get3A_662, %get3A_663] {strides = array<i32>} : memref<128x128xf32, #tpu.memory_space<vmem>>, vector<1x16xf32>,
        %get3A_665 = vector.shape_cast %get3A_664 : vector<1x16xf32> to vector<16xf32>
        %mul3A_666 = vector.broadcast %squeeze3A_624 : f32 to vector<16xf32>
        %mul3A_667 = arith.mulf %get3A_665, %mul3A_666 : vector<16xf32>
        %swap3A_668 = arith.index_cast %add3A_628 : i32 to index
        %swap3A_669 = arith.constant 48 : index
        %swap3A_670 = tpu.vector_load %arg20[%swap3A_668, %swap3A_669] {strides = array<i32>} : memref<128x128xf32, #tpu.memory_space<vmem>>, vector<1x16xf32>,
        %swap3A_671 = vector.shape_cast %swap3A_670 : vector<1x16xf32> to vector<16xf32>
        %swap3A_672 = vector.shape_cast %mul3A_667 : vector<16xf32> to vector<1x16xf32>
        tpu.vector_store %arg20[%swap3A_668, %swap3A_669], %swap3A_672 {strides = array<i32>} : memref<128x128xf32, #tpu.memory_space<vmem>>, vector<1x16xf32>,
        %get3A_673 = arith.index_cast %add3A_628 : i32 to index
        %get3A_674 = arith.constant 64 : index
        %get3A_675 = tpu.vector_load %arg20[%get3A_673, %get3A_674] {strides = array<i32>} : memref<128x128xf32, #tpu.memory_space<vmem>>, vector<1x16xf32>,
        %get3A_676 = vector.shape_cast %get3A_675 : vector<1x16xf32> to vector<16xf32>
        %mul3A_677 = vector.broadcast %squeeze3A_624 : f32 to vector<16xf32>
        %mul3A_678 = arith.mulf %get3A_676, %mul3A_677 : vector<16xf32>
        %swap3A_679 = arith.index_cast %add3A_628 : i32 to index
        %swap3A_680 = arith.constant 64 : index
        %swap3A_681 = tpu.vector_load %arg20[%swap3A_679, %swap3A_680] {strides = array<i32>} : memref<128x128xf32, #tpu.memory_space<vmem>>, vector<1x16xf32>,
        %swap3A_682 = vector.shape_cast %swap3A_681 : vector<1x16xf32> to vector<16xf32>
        %swap3A_683 = vector.shape_cast %mul3A_678 : vector<16xf32> to vector<1x16xf32>
        tpu.vector_store %arg20[%swap3A_679, %swap3A_680], %swap3A_683 {strides = array<i32>} : memref<128x128xf32, #tpu.memory_space<vmem>>, vector<1x16xf32>,
        %get3A_684 = arith.index_cast %add3A_628 : i32 to index
        %get3A_685 = arith.constant 80 : index
        %get3A_686 = tpu.vector_load %arg20[%get3A_684, %get3A_685] {strides = array<i32>} : memref<128x128xf32, #tpu.memory_space<vmem>>, vector<1x16xf32>,
        %get3A_687 = vector.shape_cast %get3A_686 : vector<1x16xf32> to vector<16xf32>
        %mul3A_688 = vector.broadcast %squeeze3A_624 : f32 to vector<16xf32>
        %mul3A_689 = arith.mulf %get3A_687, %mul3A_688 : vector<16xf32>
        %swap3A_690 = arith.index_cast %add3A_628 : i32 to index
        %swap3A_691 = arith.constant 80 : index
        %swap3A_692 = tpu.vector_load %arg20[%swap3A_690, %swap3A_691] {strides = array<i32>} : memref<128x128xf32, #tpu.memory_space<vmem>>, vector<1x16xf32>,
        %swap3A_693 = vector.shape_cast %swap3A_692 : vector<1x16xf32> to vector<16xf32>
        %swap3A_694 = vector.shape_cast %mul3A_689 : vector<16xf32> to vector<1x16xf32>
        tpu.vector_store %arg20[%swap3A_690, %swap3A_691], %swap3A_694 {strides = array<i32>} : memref<128x128xf32, #tpu.memory_space<vmem>>, vector<1x16xf32>,
        %get3A_695 = arith.index_cast %add3A_628 : i32 to index
        %get3A_696 = arith.constant 96 : index
        %get3A_697 = tpu.vector_load %arg20[%get3A_695, %get3A_696] {strides = array<i32>} : memref<128x128xf32, #tpu.memory_space<vmem>>, vector<1x16xf32>,
        %get3A_698 = vector.shape_cast %get3A_697 : vector<1x16xf32> to vector<16xf32>
        %mul3A_699 = vector.broadcast %squeeze3A_624 : f32 to vector<16xf32>
        %mul3A_700 = arith.mulf %get3A_698, %mul3A_699 : vector<16xf32>
        %swap3A_701 = arith.index_cast %add3A_628 : i32 to index
        %swap3A_702 = arith.constant 96 : index
        %swap3A_703 = tpu.vector_load %arg20[%swap3A_701, %swap3A_702] {strides = array<i32>} : memref<128x128xf32, #tpu.memory_space<vmem>>, vector<1x16xf32>,
        %swap3A_704 = vector.shape_cast %swap3A_703 : vector<1x16xf32> to vector<16xf32>
        %swap3A_705 = vector.shape_cast %mul3A_700 : vector<16xf32> to vector<1x16xf32>
        tpu.vector_store %arg20[%swap3A_701, %swap3A_702], %swap3A_705 {strides = array<i32>} : memref<128x128xf32, #tpu.memory_space<vmem>>, vector<1x16xf32>,
        %get3A_706 = arith.index_cast %add3A_628 : i32 to index
        %get3A_707 = arith.constant 112 : index
        %get3A_708 = tpu.vector_load %arg20[%get3A_706, %get3A_707] {strides = array<i32>} : memref<128x128xf32, #tpu.memory_space<vmem>>, vector<1x16xf32>,
        %get3A_709 = vector.shape_cast %get3A_708 : vector<1x16xf32> to vector<16xf32>
        %mul3A_710 = vector.broadcast %squeeze3A_624 : f32 to vector<16xf32>
        %mul3A_711 = arith.mulf %get3A_709, %mul3A_710 : vector<16xf32>
        %swap3A_712 = arith.index_cast %add3A_628 : i32 to index
        %swap3A_713 = arith.constant 112 : index
        %swap3A_714 = tpu.vector_load %arg20[%swap3A_712, %swap3A_713] {strides = array<i32>} : memref<128x128xf32, #tpu.memory_space<vmem>>, vector<1x16xf32>,
        %swap3A_715 = vector.shape_cast %swap3A_714 : vector<1x16xf32> to vector<16xf32>
        %swap3A_716 = vector.shape_cast %mul3A_711 : vector<16xf32> to vector<1x16xf32>
        tpu.vector_store %arg20[%swap3A_712, %swap3A_713], %swap3A_716 {strides = array<i32>} : memref<128x128xf32, #tpu.memory_space<vmem>>, vector<1x16xf32>,
        %slice3A_717 = vector.extract_strided_slice %get3A_530 {offsets = [2], sizes = [1], strides = [1]} : vector<16xf32> to vector<1xf32>
        %squeeze3A_718 = vector.extract %slice3A_717[0] : f32 from vector<1xf32>
        %mul3A_719 = arith.constant 16 : i32
        %mul3A_720 = arith.muli %scan3A_526, %mul3A_719 : i32
        %add3A_721 = arith.constant 2 : i32
        %add3A_722 = arith.addi %mul3A_720, %add3A_721 : i32
        %get3A_723 = arith.index_cast %add3A_722 : i32 to index
        %get3A_724 = arith.constant 0 : index
        %get3A_725 = tpu.vector_load %arg20[%get3A_723, %get3A_724] {strides = array<i32>} : memref<128x128xf32, #tpu.memory_space<vmem>>, vector<1x16xf32>,
        %get3A_726 = vector.shape_cast %get3A_725 : vector<1x16xf32> to vector<16xf32>
        %mul3A_727 = vector.broadcast %squeeze3A_718 : f32 to vector<16xf32>
        %mul3A_728 = arith.mulf %get3A_726, %mul3A_727 : vector<16xf32>
        %swap3A_729 = arith.index_cast %add3A_722 : i32 to index
        %swap3A_730 = arith.constant 0 : index
        %swap3A_731 = tpu.vector_load %arg20[%swap3A_729, %swap3A_730] {strides = array<i32>} : memref<128x128xf32, #tpu.memory_space<vmem>>, vector<1x16xf32>,
        %swap3A_732 = vector.shape_cast %swap3A_731 : vector<1x16xf32> to vector<16xf32>
        %swap3A_733 = vector.shape_cast %mul3A_728 : vector<16xf32> to vector<1x16xf32>
        tpu.vector_store %arg20[%swap3A_729, %swap3A_730], %swap3A_733 {strides = array<i32>} : memref<128x128xf32, #tpu.memory_space<vmem>>, vector<1x16xf32>,
        %get3A_734 = arith.index_cast %add3A_722 : i32 to index
        %get3A_735 = arith.constant 16 : index
        %get3A_736 = tpu.vector_load %arg20[%get3A_734, %get3A_735] {strides = array<i32>} : memref<128x128xf32, #tpu.memory_space<vmem>>, vector<1x16xf32>,
        %get3A_737 = vector.shape_cast %get3A_736 : vector<1x16xf32> to vector<16xf32>
        %mul3A_738 = vector.broadcast %squeeze3A_718 : f32 to vector<16xf32>
        %mul3A_739 = arith.mulf %get3A_737, %mul3A_738 : vector<16xf32>
        %swap3A_740 = arith.index_cast %add3A_722 : i32 to index
        %swap3A_741 = arith.constant 16 : index
        %swap3A_742 = tpu.vector_load %arg20[%swap3A_740, %swap3A_741] {strides = array<i32>} : memref<128x128xf32, #tpu.memory_space<vmem>>, vector<1x16xf32>,
        %swap3A_743 = vector.shape_cast %swap3A_742 : vector<1x16xf32> to vector<16xf32>
        %swap3A_744 = vector.shape_cast %mul3A_739 : vector<16xf32> to vector<1x16xf32>
        tpu.vector_store %arg20[%swap3A_740, %swap3A_741], %swap3A_744 {strides = array<i32>} : memref<128x128xf32, #tpu.memory_space<vmem>>, vector<1x16xf32>,
        %get3A_745 = arith.index_cast %add3A_722 : i32 to index
        %get3A_746 = arith.constant 32 : index
        %get3A_747 = tpu.vector_load %arg20[%get3A_745, %get3A_746] {strides = array<i32>} : memref<128x128xf32, #tpu.memory_space<vmem>>, vector<1x16xf32>,
        %get3A_748 = vector.shape_cast %get3A_747 : vector<1x16xf32> to vector<16xf32>
        %mul3A_749 = vector.broadcast %squeeze3A_718 : f32 to vector<16xf32>
        %mul3A_750 = arith.mulf %get3A_748, %mul3A_749 : vector<16xf32>
        %swap3A_751 = arith.index_cast %add3A_722 : i32 to index
        %swap3A_752 = arith.constant 32 : index
        %swap3A_753 = tpu.vector_load %arg20[%swap3A_751, %swap3A_752] {strides = array<i32>} : memref<128x128xf32, #tpu.memory_space<vmem>>, vector<1x16xf32>,
        %swap3A_754 = vector.shape_cast %swap3A_753 : vector<1x16xf32> to vector<16xf32>
        %swap3A_755 = vector.shape_cast %mul3A_750 : vector<16xf32> to vector<1x16xf32>
        tpu.vector_store %arg20[%swap3A_751, %swap3A_752], %swap3A_755 {strides = array<i32>} : memref<128x128xf32, #tpu.memory_space<vmem>>, vector<1x16xf32>,
        %get3A_756 = arith.index_cast %add3A_722 : i32 to index
        %get3A_757 = arith.constant 48 : index
        %get3A_758 = tpu.vector_load %arg20[%get3A_756, %get3A_757] {strides = array<i32>} : memref<128x128xf32, #tpu.memory_space<vmem>>, vector<1x16xf32>,
        %get3A_759 = vector.shape_cast %get3A_758 : vector<1x16xf32> to vector<16xf32>
        %mul3A_760 = vector.broadcast %squeeze3A_718 : f32 to vector<16xf32>
        %mul3A_761 = arith.mulf %get3A_759, %mul3A_760 : vector<16xf32>
        %swap3A_762 = arith.index_cast %add3A_722 : i32 to index
        %swap3A_763 = arith.constant 48 : index
        %swap3A_764 = tpu.vector_load %arg20[%swap3A_762, %swap3A_763] {strides = array<i32>} : memref<128x128xf32, #tpu.memory_space<vmem>>, vector<1x16xf32>,
        %swap3A_765 = vector.shape_cast %swap3A_764 : vector<1x16xf32> to vector<16xf32>
        %swap3A_766 = vector.shape_cast %mul3A_761 : vector<16xf32> to vector<1x16xf32>
        tpu.vector_store %arg20[%swap3A_762, %swap3A_763], %swap3A_766 {strides = array<i32>} : memref<128x128xf32, #tpu.memory_space<vmem>>, vector<1x16xf32>,
        %get3A_767 = arith.index_cast %add3A_722 : i32 to index
        %get3A_768 = arith.constant 64 : index
        %get3A_769 = tpu.vector_load %arg20[%get3A_767, %get3A_768] {strides = array<i32>} : memref<128x128xf32, #tpu.memory_space<vmem>>, vector<1x16xf32>,
        %get3A_770 = vector.shape_cast %get3A_769 : vector<1x16xf32> to vector<16xf32>
        %mul3A_771 = vector.broadcast %squeeze3A_718 : f32 to vector<16xf32>
        %mul3A_772 = arith.mulf %get3A_770, %mul3A_771 : vector<16xf32>
        %swap3A_773 = arith.index_cast %add3A_722 : i32 to index
        %swap3A_774 = arith.constant 64 : index
        %swap3A_775 = tpu.vector_load %arg20[%swap3A_773, %swap3A_774] {strides = array<i32>} : memref<128x128xf32, #tpu.memory_space<vmem>>, vector<1x16xf32>,
        %swap3A_776 = vector.shape_cast %swap3A_775 : vector<1x16xf32> to vector<16xf32>
        %swap3A_777 = vector.shape_cast %mul3A_772 : vector<16xf32> to vector<1x16xf32>
        tpu.vector_store %arg20[%swap3A_773, %swap3A_774], %swap3A_777 {strides = array<i32>} : memref<128x128xf32, #tpu.memory_space<vmem>>, vector<1x16xf32>,
        %get3A_778 = arith.index_cast %add3A_722 : i32 to index
        %get3A_779 = arith.constant 80 : index
        %get3A_780 = tpu.vector_load %arg20[%get3A_778, %get3A_779] {strides = array<i32>} : memref<128x128xf32, #tpu.memory_space<vmem>>, vector<1x16xf32>,
        %get3A_781 = vector.shape_cast %get3A_780 : vector<1x16xf32> to vector<16xf32>
        %mul3A_782 = vector.broadcast %squeeze3A_718 : f32 to vector<16xf32>
        %mul3A_783 = arith.mulf %get3A_781, %mul3A_782 : vector<16xf32>
        %swap3A_784 = arith.index_cast %add3A_722 : i32 to index
        %swap3A_785 = arith.constant 80 : index
        %swap3A_786 = tpu.vector_load %arg20[%swap3A_784, %swap3A_785] {strides = array<i32>} : memref<128x128xf32, #tpu.memory_space<vmem>>, vector<1x16xf32>,
        %swap3A_787 = vector.shape_cast %swap3A_786 : vector<1x16xf32> to vector<16xf32>
        %swap3A_788 = vector.shape_cast %mul3A_783 : vector<16xf32> to vector<1x16xf32>
        tpu.vector_store %arg20[%swap3A_784, %swap3A_785], %swap3A_788 {strides = array<i32>} : memref<128x128xf32, #tpu.memory_space<vmem>>, vector<1x16xf32>,
        %get3A_789 = arith.index_cast %add3A_722 : i32 to index
        %get3A_790 = arith.constant 96 : index
        %get3A_791 = tpu.vector_load %arg20[%get3A_789, %get3A_790] {strides = array<i32>} : memref<128x128xf32, #tpu.memory_space<vmem>>, vector<1x16xf32>,
        %get3A_792 = vector.shape_cast %get3A_791 : vector<1x16xf32> to vector<16xf32>
        %mul3A_793 = vector.broadcast %squeeze3A_718 : f32 to vector<16xf32>
        %mul3A_794 = arith.mulf %get3A_792, %mul3A_793 : vector<16xf32>
        %swap3A_795 = arith.index_cast %add3A_722 : i32 to index
        %swap3A_796 = arith.constant 96 : index
        %swap3A_797 = tpu.vector_load %arg20[%swap3A_795, %swap3A_796] {strides = array<i32>} : memref<128x128xf32, #tpu.memory_space<vmem>>, vector<1x16xf32>,
        %swap3A_798 = vector.shape_cast %swap3A_797 : vector<1x16xf32> to vector<16xf32>
        %swap3A_799 = vector.shape_cast %mul3A_794 : vector<16xf32> to vector<1x16xf32>
        tpu.vector_store %arg20[%swap3A_795, %swap3A_796], %swap3A_799 {strides = array<i32>} : memref<128x128xf32, #tpu.memory_space<vmem>>, vector<1x16xf32>,
        %get3A_800 = arith.index_cast %add3A_722 : i32 to index
        %get3A_801 = arith.constant 112 : index
        %get3A_802 = tpu.vector_load %arg20[%get3A_800, %get3A_801] {strides = array<i32>} : memref<128x128xf32, #tpu.memory_space<vmem>>, vector<1x16xf32>,
        %get3A_803 = vector.shape_cast %get3A_802 : vector<1x16xf32> to vector<16xf32>
        %mul3A_804 = vector.broadcast %squeeze3A_718 : f32 to vector<16xf32>
        %mul3A_805 = arith.mulf %get3A_803, %mul3A_804 : vector<16xf32>
        %swap3A_806 = arith.index_cast %add3A_722 : i32 to index
        %swap3A_807 = arith.constant 112 : index
        %swap3A_808 = tpu.vector_load %arg20[%swap3A_806, %swap3A_807] {strides = array<i32>} : memref<128x128xf32, #tpu.memory_space<vmem>>, vector<1x16xf32>,
        %swap3A_809 = vector.shape_cast %swap3A_808 : vector<1x16xf32> to vector<16xf32>
        %swap3A_810 = vector.shape_cast %mul3A_805 : vector<16xf32> to vector<1x16xf32>
        tpu.vector_store %arg20[%swap3A_806, %swap3A_807], %swap3A_810 {strides = array<i32>} : memref<128x128xf32, #tpu.memory_space<vmem>>, vector<1x16xf32>,
        %slice3A_811 = vector.extract_strided_slice %get3A_530 {offsets = [3], sizes = [1], strides = [1]} : vector<16xf32> to vector<1xf32>
        %squeeze3A_812 = vector.extract %slice3A_811[0] : f32 from vector<1xf32>
        %mul3A_813 = arith.constant 16 : i32
        %mul3A_814 = arith.muli %scan3A_526, %mul3A_813 : i32
        %add3A_815 = arith.constant 3 : i32
        %add3A_816 = arith.addi %mul3A_814, %add3A_815 : i32
        %get3A_817 = arith.index_cast %add3A_816 : i32 to index
        %get3A_818 = arith.constant 0 : index
        %get3A_819 = tpu.vector_load %arg20[%get3A_817, %get3A_818] {strides = array<i32>} : memref<128x128xf32, #tpu.memory_space<vmem>>, vector<1x16xf32>,
        %get3A_820 = vector.shape_cast %get3A_819 : vector<1x16xf32> to vector<16xf32>
        %mul3A_821 = vector.broadcast %squeeze3A_812 : f32 to vector<16xf32>
        %mul3A_822 = arith.mulf %get3A_820, %mul3A_821 : vector<16xf32>
        %swap3A_823 = arith.index_cast %add3A_816 : i32 to index
        %swap3A_824 = arith.constant 0 : index
        %swap3A_825 = tpu.vector_load %arg20[%swap3A_823, %swap3A_824] {strides = array<i32>} : memref<128x128xf32, #tpu.memory_space<vmem>>, vector<1x16xf32>,
        %swap3A_826 = vector.shape_cast %swap3A_825 : vector<1x16xf32> to vector<16xf32>
        %swap3A_827 = vector.shape_cast %mul3A_822 : vector<16xf32> to vector<1x16xf32>
        tpu.vector_store %arg20[%swap3A_823, %swap3A_824], %swap3A_827 {strides = array<i32>} : memref<128x128xf32, #tpu.memory_space<vmem>>, vector<1x16xf32>,
        %get3A_828 = arith.index_cast %add3A_816 : i32 to index
        %get3A_829 = arith.constant 16 : index
        %get3A_830 = tpu.vector_load %arg20[%get3A_828, %get3A_829] {strides = array<i32>} : memref<128x128xf32, #tpu.memory_space<vmem>>, vector<1x16xf32>,
        %get3A_831 = vector.shape_cast %get3A_830 : vector<1x16xf32> to vector<16xf32>
        %mul3A_832 = vector.broadcast %squeeze3A_812 : f32 to vector<16xf32>
        %mul3A_833 = arith.mulf %get3A_831, %mul3A_832 : vector<16xf32>
        %swap3A_834 = arith.index_cast %add3A_816 : i32 to index
        %swap3A_835 = arith.constant 16 : index
        %swap3A_836 = tpu.vector_load %arg20[%swap3A_834, %swap3A_835] {strides = array<i32>} : memref<128x128xf32, #tpu.memory_space<vmem>>, vector<1x16xf32>,
        %swap3A_837 = vector.shape_cast %swap3A_836 : vector<1x16xf32> to vector<16xf32>
        %swap3A_838 = vector.shape_cast %mul3A_833 : vector<16xf32> to vector<1x16xf32>
        tpu.vector_store %arg20[%swap3A_834, %swap3A_835], %swap3A_838 {strides = array<i32>} : memref<128x128xf32, #tpu.memory_space<vmem>>, vector<1x16xf32>,
        %get3A_839 = arith.index_cast %add3A_816 : i32 to index
        %get3A_840 = arith.constant 32 : index
        %get3A_841 = tpu.vector_load %arg20[%get3A_839, %get3A_840] {strides = array<i32>} : memref<128x128xf32, #tpu.memory_space<vmem>>, vector<1x16xf32>,
        %get3A_842 = vector.shape_cast %get3A_841 : vector<1x16xf32> to vector<16xf32>
        %mul3A_843 = vector.broadcast %squeeze3A_812 : f32 to vector<16xf32>
        %mul3A_844 = arith.mulf %get3A_842, %mul3A_843 : vector<16xf32>
        %swap3A_845 = arith.index_cast %add3A_816 : i32 to index
        %swap3A_846 = arith.constant 32 : index
        %swap3A_847 = tpu.vector_load %arg20[%swap3A_845, %swap3A_846] {strides = array<i32>} : memref<128x128xf32, #tpu.memory_space<vmem>>, vector<1x16xf32>,
        %swap3A_848 = vector.shape_cast %swap3A_847 : vector<1x16xf32> to vector<16xf32>
        %swap3A_849 = vector.shape_cast %mul3A_844 : vector<16xf32> to vector<1x16xf32>
        tpu.vector_store %arg20[%swap3A_845, %swap3A_846], %swap3A_849 {strides = array<i32>} : memref<128x128xf32, #tpu.memory_space<vmem>>, vector<1x16xf32>,
        %get3A_850 = arith.index_cast %add3A_816 : i32 to index
        %get3A_851 = arith.constant 48 : index
        %get3A_852 = tpu.vector_load %arg20[%get3A_850, %get3A_851] {strides = array<i32>} : memref<128x128xf32, #tpu.memory_space<vmem>>, vector<1x16xf32>,
        %get3A_853 = vector.shape_cast %get3A_852 : vector<1x16xf32> to vector<16xf32>
        %mul3A_854 = vector.broadcast %squeeze3A_812 : f32 to vector<16xf32>
        %mul3A_855 = arith.mulf %get3A_853, %mul3A_854 : vector<16xf32>
        %swap3A_856 = arith.index_cast %add3A_816 : i32 to index
        %swap3A_857 = arith.constant 48 : index
        %swap3A_858 = tpu.vector_load %arg20[%swap3A_856, %swap3A_857] {strides = array<i32>} : memref<128x128xf32, #tpu.memory_space<vmem>>, vector<1x16xf32>,
        %swap3A_859 = vector.shape_cast %swap3A_858 : vector<1x16xf32> to vector<16xf32>
        %swap3A_860 = vector.shape_cast %mul3A_855 : vector<16xf32> to vector<1x16xf32>
        tpu.vector_store %arg20[%swap3A_856, %swap3A_857], %swap3A_860 {strides = array<i32>} : memref<128x128xf32, #tpu.memory_space<vmem>>, vector<1x16xf32>,
        %get3A_861 = arith.index_cast %add3A_816 : i32 to index
        %get3A_862 = arith.constant 64 : index
        %get3A_863 = tpu.vector_load %arg20[%get3A_861, %get3A_862] {strides = array<i32>} : memref<128x128xf32, #tpu.memory_space<vmem>>, vector<1x16xf32>,
        %get3A_864 = vector.shape_cast %get3A_863 : vector<1x16xf32> to vector<16xf32>
        %mul3A_865 = vector.broadcast %squeeze3A_812 : f32 to vector<16xf32>
        %mul3A_866 = arith.mulf %get3A_864, %mul3A_865 : vector<16xf32>
        %swap3A_867 = arith.index_cast %add3A_816 : i32 to index
        %swap3A_868 = arith.constant 64 : index
        %swap3A_869 = tpu.vector_load %arg20[%swap3A_867, %swap3A_868] {strides = array<i32>} : memref<128x128xf32, #tpu.memory_space<vmem>>, vector<1x16xf32>,
        %swap3A_870 = vector.shape_cast %swap3A_869 : vector<1x16xf32> to vector<16xf32>
        %swap3A_871 = vector.shape_cast %mul3A_866 : vector<16xf32> to vector<1x16xf32>
        tpu.vector_store %arg20[%swap3A_867, %swap3A_868], %swap3A_871 {strides = array<i32>} : memref<128x128xf32, #tpu.memory_space<vmem>>, vector<1x16xf32>,
        %get3A_872 = arith.index_cast %add3A_816 : i32 to index
        %get3A_873 = arith.constant 80 : index
        %get3A_874 = tpu.vector_load %arg20[%get3A_872, %get3A_873] {strides = array<i32>} : memref<128x128xf32, #tpu.memory_space<vmem>>, vector<1x16xf32>,
        %get3A_875 = vector.shape_cast %get3A_874 : vector<1x16xf32> to vector<16xf32>
        %mul3A_876 = vector.broadcast %squeeze3A_812 : f32 to vector<16xf32>
        %mul3A_877 = arith.mulf %get3A_875, %mul3A_876 : vector<16xf32>
        %swap3A_878 = arith.index_cast %add3A_816 : i32 to index
        %swap3A_879 = arith.constant 80 : index
        %swap3A_880 = tpu.vector_load %arg20[%swap3A_878, %swap3A_879] {strides = array<i32>} : memref<128x128xf32, #tpu.memory_space<vmem>>, vector<1x16xf32>,
        %swap3A_881 = vector.shape_cast %swap3A_880 : vector<1x16xf32> to vector<16xf32>
        %swap3A_882 = vector.shape_cast %mul3A_877 : vector<16xf32> to vector<1x16xf32>
        tpu.vector_store %arg20[%swap3A_878, %swap3A_879], %swap3A_882 {strides = array<i32>} : memref<128x128xf32, #tpu.memory_space<vmem>>, vector<1x16xf32>,
        %get3A_883 = arith.index_cast %add3A_816 : i32 to index
        %get3A_884 = arith.constant 96 : index
        %get3A_885 = tpu.vector_load %arg20[%get3A_883, %get3A_884] {strides = array<i32>} : memref<128x128xf32, #tpu.memory_space<vmem>>, vector<1x16xf32>,
        %get3A_886 = vector.shape_cast %get3A_885 : vector<1x16xf32> to vector<16xf32>
        %mul3A_887 = vector.broadcast %squeeze3A_812 : f32 to vector<16xf32>
        %mul3A_888 = arith.mulf %get3A_886, %mul3A_887 : vector<16xf32>
        %swap3A_889 = arith.index_cast %add3A_816 : i32 to index
        %swap3A_890 = arith.constant 96 : index
        %swap3A_891 = tpu.vector_load %arg20[%swap3A_889, %swap3A_890] {strides = array<i32>} : memref<128x128xf32, #tpu.memory_space<vmem>>, vector<1x16xf32>,
        %swap3A_892 = vector.shape_cast %swap3A_891 : vector<1x16xf32> to vector<16xf32>
        %swap3A_893 = vector.shape_cast %mul3A_888 : vector<16xf32> to vector<1x16xf32>
        tpu.vector_store %arg20[%swap3A_889, %swap3A_890], %swap3A_893 {strides = array<i32>} : memref<128x128xf32, #tpu.memory_space<vmem>>, vector<1x16xf32>,
        %get3A_894 = arith.index_cast %add3A_816 : i32 to index
        %get3A_895 = arith.constant 112 : index
        %get3A_896 = tpu.vector_load %arg20[%get3A_894, %get3A_895] {strides = array<i32>} : memref<128x128xf32, #tpu.memory_space<vmem>>, vector<1x16xf32>,
        %get3A_897 = vector.shape_cast %get3A_896 : vector<1x16xf32> to vector<16xf32>
        %mul3A_898 = vector.broadcast %squeeze3A_812 : f32 to vector<16xf32>
        %mul3A_899 = arith.mulf %get3A_897, %mul3A_898 : vector<16xf32>
        %swap3A_900 = arith.index_cast %add3A_816 : i32 to index
        %swap3A_901 = arith.constant 112 : index
        %swap3A_902 = tpu.vector_load %arg20[%swap3A_900, %swap3A_901] {strides = array<i32>} : memref<128x128xf32, #tpu.memory_space<vmem>>, vector<1x16xf32>,
        %swap3A_903 = vector.shape_cast %swap3A_902 : vector<1x16xf32> to vector<16xf32>
        %swap3A_904 = vector.shape_cast %mul3A_899 : vector<16xf32> to vector<1x16xf32>
        tpu.vector_store %arg20[%swap3A_900, %swap3A_901], %swap3A_904 {strides = array<i32>} : memref<128x128xf32, #tpu.memory_space<vmem>>, vector<1x16xf32>,
        %slice3A_905 = vector.extract_strided_slice %get3A_530 {offsets = [4], sizes = [1], strides = [1]} : vector<16xf32> to vector<1xf32>
        %squeeze3A_906 = vector.extract %slice3A_905[0] : f32 from vector<1xf32>
        %mul3A_907 = arith.constant 16 : i32
        %mul3A_908 = arith.muli %scan3A_526, %mul3A_907 : i32
        %add3A_909 = arith.constant 4 : i32
        %add3A_910 = arith.addi %mul3A_908, %add3A_909 : i32
        %get3A_911 = arith.index_cast %add3A_910 : i32 to index
        %get3A_912 = arith.constant 0 : index
        %get3A_913 = tpu.vector_load %arg20[%get3A_911, %get3A_912] {strides = array<i32>} : memref<128x128xf32, #tpu.memory_space<vmem>>, vector<1x16xf32>,
        %get3A_914 = vector.shape_cast %get3A_913 : vector<1x16xf32> to vector<16xf32>
        %mul3A_915 = vector.broadcast %squeeze3A_906 : f32 to vector<16xf32>
        %mul3A_916 = arith.mulf %get3A_914, %mul3A_915 : vector<16xf32>
        %swap3A_917 = arith.index_cast %add3A_910 : i32 to index
        %swap3A_918 = arith.constant 0 : index
        %swap3A_919 = tpu.vector_load %arg20[%swap3A_917, %swap3A_918] {strides = array<i32>} : memref<128x128xf32, #tpu.memory_space<vmem>>, vector<1x16xf32>,
        %swap3A_920 = vector.shape_cast %swap3A_919 : vector<1x16xf32> to vector<16xf32>
        %swap3A_921 = vector.shape_cast %mul3A_916 : vector<16xf32> to vector<1x16xf32>
        tpu.vector_store %arg20[%swap3A_917, %swap3A_918], %swap3A_921 {strides = array<i32>} : memref<128x128xf32, #tpu.memory_space<vmem>>, vector<1x16xf32>,
        %get3A_922 = arith.index_cast %add3A_910 : i32 to index
        %get3A_923 = arith.constant 16 : index
        %get3A_924 = tpu.vector_load %arg20[%get3A_922, %get3A_923] {strides = array<i32>} : memref<128x128xf32, #tpu.memory_space<vmem>>, vector<1x16xf32>,
        %get3A_925 = vector.shape_cast %get3A_924 : vector<1x16xf32> to vector<16xf32>
        %mul3A_926 = vector.broadcast %squeeze3A_906 : f32 to vector<16xf32>
        %mul3A_927 = arith.mulf %get3A_925, %mul3A_926 : vector<16xf32>
        %swap3A_928 = arith.index_cast %add3A_910 : i32 to index
        %swap3A_929 = arith.constant 16 : index
        %swap3A_930 = tpu.vector_load %arg20[%swap3A_928, %swap3A_929] {strides = array<i32>} : memref<128x128xf32, #tpu.memory_space<vmem>>, vector<1x16xf32>,
        %swap3A_931 = vector.shape_cast %swap3A_930 : vector<1x16xf32> to vector<16xf32>
        %swap3A_932 = vector.shape_cast %mul3A_927 : vector<16xf32> to vector<1x16xf32>
        tpu.vector_store %arg20[%swap3A_928, %swap3A_929], %swap3A_932 {strides = array<i32>} : memref<128x128xf32, #tpu.memory_space<vmem>>, vector<1x16xf32>,
        %get3A_933 = arith.index_cast %add3A_910 : i32 to index
        %get3A_934 = arith.constant 32 : index
        %get3A_935 = tpu.vector_load %arg20[%get3A_933, %get3A_934] {strides = array<i32>} : memref<128x128xf32, #tpu.memory_space<vmem>>, vector<1x16xf32>,
        %get3A_936 = vector.shape_cast %get3A_935 : vector<1x16xf32> to vector<16xf32>
        %mul3A_937 = vector.broadcast %squeeze3A_906 : f32 to vector<16xf32>
        %mul3A_938 = arith.mulf %get3A_936, %mul3A_937 : vector<16xf32>
        %swap3A_939 = arith.index_cast %add3A_910 : i32 to index
        %swap3A_940 = arith.constant 32 : index
        %swap3A_941 = tpu.vector_load %arg20[%swap3A_939, %swap3A_940] {strides = array<i32>} : memref<128x128xf32, #tpu.memory_space<vmem>>, vector<1x16xf32>,
        %swap3A_942 = vector.shape_cast %swap3A_941 : vector<1x16xf32> to vector<16xf32>
        %swap3A_943 = vector.shape_cast %mul3A_938 : vector<16xf32> to vector<1x16xf32>
        tpu.vector_store %arg20[%swap3A_939, %swap3A_940], %swap3A_943 {strides = array<i32>} : memref<128x128xf32, #tpu.memory_space<vmem>>, vector<1x16xf32>,
        %get3A_944 = arith.index_cast %add3A_910 : i32 to index
        %get3A_945 = arith.constant 48 : index
        %get3A_946 = tpu.vector_load %arg20[%get3A_944, %get3A_945] {strides = array<i32>} : memref<128x128xf32, #tpu.memory_space<vmem>>, vector<1x16xf32>,
        %get3A_947 = vector.shape_cast %get3A_946 : vector<1x16xf32> to vector<16xf32>
        %mul3A_948 = vector.broadcast %squeeze3A_906 : f32 to vector<16xf32>
        %mul3A_949 = arith.mulf %get3A_947, %mul3A_948 : vector<16xf32>
        %swap3A_950 = arith.index_cast %add3A_910 : i32 to index
        %swap3A_951 = arith.constant 48 : index
        %swap3A_952 = tpu.vector_load %arg20[%swap3A_950, %swap3A_951] {strides = array<i32>} : memref<128x128xf32, #tpu.memory_space<vmem>>, vector<1x16xf32>,
        %swap3A_953 = vector.shape_cast %swap3A_952 : vector<1x16xf32> to vector<16xf32>
        %swap3A_954 = vector.shape_cast %mul3A_949 : vector<16xf32> to vector<1x16xf32>
        tpu.vector_store %arg20[%swap3A_950, %swap3A_951], %swap3A_954 {strides = array<i32>} : memref<128x128xf32, #tpu.memory_space<vmem>>, vector<1x16xf32>,
        %get3A_955 = arith.index_cast %add3A_910 : i32 to index
        %get3A_956 = arith.constant 64 : index
        %get3A_957 = tpu.vector_load %arg20[%get3A_955, %get3A_956] {strides = array<i32>} : memref<128x128xf32, #tpu.memory_space<vmem>>, vector<1x16xf32>,
        %get3A_958 = vector.shape_cast %get3A_957 : vector<1x16xf32> to vector<16xf32>
        %mul3A_959 = vector.broadcast %squeeze3A_906 : f32 to vector<16xf32>
        %mul3A_960 = arith.mulf %get3A_958, %mul3A_959 : vector<16xf32>
        %swap3A_961 = arith.index_cast %add3A_910 : i32 to index
        %swap3A_962 = arith.constant 64 : index
        %swap3A_963 = tpu.vector_load %arg20[%swap3A_961, %swap3A_962] {strides = array<i32>} : memref<128x128xf32, #tpu.memory_space<vmem>>, vector<1x16xf32>,
        %swap3A_964 = vector.shape_cast %swap3A_963 : vector<1x16xf32> to vector<16xf32>
        %swap3A_965 = vector.shape_cast %mul3A_960 : vector<16xf32> to vector<1x16xf32>
        tpu.vector_store %arg20[%swap3A_961, %swap3A_962], %swap3A_965 {strides = array<i32>} : memref<128x128xf32, #tpu.memory_space<vmem>>, vector<1x16xf32>,
        %get3A_966 = arith.index_cast %add3A_910 : i32 to index
        %get3A_967 = arith.constant 80 : index
        %get3A_968 = tpu.vector_load %arg20[%get3A_966, %get3A_967] {strides = array<i32>} : memref<128x128xf32, #tpu.memory_space<vmem>>, vector<1x16xf32>,
        %get3A_969 = vector.shape_cast %get3A_968 : vector<1x16xf32> to vector<16xf32>
        %mul3A_970 = vector.broadcast %squeeze3A_906 : f32 to vector<16xf32>
        %mul3A_971 = arith.mulf %get3A_969, %mul3A_970 : vector<16xf32>
        %swap3A_972 = arith.index_cast %add3A_910 : i32 to index
        %swap3A_973 = arith.constant 80 : index
        %swap3A_974 = tpu.vector_load %arg20[%swap3A_972, %swap3A_973] {strides = array<i32>} : memref<128x128xf32, #tpu.memory_space<vmem>>, vector<1x16xf32>,
        %swap3A_975 = vector.shape_cast %swap3A_974 : vector<1x16xf32> to vector<16xf32>
        %swap3A_976 = vector.shape_cast %mul3A_971 : vector<16xf32> to vector<1x16xf32>
        tpu.vector_store %arg20[%swap3A_972, %swap3A_973], %swap3A_976 {strides = array<i32>} : memref<128x128xf32, #tpu.memory_space<vmem>>, vector<1x16xf32>,
        %get3A_977 = arith.index_cast %add3A_910 : i32 to index
        %get3A_978 = arith.constant 96 : index
        %get3A_979 = tpu.vector_load %arg20[%get3A_977, %get3A_978] {strides = array<i32>} : memref<128x128xf32, #tpu.memory_space<vmem>>, vector<1x16xf32>,
        %get3A_980 = vector.shape_cast %get3A_979 : vector<1x16xf32> to vector<16xf32>
        %mul3A_981 = vector.broadcast %squeeze3A_906 : f32 to vector<16xf32>
        %mul3A_982 = arith.mulf %get3A_980, %mul3A_981 : vector<16xf32>
        %swap3A_983 = arith.index_cast %add3A_910 : i32 to index
        %swap3A_984 = arith.constant 96 : index
        %swap3A_985 = tpu.vector_load %arg20[%swap3A_983, %swap3A_984] {strides = array<i32>} : memref<128x128xf32, #tpu.memory_space<vmem>>, vector<1x16xf32>,
        %swap3A_986 = vector.shape_cast %swap3A_985 : vector<1x16xf32> to vector<16xf32>
        %swap3A_987 = vector.shape_cast %mul3A_982 : vector<16xf32> to vector<1x16xf32>
        tpu.vector_store %arg20[%swap3A_983, %swap3A_984], %swap3A_987 {strides = array<i32>} : memref<128x128xf32, #tpu.memory_space<vmem>>, vector<1x16xf32>,
        %get3A_988 = arith.index_cast %add3A_910 : i32 to index
        %get3A_989 = arith.constant 112 : index
        %get3A_990 = tpu.vector_load %arg20[%get3A_988, %get3A_989] {strides = array<i32>} : memref<128x128xf32, #tpu.memory_space<vmem>>, vector<1x16xf32>,
        %get3A_991 = vector.shape_cast %get3A_990 : vector<1x16xf32> to vector<16xf32>
        %mul3A_992 = vector.broadcast %squeeze3A_906 : f32 to vector<16xf32>
        %mul3A_993 = arith.mulf %get3A_991, %mul3A_992 : vector<16xf32>
        %swap3A_994 = arith.index_cast %add3A_910 : i32 to index
        %swap3A_995 = arith.constant 112 : index
        %swap3A_996 = tpu.vector_load %arg20[%swap3A_994, %swap3A_995] {strides = array<i32>} : memref<128x128xf32, #tpu.memory_space<vmem>>, vector<1x16xf32>,
        %swap3A_997 = vector.shape_cast %swap3A_996 : vector<1x16xf32> to vector<16xf32>
        %swap3A_998 = vector.shape_cast %mul3A_993 : vector<16xf32> to vector<1x16xf32>
        tpu.vector_store %arg20[%swap3A_994, %swap3A_995], %swap3A_998 {strides = array<i32>} : memref<128x128xf32, #tpu.memory_space<vmem>>, vector<1x16xf32>,
        %slice3A_999 = vector.extract_strided_slice %get3A_530 {offsets = [5], sizes = [1], strides = [1]} : vector<16xf32> to vector<1xf32>
        %squeeze3A_1000 = vector.extract %slice3A_999[0] : f32 from vector<1xf32>
        %mul3A_1001 = arith.constant 16 : i32
        %mul3A_1002 = arith.muli %scan3A_526, %mul3A_1001 : i32
        %add3A_1003 = arith.constant 5 : i32
        %add3A_1004 = arith.addi %mul3A_1002, %add3A_1003 : i32
        %get3A_1005 = arith.index_cast %add3A_1004 : i32 to index
        %get3A_1006 = arith.constant 0 : index
        %get3A_1007 = tpu.vector_load %arg20[%get3A_1005, %get3A_1006] {strides = array<i32>} : memref<128x128xf32, #tpu.memory_space<vmem>>, vector<1x16xf32>,
        %get3A_1008 = vector.shape_cast %get3A_1007 : vector<1x16xf32> to vector<16xf32>
        %mul3A_1009 = vector.broadcast %squeeze3A_1000 : f32 to vector<16xf32>
        %mul3A_1010 = arith.mulf %get3A_1008, %mul3A_1009 : vector<16xf32>
        %swap3A_1011 = arith.index_cast %add3A_1004 : i32 to index
        %swap3A_1012 = arith.constant 0 : index
        %swap3A_1013 = tpu.vector_load %arg20[%swap3A_1011, %swap3A_1012] {strides = array<i32>} : memref<128x128xf32, #tpu.memory_space<vmem>>, vector<1x16xf32>,
        %swap3A_1014 = vector.shape_cast %swap3A_1013 : vector<1x16xf32> to vector<16xf32>
        %swap3A_1015 = vector.shape_cast %mul3A_1010 : vector<16xf32> to vector<1x16xf32>
        tpu.vector_store %arg20[%swap3A_1011, %swap3A_1012], %swap3A_1015 {strides = array<i32>} : memref<128x128xf32, #tpu.memory_space<vmem>>, vector<1x16xf32>,
        %get3A_1016 = arith.index_cast %add3A_1004 : i32 to index
        %get3A_1017 = arith.constant 16 : index
        %get3A_1018 = tpu.vector_load %arg20[%get3A_1016, %get3A_1017] {strides = array<i32>} : memref<128x128xf32, #tpu.memory_space<vmem>>, vector<1x16xf32>,
        %get3A_1019 = vector.shape_cast %get3A_1018 : vector<1x16xf32> to vector<16xf32>
        %mul3A_1020 = vector.broadcast %squeeze3A_1000 : f32 to vector<16xf32>
        %mul3A_1021 = arith.mulf %get3A_1019, %mul3A_1020 : vector<16xf32>
        %swap3A_1022 = arith.index_cast %add3A_1004 : i32 to index
        %swap3A_1023 = arith.constant 16 : index
        %swap3A_1024 = tpu.vector_load %arg20[%swap3A_1022, %swap3A_1023] {strides = array<i32>} : memref<128x128xf32, #tpu.memory_space<vmem>>, vector<1x16xf32>,
        %swap3A_1025 = vector.shape_cast %swap3A_1024 : vector<1x16xf32> to vector<16xf32>
        %swap3A_1026 = vector.shape_cast %mul3A_1021 : vector<16xf32> to vector<1x16xf32>
        tpu.vector_store %arg20[%swap3A_1022, %swap3A_1023], %swap3A_1026 {strides = array<i32>} : memref<128x128xf32, #tpu.memory_space<vmem>>, vector<1x16xf32>,
        %get3A_1027 = arith.index_cast %add3A_1004 : i32 to index
        %get3A_1028 = arith.constant 32 : index
        %get3A_1029 = tpu.vector_load %arg20[%get3A_1027, %get3A_1028] {strides = array<i32>} : memref<128x128xf32, #tpu.memory_space<vmem>>, vector<1x16xf32>,
        %get3A_1030 = vector.shape_cast %get3A_1029 : vector<1x16xf32> to vector<16xf32>
        %mul3A_1031 = vector.broadcast %squeeze3A_1000 : f32 to vector<16xf32>
        %mul3A_1032 = arith.mulf %get3A_1030, %mul3A_1031 : vector<16xf32>
        %swap3A_1033 = arith.index_cast %add3A_1004 : i32 to index
        %swap3A_1034 = arith.constant 32 : index
        %swap3A_1035 = tpu.vector_load %arg20[%swap3A_1033, %swap3A_1034] {strides = array<i32>} : memref<128x128xf32, #tpu.memory_space<vmem>>, vector<1x16xf32>,
        %swap3A_1036 = vector.shape_cast %swap3A_1035 : vector<1x16xf32> to vector<16xf32>
        %swap3A_1037 = vector.shape_cast %mul3A_1032 : vector<16xf32> to vector<1x16xf32>
        tpu.vector_store %arg20[%swap3A_1033, %swap3A_1034], %swap3A_1037 {strides = array<i32>} : memref<128x128xf32, #tpu.memory_space<vmem>>, vector<1x16xf32>,
        %get3A_1038 = arith.index_cast %add3A_1004 : i32 to index
        %get3A_1039 = arith.constant 48 : index
        %get3A_1040 = tpu.vector_load %arg20[%get3A_1038, %get3A_1039] {strides = array<i32>} : memref<128x128xf32, #tpu.memory_space<vmem>>, vector<1x16xf32>,
        %get3A_1041 = vector.shape_cast %get3A_1040 : vector<1x16xf32> to vector<16xf32>
        %mul3A_1042 = vector.broadcast %squeeze3A_1000 : f32 to vector<16xf32>
        %mul3A_1043 = arith.mulf %get3A_1041, %mul3A_1042 : vector<16xf32>
        %swap3A_1044 = arith.index_cast %add3A_1004 : i32 to index
        %swap3A_1045 = arith.constant 48 : index
        %swap3A_1046 = tpu.vector_load %arg20[%swap3A_1044, %swap3A_1045] {strides = array<i32>} : memref<128x128xf32, #tpu.memory_space<vmem>>, vector<1x16xf32>,
        %swap3A_1047 = vector.shape_cast %swap3A_1046 : vector<1x16xf32> to vector<16xf32>
        %swap3A_1048 = vector.shape_cast %mul3A_1043 : vector<16xf32> to vector<1x16xf32>
        tpu.vector_store %arg20[%swap3A_1044, %swap3A_1045], %swap3A_1048 {strides = array<i32>} : memref<128x128xf32, #tpu.memory_space<vmem>>, vector<1x16xf32>,
        %get3A_1049 = arith.index_cast %add3A_1004 : i32 to index
        %get3A_1050 = arith.constant 64 : index
        %get3A_1051 = tpu.vector_load %arg20[%get3A_1049, %get3A_1050] {strides = array<i32>} : memref<128x128xf32, #tpu.memory_space<vmem>>, vector<1x16xf32>,
        %get3A_1052 = vector.shape_cast %get3A_1051 : vector<1x16xf32> to vector<16xf32>
        %mul3A_1053 = vector.broadcast %squeeze3A_1000 : f32 to vector<16xf32>
        %mul3A_1054 = arith.mulf %get3A_1052, %mul3A_1053 : vector<16xf32>
        %swap3A_1055 = arith.index_cast %add3A_1004 : i32 to index
        %swap3A_1056 = arith.constant 64 : index
        %swap3A_1057 = tpu.vector_load %arg20[%swap3A_1055, %swap3A_1056] {strides = array<i32>} : memref<128x128xf32, #tpu.memory_space<vmem>>, vector<1x16xf32>,
        %swap3A_1058 = vector.shape_cast %swap3A_1057 : vector<1x16xf32> to vector<16xf32>
        %swap3A_1059 = vector.shape_cast %mul3A_1054 : vector<16xf32> to vector<1x16xf32>
        tpu.vector_store %arg20[%swap3A_1055, %swap3A_1056], %swap3A_1059 {strides = array<i32>} : memref<128x128xf32, #tpu.memory_space<vmem>>, vector<1x16xf32>,
        %get3A_1060 = arith.index_cast %add3A_1004 : i32 to index
        %get3A_1061 = arith.constant 80 : index
        %get3A_1062 = tpu.vector_load %arg20[%get3A_1060, %get3A_1061] {strides = array<i32>} : memref<128x128xf32, #tpu.memory_space<vmem>>, vector<1x16xf32>,
        %get3A_1063 = vector.shape_cast %get3A_1062 : vector<1x16xf32> to vector<16xf32>
        %mul3A_1064 = vector.broadcast %squeeze3A_1000 : f32 to vector<16xf32>
        %mul3A_1065 = arith.mulf %get3A_1063, %mul3A_1064 : vector<16xf32>
        %swap3A_1066 = arith.index_cast %add3A_1004 : i32 to index
        %swap3A_1067 = arith.constant 80 : index
        %swap3A_1068 = tpu.vector_load %arg20[%swap3A_1066, %swap3A_1067] {strides = array<i32>} : memref<128x128xf32, #tpu.memory_space<vmem>>, vector<1x16xf32>,
        %swap3A_1069 = vector.shape_cast %swap3A_1068 : vector<1x16xf32> to vector<16xf32>
        %swap3A_1070 = vector.shape_cast %mul3A_1065 : vector<16xf32> to vector<1x16xf32>
        tpu.vector_store %arg20[%swap3A_1066, %swap3A_1067], %swap3A_1070 {strides = array<i32>} : memref<128x128xf32, #tpu.memory_space<vmem>>, vector<1x16xf32>,
        %get3A_1071 = arith.index_cast %add3A_1004 : i32 to index
        %get3A_1072 = arith.constant 96 : index
        %get3A_1073 = tpu.vector_load %arg20[%get3A_1071, %get3A_1072] {strides = array<i32>} : memref<128x128xf32, #tpu.memory_space<vmem>>, vector<1x16xf32>,
        %get3A_1074 = vector.shape_cast %get3A_1073 : vector<1x16xf32> to vector<16xf32>
        %mul3A_1075 = vector.broadcast %squeeze3A_1000 : f32 to vector<16xf32>
        %mul3A_1076 = arith.mulf %get3A_1074, %mul3A_1075 : vector<16xf32>
        %swap3A_1077 = arith.index_cast %add3A_1004 : i32 to index
        %swap3A_1078 = arith.constant 96 : index
        %swap3A_1079 = tpu.vector_load %arg20[%swap3A_1077, %swap3A_1078] {strides = array<i32>} : memref<128x128xf32, #tpu.memory_space<vmem>>, vector<1x16xf32>,
        %swap3A_1080 = vector.shape_cast %swap3A_1079 : vector<1x16xf32> to vector<16xf32>
        %swap3A_1081 = vector.shape_cast %mul3A_1076 : vector<16xf32> to vector<1x16xf32>
        tpu.vector_store %arg20[%swap3A_1077, %swap3A_1078], %swap3A_1081 {strides = array<i32>} : memref<128x128xf32, #tpu.memory_space<vmem>>, vector<1x16xf32>,
        %get3A_1082 = arith.index_cast %add3A_1004 : i32 to index
        %get3A_1083 = arith.constant 112 : index
        %get3A_1084 = tpu.vector_load %arg20[%get3A_1082, %get3A_1083] {strides = array<i32>} : memref<128x128xf32, #tpu.memory_space<vmem>>, vector<1x16xf32>,
        %get3A_1085 = vector.shape_cast %get3A_1084 : vector<1x16xf32> to vector<16xf32>
        %mul3A_1086 = vector.broadcast %squeeze3A_1000 : f32 to vector<16xf32>
        %mul3A_1087 = arith.mulf %get3A_1085, %mul3A_1086 : vector<16xf32>
        %swap3A_1088 = arith.index_cast %add3A_1004 : i32 to index
        %swap3A_1089 = arith.constant 112 : index
        %swap3A_1090 = tpu.vector_load %arg20[%swap3A_1088, %swap3A_1089] {strides = array<i32>} : memref<128x128xf32, #tpu.memory_space<vmem>>, vector<1x16xf32>,
        %swap3A_1091 = vector.shape_cast %swap3A_1090 : vector<1x16xf32> to vector<16xf32>
        %swap3A_1092 = vector.shape_cast %mul3A_1087 : vector<16xf32> to vector<1x16xf32>
        tpu.vector_store %arg20[%swap3A_1088, %swap3A_1089], %swap3A_1092 {strides = array<i32>} : memref<128x128xf32, #tpu.memory_space<vmem>>, vector<1x16xf32>,
        %slice3A_1093 = vector.extract_strided_slice %get3A_530 {offsets = [6], sizes = [1], strides = [1]} : vector<16xf32> to vector<1xf32>
        %squeeze3A_1094 = vector.extract %slice3A_1093[0] : f32 from vector<1xf32>
        %mul3A_1095 = arith.constant 16 : i32
        %mul3A_1096 = arith.muli %scan3A_526, %mul3A_1095 : i32
        %add3A_1097 = arith.constant 6 : i32
        %add3A_1098 = arith.addi %mul3A_1096, %add3A_1097 : i32
        %get3A_1099 = arith.index_cast %add3A_1098 : i32 to index
        %get3A_1100 = arith.constant 0 : index
        %get3A_1101 = tpu.vector_load %arg20[%get3A_1099, %get3A_1100] {strides = array<i32>} : memref<128x128xf32, #tpu.memory_space<vmem>>, vector<1x16xf32>,
        %get3A_1102 = vector.shape_cast %get3A_1101 : vector<1x16xf32> to vector<16xf32>
        %mul3A_1103 = vector.broadcast %squeeze3A_1094 : f32 to vector<16xf32>
        %mul3A_1104 = arith.mulf %get3A_1102, %mul3A_1103 : vector<16xf32>
        %swap3A_1105 = arith.index_cast %add3A_1098 : i32 to index
        %swap3A_1106 = arith.constant 0 : index
        %swap3A_1107 = tpu.vector_load %arg20[%swap3A_1105, %swap3A_1106] {strides = array<i32>} : memref<128x128xf32, #tpu.memory_space<vmem>>, vector<1x16xf32>,
        %swap3A_1108 = vector.shape_cast %swap3A_1107 : vector<1x16xf32> to vector<16xf32>
        %swap3A_1109 = vector.shape_cast %mul3A_1104 : vector<16xf32> to vector<1x16xf32>
        tpu.vector_store %arg20[%swap3A_1105, %swap3A_1106], %swap3A_1109 {strides = array<i32>} : memref<128x128xf32, #tpu.memory_space<vmem>>, vector<1x16xf32>,
        %get3A_1110 = arith.index_cast %add3A_1098 : i32 to index
        %get3A_1111 = arith.constant 16 : index
        %get3A_1112 = tpu.vector_load %arg20[%get3A_1110, %get3A_1111] {strides = array<i32>} : memref<128x128xf32, #tpu.memory_space<vmem>>, vector<1x16xf32>,
        %get3A_1113 = vector.shape_cast %get3A_1112 : vector<1x16xf32> to vector<16xf32>
        %mul3A_1114 = vector.broadcast %squeeze3A_1094 : f32 to vector<16xf32>
        %mul3A_1115 = arith.mulf %get3A_1113, %mul3A_1114 : vector<16xf32>
        %swap3A_1116 = arith.index_cast %add3A_1098 : i32 to index
        %swap3A_1117 = arith.constant 16 : index
        %swap3A_1118 = tpu.vector_load %arg20[%swap3A_1116, %swap3A_1117] {strides = array<i32>} : memref<128x128xf32, #tpu.memory_space<vmem>>, vector<1x16xf32>,
        %swap3A_1119 = vector.shape_cast %swap3A_1118 : vector<1x16xf32> to vector<16xf32>
        %swap3A_1120 = vector.shape_cast %mul3A_1115 : vector<16xf32> to vector<1x16xf32>
        tpu.vector_store %arg20[%swap3A_1116, %swap3A_1117], %swap3A_1120 {strides = array<i32>} : memref<128x128xf32, #tpu.memory_space<vmem>>, vector<1x16xf32>,
        %get3A_1121 = arith.index_cast %add3A_1098 : i32 to index
        %get3A_1122 = arith.constant 32 : index
        %get3A_1123 = tpu.vector_load %arg20[%get3A_1121, %get3A_1122] {strides = array<i32>} : memref<128x128xf32, #tpu.memory_space<vmem>>, vector<1x16xf32>,
        %get3A_1124 = vector.shape_cast %get3A_1123 : vector<1x16xf32> to vector<16xf32>
        %mul3A_1125 = vector.broadcast %squeeze3A_1094 : f32 to vector<16xf32>
        %mul3A_1126 = arith.mulf %get3A_1124, %mul3A_1125 : vector<16xf32>
        %swap3A_1127 = arith.index_cast %add3A_1098 : i32 to index
        %swap3A_1128 = arith.constant 32 : index
        %swap3A_1129 = tpu.vector_load %arg20[%swap3A_1127, %swap3A_1128] {strides = array<i32>} : memref<128x128xf32, #tpu.memory_space<vmem>>, vector<1x16xf32>,
        %swap3A_1130 = vector.shape_cast %swap3A_1129 : vector<1x16xf32> to vector<16xf32>
        %swap3A_1131 = vector.shape_cast %mul3A_1126 : vector<16xf32> to vector<1x16xf32>
        tpu.vector_store %arg20[%swap3A_1127, %swap3A_1128], %swap3A_1131 {strides = array<i32>} : memref<128x128xf32, #tpu.memory_space<vmem>>, vector<1x16xf32>,
        %get3A_1132 = arith.index_cast %add3A_1098 : i32 to index
        %get3A_1133 = arith.constant 48 : index
        %get3A_1134 = tpu.vector_load %arg20[%get3A_1132, %get3A_1133] {strides = array<i32>} : memref<128x128xf32, #tpu.memory_space<vmem>>, vector<1x16xf32>,
        %get3A_1135 = vector.shape_cast %get3A_1134 : vector<1x16xf32> to vector<16xf32>
        %mul3A_1136 = vector.broadcast %squeeze3A_1094 : f32 to vector<16xf32>
        %mul3A_1137 = arith.mulf %get3A_1135, %mul3A_1136 : vector<16xf32>
        %swap3A_1138 = arith.index_cast %add3A_1098 : i32 to index
        %swap3A_1139 = arith.constant 48 : index
        %swap3A_1140 = tpu.vector_load %arg20[%swap3A_1138, %swap3A_1139] {strides = array<i32>} : memref<128x128xf32, #tpu.memory_space<vmem>>, vector<1x16xf32>,
        %swap3A_1141 = vector.shape_cast %swap3A_1140 : vector<1x16xf32> to vector<16xf32>
        %swap3A_1142 = vector.shape_cast %mul3A_1137 : vector<16xf32> to vector<1x16xf32>
        tpu.vector_store %arg20[%swap3A_1138, %swap3A_1139], %swap3A_1142 {strides = array<i32>} : memref<128x128xf32, #tpu.memory_space<vmem>>, vector<1x16xf32>,
        %get3A_1143 = arith.index_cast %add3A_1098 : i32 to index
        %get3A_1144 = arith.constant 64 : index
        %get3A_1145 = tpu.vector_load %arg20[%get3A_1143, %get3A_1144] {strides = array<i32>} : memref<128x128xf32, #tpu.memory_space<vmem>>, vector<1x16xf32>,
        %get3A_1146 = vector.shape_cast %get3A_1145 : vector<1x16xf32> to vector<16xf32>
        %mul3A_1147 = vector.broadcast %squeeze3A_1094 : f32 to vector<16xf32>
        %mul3A_1148 = arith.mulf %get3A_1146, %mul3A_1147 : vector<16xf32>
        %swap3A_1149 = arith.index_cast %add3A_1098 : i32 to index
        %swap3A_1150 = arith.constant 64 : index
        %swap3A_1151 = tpu.vector_load %arg20[%swap3A_1149, %swap3A_1150] {strides = array<i32>} : memref<128x128xf32, #tpu.memory_space<vmem>>, vector<1x16xf32>,
        %swap3A_1152 = vector.shape_cast %swap3A_1151 : vector<1x16xf32> to vector<16xf32>
        %swap3A_1153 = vector.shape_cast %mul3A_1148 : vector<16xf32> to vector<1x16xf32>
        tpu.vector_store %arg20[%swap3A_1149, %swap3A_1150], %swap3A_1153 {strides = array<i32>} : memref<128x128xf32, #tpu.memory_space<vmem>>, vector<1x16xf32>,
        %get3A_1154 = arith.index_cast %add3A_1098 : i32 to index
        %get3A_1155 = arith.constant 80 : index
        %get3A_1156 = tpu.vector_load %arg20[%get3A_1154, %get3A_1155] {strides = array<i32>} : memref<128x128xf32, #tpu.memory_space<vmem>>, vector<1x16xf32>,
        %get3A_1157 = vector.shape_cast %get3A_1156 : vector<1x16xf32> to vector<16xf32>
        %mul3A_1158 = vector.broadcast %squeeze3A_1094 : f32 to vector<16xf32>
        %mul3A_1159 = arith.mulf %get3A_1157, %mul3A_1158 : vector<16xf32>
        %swap3A_1160 = arith.index_cast %add3A_1098 : i32 to index
        %swap3A_1161 = arith.constant 80 : index
        %swap3A_1162 = tpu.vector_load %arg20[%swap3A_1160, %swap3A_1161] {strides = array<i32>} : memref<128x128xf32, #tpu.memory_space<vmem>>, vector<1x16xf32>,
        %swap3A_1163 = vector.shape_cast %swap3A_1162 : vector<1x16xf32> to vector<16xf32>
        %swap3A_1164 = vector.shape_cast %mul3A_1159 : vector<16xf32> to vector<1x16xf32>
        tpu.vector_store %arg20[%swap3A_1160, %swap3A_1161], %swap3A_1164 {strides = array<i32>} : memref<128x128xf32, #tpu.memory_space<vmem>>, vector<1x16xf32>,
        %get3A_1165 = arith.index_cast %add3A_1098 : i32 to index
        %get3A_1166 = arith.constant 96 : index
        %get3A_1167 = tpu.vector_load %arg20[%get3A_1165, %get3A_1166] {strides = array<i32>} : memref<128x128xf32, #tpu.memory_space<vmem>>, vector<1x16xf32>,
        %get3A_1168 = vector.shape_cast %get3A_1167 : vector<1x16xf32> to vector<16xf32>
        %mul3A_1169 = vector.broadcast %squeeze3A_1094 : f32 to vector<16xf32>
        %mul3A_1170 = arith.mulf %get3A_1168, %mul3A_1169 : vector<16xf32>
        %swap3A_1171 = arith.index_cast %add3A_1098 : i32 to index
        %swap3A_1172 = arith.constant 96 : index
        %swap3A_1173 = tpu.vector_load %arg20[%swap3A_1171, %swap3A_1172] {strides = array<i32>} : memref<128x128xf32, #tpu.memory_space<vmem>>, vector<1x16xf32>,
        %swap3A_1174 = vector.shape_cast %swap3A_1173 : vector<1x16xf32> to vector<16xf32>
        %swap3A_1175 = vector.shape_cast %mul3A_1170 : vector<16xf32> to vector<1x16xf32>
        tpu.vector_store %arg20[%swap3A_1171, %swap3A_1172], %swap3A_1175 {strides = array<i32>} : memref<128x128xf32, #tpu.memory_space<vmem>>, vector<1x16xf32>,
        %get3A_1176 = arith.index_cast %add3A_1098 : i32 to index
        %get3A_1177 = arith.constant 112 : index
        %get3A_1178 = tpu.vector_load %arg20[%get3A_1176, %get3A_1177] {strides = array<i32>} : memref<128x128xf32, #tpu.memory_space<vmem>>, vector<1x16xf32>,
        %get3A_1179 = vector.shape_cast %get3A_1178 : vector<1x16xf32> to vector<16xf32>
        %mul3A_1180 = vector.broadcast %squeeze3A_1094 : f32 to vector<16xf32>
        %mul3A_1181 = arith.mulf %get3A_1179, %mul3A_1180 : vector<16xf32>
        %swap3A_1182 = arith.index_cast %add3A_1098 : i32 to index
        %swap3A_1183 = arith.constant 112 : index
        %swap3A_1184 = tpu.vector_load %arg20[%swap3A_1182, %swap3A_1183] {strides = array<i32>} : memref<128x128xf32, #tpu.memory_space<vmem>>, vector<1x16xf32>,
        %swap3A_1185 = vector.shape_cast %swap3A_1184 : vector<1x16xf32> to vector<16xf32>
        %swap3A_1186 = vector.shape_cast %mul3A_1181 : vector<16xf32> to vector<1x16xf32>
        tpu.vector_store %arg20[%swap3A_1182, %swap3A_1183], %swap3A_1186 {strides = array<i32>} : memref<128x128xf32, #tpu.memory_space<vmem>>, vector<1x16xf32>,
        %slice3A_1187 = vector.extract_strided_slice %get3A_530 {offsets = [7], sizes = [1], strides = [1]} : vector<16xf32> to vector<1xf32>
        %squeeze3A_1188 = vector.extract %slice3A_1187[0] : f32 from vector<1xf32>
        %mul3A_1189 = arith.constant 16 : i32
        %mul3A_1190 = arith.muli %scan3A_526, %mul3A_1189 : i32
        %add3A_1191 = arith.constant 7 : i32
        %add3A_1192 = arith.addi %mul3A_1190, %add3A_1191 : i32
        %get3A_1193 = arith.index_cast %add3A_1192 : i32 to index
        %get3A_1194 = arith.constant 0 : index
        %get3A_1195 = tpu.vector_load %arg20[%get3A_1193, %get3A_1194] {strides = array<i32>} : memref<128x128xf32, #tpu.memory_space<vmem>>, vector<1x16xf32>,
        %get3A_1196 = vector.shape_cast %get3A_1195 : vector<1x16xf32> to vector<16xf32>
        %mul3A_1197 = vector.broadcast %squeeze3A_1188 : f32 to vector<16xf32>
        %mul3A_1198 = arith.mulf %get3A_1196, %mul3A_1197 : vector<16xf32>
        %swap3A_1199 = arith.index_cast %add3A_1192 : i32 to index
        %swap3A_1200 = arith.constant 0 : index
        %swap3A_1201 = tpu.vector_load %arg20[%swap3A_1199, %swap3A_1200] {strides = array<i32>} : memref<128x128xf32, #tpu.memory_space<vmem>>, vector<1x16xf32>,
        %swap3A_1202 = vector.shape_cast %swap3A_1201 : vector<1x16xf32> to vector<16xf32>
        %swap3A_1203 = vector.shape_cast %mul3A_1198 : vector<16xf32> to vector<1x16xf32>
        tpu.vector_store %arg20[%swap3A_1199, %swap3A_1200], %swap3A_1203 {strides = array<i32>} : memref<128x128xf32, #tpu.memory_space<vmem>>, vector<1x16xf32>,
        %get3A_1204 = arith.index_cast %add3A_1192 : i32 to index
        %get3A_1205 = arith.constant 16 : index
        %get3A_1206 = tpu.vector_load %arg20[%get3A_1204, %get3A_1205] {strides = array<i32>} : memref<128x128xf32, #tpu.memory_space<vmem>>, vector<1x16xf32>,
        %get3A_1207 = vector.shape_cast %get3A_1206 : vector<1x16xf32> to vector<16xf32>
        %mul3A_1208 = vector.broadcast %squeeze3A_1188 : f32 to vector<16xf32>
        %mul3A_1209 = arith.mulf %get3A_1207, %mul3A_1208 : vector<16xf32>
        %swap3A_1210 = arith.index_cast %add3A_1192 : i32 to index
        %swap3A_1211 = arith.constant 16 : index
        %swap3A_1212 = tpu.vector_load %arg20[%swap3A_1210, %swap3A_1211] {strides = array<i32>} : memref<128x128xf32, #tpu.memory_space<vmem>>, vector<1x16xf32>,
        %swap3A_1213 = vector.shape_cast %swap3A_1212 : vector<1x16xf32> to vector<16xf32>
        %swap3A_1214 = vector.shape_cast %mul3A_1209 : vector<16xf32> to vector<1x16xf32>
        tpu.vector_store %arg20[%swap3A_1210, %swap3A_1211], %swap3A_1214 {strides = array<i32>} : memref<128x128xf32, #tpu.memory_space<vmem>>, vector<1x16xf32>,
        %get3A_1215 = arith.index_cast %add3A_1192 : i32 to index
        %get3A_1216 = arith.constant 32 : index
        %get3A_1217 = tpu.vector_load %arg20[%get3A_1215, %get3A_1216] {strides = array<i32>} : memref<128x128xf32, #tpu.memory_space<vmem>>, vector<1x16xf32>,
        %get3A_1218 = vector.shape_cast %get3A_1217 : vector<1x16xf32> to vector<16xf32>
        %mul3A_1219 = vector.broadcast %squeeze3A_1188 : f32 to vector<16xf32>
        %mul3A_1220 = arith.mulf %get3A_1218, %mul3A_1219 : vector<16xf32>
        %swap3A_1221 = arith.index_cast %add3A_1192 : i32 to index
        %swap3A_1222 = arith.constant 32 : index
        %swap3A_1223 = tpu.vector_load %arg20[%swap3A_1221, %swap3A_1222] {strides = array<i32>} : memref<128x128xf32, #tpu.memory_space<vmem>>, vector<1x16xf32>,
        %swap3A_1224 = vector.shape_cast %swap3A_1223 : vector<1x16xf32> to vector<16xf32>
        %swap3A_1225 = vector.shape_cast %mul3A_1220 : vector<16xf32> to vector<1x16xf32>
        tpu.vector_store %arg20[%swap3A_1221, %swap3A_1222], %swap3A_1225 {strides = array<i32>} : memref<128x128xf32, #tpu.memory_space<vmem>>, vector<1x16xf32>,
        %get3A_1226 = arith.index_cast %add3A_1192 : i32 to index
        %get3A_1227 = arith.constant 48 : index
        %get3A_1228 = tpu.vector_load %arg20[%get3A_1226, %get3A_1227] {strides = array<i32>} : memref<128x128xf32, #tpu.memory_space<vmem>>, vector<1x16xf32>,
        %get3A_1229 = vector.shape_cast %get3A_1228 : vector<1x16xf32> to vector<16xf32>
        %mul3A_1230 = vector.broadcast %squeeze3A_1188 : f32 to vector<16xf32>
        %mul3A_1231 = arith.mulf %get3A_1229, %mul3A_1230 : vector<16xf32>
        %swap3A_1232 = arith.index_cast %add3A_1192 : i32 to index
        %swap3A_1233 = arith.constant 48 : index
        %swap3A_1234 = tpu.vector_load %arg20[%swap3A_1232, %swap3A_1233] {strides = array<i32>} : memref<128x128xf32, #tpu.memory_space<vmem>>, vector<1x16xf32>,
        %swap3A_1235 = vector.shape_cast %swap3A_1234 : vector<1x16xf32> to vector<16xf32>
        %swap3A_1236 = vector.shape_cast %mul3A_1231 : vector<16xf32> to vector<1x16xf32>
        tpu.vector_store %arg20[%swap3A_1232, %swap3A_1233], %swap3A_1236 {strides = array<i32>} : memref<128x128xf32, #tpu.memory_space<vmem>>, vector<1x16xf32>,
        %get3A_1237 = arith.index_cast %add3A_1192 : i32 to index
        %get3A_1238 = arith.constant 64 : index
        %get3A_1239 = tpu.vector_load %arg20[%get3A_1237, %get3A_1238] {strides = array<i32>} : memref<128x128xf32, #tpu.memory_space<vmem>>, vector<1x16xf32>,
        %get3A_1240 = vector.shape_cast %get3A_1239 : vector<1x16xf32> to vector<16xf32>
        %mul3A_1241 = vector.broadcast %squeeze3A_1188 : f32 to vector<16xf32>
        %mul3A_1242 = arith.mulf %get3A_1240, %mul3A_1241 : vector<16xf32>
        %swap3A_1243 = arith.index_cast %add3A_1192 : i32 to index
        %swap3A_1244 = arith.constant 64 : index
        %swap3A_1245 = tpu.vector_load %arg20[%swap3A_1243, %swap3A_1244] {strides = array<i32>} : memref<128x128xf32, #tpu.memory_space<vmem>>, vector<1x16xf32>,
        %swap3A_1246 = vector.shape_cast %swap3A_1245 : vector<1x16xf32> to vector<16xf32>
        %swap3A_1247 = vector.shape_cast %mul3A_1242 : vector<16xf32> to vector<1x16xf32>
        tpu.vector_store %arg20[%swap3A_1243, %swap3A_1244], %swap3A_1247 {strides = array<i32>} : memref<128x128xf32, #tpu.memory_space<vmem>>, vector<1x16xf32>,
        %get3A_1248 = arith.index_cast %add3A_1192 : i32 to index
        %get3A_1249 = arith.constant 80 : index
        %get3A_1250 = tpu.vector_load %arg20[%get3A_1248, %get3A_1249] {strides = array<i32>} : memref<128x128xf32, #tpu.memory_space<vmem>>, vector<1x16xf32>,
        %get3A_1251 = vector.shape_cast %get3A_1250 : vector<1x16xf32> to vector<16xf32>
        %mul3A_1252 = vector.broadcast %squeeze3A_1188 : f32 to vector<16xf32>
        %mul3A_1253 = arith.mulf %get3A_1251, %mul3A_1252 : vector<16xf32>
        %swap3A_1254 = arith.index_cast %add3A_1192 : i32 to index
        %swap3A_1255 = arith.constant 80 : index
        %swap3A_1256 = tpu.vector_load %arg20[%swap3A_1254, %swap3A_1255] {strides = array<i32>} : memref<128x128xf32, #tpu.memory_space<vmem>>, vector<1x16xf32>,
        %swap3A_1257 = vector.shape_cast %swap3A_1256 : vector<1x16xf32> to vector<16xf32>
        %swap3A_1258 = vector.shape_cast %mul3A_1253 : vector<16xf32> to vector<1x16xf32>
        tpu.vector_store %arg20[%swap3A_1254, %swap3A_1255], %swap3A_1258 {strides = array<i32>} : memref<128x128xf32, #tpu.memory_space<vmem>>, vector<1x16xf32>,
        %get3A_1259 = arith.index_cast %add3A_1192 : i32 to index
        %get3A_1260 = arith.constant 96 : index
        %get3A_1261 = tpu.vector_load %arg20[%get3A_1259, %get3A_1260] {strides = array<i32>} : memref<128x128xf32, #tpu.memory_space<vmem>>, vector<1x16xf32>,
        %get3A_1262 = vector.shape_cast %get3A_1261 : vector<1x16xf32> to vector<16xf32>
        %mul3A_1263 = vector.broadcast %squeeze3A_1188 : f32 to vector<16xf32>
        %mul3A_1264 = arith.mulf %get3A_1262, %mul3A_1263 : vector<16xf32>
        %swap3A_1265 = arith.index_cast %add3A_1192 : i32 to index
        %swap3A_1266 = arith.constant 96 : index
        %swap3A_1267 = tpu.vector_load %arg20[%swap3A_1265, %swap3A_1266] {strides = array<i32>} : memref<128x128xf32, #tpu.memory_space<vmem>>, vector<1x16xf32>,
        %swap3A_1268 = vector.shape_cast %swap3A_1267 : vector<1x16xf32> to vector<16xf32>
        %swap3A_1269 = vector.shape_cast %mul3A_1264 : vector<16xf32> to vector<1x16xf32>
        tpu.vector_store %arg20[%swap3A_1265, %swap3A_1266], %swap3A_1269 {strides = array<i32>} : memref<128x128xf32, #tpu.memory_space<vmem>>, vector<1x16xf32>,
        %get3A_1270 = arith.index_cast %add3A_1192 : i32 to index
        %get3A_1271 = arith.constant 112 : index
        %get3A_1272 = tpu.vector_load %arg20[%get3A_1270, %get3A_1271] {strides = array<i32>} : memref<128x128xf32, #tpu.memory_space<vmem>>, vector<1x16xf32>,
        %get3A_1273 = vector.shape_cast %get3A_1272 : vector<1x16xf32> to vector<16xf32>
        %mul3A_1274 = vector.broadcast %squeeze3A_1188 : f32 to vector<16xf32>
        %mul3A_1275 = arith.mulf %get3A_1273, %mul3A_1274 : vector<16xf32>
        %swap3A_1276 = arith.index_cast %add3A_1192 : i32 to index
        %swap3A_1277 = arith.constant 112 : index
        %swap3A_1278 = tpu.vector_load %arg20[%swap3A_1276, %swap3A_1277] {strides = array<i32>} : memref<128x128xf32, #tpu.memory_space<vmem>>, vector<1x16xf32>,
        %swap3A_1279 = vector.shape_cast %swap3A_1278 : vector<1x16xf32> to vector<16xf32>
        %swap3A_1280 = vector.shape_cast %mul3A_1275 : vector<16xf32> to vector<1x16xf32>
        tpu.vector_store %arg20[%swap3A_1276, %swap3A_1277], %swap3A_1280 {strides = array<i32>} : memref<128x128xf32, #tpu.memory_space<vmem>>, vector<1x16xf32>,
        %slice3A_1281 = vector.extract_strided_slice %get3A_530 {offsets = [8], sizes = [1], strides = [1]} : vector<16xf32> to vector<1xf32>
        %squeeze3A_1282 = vector.extract %slice3A_1281[0] : f32 from vector<1xf32>
        %mul3A_1283 = arith.constant 16 : i32
        %mul3A_1284 = arith.muli %scan3A_526, %mul3A_1283 : i32
        %add3A_1285 = arith.constant 8 : i32
        %add3A_1286 = arith.addi %mul3A_1284, %add3A_1285 : i32
        %get3A_1287 = arith.index_cast %add3A_1286 : i32 to index
        %get3A_1288 = arith.constant 0 : index
        %get3A_1289 = tpu.vector_load %arg20[%get3A_1287, %get3A_1288] {strides = array<i32>} : memref<128x128xf32, #tpu.memory_space<vmem>>, vector<1x16xf32>,
        %get3A_1290 = vector.shape_cast %get3A_1289 : vector<1x16xf32> to vector<16xf32>
        %mul3A_1291 = vector.broadcast %squeeze3A_1282 : f32 to vector<16xf32>
        %mul3A_1292 = arith.mulf %get3A_1290, %mul3A_1291 : vector<16xf32>
        %swap3A_1293 = arith.index_cast %add3A_1286 : i32 to index
        %swap3A_1294 = arith.constant 0 : index
        %swap3A_1295 = tpu.vector_load %arg20[%swap3A_1293, %swap3A_1294] {strides = array<i32>} : memref<128x128xf32, #tpu.memory_space<vmem>>, vector<1x16xf32>,
        %swap3A_1296 = vector.shape_cast %swap3A_1295 : vector<1x16xf32> to vector<16xf32>
        %swap3A_1297 = vector.shape_cast %mul3A_1292 : vector<16xf32> to vector<1x16xf32>
        tpu.vector_store %arg20[%swap3A_1293, %swap3A_1294], %swap3A_1297 {strides = array<i32>} : memref<128x128xf32, #tpu.memory_space<vmem>>, vector<1x16xf32>,
        %get3A_1298 = arith.index_cast %add3A_1286 : i32 to index
        %get3A_1299 = arith.constant 16 : index
        %get3A_1300 = tpu.vector_load %arg20[%get3A_1298, %get3A_1299] {strides = array<i32>} : memref<128x128xf32, #tpu.memory_space<vmem>>, vector<1x16xf32>,
        %get3A_1301 = vector.shape_cast %get3A_1300 : vector<1x16xf32> to vector<16xf32>
        %mul3A_1302 = vector.broadcast %squeeze3A_1282 : f32 to vector<16xf32>
        %mul3A_1303 = arith.mulf %get3A_1301, %mul3A_1302 : vector<16xf32>
        %swap3A_1304 = arith.index_cast %add3A_1286 : i32 to index
        %swap3A_1305 = arith.constant 16 : index
        %swap3A_1306 = tpu.vector_load %arg20[%swap3A_1304, %swap3A_1305] {strides = array<i32>} : memref<128x128xf32, #tpu.memory_space<vmem>>, vector<1x16xf32>,
        %swap3A_1307 = vector.shape_cast %swap3A_1306 : vector<1x16xf32> to vector<16xf32>
        %swap3A_1308 = vector.shape_cast %mul3A_1303 : vector<16xf32> to vector<1x16xf32>
        tpu.vector_store %arg20[%swap3A_1304, %swap3A_1305], %swap3A_1308 {strides = array<i32>} : memref<128x128xf32, #tpu.memory_space<vmem>>, vector<1x16xf32>,
        %get3A_1309 = arith.index_cast %add3A_1286 : i32 to index
        %get3A_1310 = arith.constant 32 : index
        %get3A_1311 = tpu.vector_load %arg20[%get3A_1309, %get3A_1310] {strides = array<i32>} : memref<128x128xf32, #tpu.memory_space<vmem>>, vector<1x16xf32>,
        %get3A_1312 = vector.shape_cast %get3A_1311 : vector<1x16xf32> to vector<16xf32>
        %mul3A_1313 = vector.broadcast %squeeze3A_1282 : f32 to vector<16xf32>
        %mul3A_1314 = arith.mulf %get3A_1312, %mul3A_1313 : vector<16xf32>
        %swap3A_1315 = arith.index_cast %add3A_1286 : i32 to index
        %swap3A_1316 = arith.constant 32 : index
        %swap3A_1317 = tpu.vector_load %arg20[%swap3A_1315, %swap3A_1316] {strides = array<i32>} : memref<128x128xf32, #tpu.memory_space<vmem>>, vector<1x16xf32>,
        %swap3A_1318 = vector.shape_cast %swap3A_1317 : vector<1x16xf32> to vector<16xf32>
        %swap3A_1319 = vector.shape_cast %mul3A_1314 : vector<16xf32> to vector<1x16xf32>
        tpu.vector_store %arg20[%swap3A_1315, %swap3A_1316], %swap3A_1319 {strides = array<i32>} : memref<128x128xf32, #tpu.memory_space<vmem>>, vector<1x16xf32>,
        %get3A_1320 = arith.index_cast %add3A_1286 : i32 to index
        %get3A_1321 = arith.constant 48 : index
        %get3A_1322 = tpu.vector_load %arg20[%get3A_1320, %get3A_1321] {strides = array<i32>} : memref<128x128xf32, #tpu.memory_space<vmem>>, vector<1x16xf32>,
        %get3A_1323 = vector.shape_cast %get3A_1322 : vector<1x16xf32> to vector<16xf32>
        %mul3A_1324 = vector.broadcast %squeeze3A_1282 : f32 to vector<16xf32>
        %mul3A_1325 = arith.mulf %get3A_1323, %mul3A_1324 : vector<16xf32>
        %swap3A_1326 = arith.index_cast %add3A_1286 : i32 to index
        %swap3A_1327 = arith.constant 48 : index
        %swap3A_1328 = tpu.vector_load %arg20[%swap3A_1326, %swap3A_1327] {strides = array<i32>} : memref<128x128xf32, #tpu.memory_space<vmem>>, vector<1x16xf32>,
        %swap3A_1329 = vector.shape_cast %swap3A_1328 : vector<1x16xf32> to vector<16xf32>
        %swap3A_1330 = vector.shape_cast %mul3A_1325 : vector<16xf32> to vector<1x16xf32>
        tpu.vector_store %arg20[%swap3A_1326, %swap3A_1327], %swap3A_1330 {strides = array<i32>} : memref<128x128xf32, #tpu.memory_space<vmem>>, vector<1x16xf32>,
        %get3A_1331 = arith.index_cast %add3A_1286 : i32 to index
        %get3A_1332 = arith.constant 64 : index
        %get3A_1333 = tpu.vector_load %arg20[%get3A_1331, %get3A_1332] {strides = array<i32>} : memref<128x128xf32, #tpu.memory_space<vmem>>, vector<1x16xf32>,
        %get3A_1334 = vector.shape_cast %get3A_1333 : vector<1x16xf32> to vector<16xf32>
        %mul3A_1335 = vector.broadcast %squeeze3A_1282 : f32 to vector<16xf32>
        %mul3A_1336 = arith.mulf %get3A_1334, %mul3A_1335 : vector<16xf32>
        %swap3A_1337 = arith.index_cast %add3A_1286 : i32 to index
        %swap3A_1338 = arith.constant 64 : index
        %swap3A_1339 = tpu.vector_load %arg20[%swap3A_1337, %swap3A_1338] {strides = array<i32>} : memref<128x128xf32, #tpu.memory_space<vmem>>, vector<1x16xf32>,
        %swap3A_1340 = vector.shape_cast %swap3A_1339 : vector<1x16xf32> to vector<16xf32>
        %swap3A_1341 = vector.shape_cast %mul3A_1336 : vector<16xf32> to vector<1x16xf32>
        tpu.vector_store %arg20[%swap3A_1337, %swap3A_1338], %swap3A_1341 {strides = array<i32>} : memref<128x128xf32, #tpu.memory_space<vmem>>, vector<1x16xf32>,
        %get3A_1342 = arith.index_cast %add3A_1286 : i32 to index
        %get3A_1343 = arith.constant 80 : index
        %get3A_1344 = tpu.vector_load %arg20[%get3A_1342, %get3A_1343] {strides = array<i32>} : memref<128x128xf32, #tpu.memory_space<vmem>>, vector<1x16xf32>,
        %get3A_1345 = vector.shape_cast %get3A_1344 : vector<1x16xf32> to vector<16xf32>
        %mul3A_1346 = vector.broadcast %squeeze3A_1282 : f32 to vector<16xf32>
        %mul3A_1347 = arith.mulf %get3A_1345, %mul3A_1346 : vector<16xf32>
        %swap3A_1348 = arith.index_cast %add3A_1286 : i32 to index
        %swap3A_1349 = arith.constant 80 : index
        %swap3A_1350 = tpu.vector_load %arg20[%swap3A_1348, %swap3A_1349] {strides = array<i32>} : memref<128x128xf32, #tpu.memory_space<vmem>>, vector<1x16xf32>,
        %swap3A_1351 = vector.shape_cast %swap3A_1350 : vector<1x16xf32> to vector<16xf32>
        %swap3A_1352 = vector.shape_cast %mul3A_1347 : vector<16xf32> to vector<1x16xf32>
        tpu.vector_store %arg20[%swap3A_1348, %swap3A_1349], %swap3A_1352 {strides = array<i32>} : memref<128x128xf32, #tpu.memory_space<vmem>>, vector<1x16xf32>,
        %get3A_1353 = arith.index_cast %add3A_1286 : i32 to index
        %get3A_1354 = arith.constant 96 : index
        %get3A_1355 = tpu.vector_load %arg20[%get3A_1353, %get3A_1354] {strides = array<i32>} : memref<128x128xf32, #tpu.memory_space<vmem>>, vector<1x16xf32>,
        %get3A_1356 = vector.shape_cast %get3A_1355 : vector<1x16xf32> to vector<16xf32>
        %mul3A_1357 = vector.broadcast %squeeze3A_1282 : f32 to vector<16xf32>
        %mul3A_1358 = arith.mulf %get3A_1356, %mul3A_1357 : vector<16xf32>
        %swap3A_1359 = arith.index_cast %add3A_1286 : i32 to index
        %swap3A_1360 = arith.constant 96 : index
        %swap3A_1361 = tpu.vector_load %arg20[%swap3A_1359, %swap3A_1360] {strides = array<i32>} : memref<128x128xf32, #tpu.memory_space<vmem>>, vector<1x16xf32>,
        %swap3A_1362 = vector.shape_cast %swap3A_1361 : vector<1x16xf32> to vector<16xf32>
        %swap3A_1363 = vector.shape_cast %mul3A_1358 : vector<16xf32> to vector<1x16xf32>
        tpu.vector_store %arg20[%swap3A_1359, %swap3A_1360], %swap3A_1363 {strides = array<i32>} : memref<128x128xf32, #tpu.memory_space<vmem>>, vector<1x16xf32>,
        %get3A_1364 = arith.index_cast %add3A_1286 : i32 to index
        %get3A_1365 = arith.constant 112 : index
        %get3A_1366 = tpu.vector_load %arg20[%get3A_1364, %get3A_1365] {strides = array<i32>} : memref<128x128xf32, #tpu.memory_space<vmem>>, vector<1x16xf32>,
        %get3A_1367 = vector.shape_cast %get3A_1366 : vector<1x16xf32> to vector<16xf32>
        %mul3A_1368 = vector.broadcast %squeeze3A_1282 : f32 to vector<16xf32>
        %mul3A_1369 = arith.mulf %get3A_1367, %mul3A_1368 : vector<16xf32>
        %swap3A_1370 = arith.index_cast %add3A_1286 : i32 to index
        %swap3A_1371 = arith.constant 112 : index
        %swap3A_1372 = tpu.vector_load %arg20[%swap3A_1370, %swap3A_1371] {strides = array<i32>} : memref<128x128xf32, #tpu.memory_space<vmem>>, vector<1x16xf32>,
        %swap3A_1373 = vector.shape_cast %swap3A_1372 : vector<1x16xf32> to vector<16xf32>
        %swap3A_1374 = vector.shape_cast %mul3A_1369 : vector<16xf32> to vector<1x16xf32>
        tpu.vector_store %arg20[%swap3A_1370, %swap3A_1371], %swap3A_1374 {strides = array<i32>} : memref<128x128xf32, #tpu.memory_space<vmem>>, vector<1x16xf32>,
        %slice3A_1375 = vector.extract_strided_slice %get3A_530 {offsets = [9], sizes = [1], strides = [1]} : vector<16xf32> to vector<1xf32>
        %squeeze3A_1376 = vector.extract %slice3A_1375[0] : f32 from vector<1xf32>
        %mul3A_1377 = arith.constant 16 : i32
        %mul3A_1378 = arith.muli %scan3A_526, %mul3A_1377 : i32
        %add3A_1379 = arith.constant 9 : i32
        %add3A_1380 = arith.addi %mul3A_1378, %add3A_1379 : i32
        %get3A_1381 = arith.index_cast %add3A_1380 : i32 to index
        %get3A_1382 = arith.constant 0 : index
        %get3A_1383 = tpu.vector_load %arg20[%get3A_1381, %get3A_1382] {strides = array<i32>} : memref<128x128xf32, #tpu.memory_space<vmem>>, vector<1x16xf32>,
        %get3A_1384 = vector.shape_cast %get3A_1383 : vector<1x16xf32> to vector<16xf32>
        %mul3A_1385 = vector.broadcast %squeeze3A_1376 : f32 to vector<16xf32>
        %mul3A_1386 = arith.mulf %get3A_1384, %mul3A_1385 : vector<16xf32>
        %swap3A_1387 = arith.index_cast %add3A_1380 : i32 to index
        %swap3A_1388 = arith.constant 0 : index
        %swap3A_1389 = tpu.vector_load %arg20[%swap3A_1387, %swap3A_1388] {strides = array<i32>} : memref<128x128xf32, #tpu.memory_space<vmem>>, vector<1x16xf32>,
        %swap3A_1390 = vector.shape_cast %swap3A_1389 : vector<1x16xf32> to vector<16xf32>
        %swap3A_1391 = vector.shape_cast %mul3A_1386 : vector<16xf32> to vector<1x16xf32>
        tpu.vector_store %arg20[%swap3A_1387, %swap3A_1388], %swap3A_1391 {strides = array<i32>} : memref<128x128xf32, #tpu.memory_space<vmem>>, vector<1x16xf32>,
        %get3A_1392 = arith.index_cast %add3A_1380 : i32 to index
        %get3A_1393 = arith.constant 16 : index
        %get3A_1394 = tpu.vector_load %arg20[%get3A_1392, %get3A_1393] {strides = array<i32>} : memref<128x128xf32, #tpu.memory_space<vmem>>, vector<1x16xf32>,
        %get3A_1395 = vector.shape_cast %get3A_1394 : vector<1x16xf32> to vector<16xf32>
        %mul3A_1396 = vector.broadcast %squeeze3A_1376 : f32 to vector<16xf32>
        %mul3A_1397 = arith.mulf %get3A_1395, %mul3A_1396 : vector<16xf32>
        %swap3A_1398 = arith.index_cast %add3A_1380 : i32 to index
        %swap3A_1399 = arith.constant 16 : index
        %swap3A_1400 = tpu.vector_load %arg20[%swap3A_1398, %swap3A_1399] {strides = array<i32>} : memref<128x128xf32, #tpu.memory_space<vmem>>, vector<1x16xf32>,
        %swap3A_1401 = vector.shape_cast %swap3A_1400 : vector<1x16xf32> to vector<16xf32>
        %swap3A_1402 = vector.shape_cast %mul3A_1397 : vector<16xf32> to vector<1x16xf32>
        tpu.vector_store %arg20[%swap3A_1398, %swap3A_1399], %swap3A_1402 {strides = array<i32>} : memref<128x128xf32, #tpu.memory_space<vmem>>, vector<1x16xf32>,
        %get3A_1403 = arith.index_cast %add3A_1380 : i32 to index
        %get3A_1404 = arith.constant 32 : index
        %get3A_1405 = tpu.vector_load %arg20[%get3A_1403, %get3A_1404] {strides = array<i32>} : memref<128x128xf32, #tpu.memory_space<vmem>>, vector<1x16xf32>,
        %get3A_1406 = vector.shape_cast %get3A_1405 : vector<1x16xf32> to vector<16xf32>
        %mul3A_1407 = vector.broadcast %squeeze3A_1376 : f32 to vector<16xf32>
        %mul3A_1408 = arith.mulf %get3A_1406, %mul3A_1407 : vector<16xf32>
        %swap3A_1409 = arith.index_cast %add3A_1380 : i32 to index
        %swap3A_1410 = arith.constant 32 : index
        %swap3A_1411 = tpu.vector_load %arg20[%swap3A_1409, %swap3A_1410] {strides = array<i32>} : memref<128x128xf32, #tpu.memory_space<vmem>>, vector<1x16xf32>,
        %swap3A_1412 = vector.shape_cast %swap3A_1411 : vector<1x16xf32> to vector<16xf32>
        %swap3A_1413 = vector.shape_cast %mul3A_1408 : vector<16xf32> to vector<1x16xf32>
        tpu.vector_store %arg20[%swap3A_1409, %swap3A_1410], %swap3A_1413 {strides = array<i32>} : memref<128x128xf32, #tpu.memory_space<vmem>>, vector<1x16xf32>,
        %get3A_1414 = arith.index_cast %add3A_1380 : i32 to index
        %get3A_1415 = arith.constant 48 : index
        %get3A_1416 = tpu.vector_load %arg20[%get3A_1414, %get3A_1415] {strides = array<i32>} : memref<128x128xf32, #tpu.memory_space<vmem>>, vector<1x16xf32>,
        %get3A_1417 = vector.shape_cast %get3A_1416 : vector<1x16xf32> to vector<16xf32>
        %mul3A_1418 = vector.broadcast %squeeze3A_1376 : f32 to vector<16xf32>
        %mul3A_1419 = arith.mulf %get3A_1417, %mul3A_1418 : vector<16xf32>
        %swap3A_1420 = arith.index_cast %add3A_1380 : i32 to index
        %swap3A_1421 = arith.constant 48 : index
        %swap3A_1422 = tpu.vector_load %arg20[%swap3A_1420, %swap3A_1421] {strides = array<i32>} : memref<128x128xf32, #tpu.memory_space<vmem>>, vector<1x16xf32>,
        %swap3A_1423 = vector.shape_cast %swap3A_1422 : vector<1x16xf32> to vector<16xf32>
        %swap3A_1424 = vector.shape_cast %mul3A_1419 : vector<16xf32> to vector<1x16xf32>
        tpu.vector_store %arg20[%swap3A_1420, %swap3A_1421], %swap3A_1424 {strides = array<i32>} : memref<128x128xf32, #tpu.memory_space<vmem>>, vector<1x16xf32>,
        %get3A_1425 = arith.index_cast %add3A_1380 : i32 to index
        %get3A_1426 = arith.constant 64 : index
        %get3A_1427 = tpu.vector_load %arg20[%get3A_1425, %get3A_1426] {strides = array<i32>} : memref<128x128xf32, #tpu.memory_space<vmem>>, vector<1x16xf32>,
        %get3A_1428 = vector.shape_cast %get3A_1427 : vector<1x16xf32> to vector<16xf32>
        %mul3A_1429 = vector.broadcast %squeeze3A_1376 : f32 to vector<16xf32>
        %mul3A_1430 = arith.mulf %get3A_1428, %mul3A_1429 : vector<16xf32>
        %swap3A_1431 = arith.index_cast %add3A_1380 : i32 to index
        %swap3A_1432 = arith.constant 64 : index
        %swap3A_1433 = tpu.vector_load %arg20[%swap3A_1431, %swap3A_1432] {strides = array<i32>} : memref<128x128xf32, #tpu.memory_space<vmem>>, vector<1x16xf32>,
        %swap3A_1434 = vector.shape_cast %swap3A_1433 : vector<1x16xf32> to vector<16xf32>
        %swap3A_1435 = vector.shape_cast %mul3A_1430 : vector<16xf32> to vector<1x16xf32>
        tpu.vector_store %arg20[%swap3A_1431, %swap3A_1432], %swap3A_1435 {strides = array<i32>} : memref<128x128xf32, #tpu.memory_space<vmem>>, vector<1x16xf32>,
        %get3A_1436 = arith.index_cast %add3A_1380 : i32 to index
        %get3A_1437 = arith.constant 80 : index
        %get3A_1438 = tpu.vector_load %arg20[%get3A_1436, %get3A_1437] {strides = array<i32>} : memref<128x128xf32, #tpu.memory_space<vmem>>, vector<1x16xf32>,
        %get3A_1439 = vector.shape_cast %get3A_1438 : vector<1x16xf32> to vector<16xf32>
        %mul3A_1440 = vector.broadcast %squeeze3A_1376 : f32 to vector<16xf32>
        %mul3A_1441 = arith.mulf %get3A_1439, %mul3A_1440 : vector<16xf32>
        %swap3A_1442 = arith.index_cast %add3A_1380 : i32 to index
        %swap3A_1443 = arith.constant 80 : index
        %swap3A_1444 = tpu.vector_load %arg20[%swap3A_1442, %swap3A_1443] {strides = array<i32>} : memref<128x128xf32, #tpu.memory_space<vmem>>, vector<1x16xf32>,
        %swap3A_1445 = vector.shape_cast %swap3A_1444 : vector<1x16xf32> to vector<16xf32>
        %swap3A_1446 = vector.shape_cast %mul3A_1441 : vector<16xf32> to vector<1x16xf32>
        tpu.vector_store %arg20[%swap3A_1442, %swap3A_1443], %swap3A_1446 {strides = array<i32>} : memref<128x128xf32, #tpu.memory_space<vmem>>, vector<1x16xf32>,
        %get3A_1447 = arith.index_cast %add3A_1380 : i32 to index
        %get3A_1448 = arith.constant 96 : index
        %get3A_1449 = tpu.vector_load %arg20[%get3A_1447, %get3A_1448] {strides = array<i32>} : memref<128x128xf32, #tpu.memory_space<vmem>>, vector<1x16xf32>,
        %get3A_1450 = vector.shape_cast %get3A_1449 : vector<1x16xf32> to vector<16xf32>
        %mul3A_1451 = vector.broadcast %squeeze3A_1376 : f32 to vector<16xf32>
        %mul3A_1452 = arith.mulf %get3A_1450, %mul3A_1451 : vector<16xf32>
        %swap3A_1453 = arith.index_cast %add3A_1380 : i32 to index
        %swap3A_1454 = arith.constant 96 : index
        %swap3A_1455 = tpu.vector_load %arg20[%swap3A_1453, %swap3A_1454] {strides = array<i32>} : memref<128x128xf32, #tpu.memory_space<vmem>>, vector<1x16xf32>,
        %swap3A_1456 = vector.shape_cast %swap3A_1455 : vector<1x16xf32> to vector<16xf32>
        %swap3A_1457 = vector.shape_cast %mul3A_1452 : vector<16xf32> to vector<1x16xf32>
        tpu.vector_store %arg20[%swap3A_1453, %swap3A_1454], %swap3A_1457 {strides = array<i32>} : memref<128x128xf32, #tpu.memory_space<vmem>>, vector<1x16xf32>,
        %get3A_1458 = arith.index_cast %add3A_1380 : i32 to index
        %get3A_1459 = arith.constant 112 : index
        %get3A_1460 = tpu.vector_load %arg20[%get3A_1458, %get3A_1459] {strides = array<i32>} : memref<128x128xf32, #tpu.memory_space<vmem>>, vector<1x16xf32>,
        %get3A_1461 = vector.shape_cast %get3A_1460 : vector<1x16xf32> to vector<16xf32>
        %mul3A_1462 = vector.broadcast %squeeze3A_1376 : f32 to vector<16xf32>
        %mul3A_1463 = arith.mulf %get3A_1461, %mul3A_1462 : vector<16xf32>
        %swap3A_1464 = arith.index_cast %add3A_1380 : i32 to index
        %swap3A_1465 = arith.constant 112 : index
        %swap3A_1466 = tpu.vector_load %arg20[%swap3A_1464, %swap3A_1465] {strides = array<i32>} : memref<128x128xf32, #tpu.memory_space<vmem>>, vector<1x16xf32>,
        %swap3A_1467 = vector.shape_cast %swap3A_1466 : vector<1x16xf32> to vector<16xf32>
        %swap3A_1468 = vector.shape_cast %mul3A_1463 : vector<16xf32> to vector<1x16xf32>
        tpu.vector_store %arg20[%swap3A_1464, %swap3A_1465], %swap3A_1468 {strides = array<i32>} : memref<128x128xf32, #tpu.memory_space<vmem>>, vector<1x16xf32>,
        %slice3A_1469 = vector.extract_strided_slice %get3A_530 {offsets = [10], sizes = [1], strides = [1]} : vector<16xf32> to vector<1xf32>
        %squeeze3A_1470 = vector.extract %slice3A_1469[0] : f32 from vector<1xf32>
        %mul3A_1471 = arith.constant 16 : i32
        %mul3A_1472 = arith.muli %scan3A_526, %mul3A_1471 : i32
        %add3A_1473 = arith.constant 10 : i32
        %add3A_1474 = arith.addi %mul3A_1472, %add3A_1473 : i32
        %get3A_1475 = arith.index_cast %add3A_1474 : i32 to index
        %get3A_1476 = arith.constant 0 : index
        %get3A_1477 = tpu.vector_load %arg20[%get3A_1475, %get3A_1476] {strides = array<i32>} : memref<128x128xf32, #tpu.memory_space<vmem>>, vector<1x16xf32>,
        %get3A_1478 = vector.shape_cast %get3A_1477 : vector<1x16xf32> to vector<16xf32>
        %mul3A_1479 = vector.broadcast %squeeze3A_1470 : f32 to vector<16xf32>
        %mul3A_1480 = arith.mulf %get3A_1478, %mul3A_1479 : vector<16xf32>
        %swap3A_1481 = arith.index_cast %add3A_1474 : i32 to index
        %swap3A_1482 = arith.constant 0 : index
        %swap3A_1483 = tpu.vector_load %arg20[%swap3A_1481, %swap3A_1482] {strides = array<i32>} : memref<128x128xf32, #tpu.memory_space<vmem>>, vector<1x16xf32>,
        %swap3A_1484 = vector.shape_cast %swap3A_1483 : vector<1x16xf32> to vector<16xf32>
        %swap3A_1485 = vector.shape_cast %mul3A_1480 : vector<16xf32> to vector<1x16xf32>
        tpu.vector_store %arg20[%swap3A_1481, %swap3A_1482], %swap3A_1485 {strides = array<i32>} : memref<128x128xf32, #tpu.memory_space<vmem>>, vector<1x16xf32>,
        %get3A_1486 = arith.index_cast %add3A_1474 : i32 to index
        %get3A_1487 = arith.constant 16 : index
        %get3A_1488 = tpu.vector_load %arg20[%get3A_1486, %get3A_1487] {strides = array<i32>} : memref<128x128xf32, #tpu.memory_space<vmem>>, vector<1x16xf32>,
        %get3A_1489 = vector.shape_cast %get3A_1488 : vector<1x16xf32> to vector<16xf32>
        %mul3A_1490 = vector.broadcast %squeeze3A_1470 : f32 to vector<16xf32>
        %mul3A_1491 = arith.mulf %get3A_1489, %mul3A_1490 : vector<16xf32>
        %swap3A_1492 = arith.index_cast %add3A_1474 : i32 to index
        %swap3A_1493 = arith.constant 16 : index
        %swap3A_1494 = tpu.vector_load %arg20[%swap3A_1492, %swap3A_1493] {strides = array<i32>} : memref<128x128xf32, #tpu.memory_space<vmem>>, vector<1x16xf32>,
        %swap3A_1495 = vector.shape_cast %swap3A_1494 : vector<1x16xf32> to vector<16xf32>
        %swap3A_1496 = vector.shape_cast %mul3A_1491 : vector<16xf32> to vector<1x16xf32>
        tpu.vector_store %arg20[%swap3A_1492, %swap3A_1493], %swap3A_1496 {strides = array<i32>} : memref<128x128xf32, #tpu.memory_space<vmem>>, vector<1x16xf32>,
        %get3A_1497 = arith.index_cast %add3A_1474 : i32 to index
        %get3A_1498 = arith.constant 32 : index
        %get3A_1499 = tpu.vector_load %arg20[%get3A_1497, %get3A_1498] {strides = array<i32>} : memref<128x128xf32, #tpu.memory_space<vmem>>, vector<1x16xf32>,
        %get3A_1500 = vector.shape_cast %get3A_1499 : vector<1x16xf32> to vector<16xf32>
        %mul3A_1501 = vector.broadcast %squeeze3A_1470 : f32 to vector<16xf32>
        %mul3A_1502 = arith.mulf %get3A_1500, %mul3A_1501 : vector<16xf32>
        %swap3A_1503 = arith.index_cast %add3A_1474 : i32 to index
        %swap3A_1504 = arith.constant 32 : index
        %swap3A_1505 = tpu.vector_load %arg20[%swap3A_1503, %swap3A_1504] {strides = array<i32>} : memref<128x128xf32, #tpu.memory_space<vmem>>, vector<1x16xf32>,
        %swap3A_1506 = vector.shape_cast %swap3A_1505 : vector<1x16xf32> to vector<16xf32>
        %swap3A_1507 = vector.shape_cast %mul3A_1502 : vector<16xf32> to vector<1x16xf32>
        tpu.vector_store %arg20[%swap3A_1503, %swap3A_1504], %swap3A_1507 {strides = array<i32>} : memref<128x128xf32, #tpu.memory_space<vmem>>, vector<1x16xf32>,
        %get3A_1508 = arith.index_cast %add3A_1474 : i32 to index
        %get3A_1509 = arith.constant 48 : index
        %get3A_1510 = tpu.vector_load %arg20[%get3A_1508, %get3A_1509] {strides = array<i32>} : memref<128x128xf32, #tpu.memory_space<vmem>>, vector<1x16xf32>,
        %get3A_1511 = vector.shape_cast %get3A_1510 : vector<1x16xf32> to vector<16xf32>
        %mul3A_1512 = vector.broadcast %squeeze3A_1470 : f32 to vector<16xf32>
        %mul3A_1513 = arith.mulf %get3A_1511, %mul3A_1512 : vector<16xf32>
        %swap3A_1514 = arith.index_cast %add3A_1474 : i32 to index
        %swap3A_1515 = arith.constant 48 : index
        %swap3A_1516 = tpu.vector_load %arg20[%swap3A_1514, %swap3A_1515] {strides = array<i32>} : memref<128x128xf32, #tpu.memory_space<vmem>>, vector<1x16xf32>,
        %swap3A_1517 = vector.shape_cast %swap3A_1516 : vector<1x16xf32> to vector<16xf32>
        %swap3A_1518 = vector.shape_cast %mul3A_1513 : vector<16xf32> to vector<1x16xf32>
        tpu.vector_store %arg20[%swap3A_1514, %swap3A_1515], %swap3A_1518 {strides = array<i32>} : memref<128x128xf32, #tpu.memory_space<vmem>>, vector<1x16xf32>,
        %get3A_1519 = arith.index_cast %add3A_1474 : i32 to index
        %get3A_1520 = arith.constant 64 : index
        %get3A_1521 = tpu.vector_load %arg20[%get3A_1519, %get3A_1520] {strides = array<i32>} : memref<128x128xf32, #tpu.memory_space<vmem>>, vector<1x16xf32>,
        %get3A_1522 = vector.shape_cast %get3A_1521 : vector<1x16xf32> to vector<16xf32>
        %mul3A_1523 = vector.broadcast %squeeze3A_1470 : f32 to vector<16xf32>
        %mul3A_1524 = arith.mulf %get3A_1522, %mul3A_1523 : vector<16xf32>
        %swap3A_1525 = arith.index_cast %add3A_1474 : i32 to index
        %swap3A_1526 = arith.constant 64 : index
        %swap3A_1527 = tpu.vector_load %arg20[%swap3A_1525, %swap3A_1526] {strides = array<i32>} : memref<128x128xf32, #tpu.memory_space<vmem>>, vector<1x16xf32>,
        %swap3A_1528 = vector.shape_cast %swap3A_1527 : vector<1x16xf32> to vector<16xf32>
        %swap3A_1529 = vector.shape_cast %mul3A_1524 : vector<16xf32> to vector<1x16xf32>
        tpu.vector_store %arg20[%swap3A_1525, %swap3A_1526], %swap3A_1529 {strides = array<i32>} : memref<128x128xf32, #tpu.memory_space<vmem>>, vector<1x16xf32>,
        %get3A_1530 = arith.index_cast %add3A_1474 : i32 to index
        %get3A_1531 = arith.constant 80 : index
        %get3A_1532 = tpu.vector_load %arg20[%get3A_1530, %get3A_1531] {strides = array<i32>} : memref<128x128xf32, #tpu.memory_space<vmem>>, vector<1x16xf32>,
        %get3A_1533 = vector.shape_cast %get3A_1532 : vector<1x16xf32> to vector<16xf32>
        %mul3A_1534 = vector.broadcast %squeeze3A_1470 : f32 to vector<16xf32>
        %mul3A_1535 = arith.mulf %get3A_1533, %mul3A_1534 : vector<16xf32>
        %swap3A_1536 = arith.index_cast %add3A_1474 : i32 to index
        %swap3A_1537 = arith.constant 80 : index
        %swap3A_1538 = tpu.vector_load %arg20[%swap3A_1536, %swap3A_1537] {strides = array<i32>} : memref<128x128xf32, #tpu.memory_space<vmem>>, vector<1x16xf32>,
        %swap3A_1539 = vector.shape_cast %swap3A_1538 : vector<1x16xf32> to vector<16xf32>
        %swap3A_1540 = vector.shape_cast %mul3A_1535 : vector<16xf32> to vector<1x16xf32>
        tpu.vector_store %arg20[%swap3A_1536, %swap3A_1537], %swap3A_1540 {strides = array<i32>} : memref<128x128xf32, #tpu.memory_space<vmem>>, vector<1x16xf32>,
        %get3A_1541 = arith.index_cast %add3A_1474 : i32 to index
        %get3A_1542 = arith.constant 96 : index
        %get3A_1543 = tpu.vector_load %arg20[%get3A_1541, %get3A_1542] {strides = array<i32>} : memref<128x128xf32, #tpu.memory_space<vmem>>, vector<1x16xf32>,
        %get3A_1544 = vector.shape_cast %get3A_1543 : vector<1x16xf32> to vector<16xf32>
        %mul3A_1545 = vector.broadcast %squeeze3A_1470 : f32 to vector<16xf32>
        %mul3A_1546 = arith.mulf %get3A_1544, %mul3A_1545 : vector<16xf32>
        %swap3A_1547 = arith.index_cast %add3A_1474 : i32 to index
        %swap3A_1548 = arith.constant 96 : index
        %swap3A_1549 = tpu.vector_load %arg20[%swap3A_1547, %swap3A_1548] {strides = array<i32>} : memref<128x128xf32, #tpu.memory_space<vmem>>, vector<1x16xf32>,
        %swap3A_1550 = vector.shape_cast %swap3A_1549 : vector<1x16xf32> to vector<16xf32>
        %swap3A_1551 = vector.shape_cast %mul3A_1546 : vector<16xf32> to vector<1x16xf32>
        tpu.vector_store %arg20[%swap3A_1547, %swap3A_1548], %swap3A_1551 {strides = array<i32>} : memref<128x128xf32, #tpu.memory_space<vmem>>, vector<1x16xf32>,
        %get3A_1552 = arith.index_cast %add3A_1474 : i32 to index
        %get3A_1553 = arith.constant 112 : index
        %get3A_1554 = tpu.vector_load %arg20[%get3A_1552, %get3A_1553] {strides = array<i32>} : memref<128x128xf32, #tpu.memory_space<vmem>>, vector<1x16xf32>,
        %get3A_1555 = vector.shape_cast %get3A_1554 : vector<1x16xf32> to vector<16xf32>
        %mul3A_1556 = vector.broadcast %squeeze3A_1470 : f32 to vector<16xf32>
        %mul3A_1557 = arith.mulf %get3A_1555, %mul3A_1556 : vector<16xf32>
        %swap3A_1558 = arith.index_cast %add3A_1474 : i32 to index
        %swap3A_1559 = arith.constant 112 : index
        %swap3A_1560 = tpu.vector_load %arg20[%swap3A_1558, %swap3A_1559] {strides = array<i32>} : memref<128x128xf32, #tpu.memory_space<vmem>>, vector<1x16xf32>,
        %swap3A_1561 = vector.shape_cast %swap3A_1560 : vector<1x16xf32> to vector<16xf32>
        %swap3A_1562 = vector.shape_cast %mul3A_1557 : vector<16xf32> to vector<1x16xf32>
        tpu.vector_store %arg20[%swap3A_1558, %swap3A_1559], %swap3A_1562 {strides = array<i32>} : memref<128x128xf32, #tpu.memory_space<vmem>>, vector<1x16xf32>,
        %slice3A_1563 = vector.extract_strided_slice %get3A_530 {offsets = [11], sizes = [1], strides = [1]} : vector<16xf32> to vector<1xf32>
        %squeeze3A_1564 = vector.extract %slice3A_1563[0] : f32 from vector<1xf32>
        %mul3A_1565 = arith.constant 16 : i32
        %mul3A_1566 = arith.muli %scan3A_526, %mul3A_1565 : i32
        %add3A_1567 = arith.constant 11 : i32
        %add3A_1568 = arith.addi %mul3A_1566, %add3A_1567 : i32
        %get3A_1569 = arith.index_cast %add3A_1568 : i32 to index
        %get3A_1570 = arith.constant 0 : index
        %get3A_1571 = tpu.vector_load %arg20[%get3A_1569, %get3A_1570] {strides = array<i32>} : memref<128x128xf32, #tpu.memory_space<vmem>>, vector<1x16xf32>,
        %get3A_1572 = vector.shape_cast %get3A_1571 : vector<1x16xf32> to vector<16xf32>
        %mul3A_1573 = vector.broadcast %squeeze3A_1564 : f32 to vector<16xf32>
        %mul3A_1574 = arith.mulf %get3A_1572, %mul3A_1573 : vector<16xf32>
        %swap3A_1575 = arith.index_cast %add3A_1568 : i32 to index
        %swap3A_1576 = arith.constant 0 : index
        %swap3A_1577 = tpu.vector_load %arg20[%swap3A_1575, %swap3A_1576] {strides = array<i32>} : memref<128x128xf32, #tpu.memory_space<vmem>>, vector<1x16xf32>,
        %swap3A_1578 = vector.shape_cast %swap3A_1577 : vector<1x16xf32> to vector<16xf32>
        %swap3A_1579 = vector.shape_cast %mul3A_1574 : vector<16xf32> to vector<1x16xf32>
        tpu.vector_store %arg20[%swap3A_1575, %swap3A_1576], %swap3A_1579 {strides = array<i32>} : memref<128x128xf32, #tpu.memory_space<vmem>>, vector<1x16xf32>,
        %get3A_1580 = arith.index_cast %add3A_1568 : i32 to index
        %get3A_1581 = arith.constant 16 : index
        %get3A_1582 = tpu.vector_load %arg20[%get3A_1580, %get3A_1581] {strides = array<i32>} : memref<128x128xf32, #tpu.memory_space<vmem>>, vector<1x16xf32>,
        %get3A_1583 = vector.shape_cast %get3A_1582 : vector<1x16xf32> to vector<16xf32>
        %mul3A_1584 = vector.broadcast %squeeze3A_1564 : f32 to vector<16xf32>
        %mul3A_1585 = arith.mulf %get3A_1583, %mul3A_1584 : vector<16xf32>
        %swap3A_1586 = arith.index_cast %add3A_1568 : i32 to index
        %swap3A_1587 = arith.constant 16 : index
        %swap3A_1588 = tpu.vector_load %arg20[%swap3A_1586, %swap3A_1587] {strides = array<i32>} : memref<128x128xf32, #tpu.memory_space<vmem>>, vector<1x16xf32>,
        %swap3A_1589 = vector.shape_cast %swap3A_1588 : vector<1x16xf32> to vector<16xf32>
        %swap3A_1590 = vector.shape_cast %mul3A_1585 : vector<16xf32> to vector<1x16xf32>
        tpu.vector_store %arg20[%swap3A_1586, %swap3A_1587], %swap3A_1590 {strides = array<i32>} : memref<128x128xf32, #tpu.memory_space<vmem>>, vector<1x16xf32>,
        %get3A_1591 = arith.index_cast %add3A_1568 : i32 to index
        %get3A_1592 = arith.constant 32 : index
        %get3A_1593 = tpu.vector_load %arg20[%get3A_1591, %get3A_1592] {strides = array<i32>} : memref<128x128xf32, #tpu.memory_space<vmem>>, vector<1x16xf32>,
        %get3A_1594 = vector.shape_cast %get3A_1593 : vector<1x16xf32> to vector<16xf32>
        %mul3A_1595 = vector.broadcast %squeeze3A_1564 : f32 to vector<16xf32>
        %mul3A_1596 = arith.mulf %get3A_1594, %mul3A_1595 : vector<16xf32>
        %swap3A_1597 = arith.index_cast %add3A_1568 : i32 to index
        %swap3A_1598 = arith.constant 32 : index
        %swap3A_1599 = tpu.vector_load %arg20[%swap3A_1597, %swap3A_1598] {strides = array<i32>} : memref<128x128xf32, #tpu.memory_space<vmem>>, vector<1x16xf32>,
        %swap3A_1600 = vector.shape_cast %swap3A_1599 : vector<1x16xf32> to vector<16xf32>
        %swap3A_1601 = vector.shape_cast %mul3A_1596 : vector<16xf32> to vector<1x16xf32>
        tpu.vector_store %arg20[%swap3A_1597, %swap3A_1598], %swap3A_1601 {strides = array<i32>} : memref<128x128xf32, #tpu.memory_space<vmem>>, vector<1x16xf32>,
        %get3A_1602 = arith.index_cast %add3A_1568 : i32 to index
        %get3A_1603 = arith.constant 48 : index
        %get3A_1604 = tpu.vector_load %arg20[%get3A_1602, %get3A_1603] {strides = array<i32>} : memref<128x128xf32, #tpu.memory_space<vmem>>, vector<1x16xf32>,
        %get3A_1605 = vector.shape_cast %get3A_1604 : vector<1x16xf32> to vector<16xf32>
        %mul3A_1606 = vector.broadcast %squeeze3A_1564 : f32 to vector<16xf32>
        %mul3A_1607 = arith.mulf %get3A_1605, %mul3A_1606 : vector<16xf32>
        %swap3A_1608 = arith.index_cast %add3A_1568 : i32 to index
        %swap3A_1609 = arith.constant 48 : index
        %swap3A_1610 = tpu.vector_load %arg20[%swap3A_1608, %swap3A_1609] {strides = array<i32>} : memref<128x128xf32, #tpu.memory_space<vmem>>, vector<1x16xf32>,
        %swap3A_1611 = vector.shape_cast %swap3A_1610 : vector<1x16xf32> to vector<16xf32>
        %swap3A_1612 = vector.shape_cast %mul3A_1607 : vector<16xf32> to vector<1x16xf32>
        tpu.vector_store %arg20[%swap3A_1608, %swap3A_1609], %swap3A_1612 {strides = array<i32>} : memref<128x128xf32, #tpu.memory_space<vmem>>, vector<1x16xf32>,
        %get3A_1613 = arith.index_cast %add3A_1568 : i32 to index
        %get3A_1614 = arith.constant 64 : index
        %get3A_1615 = tpu.vector_load %arg20[%get3A_1613, %get3A_1614] {strides = array<i32>} : memref<128x128xf32, #tpu.memory_space<vmem>>, vector<1x16xf32>,
        %get3A_1616 = vector.shape_cast %get3A_1615 : vector<1x16xf32> to vector<16xf32>
        %mul3A_1617 = vector.broadcast %squeeze3A_1564 : f32 to vector<16xf32>
        %mul3A_1618 = arith.mulf %get3A_1616, %mul3A_1617 : vector<16xf32>
        %swap3A_1619 = arith.index_cast %add3A_1568 : i32 to index
        %swap3A_1620 = arith.constant 64 : index
        %swap3A_1621 = tpu.vector_load %arg20[%swap3A_1619, %swap3A_1620] {strides = array<i32>} : memref<128x128xf32, #tpu.memory_space<vmem>>, vector<1x16xf32>,
        %swap3A_1622 = vector.shape_cast %swap3A_1621 : vector<1x16xf32> to vector<16xf32>
        %swap3A_1623 = vector.shape_cast %mul3A_1618 : vector<16xf32> to vector<1x16xf32>
        tpu.vector_store %arg20[%swap3A_1619, %swap3A_1620], %swap3A_1623 {strides = array<i32>} : memref<128x128xf32, #tpu.memory_space<vmem>>, vector<1x16xf32>,
        %get3A_1624 = arith.index_cast %add3A_1568 : i32 to index
        %get3A_1625 = arith.constant 80 : index
        %get3A_1626 = tpu.vector_load %arg20[%get3A_1624, %get3A_1625] {strides = array<i32>} : memref<128x128xf32, #tpu.memory_space<vmem>>, vector<1x16xf32>,
        %get3A_1627 = vector.shape_cast %get3A_1626 : vector<1x16xf32> to vector<16xf32>
        %mul3A_1628 = vector.broadcast %squeeze3A_1564 : f32 to vector<16xf32>
        %mul3A_1629 = arith.mulf %get3A_1627, %mul3A_1628 : vector<16xf32>
        %swap3A_1630 = arith.index_cast %add3A_1568 : i32 to index
        %swap3A_1631 = arith.constant 80 : index
        %swap3A_1632 = tpu.vector_load %arg20[%swap3A_1630, %swap3A_1631] {strides = array<i32>} : memref<128x128xf32, #tpu.memory_space<vmem>>, vector<1x16xf32>,
        %swap3A_1633 = vector.shape_cast %swap3A_1632 : vector<1x16xf32> to vector<16xf32>
        %swap3A_1634 = vector.shape_cast %mul3A_1629 : vector<16xf32> to vector<1x16xf32>
        tpu.vector_store %arg20[%swap3A_1630, %swap3A_1631], %swap3A_1634 {strides = array<i32>} : memref<128x128xf32, #tpu.memory_space<vmem>>, vector<1x16xf32>,
        %get3A_1635 = arith.index_cast %add3A_1568 : i32 to index
        %get3A_1636 = arith.constant 96 : index
        %get3A_1637 = tpu.vector_load %arg20[%get3A_1635, %get3A_1636] {strides = array<i32>} : memref<128x128xf32, #tpu.memory_space<vmem>>, vector<1x16xf32>,
        %get3A_1638 = vector.shape_cast %get3A_1637 : vector<1x16xf32> to vector<16xf32>
        %mul3A_1639 = vector.broadcast %squeeze3A_1564 : f32 to vector<16xf32>
        %mul3A_1640 = arith.mulf %get3A_1638, %mul3A_1639 : vector<16xf32>
        %swap3A_1641 = arith.index_cast %add3A_1568 : i32 to index
        %swap3A_1642 = arith.constant 96 : index
        %swap3A_1643 = tpu.vector_load %arg20[%swap3A_1641, %swap3A_1642] {strides = array<i32>} : memref<128x128xf32, #tpu.memory_space<vmem>>, vector<1x16xf32>,
        %swap3A_1644 = vector.shape_cast %swap3A_1643 : vector<1x16xf32> to vector<16xf32>
        %swap3A_1645 = vector.shape_cast %mul3A_1640 : vector<16xf32> to vector<1x16xf32>
        tpu.vector_store %arg20[%swap3A_1641, %swap3A_1642], %swap3A_1645 {strides = array<i32>} : memref<128x128xf32, #tpu.memory_space<vmem>>, vector<1x16xf32>,
        %get3A_1646 = arith.index_cast %add3A_1568 : i32 to index
        %get3A_1647 = arith.constant 112 : index
        %get3A_1648 = tpu.vector_load %arg20[%get3A_1646, %get3A_1647] {strides = array<i32>} : memref<128x128xf32, #tpu.memory_space<vmem>>, vector<1x16xf32>,
        %get3A_1649 = vector.shape_cast %get3A_1648 : vector<1x16xf32> to vector<16xf32>
        %mul3A_1650 = vector.broadcast %squeeze3A_1564 : f32 to vector<16xf32>
        %mul3A_1651 = arith.mulf %get3A_1649, %mul3A_1650 : vector<16xf32>
        %swap3A_1652 = arith.index_cast %add3A_1568 : i32 to index
        %swap3A_1653 = arith.constant 112 : index
        %swap3A_1654 = tpu.vector_load %arg20[%swap3A_1652, %swap3A_1653] {strides = array<i32>} : memref<128x128xf32, #tpu.memory_space<vmem>>, vector<1x16xf32>,
        %swap3A_1655 = vector.shape_cast %swap3A_1654 : vector<1x16xf32> to vector<16xf32>
        %swap3A_1656 = vector.shape_cast %mul3A_1651 : vector<16xf32> to vector<1x16xf32>
        tpu.vector_store %arg20[%swap3A_1652, %swap3A_1653], %swap3A_1656 {strides = array<i32>} : memref<128x128xf32, #tpu.memory_space<vmem>>, vector<1x16xf32>,
        %slice3A_1657 = vector.extract_strided_slice %get3A_530 {offsets = [12], sizes = [1], strides = [1]} : vector<16xf32> to vector<1xf32>
        %squeeze3A_1658 = vector.extract %slice3A_1657[0] : f32 from vector<1xf32>
        %mul3A_1659 = arith.constant 16 : i32
        %mul3A_1660 = arith.muli %scan3A_526, %mul3A_1659 : i32
        %add3A_1661 = arith.constant 12 : i32
        %add3A_1662 = arith.addi %mul3A_1660, %add3A_1661 : i32
        %get3A_1663 = arith.index_cast %add3A_1662 : i32 to index
        %get3A_1664 = arith.constant 0 : index
        %get3A_1665 = tpu.vector_load %arg20[%get3A_1663, %get3A_1664] {strides = array<i32>} : memref<128x128xf32, #tpu.memory_space<vmem>>, vector<1x16xf32>,
        %get3A_1666 = vector.shape_cast %get3A_1665 : vector<1x16xf32> to vector<16xf32>
        %mul3A_1667 = vector.broadcast %squeeze3A_1658 : f32 to vector<16xf32>
        %mul3A_1668 = arith.mulf %get3A_1666, %mul3A_1667 : vector<16xf32>
        %swap3A_1669 = arith.index_cast %add3A_1662 : i32 to index
        %swap3A_1670 = arith.constant 0 : index
        %swap3A_1671 = tpu.vector_load %arg20[%swap3A_1669, %swap3A_1670] {strides = array<i32>} : memref<128x128xf32, #tpu.memory_space<vmem>>, vector<1x16xf32>,
        %swap3A_1672 = vector.shape_cast %swap3A_1671 : vector<1x16xf32> to vector<16xf32>
        %swap3A_1673 = vector.shape_cast %mul3A_1668 : vector<16xf32> to vector<1x16xf32>
        tpu.vector_store %arg20[%swap3A_1669, %swap3A_1670], %swap3A_1673 {strides = array<i32>} : memref<128x128xf32, #tpu.memory_space<vmem>>, vector<1x16xf32>,
        %get3A_1674 = arith.index_cast %add3A_1662 : i32 to index
        %get3A_1675 = arith.constant 16 : index
        %get3A_1676 = tpu.vector_load %arg20[%get3A_1674, %get3A_1675] {strides = array<i32>} : memref<128x128xf32, #tpu.memory_space<vmem>>, vector<1x16xf32>,
        %get3A_1677 = vector.shape_cast %get3A_1676 : vector<1x16xf32> to vector<16xf32>
        %mul3A_1678 = vector.broadcast %squeeze3A_1658 : f32 to vector<16xf32>
        %mul3A_1679 = arith.mulf %get3A_1677, %mul3A_1678 : vector<16xf32>
        %swap3A_1680 = arith.index_cast %add3A_1662 : i32 to index
        %swap3A_1681 = arith.constant 16 : index
        %swap3A_1682 = tpu.vector_load %arg20[%swap3A_1680, %swap3A_1681] {strides = array<i32>} : memref<128x128xf32, #tpu.memory_space<vmem>>, vector<1x16xf32>,
        %swap3A_1683 = vector.shape_cast %swap3A_1682 : vector<1x16xf32> to vector<16xf32>
        %swap3A_1684 = vector.shape_cast %mul3A_1679 : vector<16xf32> to vector<1x16xf32>
        tpu.vector_store %arg20[%swap3A_1680, %swap3A_1681], %swap3A_1684 {strides = array<i32>} : memref<128x128xf32, #tpu.memory_space<vmem>>, vector<1x16xf32>,
        %get3A_1685 = arith.index_cast %add3A_1662 : i32 to index
        %get3A_1686 = arith.constant 32 : index
        %get3A_1687 = tpu.vector_load %arg20[%get3A_1685, %get3A_1686] {strides = array<i32>} : memref<128x128xf32, #tpu.memory_space<vmem>>, vector<1x16xf32>,
        %get3A_1688 = vector.shape_cast %get3A_1687 : vector<1x16xf32> to vector<16xf32>
        %mul3A_1689 = vector.broadcast %squeeze3A_1658 : f32 to vector<16xf32>
        %mul3A_1690 = arith.mulf %get3A_1688, %mul3A_1689 : vector<16xf32>
        %swap3A_1691 = arith.index_cast %add3A_1662 : i32 to index
        %swap3A_1692 = arith.constant 32 : index
        %swap3A_1693 = tpu.vector_load %arg20[%swap3A_1691, %swap3A_1692] {strides = array<i32>} : memref<128x128xf32, #tpu.memory_space<vmem>>, vector<1x16xf32>,
        %swap3A_1694 = vector.shape_cast %swap3A_1693 : vector<1x16xf32> to vector<16xf32>
        %swap3A_1695 = vector.shape_cast %mul3A_1690 : vector<16xf32> to vector<1x16xf32>
        tpu.vector_store %arg20[%swap3A_1691, %swap3A_1692], %swap3A_1695 {strides = array<i32>} : memref<128x128xf32, #tpu.memory_space<vmem>>, vector<1x16xf32>,
        %get3A_1696 = arith.index_cast %add3A_1662 : i32 to index
        %get3A_1697 = arith.constant 48 : index
        %get3A_1698 = tpu.vector_load %arg20[%get3A_1696, %get3A_1697] {strides = array<i32>} : memref<128x128xf32, #tpu.memory_space<vmem>>, vector<1x16xf32>,
        %get3A_1699 = vector.shape_cast %get3A_1698 : vector<1x16xf32> to vector<16xf32>
        %mul3A_1700 = vector.broadcast %squeeze3A_1658 : f32 to vector<16xf32>
        %mul3A_1701 = arith.mulf %get3A_1699, %mul3A_1700 : vector<16xf32>
        %swap3A_1702 = arith.index_cast %add3A_1662 : i32 to index
        %swap3A_1703 = arith.constant 48 : index
        %swap3A_1704 = tpu.vector_load %arg20[%swap3A_1702, %swap3A_1703] {strides = array<i32>} : memref<128x128xf32, #tpu.memory_space<vmem>>, vector<1x16xf32>,
        %swap3A_1705 = vector.shape_cast %swap3A_1704 : vector<1x16xf32> to vector<16xf32>
        %swap3A_1706 = vector.shape_cast %mul3A_1701 : vector<16xf32> to vector<1x16xf32>
        tpu.vector_store %arg20[%swap3A_1702, %swap3A_1703], %swap3A_1706 {strides = array<i32>} : memref<128x128xf32, #tpu.memory_space<vmem>>, vector<1x16xf32>,
        %get3A_1707 = arith.index_cast %add3A_1662 : i32 to index
        %get3A_1708 = arith.constant 64 : index
        %get3A_1709 = tpu.vector_load %arg20[%get3A_1707, %get3A_1708] {strides = array<i32>} : memref<128x128xf32, #tpu.memory_space<vmem>>, vector<1x16xf32>,
        %get3A_1710 = vector.shape_cast %get3A_1709 : vector<1x16xf32> to vector<16xf32>
        %mul3A_1711 = vector.broadcast %squeeze3A_1658 : f32 to vector<16xf32>
        %mul3A_1712 = arith.mulf %get3A_1710, %mul3A_1711 : vector<16xf32>
        %swap3A_1713 = arith.index_cast %add3A_1662 : i32 to index
        %swap3A_1714 = arith.constant 64 : index
        %swap3A_1715 = tpu.vector_load %arg20[%swap3A_1713, %swap3A_1714] {strides = array<i32>} : memref<128x128xf32, #tpu.memory_space<vmem>>, vector<1x16xf32>,
        %swap3A_1716 = vector.shape_cast %swap3A_1715 : vector<1x16xf32> to vector<16xf32>
        %swap3A_1717 = vector.shape_cast %mul3A_1712 : vector<16xf32> to vector<1x16xf32>
        tpu.vector_store %arg20[%swap3A_1713, %swap3A_1714], %swap3A_1717 {strides = array<i32>} : memref<128x128xf32, #tpu.memory_space<vmem>>, vector<1x16xf32>,
        %get3A_1718 = arith.index_cast %add3A_1662 : i32 to index
        %get3A_1719 = arith.constant 80 : index
        %get3A_1720 = tpu.vector_load %arg20[%get3A_1718, %get3A_1719] {strides = array<i32>} : memref<128x128xf32, #tpu.memory_space<vmem>>, vector<1x16xf32>,
        %get3A_1721 = vector.shape_cast %get3A_1720 : vector<1x16xf32> to vector<16xf32>
        %mul3A_1722 = vector.broadcast %squeeze3A_1658 : f32 to vector<16xf32>
        %mul3A_1723 = arith.mulf %get3A_1721, %mul3A_1722 : vector<16xf32>
        %swap3A_1724 = arith.index_cast %add3A_1662 : i32 to index
        %swap3A_1725 = arith.constant 80 : index
        %swap3A_1726 = tpu.vector_load %arg20[%swap3A_1724, %swap3A_1725] {strides = array<i32>} : memref<128x128xf32, #tpu.memory_space<vmem>>, vector<1x16xf32>,
        %swap3A_1727 = vector.shape_cast %swap3A_1726 : vector<1x16xf32> to vector<16xf32>
        %swap3A_1728 = vector.shape_cast %mul3A_1723 : vector<16xf32> to vector<1x16xf32>
        tpu.vector_store %arg20[%swap3A_1724, %swap3A_1725], %swap3A_1728 {strides = array<i32>} : memref<128x128xf32, #tpu.memory_space<vmem>>, vector<1x16xf32>,
        %get3A_1729 = arith.index_cast %add3A_1662 : i32 to index
        %get3A_1730 = arith.constant 96 : index
        %get3A_1731 = tpu.vector_load %arg20[%get3A_1729, %get3A_1730] {strides = array<i32>} : memref<128x128xf32, #tpu.memory_space<vmem>>, vector<1x16xf32>,
        %get3A_1732 = vector.shape_cast %get3A_1731 : vector<1x16xf32> to vector<16xf32>
        %mul3A_1733 = vector.broadcast %squeeze3A_1658 : f32 to vector<16xf32>
        %mul3A_1734 = arith.mulf %get3A_1732, %mul3A_1733 : vector<16xf32>
        %swap3A_1735 = arith.index_cast %add3A_1662 : i32 to index
        %swap3A_1736 = arith.constant 96 : index
        %swap3A_1737 = tpu.vector_load %arg20[%swap3A_1735, %swap3A_1736] {strides = array<i32>} : memref<128x128xf32, #tpu.memory_space<vmem>>, vector<1x16xf32>,
        %swap3A_1738 = vector.shape_cast %swap3A_1737 : vector<1x16xf32> to vector<16xf32>
        %swap3A_1739 = vector.shape_cast %mul3A_1734 : vector<16xf32> to vector<1x16xf32>
        tpu.vector_store %arg20[%swap3A_1735, %swap3A_1736], %swap3A_1739 {strides = array<i32>} : memref<128x128xf32, #tpu.memory_space<vmem>>, vector<1x16xf32>,
        %get3A_1740 = arith.index_cast %add3A_1662 : i32 to index
        %get3A_1741 = arith.constant 112 : index
        %get3A_1742 = tpu.vector_load %arg20[%get3A_1740, %get3A_1741] {strides = array<i32>} : memref<128x128xf32, #tpu.memory_space<vmem>>, vector<1x16xf32>,
        %get3A_1743 = vector.shape_cast %get3A_1742 : vector<1x16xf32> to vector<16xf32>
        %mul3A_1744 = vector.broadcast %squeeze3A_1658 : f32 to vector<16xf32>
        %mul3A_1745 = arith.mulf %get3A_1743, %mul3A_1744 : vector<16xf32>
        %swap3A_1746 = arith.index_cast %add3A_1662 : i32 to index
        %swap3A_1747 = arith.constant 112 : index
        %swap3A_1748 = tpu.vector_load %arg20[%swap3A_1746, %swap3A_1747] {strides = array<i32>} : memref<128x128xf32, #tpu.memory_space<vmem>>, vector<1x16xf32>,
        %swap3A_1749 = vector.shape_cast %swap3A_1748 : vector<1x16xf32> to vector<16xf32>
        %swap3A_1750 = vector.shape_cast %mul3A_1745 : vector<16xf32> to vector<1x16xf32>
        tpu.vector_store %arg20[%swap3A_1746, %swap3A_1747], %swap3A_1750 {strides = array<i32>} : memref<128x128xf32, #tpu.memory_space<vmem>>, vector<1x16xf32>,
        %slice3A_1751 = vector.extract_strided_slice %get3A_530 {offsets = [13], sizes = [1], strides = [1]} : vector<16xf32> to vector<1xf32>
        %squeeze3A_1752 = vector.extract %slice3A_1751[0] : f32 from vector<1xf32>
        %mul3A_1753 = arith.constant 16 : i32
        %mul3A_1754 = arith.muli %scan3A_526, %mul3A_1753 : i32
        %add3A_1755 = arith.constant 13 : i32
        %add3A_1756 = arith.addi %mul3A_1754, %add3A_1755 : i32
        %get3A_1757 = arith.index_cast %add3A_1756 : i32 to index
        %get3A_1758 = arith.constant 0 : index
        %get3A_1759 = tpu.vector_load %arg20[%get3A_1757, %get3A_1758] {strides = array<i32>} : memref<128x128xf32, #tpu.memory_space<vmem>>, vector<1x16xf32>,
        %get3A_1760 = vector.shape_cast %get3A_1759 : vector<1x16xf32> to vector<16xf32>
        %mul3A_1761 = vector.broadcast %squeeze3A_1752 : f32 to vector<16xf32>
        %mul3A_1762 = arith.mulf %get3A_1760, %mul3A_1761 : vector<16xf32>
        %swap3A_1763 = arith.index_cast %add3A_1756 : i32 to index
        %swap3A_1764 = arith.constant 0 : index
        %swap3A_1765 = tpu.vector_load %arg20[%swap3A_1763, %swap3A_1764] {strides = array<i32>} : memref<128x128xf32, #tpu.memory_space<vmem>>, vector<1x16xf32>,
        %swap3A_1766 = vector.shape_cast %swap3A_1765 : vector<1x16xf32> to vector<16xf32>
        %swap3A_1767 = vector.shape_cast %mul3A_1762 : vector<16xf32> to vector<1x16xf32>
        tpu.vector_store %arg20[%swap3A_1763, %swap3A_1764], %swap3A_1767 {strides = array<i32>} : memref<128x128xf32, #tpu.memory_space<vmem>>, vector<1x16xf32>,
        %get3A_1768 = arith.index_cast %add3A_1756 : i32 to index
        %get3A_1769 = arith.constant 16 : index
        %get3A_1770 = tpu.vector_load %arg20[%get3A_1768, %get3A_1769] {strides = array<i32>} : memref<128x128xf32, #tpu.memory_space<vmem>>, vector<1x16xf32>,
        %get3A_1771 = vector.shape_cast %get3A_1770 : vector<1x16xf32> to vector<16xf32>
        %mul3A_1772 = vector.broadcast %squeeze3A_1752 : f32 to vector<16xf32>
        %mul3A_1773 = arith.mulf %get3A_1771, %mul3A_1772 : vector<16xf32>
        %swap3A_1774 = arith.index_cast %add3A_1756 : i32 to index
        %swap3A_1775 = arith.constant 16 : index
        %swap3A_1776 = tpu.vector_load %arg20[%swap3A_1774, %swap3A_1775] {strides = array<i32>} : memref<128x128xf32, #tpu.memory_space<vmem>>, vector<1x16xf32>,
        %swap3A_1777 = vector.shape_cast %swap3A_1776 : vector<1x16xf32> to vector<16xf32>
        %swap3A_1778 = vector.shape_cast %mul3A_1773 : vector<16xf32> to vector<1x16xf32>
        tpu.vector_store %arg20[%swap3A_1774, %swap3A_1775], %swap3A_1778 {strides = array<i32>} : memref<128x128xf32, #tpu.memory_space<vmem>>, vector<1x16xf32>,
        %get3A_1779 = arith.index_cast %add3A_1756 : i32 to index
        %get3A_1780 = arith.constant 32 : index
        %get3A_1781 = tpu.vector_load %arg20[%get3A_1779, %get3A_1780] {strides = array<i32>} : memref<128x128xf32, #tpu.memory_space<vmem>>, vector<1x16xf32>,
        %get3A_1782 = vector.shape_cast %get3A_1781 : vector<1x16xf32> to vector<16xf32>
        %mul3A_1783 = vector.broadcast %squeeze3A_1752 : f32 to vector<16xf32>
        %mul3A_1784 = arith.mulf %get3A_1782, %mul3A_1783 : vector<16xf32>
        %swap3A_1785 = arith.index_cast %add3A_1756 : i32 to index
        %swap3A_1786 = arith.constant 32 : index
        %swap3A_1787 = tpu.vector_load %arg20[%swap3A_1785, %swap3A_1786] {strides = array<i32>} : memref<128x128xf32, #tpu.memory_space<vmem>>, vector<1x16xf32>,
        %swap3A_1788 = vector.shape_cast %swap3A_1787 : vector<1x16xf32> to vector<16xf32>
        %swap3A_1789 = vector.shape_cast %mul3A_1784 : vector<16xf32> to vector<1x16xf32>
        tpu.vector_store %arg20[%swap3A_1785, %swap3A_1786], %swap3A_1789 {strides = array<i32>} : memref<128x128xf32, #tpu.memory_space<vmem>>, vector<1x16xf32>,
        %get3A_1790 = arith.index_cast %add3A_1756 : i32 to index
        %get3A_1791 = arith.constant 48 : index
        %get3A_1792 = tpu.vector_load %arg20[%get3A_1790, %get3A_1791] {strides = array<i32>} : memref<128x128xf32, #tpu.memory_space<vmem>>, vector<1x16xf32>,
        %get3A_1793 = vector.shape_cast %get3A_1792 : vector<1x16xf32> to vector<16xf32>
        %mul3A_1794 = vector.broadcast %squeeze3A_1752 : f32 to vector<16xf32>
        %mul3A_1795 = arith.mulf %get3A_1793, %mul3A_1794 : vector<16xf32>
        %swap3A_1796 = arith.index_cast %add3A_1756 : i32 to index
        %swap3A_1797 = arith.constant 48 : index
        %swap3A_1798 = tpu.vector_load %arg20[%swap3A_1796, %swap3A_1797] {strides = array<i32>} : memref<128x128xf32, #tpu.memory_space<vmem>>, vector<1x16xf32>,
        %swap3A_1799 = vector.shape_cast %swap3A_1798 : vector<1x16xf32> to vector<16xf32>
        %swap3A_1800 = vector.shape_cast %mul3A_1795 : vector<16xf32> to vector<1x16xf32>
        tpu.vector_store %arg20[%swap3A_1796, %swap3A_1797], %swap3A_1800 {strides = array<i32>} : memref<128x128xf32, #tpu.memory_space<vmem>>, vector<1x16xf32>,
        %get3A_1801 = arith.index_cast %add3A_1756 : i32 to index
        %get3A_1802 = arith.constant 64 : index
        %get3A_1803 = tpu.vector_load %arg20[%get3A_1801, %get3A_1802] {strides = array<i32>} : memref<128x128xf32, #tpu.memory_space<vmem>>, vector<1x16xf32>,
        %get3A_1804 = vector.shape_cast %get3A_1803 : vector<1x16xf32> to vector<16xf32>
        %mul3A_1805 = vector.broadcast %squeeze3A_1752 : f32 to vector<16xf32>
        %mul3A_1806 = arith.mulf %get3A_1804, %mul3A_1805 : vector<16xf32>
        %swap3A_1807 = arith.index_cast %add3A_1756 : i32 to index
        %swap3A_1808 = arith.constant 64 : index
        %swap3A_1809 = tpu.vector_load %arg20[%swap3A_1807, %swap3A_1808] {strides = array<i32>} : memref<128x128xf32, #tpu.memory_space<vmem>>, vector<1x16xf32>,
        %swap3A_1810 = vector.shape_cast %swap3A_1809 : vector<1x16xf32> to vector<16xf32>
        %swap3A_1811 = vector.shape_cast %mul3A_1806 : vector<16xf32> to vector<1x16xf32>
        tpu.vector_store %arg20[%swap3A_1807, %swap3A_1808], %swap3A_1811 {strides = array<i32>} : memref<128x128xf32, #tpu.memory_space<vmem>>, vector<1x16xf32>,
        %get3A_1812 = arith.index_cast %add3A_1756 : i32 to index
        %get3A_1813 = arith.constant 80 : index
        %get3A_1814 = tpu.vector_load %arg20[%get3A_1812, %get3A_1813] {strides = array<i32>} : memref<128x128xf32, #tpu.memory_space<vmem>>, vector<1x16xf32>,
        %get3A_1815 = vector.shape_cast %get3A_1814 : vector<1x16xf32> to vector<16xf32>
        %mul3A_1816 = vector.broadcast %squeeze3A_1752 : f32 to vector<16xf32>
        %mul3A_1817 = arith.mulf %get3A_1815, %mul3A_1816 : vector<16xf32>
        %swap3A_1818 = arith.index_cast %add3A_1756 : i32 to index
        %swap3A_1819 = arith.constant 80 : index
        %swap3A_1820 = tpu.vector_load %arg20[%swap3A_1818, %swap3A_1819] {strides = array<i32>} : memref<128x128xf32, #tpu.memory_space<vmem>>, vector<1x16xf32>,
        %swap3A_1821 = vector.shape_cast %swap3A_1820 : vector<1x16xf32> to vector<16xf32>
        %swap3A_1822 = vector.shape_cast %mul3A_1817 : vector<16xf32> to vector<1x16xf32>
        tpu.vector_store %arg20[%swap3A_1818, %swap3A_1819], %swap3A_1822 {strides = array<i32>} : memref<128x128xf32, #tpu.memory_space<vmem>>, vector<1x16xf32>,
        %get3A_1823 = arith.index_cast %add3A_1756 : i32 to index
        %get3A_1824 = arith.constant 96 : index
        %get3A_1825 = tpu.vector_load %arg20[%get3A_1823, %get3A_1824] {strides = array<i32>} : memref<128x128xf32, #tpu.memory_space<vmem>>, vector<1x16xf32>,
        %get3A_1826 = vector.shape_cast %get3A_1825 : vector<1x16xf32> to vector<16xf32>
        %mul3A_1827 = vector.broadcast %squeeze3A_1752 : f32 to vector<16xf32>
        %mul3A_1828 = arith.mulf %get3A_1826, %mul3A_1827 : vector<16xf32>
        %swap3A_1829 = arith.index_cast %add3A_1756 : i32 to index
        %swap3A_1830 = arith.constant 96 : index
        %swap3A_1831 = tpu.vector_load %arg20[%swap3A_1829, %swap3A_1830] {strides = array<i32>} : memref<128x128xf32, #tpu.memory_space<vmem>>, vector<1x16xf32>,
        %swap3A_1832 = vector.shape_cast %swap3A_1831 : vector<1x16xf32> to vector<16xf32>
        %swap3A_1833 = vector.shape_cast %mul3A_1828 : vector<16xf32> to vector<1x16xf32>
        tpu.vector_store %arg20[%swap3A_1829, %swap3A_1830], %swap3A_1833 {strides = array<i32>} : memref<128x128xf32, #tpu.memory_space<vmem>>, vector<1x16xf32>,
        %get3A_1834 = arith.index_cast %add3A_1756 : i32 to index
        %get3A_1835 = arith.constant 112 : index
        %get3A_1836 = tpu.vector_load %arg20[%get3A_1834, %get3A_1835] {strides = array<i32>} : memref<128x128xf32, #tpu.memory_space<vmem>>, vector<1x16xf32>,
        %get3A_1837 = vector.shape_cast %get3A_1836 : vector<1x16xf32> to vector<16xf32>
        %mul3A_1838 = vector.broadcast %squeeze3A_1752 : f32 to vector<16xf32>
        %mul3A_1839 = arith.mulf %get3A_1837, %mul3A_1838 : vector<16xf32>
        %swap3A_1840 = arith.index_cast %add3A_1756 : i32 to index
        %swap3A_1841 = arith.constant 112 : index
        %swap3A_1842 = tpu.vector_load %arg20[%swap3A_1840, %swap3A_1841] {strides = array<i32>} : memref<128x128xf32, #tpu.memory_space<vmem>>, vector<1x16xf32>,
        %swap3A_1843 = vector.shape_cast %swap3A_1842 : vector<1x16xf32> to vector<16xf32>
        %swap3A_1844 = vector.shape_cast %mul3A_1839 : vector<16xf32> to vector<1x16xf32>
        tpu.vector_store %arg20[%swap3A_1840, %swap3A_1841], %swap3A_1844 {strides = array<i32>} : memref<128x128xf32, #tpu.memory_space<vmem>>, vector<1x16xf32>,
        %slice3A_1845 = vector.extract_strided_slice %get3A_530 {offsets = [14], sizes = [1], strides = [1]} : vector<16xf32> to vector<1xf32>
        %squeeze3A_1846 = vector.extract %slice3A_1845[0] : f32 from vector<1xf32>
        %mul3A_1847 = arith.constant 16 : i32
        %mul3A_1848 = arith.muli %scan3A_526, %mul3A_1847 : i32
        %add3A_1849 = arith.constant 14 : i32
        %add3A_1850 = arith.addi %mul3A_1848, %add3A_1849 : i32
        %get3A_1851 = arith.index_cast %add3A_1850 : i32 to index
        %get3A_1852 = arith.constant 0 : index
        %get3A_1853 = tpu.vector_load %arg20[%get3A_1851, %get3A_1852] {strides = array<i32>} : memref<128x128xf32, #tpu.memory_space<vmem>>, vector<1x16xf32>,
        %get3A_1854 = vector.shape_cast %get3A_1853 : vector<1x16xf32> to vector<16xf32>
        %mul3A_1855 = vector.broadcast %squeeze3A_1846 : f32 to vector<16xf32>
        %mul3A_1856 = arith.mulf %get3A_1854, %mul3A_1855 : vector<16xf32>
        %swap3A_1857 = arith.index_cast %add3A_1850 : i32 to index
        %swap3A_1858 = arith.constant 0 : index
        %swap3A_1859 = tpu.vector_load %arg20[%swap3A_1857, %swap3A_1858] {strides = array<i32>} : memref<128x128xf32, #tpu.memory_space<vmem>>, vector<1x16xf32>,
        %swap3A_1860 = vector.shape_cast %swap3A_1859 : vector<1x16xf32> to vector<16xf32>
        %swap3A_1861 = vector.shape_cast %mul3A_1856 : vector<16xf32> to vector<1x16xf32>
        tpu.vector_store %arg20[%swap3A_1857, %swap3A_1858], %swap3A_1861 {strides = array<i32>} : memref<128x128xf32, #tpu.memory_space<vmem>>, vector<1x16xf32>,
        %get3A_1862 = arith.index_cast %add3A_1850 : i32 to index
        %get3A_1863 = arith.constant 16 : index
        %get3A_1864 = tpu.vector_load %arg20[%get3A_1862, %get3A_1863] {strides = array<i32>} : memref<128x128xf32, #tpu.memory_space<vmem>>, vector<1x16xf32>,
        %get3A_1865 = vector.shape_cast %get3A_1864 : vector<1x16xf32> to vector<16xf32>
        %mul3A_1866 = vector.broadcast %squeeze3A_1846 : f32 to vector<16xf32>
        %mul3A_1867 = arith.mulf %get3A_1865, %mul3A_1866 : vector<16xf32>
        %swap3A_1868 = arith.index_cast %add3A_1850 : i32 to index
        %swap3A_1869 = arith.constant 16 : index
        %swap3A_1870 = tpu.vector_load %arg20[%swap3A_1868, %swap3A_1869] {strides = array<i32>} : memref<128x128xf32, #tpu.memory_space<vmem>>, vector<1x16xf32>,
        %swap3A_1871 = vector.shape_cast %swap3A_1870 : vector<1x16xf32> to vector<16xf32>
        %swap3A_1872 = vector.shape_cast %mul3A_1867 : vector<16xf32> to vector<1x16xf32>
        tpu.vector_store %arg20[%swap3A_1868, %swap3A_1869], %swap3A_1872 {strides = array<i32>} : memref<128x128xf32, #tpu.memory_space<vmem>>, vector<1x16xf32>,
        %get3A_1873 = arith.index_cast %add3A_1850 : i32 to index
        %get3A_1874 = arith.constant 32 : index
        %get3A_1875 = tpu.vector_load %arg20[%get3A_1873, %get3A_1874] {strides = array<i32>} : memref<128x128xf32, #tpu.memory_space<vmem>>, vector<1x16xf32>,
        %get3A_1876 = vector.shape_cast %get3A_1875 : vector<1x16xf32> to vector<16xf32>
        %mul3A_1877 = vector.broadcast %squeeze3A_1846 : f32 to vector<16xf32>
        %mul3A_1878 = arith.mulf %get3A_1876, %mul3A_1877 : vector<16xf32>
        %swap3A_1879 = arith.index_cast %add3A_1850 : i32 to index
        %swap3A_1880 = arith.constant 32 : index
        %swap3A_1881 = tpu.vector_load %arg20[%swap3A_1879, %swap3A_1880] {strides = array<i32>} : memref<128x128xf32, #tpu.memory_space<vmem>>, vector<1x16xf32>,
        %swap3A_1882 = vector.shape_cast %swap3A_1881 : vector<1x16xf32> to vector<16xf32>
        %swap3A_1883 = vector.shape_cast %mul3A_1878 : vector<16xf32> to vector<1x16xf32>
        tpu.vector_store %arg20[%swap3A_1879, %swap3A_1880], %swap3A_1883 {strides = array<i32>} : memref<128x128xf32, #tpu.memory_space<vmem>>, vector<1x16xf32>,
        %get3A_1884 = arith.index_cast %add3A_1850 : i32 to index
        %get3A_1885 = arith.constant 48 : index
        %get3A_1886 = tpu.vector_load %arg20[%get3A_1884, %get3A_1885] {strides = array<i32>} : memref<128x128xf32, #tpu.memory_space<vmem>>, vector<1x16xf32>,
        %get3A_1887 = vector.shape_cast %get3A_1886 : vector<1x16xf32> to vector<16xf32>
        %mul3A_1888 = vector.broadcast %squeeze3A_1846 : f32 to vector<16xf32>
        %mul3A_1889 = arith.mulf %get3A_1887, %mul3A_1888 : vector<16xf32>
        %swap3A_1890 = arith.index_cast %add3A_1850 : i32 to index
        %swap3A_1891 = arith.constant 48 : index
        %swap3A_1892 = tpu.vector_load %arg20[%swap3A_1890, %swap3A_1891] {strides = array<i32>} : memref<128x128xf32, #tpu.memory_space<vmem>>, vector<1x16xf32>,
        %swap3A_1893 = vector.shape_cast %swap3A_1892 : vector<1x16xf32> to vector<16xf32>
        %swap3A_1894 = vector.shape_cast %mul3A_1889 : vector<16xf32> to vector<1x16xf32>
        tpu.vector_store %arg20[%swap3A_1890, %swap3A_1891], %swap3A_1894 {strides = array<i32>} : memref<128x128xf32, #tpu.memory_space<vmem>>, vector<1x16xf32>,
        %get3A_1895 = arith.index_cast %add3A_1850 : i32 to index
        %get3A_1896 = arith.constant 64 : index
        %get3A_1897 = tpu.vector_load %arg20[%get3A_1895, %get3A_1896] {strides = array<i32>} : memref<128x128xf32, #tpu.memory_space<vmem>>, vector<1x16xf32>,
        %get3A_1898 = vector.shape_cast %get3A_1897 : vector<1x16xf32> to vector<16xf32>
        %mul3A_1899 = vector.broadcast %squeeze3A_1846 : f32 to vector<16xf32>
        %mul3A_1900 = arith.mulf %get3A_1898, %mul3A_1899 : vector<16xf32>
        %swap3A_1901 = arith.index_cast %add3A_1850 : i32 to index
        %swap3A_1902 = arith.constant 64 : index
        %swap3A_1903 = tpu.vector_load %arg20[%swap3A_1901, %swap3A_1902] {strides = array<i32>} : memref<128x128xf32, #tpu.memory_space<vmem>>, vector<1x16xf32>,
        %swap3A_1904 = vector.shape_cast %swap3A_1903 : vector<1x16xf32> to vector<16xf32>
        %swap3A_1905 = vector.shape_cast %mul3A_1900 : vector<16xf32> to vector<1x16xf32>
        tpu.vector_store %arg20[%swap3A_1901, %swap3A_1902], %swap3A_1905 {strides = array<i32>} : memref<128x128xf32, #tpu.memory_space<vmem>>, vector<1x16xf32>,
        %get3A_1906 = arith.index_cast %add3A_1850 : i32 to index
        %get3A_1907 = arith.constant 80 : index
        %get3A_1908 = tpu.vector_load %arg20[%get3A_1906, %get3A_1907] {strides = array<i32>} : memref<128x128xf32, #tpu.memory_space<vmem>>, vector<1x16xf32>,
        %get3A_1909 = vector.shape_cast %get3A_1908 : vector<1x16xf32> to vector<16xf32>
        %mul3A_1910 = vector.broadcast %squeeze3A_1846 : f32 to vector<16xf32>
        %mul3A_1911 = arith.mulf %get3A_1909, %mul3A_1910 : vector<16xf32>
        %swap3A_1912 = arith.index_cast %add3A_1850 : i32 to index
        %swap3A_1913 = arith.constant 80 : index
        %swap3A_1914 = tpu.vector_load %arg20[%swap3A_1912, %swap3A_1913] {strides = array<i32>} : memref<128x128xf32, #tpu.memory_space<vmem>>, vector<1x16xf32>,
        %swap3A_1915 = vector.shape_cast %swap3A_1914 : vector<1x16xf32> to vector<16xf32>
        %swap3A_1916 = vector.shape_cast %mul3A_1911 : vector<16xf32> to vector<1x16xf32>
        tpu.vector_store %arg20[%swap3A_1912, %swap3A_1913], %swap3A_1916 {strides = array<i32>} : memref<128x128xf32, #tpu.memory_space<vmem>>, vector<1x16xf32>,
        %get3A_1917 = arith.index_cast %add3A_1850 : i32 to index
        %get3A_1918 = arith.constant 96 : index
        %get3A_1919 = tpu.vector_load %arg20[%get3A_1917, %get3A_1918] {strides = array<i32>} : memref<128x128xf32, #tpu.memory_space<vmem>>, vector<1x16xf32>,
        %get3A_1920 = vector.shape_cast %get3A_1919 : vector<1x16xf32> to vector<16xf32>
        %mul3A_1921 = vector.broadcast %squeeze3A_1846 : f32 to vector<16xf32>
        %mul3A_1922 = arith.mulf %get3A_1920, %mul3A_1921 : vector<16xf32>
        %swap3A_1923 = arith.index_cast %add3A_1850 : i32 to index
        %swap3A_1924 = arith.constant 96 : index
        %swap3A_1925 = tpu.vector_load %arg20[%swap3A_1923, %swap3A_1924] {strides = array<i32>} : memref<128x128xf32, #tpu.memory_space<vmem>>, vector<1x16xf32>,
        %swap3A_1926 = vector.shape_cast %swap3A_1925 : vector<1x16xf32> to vector<16xf32>
        %swap3A_1927 = vector.shape_cast %mul3A_1922 : vector<16xf32> to vector<1x16xf32>
        tpu.vector_store %arg20[%swap3A_1923, %swap3A_1924], %swap3A_1927 {strides = array<i32>} : memref<128x128xf32, #tpu.memory_space<vmem>>, vector<1x16xf32>,
        %get3A_1928 = arith.index_cast %add3A_1850 : i32 to index
        %get3A_1929 = arith.constant 112 : index
        %get3A_1930 = tpu.vector_load %arg20[%get3A_1928, %get3A_1929] {strides = array<i32>} : memref<128x128xf32, #tpu.memory_space<vmem>>, vector<1x16xf32>,
        %get3A_1931 = vector.shape_cast %get3A_1930 : vector<1x16xf32> to vector<16xf32>
        %mul3A_1932 = vector.broadcast %squeeze3A_1846 : f32 to vector<16xf32>
        %mul3A_1933 = arith.mulf %get3A_1931, %mul3A_1932 : vector<16xf32>
        %swap3A_1934 = arith.index_cast %add3A_1850 : i32 to index
        %swap3A_1935 = arith.constant 112 : index
        %swap3A_1936 = tpu.vector_load %arg20[%swap3A_1934, %swap3A_1935] {strides = array<i32>} : memref<128x128xf32, #tpu.memory_space<vmem>>, vector<1x16xf32>,
        %swap3A_1937 = vector.shape_cast %swap3A_1936 : vector<1x16xf32> to vector<16xf32>
        %swap3A_1938 = vector.shape_cast %mul3A_1933 : vector<16xf32> to vector<1x16xf32>
        tpu.vector_store %arg20[%swap3A_1934, %swap3A_1935], %swap3A_1938 {strides = array<i32>} : memref<128x128xf32, #tpu.memory_space<vmem>>, vector<1x16xf32>,
        %slice3A_1939 = vector.extract_strided_slice %get3A_530 {offsets = [15], sizes = [1], strides = [1]} : vector<16xf32> to vector<1xf32>
        %squeeze3A_1940 = vector.extract %slice3A_1939[0] : f32 from vector<1xf32>
        %mul3A_1941 = arith.constant 16 : i32
        %mul3A_1942 = arith.muli %scan3A_526, %mul3A_1941 : i32
        %add3A_1943 = arith.constant 15 : i32
        %add3A_1944 = arith.addi %mul3A_1942, %add3A_1943 : i32
        %get3A_1945 = arith.index_cast %add3A_1944 : i32 to index
        %get3A_1946 = arith.constant 0 : index
        %get3A_1947 = tpu.vector_load %arg20[%get3A_1945, %get3A_1946] {strides = array<i32>} : memref<128x128xf32, #tpu.memory_space<vmem>>, vector<1x16xf32>,
        %get3A_1948 = vector.shape_cast %get3A_1947 : vector<1x16xf32> to vector<16xf32>
        %mul3A_1949 = vector.broadcast %squeeze3A_1940 : f32 to vector<16xf32>
        %mul3A_1950 = arith.mulf %get3A_1948, %mul3A_1949 : vector<16xf32>
        %swap3A_1951 = arith.index_cast %add3A_1944 : i32 to index
        %swap3A_1952 = arith.constant 0 : index
        %swap3A_1953 = tpu.vector_load %arg20[%swap3A_1951, %swap3A_1952] {strides = array<i32>} : memref<128x128xf32, #tpu.memory_space<vmem>>, vector<1x16xf32>,
        %swap3A_1954 = vector.shape_cast %swap3A_1953 : vector<1x16xf32> to vector<16xf32>
        %swap3A_1955 = vector.shape_cast %mul3A_1950 : vector<16xf32> to vector<1x16xf32>
        tpu.vector_store %arg20[%swap3A_1951, %swap3A_1952], %swap3A_1955 {strides = array<i32>} : memref<128x128xf32, #tpu.memory_space<vmem>>, vector<1x16xf32>,
        %get3A_1956 = arith.index_cast %add3A_1944 : i32 to index
        %get3A_1957 = arith.constant 16 : index
        %get3A_1958 = tpu.vector_load %arg20[%get3A_1956, %get3A_1957] {strides = array<i32>} : memref<128x128xf32, #tpu.memory_space<vmem>>, vector<1x16xf32>,
        %get3A_1959 = vector.shape_cast %get3A_1958 : vector<1x16xf32> to vector<16xf32>
        %mul3A_1960 = vector.broadcast %squeeze3A_1940 : f32 to vector<16xf32>
        %mul3A_1961 = arith.mulf %get3A_1959, %mul3A_1960 : vector<16xf32>
        %swap3A_1962 = arith.index_cast %add3A_1944 : i32 to index
        %swap3A_1963 = arith.constant 16 : index
        %swap3A_1964 = tpu.vector_load %arg20[%swap3A_1962, %swap3A_1963] {strides = array<i32>} : memref<128x128xf32, #tpu.memory_space<vmem>>, vector<1x16xf32>,
        %swap3A_1965 = vector.shape_cast %swap3A_1964 : vector<1x16xf32> to vector<16xf32>
        %swap3A_1966 = vector.shape_cast %mul3A_1961 : vector<16xf32> to vector<1x16xf32>
        tpu.vector_store %arg20[%swap3A_1962, %swap3A_1963], %swap3A_1966 {strides = array<i32>} : memref<128x128xf32, #tpu.memory_space<vmem>>, vector<1x16xf32>,
        %get3A_1967 = arith.index_cast %add3A_1944 : i32 to index
        %get3A_1968 = arith.constant 32 : index
        %get3A_1969 = tpu.vector_load %arg20[%get3A_1967, %get3A_1968] {strides = array<i32>} : memref<128x128xf32, #tpu.memory_space<vmem>>, vector<1x16xf32>,
        %get3A_1970 = vector.shape_cast %get3A_1969 : vector<1x16xf32> to vector<16xf32>
        %mul3A_1971 = vector.broadcast %squeeze3A_1940 : f32 to vector<16xf32>
        %mul3A_1972 = arith.mulf %get3A_1970, %mul3A_1971 : vector<16xf32>
        %swap3A_1973 = arith.index_cast %add3A_1944 : i32 to index
        %swap3A_1974 = arith.constant 32 : index
        %swap3A_1975 = tpu.vector_load %arg20[%swap3A_1973, %swap3A_1974] {strides = array<i32>} : memref<128x128xf32, #tpu.memory_space<vmem>>, vector<1x16xf32>,
        %swap3A_1976 = vector.shape_cast %swap3A_1975 : vector<1x16xf32> to vector<16xf32>
        %swap3A_1977 = vector.shape_cast %mul3A_1972 : vector<16xf32> to vector<1x16xf32>
        tpu.vector_store %arg20[%swap3A_1973, %swap3A_1974], %swap3A_1977 {strides = array<i32>} : memref<128x128xf32, #tpu.memory_space<vmem>>, vector<1x16xf32>,
        %get3A_1978 = arith.index_cast %add3A_1944 : i32 to index
        %get3A_1979 = arith.constant 48 : index
        %get3A_1980 = tpu.vector_load %arg20[%get3A_1978, %get3A_1979] {strides = array<i32>} : memref<128x128xf32, #tpu.memory_space<vmem>>, vector<1x16xf32>,
        %get3A_1981 = vector.shape_cast %get3A_1980 : vector<1x16xf32> to vector<16xf32>
        %mul3A_1982 = vector.broadcast %squeeze3A_1940 : f32 to vector<16xf32>
        %mul3A_1983 = arith.mulf %get3A_1981, %mul3A_1982 : vector<16xf32>
        %swap3A_1984 = arith.index_cast %add3A_1944 : i32 to index
        %swap3A_1985 = arith.constant 48 : index
        %swap3A_1986 = tpu.vector_load %arg20[%swap3A_1984, %swap3A_1985] {strides = array<i32>} : memref<128x128xf32, #tpu.memory_space<vmem>>, vector<1x16xf32>,
        %swap3A_1987 = vector.shape_cast %swap3A_1986 : vector<1x16xf32> to vector<16xf32>
        %swap3A_1988 = vector.shape_cast %mul3A_1983 : vector<16xf32> to vector<1x16xf32>
        tpu.vector_store %arg20[%swap3A_1984, %swap3A_1985], %swap3A_1988 {strides = array<i32>} : memref<128x128xf32, #tpu.memory_space<vmem>>, vector<1x16xf32>,
        %get3A_1989 = arith.index_cast %add3A_1944 : i32 to index
        %get3A_1990 = arith.constant 64 : index
        %get3A_1991 = tpu.vector_load %arg20[%get3A_1989, %get3A_1990] {strides = array<i32>} : memref<128x128xf32, #tpu.memory_space<vmem>>, vector<1x16xf32>,
        %get3A_1992 = vector.shape_cast %get3A_1991 : vector<1x16xf32> to vector<16xf32>
        %mul3A_1993 = vector.broadcast %squeeze3A_1940 : f32 to vector<16xf32>
        %mul3A_1994 = arith.mulf %get3A_1992, %mul3A_1993 : vector<16xf32>
        %swap3A_1995 = arith.index_cast %add3A_1944 : i32 to index
        %swap3A_1996 = arith.constant 64 : index
        %swap3A_1997 = tpu.vector_load %arg20[%swap3A_1995, %swap3A_1996] {strides = array<i32>} : memref<128x128xf32, #tpu.memory_space<vmem>>, vector<1x16xf32>,
        %swap3A_1998 = vector.shape_cast %swap3A_1997 : vector<1x16xf32> to vector<16xf32>
        %swap3A_1999 = vector.shape_cast %mul3A_1994 : vector<16xf32> to vector<1x16xf32>
        tpu.vector_store %arg20[%swap3A_1995, %swap3A_1996], %swap3A_1999 {strides = array<i32>} : memref<128x128xf32, #tpu.memory_space<vmem>>, vector<1x16xf32>,
        %get3A_2000 = arith.index_cast %add3A_1944 : i32 to index
        %get3A_2001 = arith.constant 80 : index
        %get3A_2002 = tpu.vector_load %arg20[%get3A_2000, %get3A_2001] {strides = array<i32>} : memref<128x128xf32, #tpu.memory_space<vmem>>, vector<1x16xf32>,
        %get3A_2003 = vector.shape_cast %get3A_2002 : vector<1x16xf32> to vector<16xf32>
        %mul3A_2004 = vector.broadcast %squeeze3A_1940 : f32 to vector<16xf32>
        %mul3A_2005 = arith.mulf %get3A_2003, %mul3A_2004 : vector<16xf32>
        %swap3A_2006 = arith.index_cast %add3A_1944 : i32 to index
        %swap3A_2007 = arith.constant 80 : index
        %swap3A_2008 = tpu.vector_load %arg20[%swap3A_2006, %swap3A_2007] {strides = array<i32>} : memref<128x128xf32, #tpu.memory_space<vmem>>, vector<1x16xf32>,
        %swap3A_2009 = vector.shape_cast %swap3A_2008 : vector<1x16xf32> to vector<16xf32>
        %swap3A_2010 = vector.shape_cast %mul3A_2005 : vector<16xf32> to vector<1x16xf32>
        tpu.vector_store %arg20[%swap3A_2006, %swap3A_2007], %swap3A_2010 {strides = array<i32>} : memref<128x128xf32, #tpu.memory_space<vmem>>, vector<1x16xf32>,
        %get3A_2011 = arith.index_cast %add3A_1944 : i32 to index
        %get3A_2012 = arith.constant 96 : index
        %get3A_2013 = tpu.vector_load %arg20[%get3A_2011, %get3A_2012] {strides = array<i32>} : memref<128x128xf32, #tpu.memory_space<vmem>>, vector<1x16xf32>,
        %get3A_2014 = vector.shape_cast %get3A_2013 : vector<1x16xf32> to vector<16xf32>
        %mul3A_2015 = vector.broadcast %squeeze3A_1940 : f32 to vector<16xf32>
        %mul3A_2016 = arith.mulf %get3A_2014, %mul3A_2015 : vector<16xf32>
        %swap3A_2017 = arith.index_cast %add3A_1944 : i32 to index
        %swap3A_2018 = arith.constant 96 : index
        %swap3A_2019 = tpu.vector_load %arg20[%swap3A_2017, %swap3A_2018] {strides = array<i32>} : memref<128x128xf32, #tpu.memory_space<vmem>>, vector<1x16xf32>,
        %swap3A_2020 = vector.shape_cast %swap3A_2019 : vector<1x16xf32> to vector<16xf32>
        %swap3A_2021 = vector.shape_cast %mul3A_2016 : vector<16xf32> to vector<1x16xf32>
        tpu.vector_store %arg20[%swap3A_2017, %swap3A_2018], %swap3A_2021 {strides = array<i32>} : memref<128x128xf32, #tpu.memory_space<vmem>>, vector<1x16xf32>,
        %get3A_2022 = arith.index_cast %add3A_1944 : i32 to index
        %get3A_2023 = arith.constant 112 : index
        %get3A_2024 = tpu.vector_load %arg20[%get3A_2022, %get3A_2023] {strides = array<i32>} : memref<128x128xf32, #tpu.memory_space<vmem>>, vector<1x16xf32>,
        %get3A_2025 = vector.shape_cast %get3A_2024 : vector<1x16xf32> to vector<16xf32>
        %mul3A_2026 = vector.broadcast %squeeze3A_1940 : f32 to vector<16xf32>
        %mul3A_2027 = arith.mulf %get3A_2025, %mul3A_2026 : vector<16xf32>
        %swap3A_2028 = arith.index_cast %add3A_1944 : i32 to index
        %swap3A_2029 = arith.constant 112 : index
        %swap3A_2030 = tpu.vector_load %arg20[%swap3A_2028, %swap3A_2029] {strides = array<i32>} : memref<128x128xf32, #tpu.memory_space<vmem>>, vector<1x16xf32>,
        %swap3A_2031 = vector.shape_cast %swap3A_2030 : vector<1x16xf32> to vector<16xf32>
        %swap3A_2032 = vector.shape_cast %mul3A_2027 : vector<16xf32> to vector<1x16xf32>
        tpu.vector_store %arg20[%swap3A_2028, %swap3A_2029], %swap3A_2032 {strides = array<i32>} : memref<128x128xf32, #tpu.memory_space<vmem>>, vector<1x16xf32>,
      }
      %scan3A_408 = arith.constant 8 : i32
      %get3A_409 = arith.constant 0 : i32
      %get3A_410 = arith.index_cast %get3A_409 : i32 to index
      %get3A_411 = arith.constant 0 : index
      %get3A_412 = tpu.vector_load %arg17[%get3A_410, %get3A_411] {strides = array<i32>} : memref<1x128xi32, #tpu.memory_space<vmem>>, vector<1x16xi32>,
      %get3A_413 = vector.shape_cast %get3A_412 : vector<1x16xi32> to vector<16xi32>
      %swap3A_414 = arith.constant 0 : i32
      %swap3A_415 = arith.index_cast %swap3A_414 : i32 to index
      %swap3A_416 = arith.constant 0 : index
      %swap3A_417 = tpu.vector_load %arg18[%swap3A_415, %swap3A_416] {strides = array<i32>} : memref<1x128xi32, #tpu.memory_space<vmem>>, vector<1x16xi32>,
      %swap3A_418 = vector.shape_cast %swap3A_417 : vector<1x16xi32> to vector<16xi32>
      %swap3A_419 = vector.shape_cast %get3A_413 : vector<16xi32> to vector<1x16xi32>
      tpu.vector_store %arg18[%swap3A_415, %swap3A_416], %swap3A_419 {strides = array<i32>} : memref<1x128xi32, #tpu.memory_space<vmem>>, vector<1x16xi32>,
      %get3A_420 = arith.constant 0 : i32
      %get3A_421 = arith.index_cast %get3A_420 : i32 to index
      %get3A_422 = arith.constant 16 : index
      %get3A_423 = tpu.vector_load %arg17[%get3A_421, %get3A_422] {strides = array<i32>} : memref<1x128xi32, #tpu.memory_space<vmem>>, vector<1x16xi32>,
      %get3A_424 = vector.shape_cast %get3A_423 : vector<1x16xi32> to vector<16xi32>
      %swap3A_425 = arith.constant 0 : i32
      %swap3A_426 = arith.index_cast %swap3A_425 : i32 to index
      %swap3A_427 = arith.constant 16 : index
      %swap3A_428 = tpu.vector_load %arg18[%swap3A_426, %swap3A_427] {strides = array<i32>} : memref<1x128xi32, #tpu.memory_space<vmem>>, vector<1x16xi32>,
      %swap3A_429 = vector.shape_cast %swap3A_428 : vector<1x16xi32> to vector<16xi32>
      %swap3A_430 = vector.shape_cast %get3A_424 : vector<16xi32> to vector<1x16xi32>
      tpu.vector_store %arg18[%swap3A_426, %swap3A_427], %swap3A_430 {strides = array<i32>} : memref<1x128xi32, #tpu.memory_space<vmem>>, vector<1x16xi32>,
      %get3A_431 = arith.constant 0 : i32
      %get3A_432 = arith.index_cast %get3A_431 : i32 to index
      %get3A_433 = arith.constant 32 : index
      %get3A_434 = tpu.vector_load %arg17[%get3A_432, %get3A_433] {strides = array<i32>} : memref<1x128xi32, #tpu.memory_space<vmem>>, vector<1x16xi32>,
      %get3A_435 = vector.shape_cast %get3A_434 : vector<1x16xi32> to vector<16xi32>
      %swap3A_436 = arith.constant 0 : i32
      %swap3A_437 = arith.index_cast %swap3A_436 : i32 to index
      %swap3A_438 = arith.constant 32 : index
      %swap3A_439 = tpu.vector_load %arg18[%swap3A_437, %swap3A_438] {strides = array<i32>} : memref<1x128xi32, #tpu.memory_space<vmem>>, vector<1x16xi32>,
      %swap3A_440 = vector.shape_cast %swap3A_439 : vector<1x16xi32> to vector<16xi32>
      %swap3A_441 = vector.shape_cast %get3A_435 : vector<16xi32> to vector<1x16xi32>
      tpu.vector_store %arg18[%swap3A_437, %swap3A_438], %swap3A_441 {strides = array<i32>} : memref<1x128xi32, #tpu.memory_space<vmem>>, vector<1x16xi32>,
      %get3A_442 = arith.constant 0 : i32
      %get3A_443 = arith.index_cast %get3A_442 : i32 to index
      %get3A_444 = arith.constant 48 : index
      %get3A_445 = tpu.vector_load %arg17[%get3A_443, %get3A_444] {strides = array<i32>} : memref<1x128xi32, #tpu.memory_space<vmem>>, vector<1x16xi32>,
      %get3A_446 = vector.shape_cast %get3A_445 : vector<1x16xi32> to vector<16xi32>
      %swap3A_447 = arith.constant 0 : i32
      %swap3A_448 = arith.index_cast %swap3A_447 : i32 to index
      %swap3A_449 = arith.constant 48 : index
      %swap3A_450 = tpu.vector_load %arg18[%swap3A_448, %swap3A_449] {strides = array<i32>} : memref<1x128xi32, #tpu.memory_space<vmem>>, vector<1x16xi32>,
      %swap3A_451 = vector.shape_cast %swap3A_450 : vector<1x16xi32> to vector<16xi32>
      %swap3A_452 = vector.shape_cast %get3A_446 : vector<16xi32> to vector<1x16xi32>
      tpu.vector_store %arg18[%swap3A_448, %swap3A_449], %swap3A_452 {strides = array<i32>} : memref<1x128xi32, #tpu.memory_space<vmem>>, vector<1x16xi32>,
      %get3A_453 = arith.constant 0 : i32
      %get3A_454 = arith.index_cast %get3A_453 : i32 to index
      %get3A_455 = arith.constant 64 : index
      %get3A_456 = tpu.vector_load %arg17[%get3A_454, %get3A_455] {strides = array<i32>} : memref<1x128xi32, #tpu.memory_space<vmem>>, vector<1x16xi32>,
      %get3A_457 = vector.shape_cast %get3A_456 : vector<1x16xi32> to vector<16xi32>
      %swap3A_458 = arith.constant 0 : i32
      %swap3A_459 = arith.index_cast %swap3A_458 : i32 to index
      %swap3A_460 = arith.constant 64 : index
      %swap3A_461 = tpu.vector_load %arg18[%swap3A_459, %swap3A_460] {strides = array<i32>} : memref<1x128xi32, #tpu.memory_space<vmem>>, vector<1x16xi32>,
      %swap3A_462 = vector.shape_cast %swap3A_461 : vector<1x16xi32> to vector<16xi32>
      %swap3A_463 = vector.shape_cast %get3A_457 : vector<16xi32> to vector<1x16xi32>
      tpu.vector_store %arg18[%swap3A_459, %swap3A_460], %swap3A_463 {strides = array<i32>} : memref<1x128xi32, #tpu.memory_space<vmem>>, vector<1x16xi32>,
      %get3A_464 = arith.constant 0 : i32
      %get3A_465 = arith.index_cast %get3A_464 : i32 to index
      %get3A_466 = arith.constant 80 : index
      %get3A_467 = tpu.vector_load %arg17[%get3A_465, %get3A_466] {strides = array<i32>} : memref<1x128xi32, #tpu.memory_space<vmem>>, vector<1x16xi32>,
      %get3A_468 = vector.shape_cast %get3A_467 : vector<1x16xi32> to vector<16xi32>
      %swap3A_469 = arith.constant 0 : i32
      %swap3A_470 = arith.index_cast %swap3A_469 : i32 to index
      %swap3A_471 = arith.constant 80 : index
      %swap3A_472 = tpu.vector_load %arg18[%swap3A_470, %swap3A_471] {strides = array<i32>} : memref<1x128xi32, #tpu.memory_space<vmem>>, vector<1x16xi32>,
      %swap3A_473 = vector.shape_cast %swap3A_472 : vector<1x16xi32> to vector<16xi32>
      %swap3A_474 = vector.shape_cast %get3A_468 : vector<16xi32> to vector<1x16xi32>
      tpu.vector_store %arg18[%swap3A_470, %swap3A_471], %swap3A_474 {strides = array<i32>} : memref<1x128xi32, #tpu.memory_space<vmem>>, vector<1x16xi32>,
      %get3A_475 = arith.constant 0 : i32
      %get3A_476 = arith.index_cast %get3A_475 : i32 to index
      %get3A_477 = arith.constant 96 : index
      %get3A_478 = tpu.vector_load %arg17[%get3A_476, %get3A_477] {strides = array<i32>} : memref<1x128xi32, #tpu.memory_space<vmem>>, vector<1x16xi32>,
      %get3A_479 = vector.shape_cast %get3A_478 : vector<1x16xi32> to vector<16xi32>
      %swap3A_480 = arith.constant 0 : i32
      %swap3A_481 = arith.index_cast %swap3A_480 : i32 to index
      %swap3A_482 = arith.constant 96 : index
      %swap3A_483 = tpu.vector_load %arg18[%swap3A_481, %swap3A_482] {strides = array<i32>} : memref<1x128xi32, #tpu.memory_space<vmem>>, vector<1x16xi32>,
      %swap3A_484 = vector.shape_cast %swap3A_483 : vector<1x16xi32> to vector<16xi32>
      %swap3A_485 = vector.shape_cast %get3A_479 : vector<16xi32> to vector<1x16xi32>
      tpu.vector_store %arg18[%swap3A_481, %swap3A_482], %swap3A_485 {strides = array<i32>} : memref<1x128xi32, #tpu.memory_space<vmem>>, vector<1x16xi32>,
      %get3A_486 = arith.constant 0 : i32
      %get3A_487 = arith.index_cast %get3A_486 : i32 to index
      %get3A_488 = arith.constant 112 : index
      %get3A_489 = tpu.vector_load %arg17[%get3A_487, %get3A_488] {strides = array<i32>} : memref<1x128xi32, #tpu.memory_space<vmem>>, vector<1x16xi32>,
      %get3A_490 = vector.shape_cast %get3A_489 : vector<1x16xi32> to vector<16xi32>
      %swap3A_491 = arith.constant 0 : i32
      %swap3A_492 = arith.index_cast %swap3A_491 : i32 to index
      %swap3A_493 = arith.constant 112 : index
      %swap3A_494 = tpu.vector_load %arg18[%swap3A_492, %swap3A_493] {strides = array<i32>} : memref<1x128xi32, #tpu.memory_space<vmem>>, vector<1x16xi32>,
      %swap3A_495 = vector.shape_cast %swap3A_494 : vector<1x16xi32> to vector<16xi32>
      %swap3A_496 = vector.shape_cast %get3A_490 : vector<16xi32> to vector<1x16xi32>
      tpu.vector_store %arg18[%swap3A_492, %swap3A_493], %swap3A_496 {strides = array<i32>} : memref<1x128xi32, #tpu.memory_space<vmem>>, vector<1x16xi32>,
      %dma_start3A_497 = arith.constant 0 : i32
      %dma_start3A_498 = arith.constant 0 : i32
      %dma_start3A_499 = tpu.memref_slice %arg18[%dma_start3A_497, %dma_start3A_498] : memref<1x128xi32, #tpu.memory_space<vmem>> -> memref<1x128xi32, #tpu.memory_space<vmem>>
      %dma_start3A_500 = tpu.memref_squeeze %dma_start3A_499 : memref<1x128xi32, #tpu.memory_space<vmem>> -> memref<128xi32, #tpu.memory_space<vmem>>
      %dma_start3A_501 = arith.constant 0 : i32
      %dma_start3A_502 = arith.constant 0 : i32
      %dma_start3A_503 = tpu.memref_slice %arg7[%dma_start3A_501, %dma_start3A_502] : memref<10112x128xf32, #tpu.memory_space<vmem_shared>> -> memref<10112x128xf32, #tpu.memory_space<vmem_shared>>
      tpu.enqueue_indirect_dma source(%arg20 : memref<128x128xf32, #tpu.memory_space<vmem>>) target(%dma_start3A_503 : memref<10112x128xf32, #tpu.memory_space<vmem_shared>>) offsets(%dma_start3A_500 : memref<128xi32, #tpu.memory_space<vmem>>) semaphore(%arg23 : memref<!tpu.dma_semaphore, #tpu.memory_space<semaphore_mem>>) {add = true}
      %add3A_504 = arith.constant 2 : i32
      %add3A_505 = arith.addi %add3A_339, %add3A_504 : i32
      %add3A_506 = arith.addi %mul3A_2, %add3A_505 : i32
      %min3A_507 = arith.constant 2559 : i32
      %min3A_508 = arith.minsi %add3A_506, %min3A_507 : i32
      %mul3A_509 = arith.constant 8 : i32
      %mul3A_510 = arith.muli %add3A_505, %mul3A_509 : i32
      %add3A_511 = arith.addi %mul3A_4, %mul3A_510 : i32
      %min3A_512 = arith.constant 20472 : i32
      %min3A_513 = arith.minsi %add3A_511, %min3A_512 : i32
      %dma_start3A_514 = arith.constant 0 : i32
      %dma_start3A_515 = tpu.memref_slice %arg2[%min3A_508, %dma_start3A_514] : memref<2560x128xi32, #tpu.memory_space<hbm>> -> memref<1x128xi32, #tpu.memory_space<hbm>>
      %dma_start3A_516 = arith.constant 0 : i32
      %dma_start3A_517 = tpu.memref_slice %arg2[%min3A_508, %dma_start3A_516] : memref<2560x128xi32, #tpu.memory_space<hbm>> -> memref<1x128xi32, #tpu.memory_space<hbm>>
      tpu.enqueue_dma source(%dma_start3A_517 : memref<1x128xi32, #tpu.memory_space<hbm>>) target(%arg16 : memref<1x128xi32, #tpu.memory_space<vmem>>) target_semaphore(%arg21 : memref<!tpu.dma_semaphore, #tpu.memory_space<semaphore_mem>>)
      %dma_start3A_518 = arith.constant 0 : i32
      %dma_start3A_519 = tpu.memref_slice %arg3[%min3A_508, %dma_start3A_518] : memref<2560x128xi32, #tpu.memory_space<hbm>> -> memref<1x128xi32, #tpu.memory_space<hbm>>
      %dma_start3A_520 = arith.constant 0 : i32
      %dma_start3A_521 = tpu.memref_slice %arg3[%min3A_508, %dma_start3A_520] : memref<2560x128xi32, #tpu.memory_space<hbm>> -> memref<1x128xi32, #tpu.memory_space<hbm>>
      tpu.enqueue_dma source(%dma_start3A_521 : memref<1x128xi32, #tpu.memory_space<hbm>>) target(%arg17 : memref<1x128xi32, #tpu.memory_space<vmem>>) target_semaphore(%arg21 : memref<!tpu.dma_semaphore, #tpu.memory_space<semaphore_mem>>)
      %dma_start3A_522 = arith.constant 0 : i32
      %dma_start3A_523 = tpu.memref_slice %arg4[%min3A_513, %dma_start3A_522] : memref<20480x16xf32, #tpu.memory_space<hbm>> -> memref<8x16xf32, #tpu.memory_space<hbm>>
      %dma_start3A_524 = arith.constant 0 : i32
      %dma_start3A_525 = tpu.memref_slice %arg4[%min3A_513, %dma_start3A_524] : memref<20480x16xf32, #tpu.memory_space<hbm>> -> memref<8x16xf32, #tpu.memory_space<hbm>>
      tpu.enqueue_dma source(%dma_start3A_525 : memref<8x16xf32, #tpu.memory_space<hbm>>) target(%arg19 : memref<8x16xf32, #tpu.memory_space<vmem>>) target_semaphore(%arg21 : memref<!tpu.dma_semaphore, #tpu.memory_space<semaphore_mem>>)
    }
    %scan3A_103 = arith.constant 40 : i32
    %dma_wait3A_104 = arith.constant 0 : i32
    %dma_wait3A_105 = arith.constant 0 : i32
    %dma_wait3A_106 = arith.constant 0 : i32
    %dma_wait3A_107 = tpu.memref_slice %arg12[%dma_wait3A_105, %dma_wait3A_106] : memref<128x128xf32, #tpu.memory_space<vmem>> -> memref<64x128xf32, #tpu.memory_space<vmem>>
    %dma_wait3A_108 = arith.constant 0 : i32
    %dma_wait3A_109 = tpu.memref_slice %arg8[%dma_wait3A_104, %dma_wait3A_108] : memref<1x128xi32, #tpu.memory_space<vmem>> -> memref<1x64xi32, #tpu.memory_space<vmem>>
    %dma_wait3A_110 = tpu.memref_squeeze %dma_wait3A_109 : memref<1x64xi32, #tpu.memory_space<vmem>> -> memref<64xi32, #tpu.memory_space<vmem>>
    %dma_wait3A_111 = arith.constant 0 : i32
    %dma_wait3A_112 = arith.constant 0 : i32
    %dma_wait3A_113 = tpu.memref_slice %arg5[%dma_wait3A_111, %dma_wait3A_112] : memref<10000x128xf32, #tpu.memory_space<hbm>> -> memref<10000x128xf32, #tpu.memory_space<hbm>>
    tpu.wait_indirect_dma semaphore(%arg14 : memref<!tpu.dma_semaphore, #tpu.memory_space<semaphore_mem>>) src(%dma_wait3A_113 : memref<10000x128xf32, #tpu.memory_space<hbm>>) dst(%dma_wait3A_107 : memref<64x128xf32, #tpu.memory_space<vmem>>)
    %dma_wait3A_114 = arith.constant 0 : i32
    %dma_wait3A_115 = arith.constant 64 : i32
    %dma_wait3A_116 = arith.constant 0 : i32
    %dma_wait3A_117 = tpu.memref_slice %arg12[%dma_wait3A_115, %dma_wait3A_116] : memref<128x128xf32, #tpu.memory_space<vmem>> -> memref<64x128xf32, #tpu.memory_space<vmem>>
    %dma_wait3A_118 = arith.constant 64 : i32
    %dma_wait3A_119 = tpu.memref_slice %arg8[%dma_wait3A_114, %dma_wait3A_118] : memref<1x128xi32, #tpu.memory_space<vmem>> -> memref<1x64xi32, #tpu.memory_space<vmem>>
    %dma_wait3A_120 = tpu.memref_squeeze %dma_wait3A_119 : memref<1x64xi32, #tpu.memory_space<vmem>> -> memref<64xi32, #tpu.memory_space<vmem>>
    %dma_wait3A_121 = arith.constant 0 : i32
    %dma_wait3A_122 = arith.constant 0 : i32
    %dma_wait3A_123 = tpu.memref_slice %arg5[%dma_wait3A_121, %dma_wait3A_122] : memref<10000x128xf32, #tpu.memory_space<hbm>> -> memref<10000x128xf32, #tpu.memory_space<hbm>>
    tpu.wait_indirect_dma semaphore(%arg14 : memref<!tpu.dma_semaphore, #tpu.memory_space<semaphore_mem>>) src(%dma_wait3A_123 : memref<10000x128xf32, #tpu.memory_space<hbm>>) dst(%dma_wait3A_117 : memref<64x128xf32, #tpu.memory_space<vmem>>)
    %dma_wait3A_124 = arith.constant 0 : i32
    %dma_wait3A_125 = arith.constant 0 : i32
    %dma_wait3A_126 = tpu.memref_slice %arg2[%dma_wait3A_124, %dma_wait3A_125] : memref<2560x128xi32, #tpu.memory_space<hbm>> -> memref<1x128xi32, #tpu.memory_space<hbm>>
    %dma_wait3A_127 = arith.constant 0 : i32
    %dma_wait3A_128 = arith.constant 0 : i32
    %dma_wait3A_129 = tpu.memref_slice %arg2[%dma_wait3A_127, %dma_wait3A_128] : memref<2560x128xi32, #tpu.memory_space<hbm>> -> memref<1x128xi32, #tpu.memory_space<hbm>>
    tpu.wait_dma2 semaphore(%arg21 : memref<!tpu.dma_semaphore, #tpu.memory_space<semaphore_mem>>) src(%dma_wait3A_129 : memref<1x128xi32, #tpu.memory_space<hbm>>) dst(%arg16 : memref<1x128xi32, #tpu.memory_space<vmem>>)
    %dma_wait3A_130 = arith.constant 0 : i32
    %dma_wait3A_131 = arith.constant 0 : i32
    %dma_wait3A_132 = tpu.memref_slice %arg3[%dma_wait3A_130, %dma_wait3A_131] : memref<2560x128xi32, #tpu.memory_space<hbm>> -> memref<1x128xi32, #tpu.memory_space<hbm>>
    %dma_wait3A_133 = arith.constant 0 : i32
    %dma_wait3A_134 = arith.constant 0 : i32
    %dma_wait3A_135 = tpu.memref_slice %arg3[%dma_wait3A_133, %dma_wait3A_134] : memref<2560x128xi32, #tpu.memory_space<hbm>> -> memref<1x128xi32, #tpu.memory_space<hbm>>
    tpu.wait_dma2 semaphore(%arg21 : memref<!tpu.dma_semaphore, #tpu.memory_space<semaphore_mem>>) src(%dma_wait3A_135 : memref<1x128xi32, #tpu.memory_space<hbm>>) dst(%arg17 : memref<1x128xi32, #tpu.memory_space<vmem>>)
    %dma_wait3A_136 = arith.constant 0 : i32
    %dma_wait3A_137 = arith.constant 0 : i32
    %dma_wait3A_138 = tpu.memref_slice %arg4[%dma_wait3A_136, %dma_wait3A_137] : memref<20480x16xf32, #tpu.memory_space<hbm>> -> memref<8x16xf32, #tpu.memory_space<hbm>>
    %dma_wait3A_139 = arith.constant 0 : i32
    %dma_wait3A_140 = arith.constant 0 : i32
    %dma_wait3A_141 = tpu.memref_slice %arg4[%dma_wait3A_139, %dma_wait3A_140] : memref<20480x16xf32, #tpu.memory_space<hbm>> -> memref<8x16xf32, #tpu.memory_space<hbm>>
    tpu.wait_dma2 semaphore(%arg21 : memref<!tpu.dma_semaphore, #tpu.memory_space<semaphore_mem>>) src(%dma_wait3A_141 : memref<8x16xf32, #tpu.memory_space<hbm>>) dst(%arg19 : memref<8x16xf32, #tpu.memory_space<vmem>>)
    %dma_wait3A_142 = arith.constant 0 : i32
    %dma_wait3A_143 = arith.constant 0 : i32
    %dma_wait3A_144 = tpu.memref_slice %arg18[%dma_wait3A_142, %dma_wait3A_143] : memref<1x128xi32, #tpu.memory_space<vmem>> -> memref<1x128xi32, #tpu.memory_space<vmem>>
    %dma_wait3A_145 = tpu.memref_squeeze %dma_wait3A_144 : memref<1x128xi32, #tpu.memory_space<vmem>> -> memref<128xi32, #tpu.memory_space<vmem>>
    %dma_wait3A_146 = arith.constant 0 : i32
    %dma_wait3A_147 = arith.constant 0 : i32
    %dma_wait3A_148 = tpu.memref_slice %arg7[%dma_wait3A_146, %dma_wait3A_147] : memref<10112x128xf32, #tpu.memory_space<vmem_shared>> -> memref<10112x128xf32, #tpu.memory_space<vmem_shared>>
    tpu.wait_indirect_dma semaphore(%arg23 : memref<!tpu.dma_semaphore, #tpu.memory_space<semaphore_mem>>) src(%arg20 : memref<128x128xf32, #tpu.memory_space<vmem>>) dst(%dma_wait3A_148 : memref<10112x128xf32, #tpu.memory_space<vmem_shared>>)
    %barrier3A_149 = arith.constant 0 : index
    tpu.barrier barrier_id(%barrier3A_149)
    "tpu.region"() ({
      %run_scoped3A = tpu.sem_alloc : memref<!tpu.dma_semaphore, #tpu.memory_space<semaphore_mem>>
      %dma_start3A_150 = arith.constant 0 : i32
      %dma_start3A_151 = tpu.memref_slice %arg6[%arg0, %mul3A_11, %dma_start3A_150] : memref<2x10112x128xf32, #tpu.memory_space<hbm>> -> memref<1x632x128xf32, #tpu.memory_space<hbm>>
      %dma_start3A_152 = tpu.memref_squeeze %dma_start3A_151 : memref<1x632x128xf32, #tpu.memory_space<hbm>> -> memref<632x128xf32, #tpu.memory_space<hbm>>
      %dma_start3A_153 = arith.constant 0 : i32
      %dma_start3A_154 = tpu.memref_slice %arg7[%mul3A_11, %dma_start3A_153] : memref<10112x128xf32, #tpu.memory_space<vmem_shared>> -> memref<632x128xf32, #tpu.memory_space<vmem_shared>>
      tpu.enqueue_dma source(%dma_start3A_154 : memref<632x128xf32, #tpu.memory_space<vmem_shared>>) target(%dma_start3A_152 : memref<632x128xf32, #tpu.memory_space<hbm>>) target_semaphore(%run_scoped3A : memref<!tpu.dma_semaphore, #tpu.memory_space<semaphore_mem>>)
      %dma_wait3A_155 = arith.constant 0 : i32
      %dma_wait3A_156 = tpu.memref_slice %arg6[%arg0, %mul3A_11, %dma_wait3A_155] : memref<2x10112x128xf32, #tpu.memory_space<hbm>> -> memref<1x632x128xf32, #tpu.memory_space<hbm>>
      %dma_wait3A_157 = tpu.memref_squeeze %dma_wait3A_156 : memref<1x632x128xf32, #tpu.memory_space<hbm>> -> memref<632x128xf32, #tpu.memory_space<hbm>>
      %dma_wait3A_158 = arith.constant 0 : i32
      %dma_wait3A_159 = tpu.memref_slice %arg7[%mul3A_11, %dma_wait3A_158] : memref<10112x128xf32, #tpu.memory_space<vmem_shared>> -> memref<632x128xf32, #tpu.memory_space<vmem_shared>>
      tpu.wait_dma2 semaphore(%run_scoped3A : memref<!tpu.dma_semaphore, #tpu.memory_space<semaphore_mem>>) src(%dma_wait3A_159 : memref<632x128xf32, #tpu.memory_space<vmem_shared>>) dst(%dma_wait3A_157 : memref<632x128xf32, #tpu.memory_space<hbm>>)
      tpu.yield
    }) : () -> ()
    return
  }
}

</mosaic_0001>

<sc_bundles>
// kernel: _sc_spmm_call.3.cloned.1.call-start
scs
__scs_entry_jumppad:
0x0: {  	(pc) =	sbr.rel $0x88, $3  }
0x1: {  	(tag) =	ssettag $0x0;
	lr =	simm.s32 $0x1  }
0x2: {  	[smem:$0x3F9D] =	sst lr;
	_ =	strace $0xD0000000  }
0x3: {  	_ = 	snop  }
0x4: {  	_ = 	snop  }
0x5: {  	_ = 	snop  }
0x6: {  	_ = 	snop  }
0x7: {  	_ = 	snop  }
__scs_overlays_trampoline_lowered:
0x8: {  	[smem:$0x3FAC] =	sst s0  }
0x9: {  	[smem:$0x3FAD] =	sst s1  }
0xa: {  	[smem:$0x3FAE] =	sst s2  }
0xb: {  	[smem:$0x3FAF] =	sst s3  }
0xc: {  	[smem:$0x3FB0] =	sst s4  }
0xd: {  	[smem:$0x3FB1] =	sst s5  }
0xe: {  	[smem:$0x3FB2] =	sst s6  }
0xf: {  	[smem:$0x3FB3] =	sst s7  }
0x10: {  	[smem:$0x3FB4] =	sst s8  }
0x11: {  	[smem:$0x3FB5] =	sst s9;
	s0 =	simm.s32 @!p0 $0x0  }
0x12: {  	s1 =	sld [smem:$0x3F9B];
	s0 =	simm.s32 @p0 $0x1  }
0x13: {  	[smem:$0x3FB6] =	sst s0;
	s0 =	simm.s32 @!p1 $0x0  }
0x14: {  	s2 =	sld [smem:$0x3F9A];
	s0 =	simm.s32 @p1 $0x1  }
0x15: {  	[smem:$0x3FB7] =	sst s0;
	s0 =	simm.s32 @!p2 $0x0  }
0x16: {  	s3 =	sld [smem:$0x3FDB];
	s0 =	simm.s32 @p2 $0x1  }
0x17: {  	s4 =	simm.s32 $0x1BF5;
	[smem:$0x3FB9] =	sst s0  }
0x18: {  	s0 =	sld [smem:$0x3F9C];
	_ =	swait.ge [sflag:s4], $0x0  }
0x19: {  	s7 =	sld [smem:$0x3F9D]  }
0x1a: {  	s8 =	sadd.s32 $0xFFFFE003, lr  }
0x1b: {  	s9 =	sadd.s32 $0xFFFFFEF7, lr;
	s5 =	simm.s32 $0xFFFFFFFF;
	p2 =	slt.u32 s8, $0xFFFFF086  }
0x1c: {  	p1 =	slt.u32 s9, $0xF7A;
	s5 =	simm.s32 @!p2 $0x0  }
0x1d: {  	s5 =	simm.s32 @p1 $0x1;
	p0 =	seq.s32 s7, s2  }
0x1e: {  	s7 =	smul.u32 @!p0 $0xF7A, s2;
	p2 =	seq.s32 @!p0 s5, $0x0  }
0x1f: {  	s9 =	smul.u32 $0xF7A, s1;
	s8 =	simm.s32 @!p0 $0x1BF5;
	p2 =	por !p2, p0  }
0x20: {  	[sflag:s8] =	ssyncset.s32 @!p0 $0xFFFFF086;
	s6 =	sadd.s32 @!p0 s3, s7;
	s7 =	simm.s32 @!p0 $0x108  }
0x21: {  	s3 =	sadd.s32 s3, s9;
	s6 =	sadd.s32 @!p0 $0x88, s6;
	s7 =	simm.s32 @p2 $0x1082  }
0x22: {  	[simem:s7], [sflag:s8] =	dma.local @!p0 [hbm:s6], $0xF7A  }
0x23: {  	s9 =	sor.u32 $0xD0000000, s2;
	s6 =	simm.s32 $0x108;
	_ =	swait.ge @!p0 [sflag:s8], $0x0  }
0x24: {  	s3 =	sadd.s32 $0x88, s3;
	s6 =	simm.s32 @!p1 $0x1082;
	[sflag:s4] =	ssyncset.s32 $0xFFFFF086  }
0x25: {  	[simem:s6], [sflag:s4] =	dma.local [hbm:s3], $0xF7A  }
0x26: {  	[smem:$0x3F9D] =	sst s1;
	(tag) =	ssettag s2;
	_ =	strace s9  }
0x27: {  	s1 =	sld [smem:$0x3FAD]  }
0x28: {  	s2 =	sld [smem:$0x3FAE]  }
0x29: {  	s4 =	sld [smem:$0x3FB0]  }
0x2a: {  	p0 =	seq.s32 s5, $0x0;
	s5 =	sld [smem:$0x3FB1]  }
0x2b: {  	s6 =	sld [smem:$0x3FB2]  }
0x2c: {  	s7 =	sld [smem:$0x3FB3]  }
0x2d: {  	s3 =	simm.s32 $0x108;
	s8 =	sld [smem:$0x3FB4]  }
0x2e: {  	s3 =	simm.s32 @!p0 $0x1082;
	s9 =	sld [smem:$0x3FB5]  }
0x2f: {  	lr =	sadd.s32 s0, s3;
	s0 =	sld [smem:$0x3FAC]  }
0x30: {  	s3 =	sld [smem:$0x3FAF]  }
0x31: {  	[smem:$0x3FB8] =	sst s10  }
0x32: {  	s10 =	sld [smem:$0x3FB6];
	_ =	sdelay $0x3  }
0x33: {  	p0 =	seq.s32 s10, $0x1;
	s10 =	sld [smem:$0x3FB8];
	_ =	sdelay $0x3  }
0x34: {  	[smem:$0x3FB8] =	sst s10  }
0x35: {  	s10 =	sld [smem:$0x3FB7];
	_ =	sdelay $0x3  }
0x36: {  	p1 =	seq.s32 s10, $0x1;
	s10 =	sld [smem:$0x3FB8];
	_ =	sdelay $0x3  }
0x37: {  	[smem:$0x3FB8] =	sst s10  }
0x38: {  	s10 =	sld [smem:$0x3FB9]  }
0x39: {  	_ = 	snop;
	(pc) =	sbr.ind lr, $3  }
0x3a: {  	_ = 	snop  }
0x3b: {  	_ = 	snop  }
0x3c: {  	p2 =	seq.s32 s10, $0x1;
	s10 =	sld [smem:$0x3FB8]  }
0x3d: {  	_ =	shalt  }
0x3e: {  	_ =	shalt  }
0x3f: {  	_ =	shalt  }
0x40: {  	_ =	shalt  }
0x41: {  	_ =	shalt  }
0x42: {  	_ =	shalt  }
0x43: {  	_ =	shalt  }
0x44: {  	_ =	shalt  }
0x45: {  	_ =	shalt  }
0x46: {  	_ =	shalt  }
0x47: {  	_ =	shalt  }
0x48: {  	_ =	shalt  }
0x49: {  	_ =	shalt  }
0x4a: {  	_ =	shalt  }
0x4b: {  	_ =	shalt  }
0x4c: {  	_ =	shalt  }
0x4d: {  	_ =	shalt  }
0x4e: {  	_ =	shalt  }
0x4f: {  	_ =	shalt  }
0x50: {  	_ =	shalt  }
0x51: {  	_ =	shalt  }
0x52: {  	_ =	shalt  }
0x53: {  	_ =	shalt  }
0x54: {  	_ =	shalt  }
0x55: {  	_ =	shalt  }
0x56: {  	_ =	shalt  }
0x57: {  	_ =	shalt  }
0x58: {  	_ =	shalt  }
0x59: {  	_ =	shalt  }
0x5a: {  	_ =	shalt  }
0x5b: {  	_ =	shalt  }
0x5c: {  	_ =	shalt  }
0x5d: {  	_ =	shalt  }
0x5e: {  	_ =	shalt  }
0x5f: {  	_ =	shalt  }
0x60: {  	_ =	shalt  }
0x61: {  	_ =	shalt  }
0x62: {  	_ =	shalt  }
0x63: {  	_ =	shalt  }
0x64: {  	_ =	shalt  }
0x65: {  	_ =	shalt  }
0x66: {  	_ =	shalt  }
0x67: {  	_ =	shalt  }
0x68: {  	_ =	shalt  }
0x69: {  	_ =	shalt  }
0x6a: {  	_ =	shalt  }
0x6b: {  	_ =	shalt  }
0x6c: {  	_ =	shalt  }
0x6d: {  	_ =	shalt  }
0x6e: {  	_ =	shalt  }
0x6f: {  	_ =	shalt  }
0x70: {  	_ =	shalt  }
0x71: {  	_ =	shalt  }
0x72: {  	_ =	shalt  }
0x73: {  	_ =	shalt  }
0x74: {  	_ =	shalt  }
0x75: {  	_ =	shalt  }
0x76: {  	_ =	shalt  }
0x77: {  	_ =	shalt  }
0x78: {  	_ =	shalt  }
0x79: {  	_ =	shalt  }
0x7a: {  	_ =	shalt  }
0x7b: {  	_ =	shalt  }
0x7c: {  	_ =	shalt  }
0x7d: {  	_ =	shalt  }
0x7e: {  	_ =	shalt  }
0x7f: {  	_ =	shalt  }
0x80: {  	_ =	shalt  }
0x81: {  	_ =	shalt  }
0x82: {  	_ =	shalt  }
0x83: {  	_ =	shalt  }
0x84: {  	_ =	shalt  }
0x85: {  	_ =	shalt  }
0x86: {  	_ =	shalt  }
0x87: {  	_ =	shalt  }
.Lfunc_end0:
.L_simem_size_0:
called_computation_lowered:
.L_overlay_start_0:
0x88: {  	s2 =	sld [smem:$0x3FD9]  }
0x89: {  	s3 =	sld [smem:$0x3FFE];
	_ =	sdelay $0x1  }
0x8a: {  	s1 =	srdreg.scid  }
0x8b: {  	s0 =	sand.u32 $0x1, s1  }
0x8c: {  	s17 =	sshll.u32 s0, $0xA;
	s2 =	sadd.s32 s3, s2  }
0x8d: {  	s2 =	sadd.s32 s2, s17  }
0x8e: {  	[smem:$0x3FC4] =	sst s2  }
0x8f: {  	_ = 	snop  }
0x90: {  	s2 =	sld [smem:$0x3FC9]  }
0x91: {  	s18 =	sld [smem:$0x3FC8]  }
0x92: {  	s4 =	sld [smem:$0x3FC6]  }
0x93: {  	s5 =	sld [smem:$0x3FD0];
	(tm) =	ssettm $0x1  }
0x94: {  	s6 =	sld [smem:$0x3FFB];
	_ =	sdelay $0x3  }
0x95: {  	_ =	strace s6  }
0x96: {  	s6 =	sld [smem:$0x3FFC];
	_ =	sdelay $0x3  }
0x97: {  	_ =	strace s6  }
0x98: {  	s6 =	sld [smem:$0x3FFD];
	_ =	sdelay $0x3  }
0x99: {  	_ =	strace s6  }
0x9a: {  	_ =	strace $0x8FFFFFFF  }
0x9b: {  	s19 =	sld [smem:$0x3FDB];
	_ =	sdelay $0x1  }
0x9c: {  	s7 =	simm.s32 $_scs_section_size  }
0x9d: {  	s8 =	simm.s32 $_size__tile_overlayer_lowered;
	s9 =	simm.s32 $_tile_overlayer_lowered  }
0x9e: {  	s22 =	simm.s32 $0x1BFF;
	s21 =	sshll.u32 s9, $0x1;
	s6 =	sadd.s32 s7, s19  }
0x9f: {  	s10 =	simm.s32 $0x0;
	s20 =	sshll.u32 s8, $0x1;
	s8 =	sadd.s32 s21, s6  }
0xa0: {  	[timem:s10], [sflag:s22] =	dma.local [hbm:s8], s20  }
0xa1: {  	_ =	swait.ge [sflag:s22], s20  }
0xa2: {  	s7 =	ssub.s32 $0x0, s20;
	[sflag:s22] =	ssyncset.done $0x0  }
0xa3: {  	[sflag:s22] =	ssyncadd.s32 s7;
	_ =	sdelay $0x1  }
0xa4: {  	s23 =	simm.s32 $0x1B8B  }
0xa5: {  	_ =	swait.ge [sflag:s23], $0x1  }
0xa6: {  	[sflag:s23] =	ssyncset.done $0x0  }
0xa7: {  	s25 =	simm.s32 $0x1B8E;
	s24 =	sld [smem:$0x3FFE];
	[sflag:s23] =	ssyncadd.s32 $0xFFFFFFFF  }
0xa8: {  	s26 =	simm.s32 $execute0_lowered;
	[smem:$0x3FD2] =	sst s25  }
0xa9: {  	s8 =	sshll.u32 s26, $0x1;
	_ =	strace $0x80000046;
	[dreg:$0x1] =	wrdreg $0xFFFFFFFF  }
0xaa: {  	s28 =	simm.s32 $_size_execute0_lowered;
	s6 =	sadd.s32 s6, s8;
	[dreg:$0x0] =	wrdreg $0x0  }
0xab: {  	s8 =	sshll.u32 s28, $0x1;
	[dreg:$0x2] =	wrdreg s6  }
0xac: {  	[dreg:$0x3] =	wrdreg s8  }
0xad: {  	[dreg:$0x4] =	wrdreg $0xC0  }
0xae: {  	_ =	task [dreg:s10], $0x5FFFF  }
0xaf: {  	[dreg:$0x1] =	wrdreg $0xFFFFFFFF  }
0xb0: {  	[dreg:$0x0] =	wrdreg $0x60  }
0xb1: {  	[dreg:$0x2] =	wrdreg s2  }
0xb2: {  	[dreg:$0x3] =	wrdreg s18  }
0xb3: {  	[dreg:$0x4] =	wrdreg s24  }
0xb4: {  	[dreg:$0x5] =	wrdreg s4  }
0xb5: {  	[dreg:$0x6] =	wrdreg s5  }
0xb6: {  	[dreg:$0x7] =	wrdreg $0x0  }
0xb7: {  	[dreg:$0x8] =	wrdreg $0x9  }
0xb8: {  	_ =	task.clear_ibuf [dreg:s10], $0x9FFFF;
	_ =	strace $0x90000046  }
0xb9: {  	s29 =	simm.s32 $0x9;
	_ =	strace $0x80000048  }
0xba: {  	_ =	swait.ge [sflag:s29], $0x1  }
0xbb: {  	[sflag:s29] =	ssyncadd.s32 $0xFFFFFFFF  }
0xbc: {  	_ =	strace $0x90000048  }
0xbd: {  	_ =	sfence  }
0xbe: {  	s30 =	sld [smem:$0x0];
	_ =	sdelay $0x2  }
0xbf: {  	s31 =	sshll.u32 s1, $0xD;
	s1 =	sshrl.u32 s1, $0x2  }
0xc0: {  	s3 =	sand.u32 $0x4000, s31;
	s1 =	sadd.s32 s1, s30  }
0xc1: {  	s0 =	sor.u32 s3, s0;
	s1 =	sshll.u32 s1, $0x11  }
0xc2: {  	s0 =	sor.u32 s1, s0  }
0xc3: {  	s0 =	sadd.s32 $0x8F2B, s0  }
0xc4: {  	[sflag:s0] =	ssyncadd.remote.s32 $0x1  }
0xc5: {  	_ =	sfence.sel $0xFFFF  }
0xc6: {  	[dreg:$0x0] =	wrdreg $0xFFFFFFFF;
	(pc) =	sbr.abs _section_cstart, $3  }
0xc7: {  	[dreg:$0x1] =	wrdreg $0xFFFFFFFF  }
0xc8: {  	_ =	task.clear_ibuf [dreg:s10], $0x2FFFF;
	_ =	strace $0x9FFFFFFF  }
0xc9: {  	(tm) =	ssettm $0x7FFFFFFF  }
tec
execute0_lowered:
.L_overlay_start_1:
0x0: {  	(tag) =	ssettag $0x1  }
0x1: {  	s0 =	rddreg [dreg:$0x0]  }
0x2: {  	s1 =	rddreg [dreg:$0x1]  }
0x3: {  	s2 =	rddreg [dreg:$0x2]  }
0x4: {  	s3 =	rddreg [dreg:$0x3]  }
0x5: {  	s4 =	srdreg.scid;
	s10 =	rddreg [dreg:$0x4]  }
0x6: {  	s15 =	stileid.u32;
	s5 =	rddreg [dreg:$0x5]  }
0x7: {  	s28 =	simm.s32 $0x13D80;
	s29 =	simm.s32 $0x1;
	s30 =	simm.s32 $0x40  }
0x8: {  	s31 =	simm.s32 $0x13C40;
	s4 =	sand.u32 $0x1, s4;
	s12 =	smul.u32 $0x4F000, s15  }
0x9: {  	s8 =	sadd.s32 $0x400, s2;
	s19 =	smul.u32 $0x13C00, s15;
	s6 =	sshll.u32 s4, $0x4  }
0xa: {  	s26 =	ssub.s32 $0x2, s4;
	s4 =	smul.u32 $0x13C000, s4;
	s11 =	sor.u32 s15, s6  }
0xb: {  	s6 =	simm.s32 $0x0;
	s12 =	sshrl.u32 s12, $0x2;
	s7 =	smul.u32 $0x50, s11  }
0xc: {  	s14 =	sshrl.u32 s26, $0x1;
	s15 =	simm.s32 $0x18700;
	s9 =	smul.u32 $0x280, s11  }
0xd: {  	[smem:$0x7FF] =	sst s6;
	s13 =	smul.u32 $0x500, s11;
	s17 =	sadd.s32 s12, s5  }
0xe: {  	s11 =	smul.u32 $0x2800, s11;
	s2 =	ssub.s32 s26, s14;
	s4 =	sadd.s32 s19, s4  }
0xf: {  	_ =	strace $0x80000047;
	s12 =	sadd.s32 $0x4000, s17;
	[dreg:$0x7] =	wrdreg s17  }
0x10: {  	s14 =	simm.s32 $0x4;
	s16 =	sadd.s32 $0x8000, s17;
	[dreg:$0x8] =	wrdreg s12  }
0x11: {  	s19 =	simm.s32 $0x80;
	s18 =	sadd.s32 $0xC000, s17;
	[dreg:$0x9] =	wrdreg s16  }
0x12: {  	s20 =	sadd.s32 $0x10000, s17;
	s4 =	sshrl.u32 s4, $0x3;
	[dreg:$0xa] =	wrdreg s18  }
0x13: {  	s2 =	smax.u32 s2, $0x1;
	[dreg:$0xb] =	wrdreg s20;
	s21 =	sadd.s32 s0, s13  }
0x14: {  	s22 =	sadd.s32 s1, s13;
	s23 =	sadd.s32 s8, s11;
	[dreg:$0x13] =	wrdreg s2  }
0x15: {  	s24 =	sor.u32 $0x10, s13;
	s4 =	sadd.s32 s10, s4;
	[dreg:$0xc] =	wrdreg s21  }
0x16: {  	s18 =	simm.s32 $0x7;
	s2 =	simm.s32 $0x18180;
	[dreg:$0xd] =	wrdreg s22  }
0x17: {  	s12 =	simm.s32 $0x18300;
	s13 =	simm.s32 $0x2;
	[dreg:$0xe] =	wrdreg s23  }
0x18: {  	s16 =	simm.s32 $0x0;
	s25 =	sadd.s32 s0, s24;
	[dreg:$0x12] =	wrdreg s4  }
0x19: {  	s11 =	sadd.s32 s1, s24;
	s26 =	sadd.s32 $0x80, s23;
	[dreg:$0xf] =	wrdreg s25  }
0x1a: {  	s23 =	simm.s32 $0x14180;
	s4 =	simm.s32 $0x16180;
	[dreg:$0x10] =	wrdreg s11  }
0x1b: {  	s21 =	simm.s32 $0x5;
	s22 =	simm.s32 $0x3;
	[dreg:$0x11] =	wrdreg s26  }
0x1c: {  	v0 =	vimm.f32 $0.0e+00;
	s25 =	simm.s32 $0x13C00;
	s26 =	simm.s32 $0x13C80;
	s11 =	simm.s32 $0x18200  }
.LBB2_1:
0x1d: {  	[dreg:$0x14] =	wrdreg s16;
	s10 =	simm.s32 $0x0;
	s16 =	simm.s32 $0x200  }
.LBB2_2:
0x1e: {  	p0 =	sne.s32 s16, $0xFE00;
	[tilespmem:s10+$0x141F0] =	vst v0  }
0x1f: {  	[tilespmem:s10+$0x14180] =	vst v0  }
0x20: {  	[tilespmem:s10+$0x14190] =	vst v0  }
.Ltmp0:
0x21: {  	[tilespmem:s10+$0x141A0] =	vst v0;
	(pc) =	sbr.rel @p0 .LBB2_2-.Ltmp0, $4  }
0x22: {  	[tilespmem:s10+$0x141B0] =	vst v0  }
0x23: {  	[tilespmem:s10+$0x141C0] =	vst v0  }
0x24: {  	[tilespmem:s10+$0x141D0] =	vst v0  }
0x25: {  	[tilespmem:s10+$0x141E0] =	vst v0;
	s10 =	sshra.s32 s16, $0x2;
	s16 =	sadd.s32 $0x200, s16  }
0x26: {  	[tilespmem:s10+$0x141F0] =	vst v0  }
0x27: {  	[tilespmem:s10+$0x14180] =	vst v0  }
0x28: {  	[tilespmem:s10+$0x14190] =	vst v0  }
0x29: {  	[tilespmem:s10+$0x141A0] =	vst v0  }
0x2a: {  	[tilespmem:s10+$0x141B0] =	vst v0  }
0x2b: {  	[tilespmem:s10+$0x141C0] =	vst v0  }
0x2c: {  	[tilespmem:s10+$0x141D0] =	vst v0  }
0x2d: {  	[tilespmem:s10+$0x141E0] =	vst v0  }
0x2e: {  	[spmem:s17] =	stream.linear.scatter [tilespmem:s23], [sflag:$0x7], $0x4000, $0x38;
	[tilespmem:$0x1C700] =	vst v63  }
0x2f: {  	_ =	swait.ge [sflag:s18], $0x4000  }
0x30: {  	[sflag:s18] =	ssyncset.done $0x0  }
0x31: {  	s24 =	rddreg [dreg:$0x8];
	[sflag:s18] =	ssyncadd.s32 $0xFFFFC000  }
0x32: {  	[spmem:s24] =	stream.linear.scatter [tilespmem:s23], [sflag:$0x7], $0x4000, $0x38;
	[tilespmem:$0x1C700] =	vst v63  }
0x33: {  	_ =	swait.ge [sflag:s18], $0x4000  }
0x34: {  	[sflag:s18] =	ssyncset.done $0x0  }
0x35: {  	s16 =	rddreg [dreg:$0x9];
	[sflag:s18] =	ssyncadd.s32 $0xFFFFC000  }
0x36: {  	[spmem:s16] =	stream.linear.scatter [tilespmem:s23], [sflag:$0x7], $0x4000, $0x38;
	[tilespmem:$0x1C700] =	vst v63  }
0x37: {  	_ =	swait.ge [sflag:s18], $0x4000  }
0x38: {  	[sflag:s18] =	ssyncset.done $0x0  }
0x39: {  	s17 =	rddreg [dreg:$0xa];
	[sflag:s18] =	ssyncadd.s32 $0xFFFFC000  }
0x3a: {  	[spmem:s17] =	stream.linear.scatter [tilespmem:s23], [sflag:$0x7], $0x4000, $0x38;
	[tilespmem:$0x1C700] =	vst v63  }
0x3b: {  	_ =	swait.ge [sflag:s18], $0x4000  }
0x3c: {  	[sflag:s18] =	ssyncset.done $0x0  }
0x3d: {  	s20 =	rddreg [dreg:$0xb];
	[sflag:s18] =	ssyncadd.s32 $0xFFFFC000  }
0x3e: {  	[spmem:s20] =	stream.linear.scatter [tilespmem:s23], [sflag:$0x7], $0x3C00, $0x38;
	[tilespmem:$0x1C700] =	vst v63  }
0x3f: {  	_ =	swait.ge [sflag:s18], $0x3C00  }
0x40: {  	[sflag:s18] =	ssyncset.done $0x0  }
0x41: {  	[sflag:s18] =	ssyncadd.s32 $0xFFFFC400  }
0x42: {  	[bflag:$0x0] =	sbarrier.arrive $0xFFFF  }
0x43: {  	s10 =	simm.s32 $0x0;
	s16 =	rddreg [dreg:$0xc]  }
0x44: {  	[tilespmem:s25], [sflag:$0x1] =	stream.linear.gather [hbm4b:s16+s10], $0x80, $0x38;
	[tilespmem:$0x1C700] =	vst v63  }
0x45: {  	s24 =	rddreg [dreg:$0xd]  }
0x46: {  	[tilespmem:s26], [sflag:$0x1] =	stream.linear.gather [hbm4b:s24+s10], $0x80, $0x38;
	[tilespmem:$0x1C700] =	vst v63  }
0x47: {  	s17 =	rddreg [dreg:$0xe]  }
0x48: {  	[tilespmem:s28], [sflag:$0x1] =	stream.linear.gather [hbm4b:s17+s10], $0x400, $0x38;
	[tilespmem:$0x1C700] =	vst v63  }
0x49: {  	_ =	swait.ge [sflag:s29], $0x80  }
0x4a: {  	[sflag:s29] =	ssyncset.done $0x0  }
0x4b: {  	[sflag:s29] =	ssyncadd.s32 $0xFFFFFF80  }
0x4c: {  	_ =	swait.ge [sflag:s29], $0x80  }
0x4d: {  	[sflag:s29] =	ssyncset.done $0x0  }
0x4e: {  	[sflag:s29] =	ssyncadd.s32 $0xFFFFFF80  }
0x4f: {  	_ =	swait.ge [sflag:s29], $0x400  }
0x50: {  	[sflag:s29] =	ssyncset.done $0x0  }
0x51: {  	[sflag:s29] =	ssyncadd.s32 $0xFFFFFC00  }
0x52: {  	[tilespmem:s23], [sflag:$0x2] =	stream.indirect.gather [hbm4b:s3+s30], $0x80, s25, s30, $0xb8;
	[tilespmem:$0x1C700] =	vst v63  }
0x53: {  	_ = 	snop  }
0x54: {  	[tilespmem:s4], [sflag:$0x2] =	stream.indirect.gather [hbm4b:s3+s30], $0x80, s31, s30, $0xb8;
	[tilespmem:$0x1C700] =	vst v63  }
0x55: {  	s18 =	rddreg [dreg:$0xf]  }
0x56: {  	[tilespmem:s2], [sflag:$0x4] =	stream.linear.gather [hbm4b:s18+s10], $0x80, $0x38;
	[tilespmem:$0x1C700] =	vst v63  }
0x57: {  	s20 =	rddreg [dreg:$0x10]  }
0x58: {  	[tilespmem:s11], [sflag:$0x4] =	stream.linear.gather [hbm4b:s20+s10], $0x80, $0x38;
	[tilespmem:$0x1C700] =	vst v63  }
0x59: {  	s24 =	rddreg [dreg:$0x11]  }
0x5a: {  	[tilespmem:s12], [sflag:$0x4] =	stream.linear.gather [hbm4b:s24+s10], $0x400, $0x38;
	[tilespmem:$0x1C700] =	vst v63  }
.LBB2_4:
0x5b: {  	_ =	swait.ge [sflag:s13], $0x2000  }
0x5c: {  	[sflag:s13] =	ssyncset.done $0x0  }
0x5d: {  	[sflag:s13] =	ssyncadd.s32 $0xFFFFE000  }
0x5e: {  	_ =	swait.ge [sflag:s13], $0x2000  }
0x5f: {  	[sflag:s13] =	ssyncset.done $0x0  }
0x60: {  	[sflag:s13] =	ssyncadd.s32 $0xFFFFE000  }
0x61: {  	_ =	swait.ge [sflag:s14], $0x80  }
0x62: {  	[sflag:s14] =	ssyncset.done $0x0  }
0x63: {  	[sflag:s14] =	ssyncadd.s32 $0xFFFFFF80  }
0x64: {  	_ =	swait.ge [sflag:s14], $0x80  }
0x65: {  	[sflag:s14] =	ssyncset.done $0x0  }
0x66: {  	[sflag:s14] =	ssyncadd.s32 $0xFFFFFF80  }
0x67: {  	_ =	swait.ge [sflag:s14], $0x400  }
0x68: {  	p0 =	seq.s32 s10, $0x0;
	[sflag:s14] =	ssyncset.done $0x0  }
0x69: {  	s16 =	simm.s32 @!p0 $0x6;
	[sflag:s14] =	ssyncadd.s32 $0xFFFFFC00  }
0x6a: {  	_ =	swait.ge @!p0 [sflag:s16], $0x4000  }
0x6b: {  	[sflag:s16] =	ssyncset.done @!p0 $0x0  }
0x6c: {  	s24 =	simm.s32 $0x0;
	[sflag:s16] =	ssyncadd.s32 @!p0 $0xFFFFC000  }
0x6d: {  	[tilespmem:s15], [sflag:$0x5] =	stream.indirect.gather [hbm4b:s3+s30], $0x80, s2, s30, $0xb8;
	[tilespmem:$0x1C700] =	vst v63  }
0x6e: {  	s20 =	simm.s32 $0x181C0;
	s17 =	simm.s32 $0x1A700;
	s16 =	sand.u32 $0x3FFFFF80, s24  }
0x6f: {  	[tilespmem:s17], [sflag:$0x5] =	stream.indirect.gather [hbm4b:s3+s30], $0x80, s20, s30, $0xb8;
	[tilespmem:$0x1C700] =	vst v63  }
0x70: {  	s18 =	simm.s32 $0x0;
	v1 =	vld [tilespmem:s16+$0x13D80]  }
0x71: {  	s16 =	sand.u32 $0x3FFFF800, s18  }
0x72: {  	v3 =	vld [tilespmem:s16+$0x141A0]  }
0x73: {  	v4 =	vld [tilespmem:s16+$0x141B0]  }
0x74: {  	v10 =	vld [tilespmem:s16+$0x141E0]  }
0x75: {  	v11 =	vld [tilespmem:s16+$0x141F0];
	v2 =	vbroadcast v1, $0x0  }
0x76: {  	v12 =	vld [tilespmem:s16+$0x14200]  }
0x77: {  	v13 =	vld [tilespmem:s16+$0x14210];
	v3 =	vmul.f32 v3, v2  }
0x78: {  	v14 =	vld [tilespmem:s16+$0x14220];
	v4 =	vmul.f32 v4, v2  }
0x79: {  	v9 =	vld [tilespmem:s16+$0x14230];
	v23 =	vbroadcast v1, $0x1;
	v22 =	vmul.f32 v10, v2;
	[tilespmem:s16+$0x141A0] =	vst v3  }
0x7a: {  	v7 =	vld [tilespmem:s16+$0x14240];
	v11 =	vmul.f32 v11, v2;
	[tilespmem:s16+$0x141B0] =	vst v4  }
0x7b: {  	v8 =	vld [tilespmem:s16+$0x14250];
	v12 =	vmul.f32 v12, v23;
	[tilespmem:s16+$0x141E0] =	vst v22  }
0x7c: {  	v25 =	vld [tilespmem:s16+$0x14270];
	v13 =	vmul.f32 v13, v23;
	[tilespmem:s16+$0x141F0] =	vst v11  }
0x7d: {  	v26 =	vld [tilespmem:s16+$0x14280];
	v14 =	vmul.f32 v14, v23;
	[tilespmem:s16+$0x14200] =	vst v12  }
0x7e: {  	v27 =	vld [tilespmem:s16+$0x14290];
	v9 =	vmul.f32 v9, v23;
	[tilespmem:s16+$0x14210] =	vst v13  }
0x7f: {  	v6 =	vld [tilespmem:s16+$0x146F0];
	v7 =	vmul.f32 v7, v23;
	[tilespmem:s16+$0x14220] =	vst v14  }
0x80: {  	v24 =	vld [tilespmem:s16+$0x14260];
	v15 =	vbroadcast v1, $0x2;
	v8 =	vmul.f32 v8, v23;
	[tilespmem:s16+$0x14230] =	vst v9  }
0x81: {  	v28 =	vld [tilespmem:s16+$0x142A0];
	v10 =	vmul.f32 v25, v23;
	[tilespmem:s16+$0x14240] =	vst v7  }
0x82: {  	v29 =	vld [tilespmem:s16+$0x142B0];
	v5 =	vbroadcast v1, $0xA;
	v32 =	vmul.f32 v26, v15;
	[tilespmem:s16+$0x14250] =	vst v8  }
0x83: {  	v30 =	vld [tilespmem:s16+$0x142C0];
	v34 =	vmul.f32 v27, v15;
	[tilespmem:s16+$0x14270] =	vst v10  }
0x84: {  	v33 =	vld [tilespmem:s16+$0x142E0];
	v3 =	vmul.f32 v6, v5;
	[tilespmem:s16+$0x14280] =	vst v32  }
0x85: {  	v35 =	vld [tilespmem:s16+$0x142F0];
	v11 =	vmul.f32 v24, v23;
	[tilespmem:s16+$0x14290] =	vst v34  }
0x86: {  	v36 =	vld [tilespmem:s16+$0x14300];
	v9 =	vmul.f32 v28, v15;
	[tilespmem:s16+$0x146F0] =	vst v3  }
0x87: {  	v31 =	vld [tilespmem:s16+$0x142D0];
	v7 =	vmul.f32 v29, v15;
	[tilespmem:s16+$0x14260] =	vst v11  }
0x88: {  	v37 =	vld [tilespmem:s16+$0x14310];
	v8 =	vmul.f32 v30, v15;
	[tilespmem:s16+$0x142A0] =	vst v9  }
0x89: {  	v38 =	vld [tilespmem:s16+$0x14320];
	v41 =	vbroadcast v1, $0x3;
	v10 =	vmul.f32 v33, v15;
	[tilespmem:s16+$0x142B0] =	vst v7  }
0x8a: {  	v39 =	vld [tilespmem:s16+$0x14330];
	v12 =	vmul.f32 v35, v15;
	[tilespmem:s16+$0x142C0] =	vst v8  }
0x8b: {  	v42 =	vld [tilespmem:s16+$0x14350];
	v13 =	vmul.f32 v36, v41;
	[tilespmem:s16+$0x142E0] =	vst v10  }
0x8c: {  	v43 =	vld [tilespmem:s16+$0x14360];
	v11 =	vmul.f32 v31, v15;
	[tilespmem:s16+$0x142F0] =	vst v12  }
0x8d: {  	v44 =	vld [tilespmem:s16+$0x14370];
	v9 =	vmul.f32 v37, v41;
	[tilespmem:s16+$0x14300] =	vst v13  }
0x8e: {  	v40 =	vld [tilespmem:s16+$0x14340];
	v7 =	vmul.f32 v38, v41;
	[tilespmem:s16+$0x142D0] =	vst v11  }
0x8f: {  	v45 =	vld [tilespmem:s16+$0x14380];
	v8 =	vmul.f32 v39, v41;
	[tilespmem:s16+$0x14310] =	vst v9  }
0x90: {  	v46 =	vld [tilespmem:s16+$0x14390];
	v10 =	vmul.f32 v42, v41;
	[tilespmem:s16+$0x14320] =	vst v7  }
0x91: {  	v47 =	vld [tilespmem:s16+$0x143A0];
	v12 =	vmul.f32 v43, v41;
	[tilespmem:s16+$0x14330] =	vst v8  }
0x92: {  	v49 =	vld [tilespmem:s16+$0x143C0];
	v50 =	vbroadcast v1, $0x4;
	v13 =	vmul.f32 v44, v41;
	[tilespmem:s16+$0x14350] =	vst v10  }
0x93: {  	v51 =	vld [tilespmem:s16+$0x143D0];
	v11 =	vmul.f32 v40, v41;
	[tilespmem:s16+$0x14360] =	vst v12  }
0x94: {  	v52 =	vld [tilespmem:s16+$0x143E0];
	v9 =	vmul.f32 v45, v50;
	[tilespmem:s16+$0x14370] =	vst v13  }
0x95: {  	v48 =	vld [tilespmem:s16+$0x143B0];
	v7 =	vmul.f32 v46, v50;
	[tilespmem:s16+$0x14340] =	vst v11  }
0x96: {  	v53 =	vld [tilespmem:s16+$0x143F0];
	v8 =	vmul.f32 v47, v50;
	[tilespmem:s16+$0x14380] =	vst v9  }
0x97: {  	v54 =	vld [tilespmem:s16+$0x14400];
	v10 =	vmul.f32 v49, v50;
	[tilespmem:s16+$0x14390] =	vst v7  }
0x98: {  	v55 =	vld [tilespmem:s16+$0x14410];
	v12 =	vmul.f32 v51, v50;
	[tilespmem:s16+$0x143A0] =	vst v8  }
0x99: {  	v57 =	vld [tilespmem:s16+$0x14430];
	v13 =	vmul.f32 v52, v50;
	[tilespmem:s16+$0x143C0] =	vst v10  }
0x9a: {  	v58 =	vld [tilespmem:s16+$0x14440];
	v59 =	vbroadcast v1, $0x5;
	v11 =	vmul.f32 v48, v50;
	[tilespmem:s16+$0x143D0] =	vst v12  }
0x9b: {  	v60 =	vld [tilespmem:s16+$0x14450];
	v9 =	vmul.f32 v53, v50;
	[tilespmem:s16+$0x143E0] =	vst v13  }
0x9c: {  	v56 =	vld [tilespmem:s16+$0x14420];
	v7 =	vmul.f32 v54, v59;
	[tilespmem:s16+$0x143B0] =	vst v11  }
0x9d: {  	v61 =	vld [tilespmem:s16+$0x14460];
	v8 =	vmul.f32 v55, v59;
	[tilespmem:s16+$0x143F0] =	vst v9  }
0x9e: {  	v62 =	vld [tilespmem:s16+$0x14470];
	v10 =	vmul.f32 v57, v59;
	[tilespmem:s16+$0x14400] =	vst v7  }
0x9f: {  	v63 =	vld [tilespmem:s16+$0x14480];
	v12 =	vmul.f32 v58, v59;
	[tilespmem:s16+$0x14410] =	vst v8  }
0xa0: {  	v19 =	vld [tilespmem:s16+$0x144A0];
	v13 =	vmul.f32 v60, v59;
	[tilespmem:s16+$0x14430] =	vst v10  }
0xa1: {  	v20 =	vld [tilespmem:s16+$0x144B0];
	v11 =	vmul.f32 v56, v59;
	[tilespmem:s16+$0x14440] =	vst v12  }
0xa2: {  	v21 =	vld [tilespmem:s16+$0x144C0];
	v22 =	vbroadcast v1, $0x6;
	v9 =	vmul.f32 v61, v59;
	[tilespmem:s16+$0x14450] =	vst v13  }
0xa3: {  	v18 =	vld [tilespmem:s16+$0x14490];
	v7 =	vmul.f32 v62, v59;
	[tilespmem:s16+$0x14420] =	vst v11  }
0xa4: {  	v23 =	vld [tilespmem:s16+$0x144D0];
	v8 =	vmul.f32 v63, v22;
	[tilespmem:s16+$0x14460] =	vst v9  }
0xa5: {  	v24 =	vld [tilespmem:s16+$0x144E0];
	v10 =	vmul.f32 v19, v22;
	[tilespmem:s16+$0x14470] =	vst v7  }
0xa6: {  	v25 =	vld [tilespmem:s16+$0x144F0];
	v12 =	vmul.f32 v20, v22;
	[tilespmem:s16+$0x14480] =	vst v8  }
0xa7: {  	v27 =	vld [tilespmem:s16+$0x14510];
	v13 =	vmul.f32 v21, v22;
	[tilespmem:s16+$0x144A0] =	vst v10  }
0xa8: {  	v28 =	vld [tilespmem:s16+$0x14520];
	v11 =	vmul.f32 v18, v22;
	[tilespmem:s16+$0x144B0] =	vst v12  }
0xa9: {  	v29 =	vld [tilespmem:s16+$0x14530];
	v9 =	vmul.f32 v23, v22;
	[tilespmem:s16+$0x144C0] =	vst v13  }
0xaa: {  	v31 =	vbroadcast v1, $0x7;
	v53 =	vld [tilespmem:s16+$0x14680];
	v7 =	vmul.f32 v24, v22;
	[tilespmem:s16+$0x14490] =	vst v11  }
0xab: {  	v57 =	vld [tilespmem:s16+$0x146C0];
	v8 =	vmul.f32 v25, v22;
	[tilespmem:s16+$0x144D0] =	vst v9  }
0xac: {  	v58 =	vld [tilespmem:s16+$0x146D0];
	v10 =	vmul.f32 v27, v31;
	[tilespmem:s16+$0x144E0] =	vst v7  }
0xad: {  	v26 =	vld [tilespmem:s16+$0x14500];
	v12 =	vmul.f32 v28, v31;
	[tilespmem:s16+$0x144F0] =	vst v8  }
0xae: {  	v30 =	vld [tilespmem:s16+$0x14540];
	v13 =	vmul.f32 v29, v31;
	[tilespmem:s16+$0x14510] =	vst v10  }
0xaf: {  	v32 =	vld [tilespmem:s16+$0x14550];
	v59 =	vmul.f32 v53, v5;
	[tilespmem:s16+$0x14520] =	vst v12  }
0xb0: {  	v33 =	vld [tilespmem:s16+$0x14560];
	v18 =	vmul.f32 v57, v5;
	[tilespmem:s16+$0x14530] =	vst v13  }
0xb1: {  	v35 =	vld [tilespmem:s16+$0x14580];
	v20 =	vmul.f32 v58, v5;
	[tilespmem:s16+$0x14680] =	vst v59  }
0xb2: {  	v36 =	vld [tilespmem:s16+$0x14590];
	v11 =	vmul.f32 v26, v31;
	[tilespmem:s16+$0x146C0] =	vst v18  }
0xb3: {  	v37 =	vld [tilespmem:s16+$0x145A0];
	v9 =	vmul.f32 v30, v31;
	[tilespmem:s16+$0x146D0] =	vst v20  }
0xb4: {  	v4 =	vld [tilespmem:s16+$0x14700];
	v40 =	vbroadcast v1, $0x8;
	v7 =	vmul.f32 v32, v31;
	[tilespmem:s16+$0x14500] =	vst v11  }
0xb5: {  	v6 =	vld [tilespmem:s16+$0x14710];
	v8 =	vmul.f32 v33, v31;
	[tilespmem:s16+$0x14540] =	vst v9  }
0xb6: {  	v3 =	vld [tilespmem:s16+$0x14950];
	v10 =	vmul.f32 v35, v40;
	[tilespmem:s16+$0x14550] =	vst v7  }
0xb7: {  	v61 =	vld [tilespmem:s16+$0x14180];
	v23 =	vbroadcast v1, $0xB;
	v12 =	vmul.f32 v36, v40;
	[tilespmem:s16+$0x14560] =	vst v8  }
0xb8: {  	v34 =	vld [tilespmem:s16+$0x14570];
	v13 =	vmul.f32 v37, v40;
	[tilespmem:s16+$0x14580] =	vst v10  }
0xb9: {  	v38 =	vld [tilespmem:s16+$0x145B0];
	v27 =	vbroadcast v1, $0xF;
	v4 =	vmul.f32 v4, v23;
	[tilespmem:s16+$0x14590] =	vst v12  }
0xba: {  	v39 =	vld [tilespmem:s16+$0x145C0];
	v6 =	vmul.f32 v6, v23;
	[tilespmem:s16+$0x145A0] =	vst v13  }
0xbb: {  	v41 =	vld [tilespmem:s16+$0x145D0];
	v3 =	vmul.f32 v3, v27;
	[tilespmem:s16+$0x14700] =	vst v4  }
0xbc: {  	v43 =	vld [tilespmem:s16+$0x145F0];
	v24 =	vmul.f32 v2, v61;
	[tilespmem:s16+$0x14710] =	vst v6  }
0xbd: {  	v44 =	vld [tilespmem:s16+$0x14600];
	v11 =	vmul.f32 v34, v31;
	[tilespmem:s16+$0x14950] =	vst v3  }
0xbe: {  	v45 =	vld [tilespmem:s16+$0x14610];
	v9 =	vmul.f32 v38, v40;
	[tilespmem:s16+$0x14180] =	vst v24  }
0xbf: {  	v63 =	vld [tilespmem:s16+$0x141C0];
	v7 =	vmul.f32 v39, v40;
	[tilespmem:s16+$0x14570] =	vst v11  }
0xc0: {  	v49 =	vbroadcast v1, $0x9;
	v29 =	vld [tilespmem:s16+$0x14770];
	v8 =	vmul.f32 v41, v40;
	[tilespmem:s16+$0x145B0] =	vst v9  }
0xc1: {  	v42 =	vld [tilespmem:s16+$0x145E0];
	v10 =	vmul.f32 v43, v40;
	[tilespmem:s16+$0x145C0] =	vst v7  }
0xc2: {  	v46 =	vld [tilespmem:s16+$0x14620];
	v12 =	vmul.f32 v44, v49;
	[tilespmem:s16+$0x145D0] =	vst v8  }
0xc3: {  	v47 =	vld [tilespmem:s16+$0x14630];
	v13 =	vmul.f32 v45, v49;
	[tilespmem:s16+$0x145F0] =	vst v10  }
0xc4: {  	v48 =	vld [tilespmem:s16+$0x14640];
	v3 =	vmul.f32 v63, v2;
	[tilespmem:s16+$0x14600] =	vst v12  }
0xc5: {  	v51 =	vld [tilespmem:s16+$0x14660];
	v6 =	vmul.f32 v29, v23;
	[tilespmem:s16+$0x14610] =	vst v13  }
0xc6: {  	v52 =	vld [tilespmem:s16+$0x14670];
	v11 =	vmul.f32 v42, v40;
	[tilespmem:s16+$0x141C0] =	vst v3  }
0xc7: {  	v28 =	vld [tilespmem:s16+$0x14760];
	v9 =	vmul.f32 v46, v49;
	[tilespmem:s16+$0x14770] =	vst v6  }
0xc8: {  	v26 =	vld [tilespmem:s16+$0x14750];
	v7 =	vmul.f32 v47, v49;
	[tilespmem:s16+$0x145E0] =	vst v11  }
0xc9: {  	v30 =	vld [tilespmem:s16+$0x14780];
	v8 =	vmul.f32 v48, v49;
	[tilespmem:s16+$0x14620] =	vst v9  }
0xca: {  	v50 =	vld [tilespmem:s16+$0x14650];
	v10 =	vmul.f32 v51, v49;
	[tilespmem:s16+$0x14630] =	vst v7  }
0xcb: {  	v54 =	vld [tilespmem:s16+$0x14690];
	v12 =	vmul.f32 v52, v49;
	[tilespmem:s16+$0x14640] =	vst v8  }
0xcc: {  	v55 =	vld [tilespmem:s16+$0x146A0];
	v35 =	vbroadcast v1, $0xC;
	v40 =	vmul.f32 v28, v23;
	[tilespmem:s16+$0x14660] =	vst v10  }
0xcd: {  	v56 =	vld [tilespmem:s16+$0x146B0];
	v32 =	vmul.f32 v26, v23;
	[tilespmem:s16+$0x14670] =	vst v12  }
0xce: {  	v60 =	vld [tilespmem:s16+$0x146E0];
	v15 =	vmul.f32 v30, v35;
	[tilespmem:s16+$0x14760] =	vst v40  }
0xcf: {  	v62 =	vld [tilespmem:s16+$0x14190];
	v11 =	vmul.f32 v50, v49;
	[tilespmem:s16+$0x14750] =	vst v32  }
0xd0: {  	v19 =	vld [tilespmem:s16+$0x141D0];
	v9 =	vmul.f32 v54, v5;
	[tilespmem:s16+$0x14780] =	vst v15  }
0xd1: {  	v33 =	vld [tilespmem:s16+$0x147B0];
	v7 =	vmul.f32 v55, v5;
	[tilespmem:s16+$0x14650] =	vst v11  }
0xd2: {  	v61 =	vld [tilespmem:s16+$0x14970];
	v8 =	vmul.f32 v56, v5;
	[tilespmem:s16+$0x14690] =	vst v9  }
0xd3: {  	v38 =	vld [tilespmem:s16+$0x147F0];
	v5 =	vmul.f32 v60, v5;
	[tilespmem:s16+$0x146A0] =	vst v7  }
0xd4: {  	v21 =	vld [tilespmem:s16+$0x14720];
	v12 =	vmul.f32 v62, v2;
	[tilespmem:s16+$0x146B0] =	vst v8  }
0xd5: {  	v22 =	vld [tilespmem:s16+$0x14730];
	v2 =	vmul.f32 v19, v2;
	[tilespmem:s16+$0x146E0] =	vst v5  }
0xd6: {  	v25 =	vld [tilespmem:s16+$0x14740];
	v62 =	vmul.f32 v33, v35;
	[tilespmem:s16+$0x14190] =	vst v12  }
0xd7: {  	v31 =	vld [tilespmem:s16+$0x14790];
	v63 =	vmul.f32 v61, v27;
	[tilespmem:s16+$0x141D0] =	vst v2  }
0xd8: {  	v34 =	vld [tilespmem:s16+$0x147C0];
	v15 =	vmul.f32 v38, v35;
	[tilespmem:s16+$0x147B0] =	vst v62  }
0xd9: {  	v41 =	vld [tilespmem:s16+$0x14820];
	v7 =	vmul.f32 v21, v23;
	[tilespmem:s16+$0x14970] =	vst v63  }
0xda: {  	v46 =	vld [tilespmem:s16+$0x14860];
	v8 =	vmul.f32 v22, v23;
	[tilespmem:s16+$0x147F0] =	vst v15  }
0xdb: {  	v36 =	vld [tilespmem:s16+$0x147D0];
	v5 =	vmul.f32 v25, v23;
	[tilespmem:s16+$0x14720] =	vst v7  }
0xdc: {  	v44 =	vbroadcast v1, $0xD;
	v9 =	vmul.f32 v31, v35;
	v2 =	vld [tilespmem:s16+$0x14810];
	[tilespmem:s16+$0x14730] =	vst v8  }
0xdd: {  	v37 =	vld [tilespmem:s16+$0x147E0];
	v12 =	vmul.f32 v34, v35;
	[tilespmem:s16+$0x14740] =	vst v5  }
0xde: {  	v39 =	vld [tilespmem:s16+$0x14800];
	v11 =	vmul.f32 v41, v44;
	[tilespmem:s16+$0x14790] =	vst v9  }
0xdf: {  	v42 =	vld [tilespmem:s16+$0x14830];
	v51 =	vmul.f32 v46, v44;
	[tilespmem:s16+$0x147C0] =	vst v12  }
0xe0: {  	v48 =	vld [tilespmem:s16+$0x14890];
	v8 =	vmul.f32 v36, v35;
	[tilespmem:s16+$0x14820] =	vst v11  }
0xe1: {  	v49 =	vld [tilespmem:s16+$0x148A0];
	[tilespmem:s16+$0x14860] =	vst v51;
	v2 =	vmul.f32 v2, v44  }
0xe2: {  	v50 =	vld [tilespmem:s16+$0x148B0];
	v5 =	vmul.f32 v37, v35;
	[tilespmem:s16+$0x147D0] =	vst v8  }
0xe3: {  	v1 =	vbroadcast v1, $0xE;
	v9 =	vmul.f32 v39, v44;
	[tilespmem:s16+$0x14810] =	vst v2;
	v2 =	vld [tilespmem:s16+$0x14880]  }
0xe4: {  	v60 =	vld [tilespmem:s16+$0x14960];
	v12 =	vmul.f32 v42, v44;
	[tilespmem:s16+$0x147E0] =	vst v5  }
0xe5: {  	v45 =	vld [tilespmem:s16+$0x14850];
	v11 =	vmul.f32 v48, v1;
	[tilespmem:s16+$0x14800] =	vst v9  }
0xe6: {  	v47 =	vld [tilespmem:s16+$0x14870];
	v10 =	vmul.f32 v49, v1;
	[tilespmem:s16+$0x14830] =	vst v12  }
0xe7: {  	v43 =	vld [tilespmem:s16+$0x14840];
	v6 =	vmul.f32 v50, v1;
	[tilespmem:s16+$0x14890] =	vst v11  }
0xe8: {  	v55 =	vld [tilespmem:s16+$0x14900];
	[tilespmem:s16+$0x148A0] =	vst v10;
	v2 =	vmul.f32 v2, v1  }
0xe9: {  	v57 =	vld [tilespmem:s16+$0x14920];
	v4 =	vmul.f32 v60, v27;
	[tilespmem:s16+$0x148B0] =	vst v6  }
0xea: {  	v5 =	vmul.f32 v45, v44;
	[tilespmem:s16+$0x14880] =	vst v2;
	v2 =	vld [tilespmem:s16+$0x148F0]  }
0xeb: {  	v52 =	vld [tilespmem:s16+$0x148C0];
	v9 =	vmul.f32 v47, v44;
	[tilespmem:s16+$0x14960] =	vst v4  }
0xec: {  	v56 =	vld [tilespmem:s16+$0x14910];
	v8 =	vmul.f32 v43, v44;
	[tilespmem:s16+$0x14850] =	vst v5  }
0xed: {  	v54 =	vld [tilespmem:s16+$0x148E0];
	v11 =	vmul.f32 v55, v27;
	[tilespmem:s16+$0x14870] =	vst v9  }
0xee: {  	v58 =	vld [tilespmem:s16+$0x14930];
	v6 =	vmul.f32 v57, v27;
	[tilespmem:s16+$0x14840] =	vst v8  }
0xef: {  	v53 =	vld [tilespmem:s16+$0x148D0];
	[tilespmem:s16+$0x14900] =	vst v11;
	v2 =	vmul.f32 v2, v1  }
0xf0: {  	v59 =	vld [tilespmem:s16+$0x14940];
	v5 =	vmul.f32 v52, v1;
	[tilespmem:s16+$0x14920] =	vst v6  }
0xf1: {  	[tilespmem:s16+$0x148F0] =	vst v2;
	v2 =	vmul.f32 v56, v27  }
0xf2: {  	v3 =	vld [tilespmem:s16+$0x147A0];
	v9 =	vmul.f32 v54, v1;
	[tilespmem:s16+$0x148C0] =	vst v5  }
0xf3: {  	[tilespmem:s16+$0x14910] =	vst v2;
	v2 =	vmul.f32 v58, v27  }
0xf4: {  	[tilespmem:s16+$0x148E0] =	vst v9;
	v1 =	vmul.f32 v53, v1  }
0xf5: {  	[tilespmem:s16+$0x14930] =	vst v2;
	v2 =	vmul.f32 v59, v27  }
0xf6: {  	[tilespmem:s16+$0x148D0] =	vst v1  }
0xf7: {  	s24 =	sshll.u32 s10, $0x1;
	s18 =	simm.s32 $0x1;
	[tilespmem:s16+$0x14940] =	vst v2;
	v2 =	vmul.f32 v3, v35  }
.LBB2_5:
0xf8: {  	s20 =	sshll.u32 s18, $0x7  }
0xf9: {  	p0 =	sne.s32 s18, $0x7;
	[tilespmem:s16+$0x147A0] =	vst v2;
	s16 =	smov.u32 s18;
	s18 =	sadd.s32 $0x1, s18  }
0xfa: {  	s20 =	sand.u32 $0x3FFFFF80, s20  }
0xfb: {  	s16 =	sshll.u32 s16, $0xB;
	v1 =	vld [tilespmem:s20+$0x13D80]  }
0xfc: {  	s16 =	sand.u32 $0x3FFFF800, s16  }
0xfd: {  	v8 =	vld [tilespmem:s16+$0x14240]  }
0xfe: {  	v9 =	vld [tilespmem:s16+$0x14250]  }
0xff: {  	v10 =	vld [tilespmem:s16+$0x14230]  }
0x100: {  	v2 =	vbroadcast v1, $0x0;
	v3 =	vld [tilespmem:s16+$0x141A0];
	v7 =	vbroadcast v1, $0x4  }
0x101: {  	v5 =	vld [tilespmem:s16+$0x141B0]  }
0x102: {  	v6 =	vld [tilespmem:s16+$0x146F0]  }
0x103: {  	v11 =	vld [tilespmem:s16+$0x141E0]  }
0x104: {  	v12 =	vld [tilespmem:s16+$0x141F0]  }
0x105: {  	v4 =	vbroadcast v1, $0xA;
	v3 =	vmul.f32 v3, v2;
	v13 =	vld [tilespmem:s16+$0x14200]  }
0x106: {  	v5 =	vmul.f32 v5, v2;
	v14 =	vld [tilespmem:s16+$0x14210]  }
0x107: {  	[tilespmem:s16+$0x141A0] =	vst v3;
	v15 =	vld [tilespmem:s16+$0x14220];
	v3 =	vmul.f32 v6, v4  }
0x108: {  	[tilespmem:s16+$0x141B0] =	vst v5;
	v6 =	vmul.f32 v11, v2;
	v11 =	vbroadcast v1, $0x1;
	v5 =	vld [tilespmem:s16+$0x14700]  }
0x109: {  	v12 =	vmul.f32 v12, v2;
	[tilespmem:s16+$0x146F0] =	vst v3;
	v3 =	vld [tilespmem:s16+$0x14950]  }
0x10a: {  	[tilespmem:s16+$0x141E0] =	vst v6;
	v13 =	vmul.f32 v13, v11;
	v6 =	vld [tilespmem:s16+$0x14710]  }
0x10b: {  	[tilespmem:s16+$0x141F0] =	vst v12;
	v12 =	vmul.f32 v14, v11;
	v14 =	vld [tilespmem:s16+$0x14260]  }
0x10c: {  	[tilespmem:s16+$0x14200] =	vst v13;
	v13 =	vmul.f32 v15, v11;
	v15 =	vld [tilespmem:s16+$0x14270]  }
0x10d: {  	v10 =	vmul.f32 v10, v11;
	[tilespmem:s16+$0x14210] =	vst v12;
	v12 =	vld [tilespmem:s16+$0x14280]  }
0x10e: {  	v8 =	vmul.f32 v8, v11;
	[tilespmem:s16+$0x14220] =	vst v13;
	v13 =	vld [tilespmem:s16+$0x14290]  }
0x10f: {  	v9 =	vmul.f32 v9, v11;
	[tilespmem:s16+$0x14230] =	vst v10;
	v10 =	vld [tilespmem:s16+$0x142A0]  }
0x110: {  	[tilespmem:s16+$0x14240] =	vst v8;
	v8 =	vmul.f32 v14, v11;
	v14 =	vbroadcast v1, $0x2;
	v16 =	vld [tilespmem:s16+$0x142B0]  }
0x111: {  	[tilespmem:s16+$0x14250] =	vst v9;
	v9 =	vmul.f32 v15, v11;
	v11 =	vld [tilespmem:s16+$0x142C0]  }
0x112: {  	[tilespmem:s16+$0x14260] =	vst v8;
	v8 =	vmul.f32 v12, v14;
	v12 =	vld [tilespmem:s16+$0x142D0]  }
0x113: {  	[tilespmem:s16+$0x14270] =	vst v9;
	v9 =	vmul.f32 v13, v14;
	v13 =	vld [tilespmem:s16+$0x142E0]  }
0x114: {  	[tilespmem:s16+$0x14280] =	vst v8;
	v8 =	vmul.f32 v10, v14;
	v10 =	vld [tilespmem:s16+$0x142F0]  }
0x115: {  	[tilespmem:s16+$0x14290] =	vst v9;
	v9 =	vmul.f32 v16, v14;
	v15 =	vld [tilespmem:s16+$0x14300]  }
0x116: {  	[tilespmem:s16+$0x142A0] =	vst v8;
	v8 =	vmul.f32 v11, v14;
	v11 =	vld [tilespmem:s16+$0x14310]  }
0x117: {  	[tilespmem:s16+$0x142B0] =	vst v9;
	v9 =	vmul.f32 v12, v14;
	v12 =	vld [tilespmem:s16+$0x14320]  }
0x118: {  	[tilespmem:s16+$0x142C0] =	vst v8;
	v8 =	vmul.f32 v13, v14;
	v13 =	vbroadcast v1, $0x3;
	v16 =	vld [tilespmem:s16+$0x14330]  }
0x119: {  	[tilespmem:s16+$0x142D0] =	vst v9;
	v9 =	vmul.f32 v10, v14;
	v10 =	vld [tilespmem:s16+$0x14340]  }
0x11a: {  	[tilespmem:s16+$0x142E0] =	vst v8;
	v8 =	vmul.f32 v15, v13;
	v14 =	vld [tilespmem:s16+$0x14350]  }
0x11b: {  	[tilespmem:s16+$0x142F0] =	vst v9;
	v9 =	vmul.f32 v11, v13;
	v11 =	vld [tilespmem:s16+$0x14360]  }
0x11c: {  	[tilespmem:s16+$0x14300] =	vst v8;
	v8 =	vmul.f32 v12, v13;
	v12 =	vld [tilespmem:s16+$0x14370]  }
0x11d: {  	[tilespmem:s16+$0x14310] =	vst v9;
	v9 =	vmul.f32 v16, v13;
	v15 =	vld [tilespmem:s16+$0x14380]  }
0x11e: {  	[tilespmem:s16+$0x14320] =	vst v8;
	v8 =	vmul.f32 v10, v13;
	v10 =	vld [tilespmem:s16+$0x14390]  }
0x11f: {  	[tilespmem:s16+$0x14330] =	vst v9;
	v9 =	vmul.f32 v14, v13;
	v14 =	vld [tilespmem:s16+$0x143A0]  }
0x120: {  	[tilespmem:s16+$0x14340] =	vst v8;
	v8 =	vmul.f32 v11, v13;
	v11 =	vld [tilespmem:s16+$0x143B0]  }
0x121: {  	[tilespmem:s16+$0x14350] =	vst v9;
	v9 =	vmul.f32 v12, v13;
	v12 =	vld [tilespmem:s16+$0x143C0]  }
0x122: {  	[tilespmem:s16+$0x14360] =	vst v8;
	v8 =	vmul.f32 v15, v7;
	v13 =	vld [tilespmem:s16+$0x143D0]  }
0x123: {  	[tilespmem:s16+$0x14370] =	vst v9;
	v9 =	vmul.f32 v10, v7;
	v10 =	vld [tilespmem:s16+$0x143E0]  }
0x124: {  	[tilespmem:s16+$0x14380] =	vst v8;
	v8 =	vmul.f32 v14, v7;
	v14 =	vld [tilespmem:s16+$0x143F0]  }
0x125: {  	[tilespmem:s16+$0x14390] =	vst v9;
	v9 =	vmul.f32 v11, v7;
	v11 =	vld [tilespmem:s16+$0x14400]  }
0x126: {  	[tilespmem:s16+$0x143A0] =	vst v8;
	v8 =	vmul.f32 v12, v7;
	v12 =	vld [tilespmem:s16+$0x14410]  }
0x127: {  	[tilespmem:s16+$0x143B0] =	vst v9;
	v9 =	vmul.f32 v13, v7;
	v13 =	vld [tilespmem:s16+$0x14420]  }
0x128: {  	[tilespmem:s16+$0x143C0] =	vst v8;
	v8 =	vmul.f32 v10, v7;
	v10 =	vbroadcast v1, $0x5;
	v15 =	vld [tilespmem:s16+$0x14430]  }
0x129: {  	[tilespmem:s16+$0x143D0] =	vst v9;
	v7 =	vmul.f32 v14, v7;
	v9 =	vld [tilespmem:s16+$0x14440]  }
0x12a: {  	[tilespmem:s16+$0x143E0] =	vst v8;
	v8 =	vmul.f32 v11, v10;
	v11 =	vld [tilespmem:s16+$0x14450]  }
0x12b: {  	[tilespmem:s16+$0x143F0] =	vst v7;
	v7 =	vmul.f32 v12, v10;
	v12 =	vld [tilespmem:s16+$0x14460]  }
0x12c: {  	[tilespmem:s16+$0x14400] =	vst v8;
	v8 =	vmul.f32 v13, v10;
	v13 =	vld [tilespmem:s16+$0x14470]  }
0x12d: {  	[tilespmem:s16+$0x14410] =	vst v7;
	v7 =	vmul.f32 v15, v10;
	v14 =	vld [tilespmem:s16+$0x14480]  }
0x12e: {  	[tilespmem:s16+$0x14420] =	vst v8;
	v8 =	vmul.f32 v9, v10;
	v9 =	vld [tilespmem:s16+$0x14490]  }
0x12f: {  	[tilespmem:s16+$0x14430] =	vst v7;
	v7 =	vmul.f32 v11, v10;
	v11 =	vld [tilespmem:s16+$0x144A0]  }
0x130: {  	[tilespmem:s16+$0x14440] =	vst v8;
	v8 =	vmul.f32 v12, v10;
	v12 =	vbroadcast v1, $0x6;
	v15 =	vld [tilespmem:s16+$0x144B0]  }
0x131: {  	[tilespmem:s16+$0x14450] =	vst v7;
	v7 =	vmul.f32 v13, v10;
	v10 =	vld [tilespmem:s16+$0x144C0]  }
0x132: {  	[tilespmem:s16+$0x14460] =	vst v8;
	v8 =	vmul.f32 v14, v12;
	v13 =	vld [tilespmem:s16+$0x144D0]  }
0x133: {  	[tilespmem:s16+$0x14470] =	vst v7;
	v7 =	vmul.f32 v9, v12;
	v9 =	vld [tilespmem:s16+$0x144E0]  }
0x134: {  	[tilespmem:s16+$0x14480] =	vst v8;
	v8 =	vmul.f32 v11, v12;
	v11 =	vld [tilespmem:s16+$0x144F0]  }
0x135: {  	[tilespmem:s16+$0x14490] =	vst v7;
	v7 =	vmul.f32 v15, v12;
	v14 =	vld [tilespmem:s16+$0x14500]  }
0x136: {  	[tilespmem:s16+$0x144A0] =	vst v8;
	v8 =	vmul.f32 v10, v12;
	v10 =	vld [tilespmem:s16+$0x14510]  }
0x137: {  	[tilespmem:s16+$0x144B0] =	vst v7;
	v7 =	vmul.f32 v13, v12;
	v13 =	vld [tilespmem:s16+$0x14520]  }
0x138: {  	[tilespmem:s16+$0x144C0] =	vst v8;
	v8 =	vmul.f32 v9, v12;
	v9 =	vbroadcast v1, $0x7;
	v15 =	vld [tilespmem:s16+$0x14530]  }
0x139: {  	[tilespmem:s16+$0x144D0] =	vst v7;
	v7 =	vmul.f32 v11, v12;
	v11 =	vld [tilespmem:s16+$0x14540]  }
0x13a: {  	[tilespmem:s16+$0x144E0] =	vst v8;
	v8 =	vmul.f32 v14, v9;
	v12 =	vld [tilespmem:s16+$0x14550]  }
0x13b: {  	[tilespmem:s16+$0x144F0] =	vst v7;
	v7 =	vmul.f32 v10, v9;
	v10 =	vld [tilespmem:s16+$0x14560]  }
0x13c: {  	[tilespmem:s16+$0x14500] =	vst v8;
	v8 =	vmul.f32 v13, v9;
	v13 =	vld [tilespmem:s16+$0x14570]  }
0x13d: {  	[tilespmem:s16+$0x14510] =	vst v7;
	v7 =	vmul.f32 v15, v9;
	v14 =	vld [tilespmem:s16+$0x14580]  }
0x13e: {  	[tilespmem:s16+$0x14520] =	vst v8;
	v8 =	vmul.f32 v11, v9;
	v11 =	vld [tilespmem:s16+$0x14590]  }
0x13f: {  	[tilespmem:s16+$0x14530] =	vst v7;
	v7 =	vmul.f32 v12, v9;
	v12 =	vld [tilespmem:s16+$0x145A0]  }
0x140: {  	[tilespmem:s16+$0x14540] =	vst v8;
	v8 =	vmul.f32 v10, v9;
	v10 =	vbroadcast v1, $0x8;
	v15 =	vld [tilespmem:s16+$0x145B0]  }
0x141: {  	[tilespmem:s16+$0x14550] =	vst v7;
	v7 =	vmul.f32 v13, v9;
	v9 =	vld [tilespmem:s16+$0x145C0]  }
0x142: {  	[tilespmem:s16+$0x14560] =	vst v8;
	v8 =	vmul.f32 v14, v10;
	v13 =	vld [tilespmem:s16+$0x145D0]  }
0x143: {  	[tilespmem:s16+$0x14570] =	vst v7;
	v7 =	vmul.f32 v11, v10;
	v11 =	vld [tilespmem:s16+$0x145E0]  }
0x144: {  	[tilespmem:s16+$0x14580] =	vst v8;
	v8 =	vmul.f32 v12, v10;
	v12 =	vld [tilespmem:s16+$0x145F0]  }
0x145: {  	[tilespmem:s16+$0x14590] =	vst v7;
	v7 =	vmul.f32 v15, v10;
	v14 =	vld [tilespmem:s16+$0x14600]  }
0x146: {  	[tilespmem:s16+$0x145A0] =	vst v8;
	v8 =	vmul.f32 v9, v10;
	v9 =	vld [tilespmem:s16+$0x14610]  }
0x147: {  	[tilespmem:s16+$0x145B0] =	vst v7;
	v7 =	vmul.f32 v13, v10;
	v13 =	vld [tilespmem:s16+$0x14620]  }
0x148: {  	[tilespmem:s16+$0x145C0] =	vst v8;
	v8 =	vmul.f32 v11, v10;
	v11 =	vbroadcast v1, $0x9;
	v15 =	vld [tilespmem:s16+$0x14630]  }
0x149: {  	[tilespmem:s16+$0x145D0] =	vst v7;
	v7 =	vmul.f32 v12, v10;
	v10 =	vld [tilespmem:s16+$0x14640]  }
0x14a: {  	[tilespmem:s16+$0x145E0] =	vst v8;
	v8 =	vmul.f32 v14, v11;
	v12 =	vld [tilespmem:s16+$0x14650]  }
0x14b: {  	[tilespmem:s16+$0x145F0] =	vst v7;
	v7 =	vmul.f32 v9, v11;
	v9 =	vld [tilespmem:s16+$0x14660]  }
0x14c: {  	[tilespmem:s16+$0x14600] =	vst v8;
	v8 =	vmul.f32 v13, v11;
	v13 =	vld [tilespmem:s16+$0x14670]  }
0x14d: {  	[tilespmem:s16+$0x14610] =	vst v7;
	v7 =	vmul.f32 v15, v11;
	v14 =	vld [tilespmem:s16+$0x14680]  }
0x14e: {  	[tilespmem:s16+$0x14620] =	vst v8;
	v8 =	vmul.f32 v10, v11;
	v10 =	vld [tilespmem:s16+$0x14690]  }
0x14f: {  	[tilespmem:s16+$0x14630] =	vst v7;
	v7 =	vmul.f32 v12, v11;
	v12 =	vld [tilespmem:s16+$0x146A0]  }
0x150: {  	[tilespmem:s16+$0x14640] =	vst v8;
	v8 =	vmul.f32 v9, v11;
	v9 =	vld [tilespmem:s16+$0x146B0]  }
0x151: {  	[tilespmem:s16+$0x14650] =	vst v7;
	v7 =	vmul.f32 v13, v11;
	v11 =	vld [tilespmem:s16+$0x146C0]  }
0x152: {  	[tilespmem:s16+$0x14660] =	vst v8;
	v8 =	vmul.f32 v14, v4;
	v13 =	vld [tilespmem:s16+$0x146D0]  }
0x153: {  	[tilespmem:s16+$0x14670] =	vst v7;
	v7 =	vmul.f32 v10, v4;
	v10 =	vld [tilespmem:s16+$0x146E0]  }
0x154: {  	v14 =	vld [tilespmem:s16+$0x14180];
	[tilespmem:s16+$0x14680] =	vst v8;
	v8 =	vmul.f32 v12, v4  }
0x155: {  	v12 =	vld [tilespmem:s16+$0x14190];
	[tilespmem:s16+$0x14690] =	vst v7;
	v7 =	vmul.f32 v9, v4  }
0x156: {  	v9 =	vld [tilespmem:s16+$0x141C0];
	[tilespmem:s16+$0x146A0] =	vst v8;
	v8 =	vmul.f32 v11, v4  }
0x157: {  	v11 =	vld [tilespmem:s16+$0x141D0];
	[tilespmem:s16+$0x146B0] =	vst v7;
	v7 =	vmul.f32 v13, v4  }
0x158: {  	[tilespmem:s16+$0x146C0] =	vst v8;
	v8 =	vmul.f32 v10, v4;
	v10 =	vbroadcast v1, $0xB;
	v13 =	vld [tilespmem:s16+$0x14720]  }
0x159: {  	v4 =	vbroadcast v1, $0xF;
	v14 =	vmul.f32 v2, v14;
	[tilespmem:s16+$0x146D0] =	vst v7;
	v7 =	vld [tilespmem:s16+$0x14730]  }
0x15a: {  	v12 =	vmul.f32 v12, v2;
	[tilespmem:s16+$0x146E0] =	vst v8;
	v5 =	vmul.f32 v5, v10;
	v8 =	vld [tilespmem:s16+$0x14740]  }
0x15b: {  	v6 =	vmul.f32 v6, v10;
	[tilespmem:s16+$0x14180] =	vst v14;
	v9 =	vmul.f32 v9, v2;
	v14 =	vld [tilespmem:s16+$0x14750]  }
0x15c: {  	v3 =	vmul.f32 v3, v4;
	v11 =	vmul.f32 v11, v2;
	[tilespmem:s16+$0x14700] =	vst v5;
	v2 =	vld [tilespmem:s16+$0x14760]  }
0x15d: {  	[tilespmem:s16+$0x14710] =	vst v6;
	v5 =	vmul.f32 v13, v10;
	v6 =	vld [tilespmem:s16+$0x14770]  }
0x15e: {  	v7 =	vmul.f32 v7, v10;
	v13 =	vld [tilespmem:s16+$0x14780];
	[tilespmem:s16+$0x14950] =	vst v3  }
0x15f: {  	[tilespmem:s16+$0x14190] =	vst v12;
	v3 =	vmul.f32 v8, v10;
	v8 =	vld [tilespmem:s16+$0x14790]  }
0x160: {  	[tilespmem:s16+$0x141C0] =	vst v9;
	v9 =	vmul.f32 v14, v10;
	v12 =	vld [tilespmem:s16+$0x147A0]  }
0x161: {  	v14 =	vbroadcast v1, $0xC;
	[tilespmem:s16+$0x14720] =	vst v5;
	v5 =	vmul.f32 v2, v10;
	v15 =	vld [tilespmem:s16+$0x147B0]  }
0x162: {  	[tilespmem:s16+$0x14750] =	vst v9;
	v6 =	vmul.f32 v6, v10;
	v9 =	vld [tilespmem:s16+$0x147C0]  }
0x163: {  	[tilespmem:s16+$0x14730] =	vst v7;
	v2 =	vmul.f32 v13, v14;
	v7 =	vld [tilespmem:s16+$0x147D0]  }
0x164: {  	[tilespmem:s16+$0x14740] =	vst v3;
	v3 =	vmul.f32 v8, v14;
	v8 =	vld [tilespmem:s16+$0x147E0]  }
0x165: {  	[tilespmem:s16+$0x14780] =	vst v2;
	v2 =	vmul.f32 v12, v14;
	v10 =	vld [tilespmem:s16+$0x147F0]  }
0x166: {  	[tilespmem:s16+$0x14790] =	vst v3;
	v3 =	vld [tilespmem:s16+$0x14800]  }
0x167: {  	[tilespmem:s16+$0x141D0] =	vst v11;
	v9 =	vmul.f32 v9, v14;
	v11 =	vld [tilespmem:s16+$0x14810]  }
0x168: {  	[tilespmem:s16+$0x14760] =	vst v5;
	v5 =	vmul.f32 v7, v14;
	v7 =	vld [tilespmem:s16+$0x14820]  }
0x169: {  	[tilespmem:s16+$0x147C0] =	vst v9;
	v8 =	vmul.f32 v8, v14;
	v9 =	vbroadcast v1, $0xD;
	v12 =	vld [tilespmem:s16+$0x14830]  }
0x16a: {  	[tilespmem:s16+$0x147D0] =	vst v5;
	v5 =	vmul.f32 v10, v14;
	v10 =	vld [tilespmem:s16+$0x14840]  }
0x16b: {  	[tilespmem:s16+$0x147E0] =	vst v8;
	v3 =	vmul.f32 v3, v9;
	v8 =	vld [tilespmem:s16+$0x14850]  }
0x16c: {  	[tilespmem:s16+$0x147F0] =	vst v5;
	v5 =	vmul.f32 v11, v9;
	v11 =	vld [tilespmem:s16+$0x14860]  }
0x16d: {  	[tilespmem:s16+$0x14800] =	vst v3;
	v3 =	vmul.f32 v7, v9;
	v7 =	vld [tilespmem:s16+$0x14870]  }
0x16e: {  	[tilespmem:s16+$0x14810] =	vst v5;
	v5 =	vmul.f32 v12, v9;
	v12 =	vld [tilespmem:s16+$0x14880]  }
0x16f: {  	[tilespmem:s16+$0x14820] =	vst v3;
	v3 =	vmul.f32 v10, v9;
	v10 =	vld [tilespmem:s16+$0x14890]  }
0x170: {  	[tilespmem:s16+$0x14830] =	vst v5;
	v5 =	vmul.f32 v8, v9;
	v8 =	vld [tilespmem:s16+$0x148A0]  }
0x171: {  	v1 =	vbroadcast v1, $0xE;
	[tilespmem:s16+$0x14770] =	vst v6;
	v6 =	vmul.f32 v11, v9;
	v11 =	vld [tilespmem:s16+$0x148B0]  }
0x172: {  	[tilespmem:s16+$0x14850] =	vst v5;
	v5 =	vmul.f32 v7, v9;
	v7 =	vld [tilespmem:s16+$0x148C0]  }
0x173: {  	[tilespmem:s16+$0x14860] =	vst v6;
	v6 =	vmul.f32 v12, v1;
	v9 =	vld [tilespmem:s16+$0x148D0]  }
0x174: {  	[tilespmem:s16+$0x14870] =	vst v5;
	v5 =	vmul.f32 v10, v1;
	v10 =	vld [tilespmem:s16+$0x148E0]  }
0x175: {  	[tilespmem:s16+$0x14880] =	vst v6;
	v6 =	vmul.f32 v8, v1;
	v8 =	vld [tilespmem:s16+$0x148F0]  }
0x176: {  	[tilespmem:s16+$0x14890] =	vst v5;
	v5 =	vmul.f32 v11, v1;
	v11 =	vld [tilespmem:s16+$0x14900]  }
0x177: {  	[tilespmem:s16+$0x148A0] =	vst v6;
	v6 =	vmul.f32 v7, v1;
	v7 =	vld [tilespmem:s16+$0x14910]  }
0x178: {  	[tilespmem:s16+$0x148B0] =	vst v5;
	v5 =	vmul.f32 v9, v1;
	v9 =	vld [tilespmem:s16+$0x14920]  }
0x179: {  	[tilespmem:s16+$0x148C0] =	vst v6;
	v6 =	vmul.f32 v10, v1;
	v10 =	vld [tilespmem:s16+$0x14930]  }
0x17a: {  	[tilespmem:s16+$0x14840] =	vst v3;
	v1 =	vmul.f32 v8, v1;
	v3 =	vld [tilespmem:s16+$0x14940]  }
0x17b: {  	[tilespmem:s16+$0x148E0] =	vst v6;
	v6 =	vmul.f32 v11, v4;
	v8 =	vld [tilespmem:s16+$0x14960]  }
0x17c: {  	[tilespmem:s16+$0x148F0] =	vst v1;
	v1 =	vmul.f32 v7, v4;
	v7 =	vld [tilespmem:s16+$0x14970]  }
0x17d: {  	[tilespmem:s16+$0x14900] =	vst v6;
	v6 =	vmul.f32 v9, v4  }
0x17e: {  	[tilespmem:s16+$0x14910] =	vst v1;
	v1 =	vmul.f32 v10, v4  }
0x17f: {  	v9 =	vmul.f32 v15, v14;
	[tilespmem:s16+$0x14920] =	vst v6  }
0x180: {  	[tilespmem:s16+$0x14930] =	vst v1;
	v1 =	vmul.f32 v3, v4  }
.Ltmp1:
0x181: {  	[tilespmem:s16+$0x147B0] =	vst v9;
	v3 =	vmul.f32 v7, v4;
	(pc) =	sbr.rel @p0 .LBB2_5-.Ltmp1, $4  }
0x182: {  	[tilespmem:s16+$0x14940] =	vst v1  }
0x183: {  	v1 =	vmul.f32 v8, v4;
	[tilespmem:s16+$0x14970] =	vst v3  }
0x184: {  	[tilespmem:s16+$0x148D0] =	vst v5  }
0x185: {  	[tilespmem:s16+$0x14960] =	vst v1  }
0x186: {  	[tilespmem:s16+$0x147A0] =	vst v2  }
0x187: {  	v1 =	vld [tilespmem:$0x13C80]  }
0x188: {  	v2 =	vld [tilespmem:$0x13C90]  }
0x189: {  	v3 =	vld [tilespmem:$0x13CA0]  }
0x18a: {  	v4 =	vld [tilespmem:$0x13CB0]  }
0x18b: {  	v5 =	vld [tilespmem:$0x13CC0]  }
0x18c: {  	[tilespmem:$0x13D00] =	vst v1;
	v1 =	vld [tilespmem:$0x13CD0]  }
0x18d: {  	[tilespmem:$0x13D10] =	vst v2;
	v2 =	vld [tilespmem:$0x13CE0]  }
0x18e: {  	[tilespmem:$0x13D20] =	vst v3;
	v3 =	vld [tilespmem:$0x13CF0]  }
0x18f: {  	[tilespmem:$0x13D30] =	vst v4  }
0x190: {  	s17 =	sadd.s32 $0x2, s24;
	[tilespmem:$0x13D40] =	vst v5  }
0x191: {  	s18 =	sadd.s32 s7, s17;
	[tilespmem:$0x13D50] =	vst v1  }
0x192: {  	s16 =	sshll.u32 s17, $0x3;
	s18 =	smin.u32 s18, $0x9FF;
	[tilespmem:$0x13D60] =	vst v2  }
0x193: {  	s20 =	simm.s32 $0x13D00;
	s16 =	sadd.s32 s9, s16;
	s18 =	sshll.u32 s18, $0x4;
	[tilespmem:$0x13D70] =	vst v3  }
0x194: {  	[spmem:s5] =	stream.indirect.scatter.add.f32 [tilespmem:s23], [sflag:$0x3], $0x80, s20, s19, $0xb8;
	[tilespmem:$0x1C700] =	vst v63  }
0x195: {  	s17 =	simm.s32 $0x0;
	s16 =	smin.u32 s16, $0x4FF8;
	s20 =	sadd.s32 s0, s18  }
0x196: {  	[tilespmem:s25], [sflag:$0x1] =	stream.linear.gather [hbm4b:s20+s17], $0x80, $0x38;
	[tilespmem:$0x1C700] =	vst v63  }
0x197: {  	s16 =	sshll.u32 s16, $0x4;
	s18 =	sadd.s32 s1, s18  }
0x198: {  	[tilespmem:s26], [sflag:$0x1] =	stream.linear.gather [hbm4b:s18+s17], $0x80, $0x38;
	[tilespmem:$0x1C700] =	vst v63  }
0x199: {  	s16 =	sadd.s32 s8, s16  }
0x19a: {  	[tilespmem:s28], [sflag:$0x1] =	stream.linear.gather [hbm4b:s16+s17], $0x400, $0x38;
	[tilespmem:$0x1C700] =	vst v63  }
0x19b: {  	_ =	swait.ge [sflag:s21], $0x2000  }
0x19c: {  	[sflag:s21] =	ssyncset.done $0x0  }
0x19d: {  	[sflag:s21] =	ssyncadd.s32 $0xFFFFE000  }
0x19e: {  	_ =	swait.ge [sflag:s21], $0x2000  }
0x19f: {  	[sflag:s21] =	ssyncset.done $0x0  }
0x1a0: {  	[sflag:s21] =	ssyncadd.s32 $0xFFFFE000  }
0x1a1: {  	_ =	swait.ge [sflag:s29], $0x80  }
0x1a2: {  	[sflag:s29] =	ssyncset.done $0x0  }
0x1a3: {  	[sflag:s29] =	ssyncadd.s32 $0xFFFFFF80  }
0x1a4: {  	_ =	swait.ge [sflag:s29], $0x80  }
0x1a5: {  	[sflag:s29] =	ssyncset.done $0x0  }
0x1a6: {  	[sflag:s29] =	ssyncadd.s32 $0xFFFFFF80  }
0x1a7: {  	_ =	swait.ge [sflag:s29], $0x400  }
0x1a8: {  	[sflag:s29] =	ssyncset.done $0x0  }
0x1a9: {  	[sflag:s29] =	ssyncadd.s32 $0xFFFFFC00  }
0x1aa: {  	_ =	swait.ge [sflag:s22], $0x4000  }
0x1ab: {  	[sflag:s22] =	ssyncset.done $0x0  }
0x1ac: {  	s18 =	simm.s32 $0x0;
	[sflag:s22] =	ssyncadd.s32 $0xFFFFC000  }
0x1ad: {  	[tilespmem:s23], [sflag:$0x2] =	stream.indirect.gather [hbm4b:s3+s30], $0x80, s25, s30, $0xb8;
	[tilespmem:$0x1C700] =	vst v63  }
0x1ae: {  	s16 =	sand.u32 $0x3FFFFF80, s18  }
0x1af: {  	[tilespmem:s4], [sflag:$0x2] =	stream.indirect.gather [hbm4b:s3+s30], $0x80, s31, s30, $0xb8;
	[tilespmem:$0x1C700] =	vst v63  }
0x1b0: {  	s20 =	simm.s32 $0x0;
	v1 =	vld [tilespmem:s16+$0x18300]  }
0x1b1: {  	s16 =	sand.u32 $0x3FFFF800, s20  }
0x1b2: {  	v3 =	vld [tilespmem:s16+$0x18720]  }
0x1b3: {  	v21 =	vld [tilespmem:s16+$0x18730]  }
0x1b4: {  	v10 =	vld [tilespmem:s16+$0x18760]  }
0x1b5: {  	v11 =	vld [tilespmem:s16+$0x18770];
	v2 =	vbroadcast v1, $0x0  }
0x1b6: {  	v12 =	vld [tilespmem:s16+$0x18780]  }
0x1b7: {  	v13 =	vld [tilespmem:s16+$0x18790];
	v3 =	vmul.f32 v3, v2  }
0x1b8: {  	v14 =	vld [tilespmem:s16+$0x187A0];
	v4 =	vmul.f32 v21, v2  }
0x1b9: {  	v9 =	vld [tilespmem:s16+$0x187B0];
	v23 =	vbroadcast v1, $0x1;
	v22 =	vmul.f32 v10, v2;
	[tilespmem:s16+$0x18720] =	vst v3  }
0x1ba: {  	v7 =	vld [tilespmem:s16+$0x187C0];
	v11 =	vmul.f32 v11, v2;
	[tilespmem:s16+$0x18730] =	vst v4  }
0x1bb: {  	v8 =	vld [tilespmem:s16+$0x187D0];
	v12 =	vmul.f32 v12, v23;
	[tilespmem:s16+$0x18760] =	vst v22  }
0x1bc: {  	v25 =	vld [tilespmem:s16+$0x187F0];
	v13 =	vmul.f32 v13, v23;
	[tilespmem:s16+$0x18770] =	vst v11  }
0x1bd: {  	v26 =	vld [tilespmem:s16+$0x18800];
	v14 =	vmul.f32 v14, v23;
	[tilespmem:s16+$0x18780] =	vst v12  }
0x1be: {  	v27 =	vld [tilespmem:s16+$0x18810];
	v9 =	vmul.f32 v9, v23;
	[tilespmem:s16+$0x18790] =	vst v13  }
0x1bf: {  	v6 =	vld [tilespmem:s16+$0x18C70];
	v7 =	vmul.f32 v7, v23;
	[tilespmem:s16+$0x187A0] =	vst v14  }
0x1c0: {  	v24 =	vld [tilespmem:s16+$0x187E0];
	v15 =	vbroadcast v1, $0x2;
	v8 =	vmul.f32 v8, v23;
	[tilespmem:s16+$0x187B0] =	vst v9  }
0x1c1: {  	v28 =	vld [tilespmem:s16+$0x18820];
	v10 =	vmul.f32 v25, v23;
	[tilespmem:s16+$0x187C0] =	vst v7  }
0x1c2: {  	v29 =	vld [tilespmem:s16+$0x18830];
	v5 =	vbroadcast v1, $0xA;
	v32 =	vmul.f32 v26, v15;
	[tilespmem:s16+$0x187D0] =	vst v8  }
0x1c3: {  	v30 =	vld [tilespmem:s16+$0x18840];
	v34 =	vmul.f32 v27, v15;
	[tilespmem:s16+$0x187F0] =	vst v10  }
0x1c4: {  	v33 =	vld [tilespmem:s16+$0x18860];
	v3 =	vmul.f32 v6, v5;
	[tilespmem:s16+$0x18800] =	vst v32  }
0x1c5: {  	v35 =	vld [tilespmem:s16+$0x18870];
	v11 =	vmul.f32 v24, v23;
	[tilespmem:s16+$0x18810] =	vst v34  }
0x1c6: {  	v36 =	vld [tilespmem:s16+$0x18880];
	v9 =	vmul.f32 v28, v15;
	[tilespmem:s16+$0x18C70] =	vst v3  }
0x1c7: {  	v31 =	vld [tilespmem:s16+$0x18850];
	v7 =	vmul.f32 v29, v15;
	[tilespmem:s16+$0x187E0] =	vst v11  }
0x1c8: {  	v37 =	vld [tilespmem:s16+$0x18890];
	v8 =	vmul.f32 v30, v15;
	[tilespmem:s16+$0x18820] =	vst v9  }
0x1c9: {  	v38 =	vld [tilespmem:s16+$0x188A0];
	v41 =	vbroadcast v1, $0x3;
	v10 =	vmul.f32 v33, v15;
	[tilespmem:s16+$0x18830] =	vst v7  }
0x1ca: {  	v39 =	vld [tilespmem:s16+$0x188B0];
	v12 =	vmul.f32 v35, v15;
	[tilespmem:s16+$0x18840] =	vst v8  }
0x1cb: {  	v42 =	vld [tilespmem:s16+$0x188D0];
	v13 =	vmul.f32 v36, v41;
	[tilespmem:s16+$0x18860] =	vst v10  }
0x1cc: {  	v43 =	vld [tilespmem:s16+$0x188E0];
	v11 =	vmul.f32 v31, v15;
	[tilespmem:s16+$0x18870] =	vst v12  }
0x1cd: {  	v44 =	vld [tilespmem:s16+$0x188F0];
	v9 =	vmul.f32 v37, v41;
	[tilespmem:s16+$0x18880] =	vst v13  }
0x1ce: {  	v40 =	vld [tilespmem:s16+$0x188C0];
	v7 =	vmul.f32 v38, v41;
	[tilespmem:s16+$0x18850] =	vst v11  }
0x1cf: {  	v45 =	vld [tilespmem:s16+$0x18900];
	v8 =	vmul.f32 v39, v41;
	[tilespmem:s16+$0x18890] =	vst v9  }
0x1d0: {  	v46 =	vld [tilespmem:s16+$0x18910];
	v10 =	vmul.f32 v42, v41;
	[tilespmem:s16+$0x188A0] =	vst v7  }
0x1d1: {  	v47 =	vld [tilespmem:s16+$0x18920];
	v12 =	vmul.f32 v43, v41;
	[tilespmem:s16+$0x188B0] =	vst v8  }
0x1d2: {  	v49 =	vld [tilespmem:s16+$0x18940];
	v50 =	vbroadcast v1, $0x4;
	v13 =	vmul.f32 v44, v41;
	[tilespmem:s16+$0x188D0] =	vst v10  }
0x1d3: {  	v51 =	vld [tilespmem:s16+$0x18950];
	v11 =	vmul.f32 v40, v41;
	[tilespmem:s16+$0x188E0] =	vst v12  }
0x1d4: {  	v52 =	vld [tilespmem:s16+$0x18960];
	v9 =	vmul.f32 v45, v50;
	[tilespmem:s16+$0x188F0] =	vst v13  }
0x1d5: {  	v48 =	vld [tilespmem:s16+$0x18930];
	v7 =	vmul.f32 v46, v50;
	[tilespmem:s16+$0x188C0] =	vst v11  }
0x1d6: {  	v53 =	vld [tilespmem:s16+$0x18970];
	v8 =	vmul.f32 v47, v50;
	[tilespmem:s16+$0x18900] =	vst v9  }
0x1d7: {  	v54 =	vld [tilespmem:s16+$0x18980];
	v10 =	vmul.f32 v49, v50;
	[tilespmem:s16+$0x18910] =	vst v7  }
0x1d8: {  	v55 =	vld [tilespmem:s16+$0x18990];
	v12 =	vmul.f32 v51, v50;
	[tilespmem:s16+$0x18920] =	vst v8  }
0x1d9: {  	v57 =	vld [tilespmem:s16+$0x189B0];
	v13 =	vmul.f32 v52, v50;
	[tilespmem:s16+$0x18940] =	vst v10  }
0x1da: {  	v58 =	vld [tilespmem:s16+$0x189C0];
	v59 =	vbroadcast v1, $0x5;
	v11 =	vmul.f32 v48, v50;
	[tilespmem:s16+$0x18950] =	vst v12  }
0x1db: {  	v60 =	vld [tilespmem:s16+$0x189D0];
	v9 =	vmul.f32 v53, v50;
	[tilespmem:s16+$0x18960] =	vst v13  }
0x1dc: {  	v56 =	vld [tilespmem:s16+$0x189A0];
	v7 =	vmul.f32 v54, v59;
	[tilespmem:s16+$0x18930] =	vst v11  }
0x1dd: {  	v61 =	vld [tilespmem:s16+$0x189E0];
	v8 =	vmul.f32 v55, v59;
	[tilespmem:s16+$0x18970] =	vst v9  }
0x1de: {  	v62 =	vld [tilespmem:s16+$0x189F0];
	v10 =	vmul.f32 v57, v59;
	[tilespmem:s16+$0x18980] =	vst v7  }
0x1df: {  	v63 =	vld [tilespmem:s16+$0x18A00];
	v12 =	vmul.f32 v58, v59;
	[tilespmem:s16+$0x18990] =	vst v8  }
0x1e0: {  	v19 =	vld [tilespmem:s16+$0x18A20];
	v13 =	vmul.f32 v60, v59;
	[tilespmem:s16+$0x189B0] =	vst v10  }
0x1e1: {  	v20 =	vld [tilespmem:s16+$0x18A30];
	v11 =	vmul.f32 v56, v59;
	[tilespmem:s16+$0x189C0] =	vst v12  }
0x1e2: {  	v21 =	vld [tilespmem:s16+$0x18A40];
	v22 =	vbroadcast v1, $0x6;
	v9 =	vmul.f32 v61, v59;
	[tilespmem:s16+$0x189D0] =	vst v13  }
0x1e3: {  	v18 =	vld [tilespmem:s16+$0x18A10];
	v7 =	vmul.f32 v62, v59;
	[tilespmem:s16+$0x189A0] =	vst v11  }
0x1e4: {  	v23 =	vld [tilespmem:s16+$0x18A50];
	v8 =	vmul.f32 v63, v22;
	[tilespmem:s16+$0x189E0] =	vst v9  }
0x1e5: {  	v24 =	vld [tilespmem:s16+$0x18A60];
	v10 =	vmul.f32 v19, v22;
	[tilespmem:s16+$0x189F0] =	vst v7  }
0x1e6: {  	v25 =	vld [tilespmem:s16+$0x18A70];
	v12 =	vmul.f32 v20, v22;
	[tilespmem:s16+$0x18A00] =	vst v8  }
0x1e7: {  	v27 =	vld [tilespmem:s16+$0x18A90];
	v13 =	vmul.f32 v21, v22;
	[tilespmem:s16+$0x18A20] =	vst v10  }
0x1e8: {  	v28 =	vld [tilespmem:s16+$0x18AA0];
	v11 =	vmul.f32 v18, v22;
	[tilespmem:s16+$0x18A30] =	vst v12  }
0x1e9: {  	v29 =	vld [tilespmem:s16+$0x18AB0];
	v9 =	vmul.f32 v23, v22;
	[tilespmem:s16+$0x18A40] =	vst v13  }
0x1ea: {  	v31 =	vbroadcast v1, $0x7;
	v53 =	vld [tilespmem:s16+$0x18C00];
	v7 =	vmul.f32 v24, v22;
	[tilespmem:s16+$0x18A10] =	vst v11  }
0x1eb: {  	v57 =	vld [tilespmem:s16+$0x18C40];
	v8 =	vmul.f32 v25, v22;
	[tilespmem:s16+$0x18A50] =	vst v9  }
0x1ec: {  	v58 =	vld [tilespmem:s16+$0x18C50];
	v10 =	vmul.f32 v27, v31;
	[tilespmem:s16+$0x18A60] =	vst v7  }
0x1ed: {  	v26 =	vld [tilespmem:s16+$0x18A80];
	v12 =	vmul.f32 v28, v31;
	[tilespmem:s16+$0x18A70] =	vst v8  }
0x1ee: {  	v30 =	vld [tilespmem:s16+$0x18AC0];
	v13 =	vmul.f32 v29, v31;
	[tilespmem:s16+$0x18A90] =	vst v10  }
0x1ef: {  	v32 =	vld [tilespmem:s16+$0x18AD0];
	v59 =	vmul.f32 v53, v5;
	[tilespmem:s16+$0x18AA0] =	vst v12  }
0x1f0: {  	v33 =	vld [tilespmem:s16+$0x18AE0];
	v18 =	vmul.f32 v57, v5;
	[tilespmem:s16+$0x18AB0] =	vst v13  }
0x1f1: {  	v35 =	vld [tilespmem:s16+$0x18B00];
	v20 =	vmul.f32 v58, v5;
	[tilespmem:s16+$0x18C00] =	vst v59  }
0x1f2: {  	v36 =	vld [tilespmem:s16+$0x18B10];
	v11 =	vmul.f32 v26, v31;
	[tilespmem:s16+$0x18C40] =	vst v18  }
0x1f3: {  	v37 =	vld [tilespmem:s16+$0x18B20];
	v9 =	vmul.f32 v30, v31;
	[tilespmem:s16+$0x18C50] =	vst v20  }
0x1f4: {  	v4 =	vld [tilespmem:s16+$0x18C80];
	v40 =	vbroadcast v1, $0x8;
	v7 =	vmul.f32 v32, v31;
	[tilespmem:s16+$0x18A80] =	vst v11  }
0x1f5: {  	v6 =	vld [tilespmem:s16+$0x18C90];
	v8 =	vmul.f32 v33, v31;
	[tilespmem:s16+$0x18AC0] =	vst v9  }
0x1f6: {  	v3 =	vld [tilespmem:s16+$0x18ED0];
	v10 =	vmul.f32 v35, v40;
	[tilespmem:s16+$0x18AD0] =	vst v7  }
0x1f7: {  	v61 =	vld [tilespmem:s16+$0x18700];
	v23 =	vbroadcast v1, $0xB;
	v12 =	vmul.f32 v36, v40;
	[tilespmem:s16+$0x18AE0] =	vst v8  }
0x1f8: {  	v34 =	vld [tilespmem:s16+$0x18AF0];
	v13 =	vmul.f32 v37, v40;
	[tilespmem:s16+$0x18B00] =	vst v10  }
0x1f9: {  	v38 =	vld [tilespmem:s16+$0x18B30];
	v27 =	vbroadcast v1, $0xF;
	v4 =	vmul.f32 v4, v23;
	[tilespmem:s16+$0x18B10] =	vst v12  }
0x1fa: {  	v39 =	vld [tilespmem:s16+$0x18B40];
	v6 =	vmul.f32 v6, v23;
	[tilespmem:s16+$0x18B20] =	vst v13  }
0x1fb: {  	v41 =	vld [tilespmem:s16+$0x18B50];
	v3 =	vmul.f32 v3, v27;
	[tilespmem:s16+$0x18C80] =	vst v4  }
0x1fc: {  	v43 =	vld [tilespmem:s16+$0x18B70];
	v24 =	vmul.f32 v2, v61;
	[tilespmem:s16+$0x18C90] =	vst v6  }
0x1fd: {  	v44 =	vld [tilespmem:s16+$0x18B80];
	v11 =	vmul.f32 v34, v31;
	[tilespmem:s16+$0x18ED0] =	vst v3  }
0x1fe: {  	v45 =	vld [tilespmem:s16+$0x18B90];
	v9 =	vmul.f32 v38, v40;
	[tilespmem:s16+$0x18700] =	vst v24  }
0x1ff: {  	v63 =	vld [tilespmem:s16+$0x18740];
	v7 =	vmul.f32 v39, v40;
	[tilespmem:s16+$0x18AF0] =	vst v11  }
0x200: {  	v49 =	vbroadcast v1, $0x9;
	v29 =	vld [tilespmem:s16+$0x18CF0];
	v8 =	vmul.f32 v41, v40;
	[tilespmem:s16+$0x18B30] =	vst v9  }
0x201: {  	v42 =	vld [tilespmem:s16+$0x18B60];
	v10 =	vmul.f32 v43, v40;
	[tilespmem:s16+$0x18B40] =	vst v7  }
0x202: {  	v46 =	vld [tilespmem:s16+$0x18BA0];
	v12 =	vmul.f32 v44, v49;
	[tilespmem:s16+$0x18B50] =	vst v8  }
0x203: {  	v47 =	vld [tilespmem:s16+$0x18BB0];
	v13 =	vmul.f32 v45, v49;
	[tilespmem:s16+$0x18B70] =	vst v10  }
0x204: {  	v48 =	vld [tilespmem:s16+$0x18BC0];
	v3 =	vmul.f32 v63, v2;
	[tilespmem:s16+$0x18B80] =	vst v12  }
0x205: {  	v51 =	vld [tilespmem:s16+$0x18BE0];
	v6 =	vmul.f32 v29, v23;
	[tilespmem:s16+$0x18B90] =	vst v13  }
0x206: {  	v52 =	vld [tilespmem:s16+$0x18BF0];
	v11 =	vmul.f32 v42, v40;
	[tilespmem:s16+$0x18740] =	vst v3  }
0x207: {  	v28 =	vld [tilespmem:s16+$0x18CE0];
	v9 =	vmul.f32 v46, v49;
	[tilespmem:s16+$0x18CF0] =	vst v6  }
0x208: {  	v26 =	vld [tilespmem:s16+$0x18CD0];
	v7 =	vmul.f32 v47, v49;
	[tilespmem:s16+$0x18B60] =	vst v11  }
0x209: {  	v30 =	vld [tilespmem:s16+$0x18D00];
	v8 =	vmul.f32 v48, v49;
	[tilespmem:s16+$0x18BA0] =	vst v9  }
0x20a: {  	v50 =	vld [tilespmem:s16+$0x18BD0];
	v10 =	vmul.f32 v51, v49;
	[tilespmem:s16+$0x18BB0] =	vst v7  }
0x20b: {  	v54 =	vld [tilespmem:s16+$0x18C10];
	v12 =	vmul.f32 v52, v49;
	[tilespmem:s16+$0x18BC0] =	vst v8  }
0x20c: {  	v55 =	vld [tilespmem:s16+$0x18C20];
	v35 =	vbroadcast v1, $0xC;
	v40 =	vmul.f32 v28, v23;
	[tilespmem:s16+$0x18BE0] =	vst v10  }
0x20d: {  	v56 =	vld [tilespmem:s16+$0x18C30];
	v32 =	vmul.f32 v26, v23;
	[tilespmem:s16+$0x18BF0] =	vst v12  }
0x20e: {  	v60 =	vld [tilespmem:s16+$0x18C60];
	v15 =	vmul.f32 v30, v35;
	[tilespmem:s16+$0x18CE0] =	vst v40  }
0x20f: {  	v62 =	vld [tilespmem:s16+$0x18710];
	v11 =	vmul.f32 v50, v49;
	[tilespmem:s16+$0x18CD0] =	vst v32  }
0x210: {  	v19 =	vld [tilespmem:s16+$0x18750];
	v9 =	vmul.f32 v54, v5;
	[tilespmem:s16+$0x18D00] =	vst v15  }
0x211: {  	v33 =	vld [tilespmem:s16+$0x18D30];
	v7 =	vmul.f32 v55, v5;
	[tilespmem:s16+$0x18BD0] =	vst v11  }
0x212: {  	v61 =	vld [tilespmem:s16+$0x18EF0];
	v8 =	vmul.f32 v56, v5;
	[tilespmem:s16+$0x18C10] =	vst v9  }
0x213: {  	v38 =	vld [tilespmem:s16+$0x18D70];
	v5 =	vmul.f32 v60, v5;
	[tilespmem:s16+$0x18C20] =	vst v7  }
0x214: {  	v21 =	vld [tilespmem:s16+$0x18CA0];
	v12 =	vmul.f32 v62, v2;
	[tilespmem:s16+$0x18C30] =	vst v8  }
0x215: {  	v22 =	vld [tilespmem:s16+$0x18CB0];
	v2 =	vmul.f32 v19, v2;
	[tilespmem:s16+$0x18C60] =	vst v5  }
0x216: {  	v25 =	vld [tilespmem:s16+$0x18CC0];
	v62 =	vmul.f32 v33, v35;
	[tilespmem:s16+$0x18710] =	vst v12  }
0x217: {  	v31 =	vld [tilespmem:s16+$0x18D10];
	v63 =	vmul.f32 v61, v27;
	[tilespmem:s16+$0x18750] =	vst v2  }
0x218: {  	v34 =	vld [tilespmem:s16+$0x18D40];
	v15 =	vmul.f32 v38, v35;
	[tilespmem:s16+$0x18D30] =	vst v62  }
0x219: {  	v41 =	vld [tilespmem:s16+$0x18DA0];
	v7 =	vmul.f32 v21, v23;
	[tilespmem:s16+$0x18EF0] =	vst v63  }
0x21a: {  	v46 =	vld [tilespmem:s16+$0x18DE0];
	v8 =	vmul.f32 v22, v23;
	[tilespmem:s16+$0x18D70] =	vst v15  }
0x21b: {  	v36 =	vld [tilespmem:s16+$0x18D50];
	v5 =	vmul.f32 v25, v23;
	[tilespmem:s16+$0x18CA0] =	vst v7  }
0x21c: {  	v44 =	vbroadcast v1, $0xD;
	v9 =	vmul.f32 v31, v35;
	v2 =	vld [tilespmem:s16+$0x18D90];
	[tilespmem:s16+$0x18CB0] =	vst v8  }
0x21d: {  	v37 =	vld [tilespmem:s16+$0x18D60];
	v12 =	vmul.f32 v34, v35;
	[tilespmem:s16+$0x18CC0] =	vst v5  }
0x21e: {  	v39 =	vld [tilespmem:s16+$0x18D80];
	v11 =	vmul.f32 v41, v44;
	[tilespmem:s16+$0x18D10] =	vst v9  }
0x21f: {  	v42 =	vld [tilespmem:s16+$0x18DB0];
	v51 =	vmul.f32 v46, v44;
	[tilespmem:s16+$0x18D40] =	vst v12  }
0x220: {  	v48 =	vld [tilespmem:s16+$0x18E10];
	v8 =	vmul.f32 v36, v35;
	[tilespmem:s16+$0x18DA0] =	vst v11  }
0x221: {  	v49 =	vld [tilespmem:s16+$0x18E20];
	[tilespmem:s16+$0x18DE0] =	vst v51;
	v2 =	vmul.f32 v2, v44  }
0x222: {  	v50 =	vld [tilespmem:s16+$0x18E30];
	v5 =	vmul.f32 v37, v35;
	[tilespmem:s16+$0x18D50] =	vst v8  }
0x223: {  	v1 =	vbroadcast v1, $0xE;
	v9 =	vmul.f32 v39, v44;
	[tilespmem:s16+$0x18D90] =	vst v2;
	v2 =	vld [tilespmem:s16+$0x18E00]  }
0x224: {  	v60 =	vld [tilespmem:s16+$0x18EE0];
	v12 =	vmul.f32 v42, v44;
	[tilespmem:s16+$0x18D60] =	vst v5  }
0x225: {  	v45 =	vld [tilespmem:s16+$0x18DD0];
	v11 =	vmul.f32 v48, v1;
	[tilespmem:s16+$0x18D80] =	vst v9  }
0x226: {  	v47 =	vld [tilespmem:s16+$0x18DF0];
	v10 =	vmul.f32 v49, v1;
	[tilespmem:s16+$0x18DB0] =	vst v12  }
0x227: {  	v43 =	vld [tilespmem:s16+$0x18DC0];
	v6 =	vmul.f32 v50, v1;
	[tilespmem:s16+$0x18E10] =	vst v11  }
0x228: {  	v55 =	vld [tilespmem:s16+$0x18E80];
	[tilespmem:s16+$0x18E20] =	vst v10;
	v2 =	vmul.f32 v2, v1  }
0x229: {  	v57 =	vld [tilespmem:s16+$0x18EA0];
	v4 =	vmul.f32 v60, v27;
	[tilespmem:s16+$0x18E30] =	vst v6  }
0x22a: {  	v5 =	vmul.f32 v45, v44;
	[tilespmem:s16+$0x18E00] =	vst v2;
	v2 =	vld [tilespmem:s16+$0x18E70]  }
0x22b: {  	v52 =	vld [tilespmem:s16+$0x18E40];
	v9 =	vmul.f32 v47, v44;
	[tilespmem:s16+$0x18EE0] =	vst v4  }
0x22c: {  	v56 =	vld [tilespmem:s16+$0x18E90];
	v8 =	vmul.f32 v43, v44;
	[tilespmem:s16+$0x18DD0] =	vst v5  }
0x22d: {  	v54 =	vld [tilespmem:s16+$0x18E60];
	v11 =	vmul.f32 v55, v27;
	[tilespmem:s16+$0x18DF0] =	vst v9  }
0x22e: {  	v58 =	vld [tilespmem:s16+$0x18EB0];
	v6 =	vmul.f32 v57, v27;
	[tilespmem:s16+$0x18DC0] =	vst v8  }
0x22f: {  	v53 =	vld [tilespmem:s16+$0x18E50];
	[tilespmem:s16+$0x18E80] =	vst v11;
	v2 =	vmul.f32 v2, v1  }
0x230: {  	v59 =	vld [tilespmem:s16+$0x18EC0];
	v5 =	vmul.f32 v52, v1;
	[tilespmem:s16+$0x18EA0] =	vst v6  }
0x231: {  	[tilespmem:s16+$0x18E70] =	vst v2;
	v2 =	vmul.f32 v56, v27  }
0x232: {  	v3 =	vld [tilespmem:s16+$0x18D20];
	v9 =	vmul.f32 v54, v1;
	[tilespmem:s16+$0x18E40] =	vst v5  }
0x233: {  	[tilespmem:s16+$0x18E90] =	vst v2;
	v2 =	vmul.f32 v58, v27  }
0x234: {  	[tilespmem:s16+$0x18E60] =	vst v9;
	v1 =	vmul.f32 v53, v1  }
0x235: {  	[tilespmem:s16+$0x18EB0] =	vst v2;
	v2 =	vmul.f32 v59, v27  }
0x236: {  	[tilespmem:s16+$0x18E50] =	vst v1  }
0x237: {  	s18 =	simm.s32 $0x1;
	[tilespmem:s16+$0x18EC0] =	vst v2;
	v2 =	vmul.f32 v3, v35  }
.LBB2_7:
0x238: {  	s17 =	sshll.u32 s18, $0x7  }
0x239: {  	p0 =	sne.s32 s18, $0x7;
	[tilespmem:s16+$0x18D20] =	vst v2;
	s16 =	smov.u32 s18;
	s18 =	sadd.s32 $0x1, s18  }
0x23a: {  	s17 =	sand.u32 $0x3FFFFF80, s17  }
0x23b: {  	s16 =	sshll.u32 s16, $0xB;
	v1 =	vld [tilespmem:s17+$0x18300]  }
0x23c: {  	s16 =	sand.u32 $0x3FFFF800, s16  }
0x23d: {  	v8 =	vld [tilespmem:s16+$0x187C0]  }
0x23e: {  	v9 =	vld [tilespmem:s16+$0x187D0]  }
0x23f: {  	v10 =	vld [tilespmem:s16+$0x187B0]  }
0x240: {  	v2 =	vbroadcast v1, $0x0;
	v3 =	vld [tilespmem:s16+$0x18720];
	v7 =	vbroadcast v1, $0x4  }
0x241: {  	v5 =	vld [tilespmem:s16+$0x18730]  }
0x242: {  	v6 =	vld [tilespmem:s16+$0x18C70]  }
0x243: {  	v11 =	vld [tilespmem:s16+$0x18760]  }
0x244: {  	v12 =	vld [tilespmem:s16+$0x18770]  }
0x245: {  	v4 =	vbroadcast v1, $0xA;
	v3 =	vmul.f32 v3, v2;
	v13 =	vld [tilespmem:s16+$0x18780]  }
0x246: {  	v5 =	vmul.f32 v5, v2;
	v14 =	vld [tilespmem:s16+$0x18790]  }
0x247: {  	[tilespmem:s16+$0x18720] =	vst v3;
	v15 =	vld [tilespmem:s16+$0x187A0];
	v3 =	vmul.f32 v6, v4  }
0x248: {  	[tilespmem:s16+$0x18730] =	vst v5;
	v6 =	vmul.f32 v11, v2;
	v11 =	vbroadcast v1, $0x1;
	v5 =	vld [tilespmem:s16+$0x18C80]  }
0x249: {  	v12 =	vmul.f32 v12, v2;
	[tilespmem:s16+$0x18C70] =	vst v3;
	v3 =	vld [tilespmem:s16+$0x18ED0]  }
0x24a: {  	[tilespmem:s16+$0x18760] =	vst v6;
	v13 =	vmul.f32 v13, v11;
	v6 =	vld [tilespmem:s16+$0x18C90]  }
0x24b: {  	[tilespmem:s16+$0x18770] =	vst v12;
	v12 =	vmul.f32 v14, v11;
	v14 =	vld [tilespmem:s16+$0x187E0]  }
0x24c: {  	[tilespmem:s16+$0x18780] =	vst v13;
	v13 =	vmul.f32 v15, v11;
	v15 =	vld [tilespmem:s16+$0x187F0]  }
0x24d: {  	v10 =	vmul.f32 v10, v11;
	[tilespmem:s16+$0x18790] =	vst v12;
	v12 =	vld [tilespmem:s16+$0x18800]  }
0x24e: {  	v8 =	vmul.f32 v8, v11;
	[tilespmem:s16+$0x187A0] =	vst v13;
	v13 =	vld [tilespmem:s16+$0x18810]  }
0x24f: {  	v9 =	vmul.f32 v9, v11;
	[tilespmem:s16+$0x187B0] =	vst v10;
	v10 =	vld [tilespmem:s16+$0x18820]  }
0x250: {  	[tilespmem:s16+$0x187C0] =	vst v8;
	v8 =	vmul.f32 v14, v11;
	v14 =	vbroadcast v1, $0x2;
	v16 =	vld [tilespmem:s16+$0x18830]  }
0x251: {  	[tilespmem:s16+$0x187D0] =	vst v9;
	v9 =	vmul.f32 v15, v11;
	v11 =	vld [tilespmem:s16+$0x18840]  }
0x252: {  	[tilespmem:s16+$0x187E0] =	vst v8;
	v8 =	vmul.f32 v12, v14;
	v12 =	vld [tilespmem:s16+$0x18850]  }
0x253: {  	[tilespmem:s16+$0x187F0] =	vst v9;
	v9 =	vmul.f32 v13, v14;
	v13 =	vld [tilespmem:s16+$0x18860]  }
0x254: {  	[tilespmem:s16+$0x18800] =	vst v8;
	v8 =	vmul.f32 v10, v14;
	v10 =	vld [tilespmem:s16+$0x18870]  }
0x255: {  	[tilespmem:s16+$0x18810] =	vst v9;
	v9 =	vmul.f32 v16, v14;
	v15 =	vld [tilespmem:s16+$0x18880]  }
0x256: {  	[tilespmem:s16+$0x18820] =	vst v8;
	v8 =	vmul.f32 v11, v14;
	v11 =	vld [tilespmem:s16+$0x18890]  }
0x257: {  	[tilespmem:s16+$0x18830] =	vst v9;
	v9 =	vmul.f32 v12, v14;
	v12 =	vld [tilespmem:s16+$0x188A0]  }
0x258: {  	[tilespmem:s16+$0x18840] =	vst v8;
	v8 =	vmul.f32 v13, v14;
	v13 =	vbroadcast v1, $0x3;
	v16 =	vld [tilespmem:s16+$0x188B0]  }
0x259: {  	[tilespmem:s16+$0x18850] =	vst v9;
	v9 =	vmul.f32 v10, v14;
	v10 =	vld [tilespmem:s16+$0x188C0]  }
0x25a: {  	[tilespmem:s16+$0x18860] =	vst v8;
	v8 =	vmul.f32 v15, v13;
	v14 =	vld [tilespmem:s16+$0x188D0]  }
0x25b: {  	[tilespmem:s16+$0x18870] =	vst v9;
	v9 =	vmul.f32 v11, v13;
	v11 =	vld [tilespmem:s16+$0x188E0]  }
0x25c: {  	[tilespmem:s16+$0x18880] =	vst v8;
	v8 =	vmul.f32 v12, v13;
	v12 =	vld [tilespmem:s16+$0x188F0]  }
0x25d: {  	[tilespmem:s16+$0x18890] =	vst v9;
	v9 =	vmul.f32 v16, v13;
	v15 =	vld [tilespmem:s16+$0x18900]  }
0x25e: {  	[tilespmem:s16+$0x188A0] =	vst v8;
	v8 =	vmul.f32 v10, v13;
	v10 =	vld [tilespmem:s16+$0x18910]  }
0x25f: {  	[tilespmem:s16+$0x188B0] =	vst v9;
	v9 =	vmul.f32 v14, v13;
	v14 =	vld [tilespmem:s16+$0x18920]  }
0x260: {  	[tilespmem:s16+$0x188C0] =	vst v8;
	v8 =	vmul.f32 v11, v13;
	v11 =	vld [tilespmem:s16+$0x18930]  }
0x261: {  	[tilespmem:s16+$0x188D0] =	vst v9;
	v9 =	vmul.f32 v12, v13;
	v12 =	vld [tilespmem:s16+$0x18940]  }
0x262: {  	[tilespmem:s16+$0x188E0] =	vst v8;
	v8 =	vmul.f32 v15, v7;
	v13 =	vld [tilespmem:s16+$0x18950]  }
0x263: {  	[tilespmem:s16+$0x188F0] =	vst v9;
	v9 =	vmul.f32 v10, v7;
	v10 =	vld [tilespmem:s16+$0x18960]  }
0x264: {  	[tilespmem:s16+$0x18900] =	vst v8;
	v8 =	vmul.f32 v14, v7;
	v14 =	vld [tilespmem:s16+$0x18970]  }
0x265: {  	[tilespmem:s16+$0x18910] =	vst v9;
	v9 =	vmul.f32 v11, v7;
	v11 =	vld [tilespmem:s16+$0x18980]  }
0x266: {  	[tilespmem:s16+$0x18920] =	vst v8;
	v8 =	vmul.f32 v12, v7;
	v12 =	vld [tilespmem:s16+$0x18990]  }
0x267: {  	[tilespmem:s16+$0x18930] =	vst v9;
	v9 =	vmul.f32 v13, v7;
	v13 =	vld [tilespmem:s16+$0x189A0]  }
0x268: {  	[tilespmem:s16+$0x18940] =	vst v8;
	v8 =	vmul.f32 v10, v7;
	v10 =	vbroadcast v1, $0x5;
	v15 =	vld [tilespmem:s16+$0x189B0]  }
0x269: {  	[tilespmem:s16+$0x18950] =	vst v9;
	v7 =	vmul.f32 v14, v7;
	v9 =	vld [tilespmem:s16+$0x189C0]  }
0x26a: {  	[tilespmem:s16+$0x18960] =	vst v8;
	v8 =	vmul.f32 v11, v10;
	v11 =	vld [tilespmem:s16+$0x189D0]  }
0x26b: {  	[tilespmem:s16+$0x18970] =	vst v7;
	v7 =	vmul.f32 v12, v10;
	v12 =	vld [tilespmem:s16+$0x189E0]  }
0x26c: {  	[tilespmem:s16+$0x18980] =	vst v8;
	v8 =	vmul.f32 v13, v10;
	v13 =	vld [tilespmem:s16+$0x189F0]  }
0x26d: {  	[tilespmem:s16+$0x18990] =	vst v7;
	v7 =	vmul.f32 v15, v10;
	v14 =	vld [tilespmem:s16+$0x18A00]  }
0x26e: {  	[tilespmem:s16+$0x189A0] =	vst v8;
	v8 =	vmul.f32 v9, v10;
	v9 =	vld [tilespmem:s16+$0x18A10]  }
0x26f: {  	[tilespmem:s16+$0x189B0] =	vst v7;
	v7 =	vmul.f32 v11, v10;
	v11 =	vld [tilespmem:s16+$0x18A20]  }
0x270: {  	[tilespmem:s16+$0x189C0] =	vst v8;
	v8 =	vmul.f32 v12, v10;
	v12 =	vbroadcast v1, $0x6;
	v15 =	vld [tilespmem:s16+$0x18A30]  }
0x271: {  	[tilespmem:s16+$0x189D0] =	vst v7;
	v7 =	vmul.f32 v13, v10;
	v10 =	vld [tilespmem:s16+$0x18A40]  }
0x272: {  	[tilespmem:s16+$0x189E0] =	vst v8;
	v8 =	vmul.f32 v14, v12;
	v13 =	vld [tilespmem:s16+$0x18A50]  }
0x273: {  	[tilespmem:s16+$0x189F0] =	vst v7;
	v7 =	vmul.f32 v9, v12;
	v9 =	vld [tilespmem:s16+$0x18A60]  }
0x274: {  	[tilespmem:s16+$0x18A00] =	vst v8;
	v8 =	vmul.f32 v11, v12;
	v11 =	vld [tilespmem:s16+$0x18A70]  }
0x275: {  	[tilespmem:s16+$0x18A10] =	vst v7;
	v7 =	vmul.f32 v15, v12;
	v14 =	vld [tilespmem:s16+$0x18A80]  }
0x276: {  	[tilespmem:s16+$0x18A20] =	vst v8;
	v8 =	vmul.f32 v10, v12;
	v10 =	vld [tilespmem:s16+$0x18A90]  }
0x277: {  	[tilespmem:s16+$0x18A30] =	vst v7;
	v7 =	vmul.f32 v13, v12;
	v13 =	vld [tilespmem:s16+$0x18AA0]  }
0x278: {  	[tilespmem:s16+$0x18A40] =	vst v8;
	v8 =	vmul.f32 v9, v12;
	v9 =	vbroadcast v1, $0x7;
	v15 =	vld [tilespmem:s16+$0x18AB0]  }
0x279: {  	[tilespmem:s16+$0x18A50] =	vst v7;
	v7 =	vmul.f32 v11, v12;
	v11 =	vld [tilespmem:s16+$0x18AC0]  }
0x27a: {  	[tilespmem:s16+$0x18A60] =	vst v8;
	v8 =	vmul.f32 v14, v9;
	v12 =	vld [tilespmem:s16+$0x18AD0]  }
0x27b: {  	[tilespmem:s16+$0x18A70] =	vst v7;
	v7 =	vmul.f32 v10, v9;
	v10 =	vld [tilespmem:s16+$0x18AE0]  }
0x27c: {  	[tilespmem:s16+$0x18A80] =	vst v8;
	v8 =	vmul.f32 v13, v9;
	v13 =	vld [tilespmem:s16+$0x18AF0]  }
0x27d: {  	[tilespmem:s16+$0x18A90] =	vst v7;
	v7 =	vmul.f32 v15, v9;
	v14 =	vld [tilespmem:s16+$0x18B00]  }
0x27e: {  	[tilespmem:s16+$0x18AA0] =	vst v8;
	v8 =	vmul.f32 v11, v9;
	v11 =	vld [tilespmem:s16+$0x18B10]  }
0x27f: {  	[tilespmem:s16+$0x18AB0] =	vst v7;
	v7 =	vmul.f32 v12, v9;
	v12 =	vld [tilespmem:s16+$0x18B20]  }
0x280: {  	[tilespmem:s16+$0x18AC0] =	vst v8;
	v8 =	vmul.f32 v10, v9;
	v10 =	vbroadcast v1, $0x8;
	v15 =	vld [tilespmem:s16+$0x18B30]  }
0x281: {  	[tilespmem:s16+$0x18AD0] =	vst v7;
	v7 =	vmul.f32 v13, v9;
	v9 =	vld [tilespmem:s16+$0x18B40]  }
0x282: {  	[tilespmem:s16+$0x18AE0] =	vst v8;
	v8 =	vmul.f32 v14, v10;
	v13 =	vld [tilespmem:s16+$0x18B50]  }
0x283: {  	[tilespmem:s16+$0x18AF0] =	vst v7;
	v7 =	vmul.f32 v11, v10;
	v11 =	vld [tilespmem:s16+$0x18B60]  }
0x284: {  	[tilespmem:s16+$0x18B00] =	vst v8;
	v8 =	vmul.f32 v12, v10;
	v12 =	vld [tilespmem:s16+$0x18B70]  }
0x285: {  	[tilespmem:s16+$0x18B10] =	vst v7;
	v7 =	vmul.f32 v15, v10;
	v14 =	vld [tilespmem:s16+$0x18B80]  }
0x286: {  	[tilespmem:s16+$0x18B20] =	vst v8;
	v8 =	vmul.f32 v9, v10;
	v9 =	vld [tilespmem:s16+$0x18B90]  }
0x287: {  	[tilespmem:s16+$0x18B30] =	vst v7;
	v7 =	vmul.f32 v13, v10;
	v13 =	vld [tilespmem:s16+$0x18BA0]  }
0x288: {  	[tilespmem:s16+$0x18B40] =	vst v8;
	v8 =	vmul.f32 v11, v10;
	v11 =	vbroadcast v1, $0x9;
	v15 =	vld [tilespmem:s16+$0x18BB0]  }
0x289: {  	[tilespmem:s16+$0x18B50] =	vst v7;
	v7 =	vmul.f32 v12, v10;
	v10 =	vld [tilespmem:s16+$0x18BC0]  }
0x28a: {  	[tilespmem:s16+$0x18B60] =	vst v8;
	v8 =	vmul.f32 v14, v11;
	v12 =	vld [tilespmem:s16+$0x18BD0]  }
0x28b: {  	[tilespmem:s16+$0x18B70] =	vst v7;
	v7 =	vmul.f32 v9, v11;
	v9 =	vld [tilespmem:s16+$0x18BE0]  }
0x28c: {  	[tilespmem:s16+$0x18B80] =	vst v8;
	v8 =	vmul.f32 v13, v11;
	v13 =	vld [tilespmem:s16+$0x18BF0]  }
0x28d: {  	[tilespmem:s16+$0x18B90] =	vst v7;
	v7 =	vmul.f32 v15, v11;
	v14 =	vld [tilespmem:s16+$0x18C00]  }
0x28e: {  	[tilespmem:s16+$0x18BA0] =	vst v8;
	v8 =	vmul.f32 v10, v11;
	v10 =	vld [tilespmem:s16+$0x18C10]  }
0x28f: {  	[tilespmem:s16+$0x18BB0] =	vst v7;
	v7 =	vmul.f32 v12, v11;
	v12 =	vld [tilespmem:s16+$0x18C20]  }
0x290: {  	[tilespmem:s16+$0x18BC0] =	vst v8;
	v8 =	vmul.f32 v9, v11;
	v9 =	vld [tilespmem:s16+$0x18C30]  }
0x291: {  	[tilespmem:s16+$0x18BD0] =	vst v7;
	v7 =	vmul.f32 v13, v11;
	v11 =	vld [tilespmem:s16+$0x18C40]  }
0x292: {  	[tilespmem:s16+$0x18BE0] =	vst v8;
	v8 =	vmul.f32 v14, v4;
	v13 =	vld [tilespmem:s16+$0x18C50]  }
0x293: {  	[tilespmem:s16+$0x18BF0] =	vst v7;
	v7 =	vmul.f32 v10, v4;
	v10 =	vld [tilespmem:s16+$0x18C60]  }
0x294: {  	v14 =	vld [tilespmem:s16+$0x18700];
	[tilespmem:s16+$0x18C00] =	vst v8;
	v8 =	vmul.f32 v12, v4  }
0x295: {  	v12 =	vld [tilespmem:s16+$0x18710];
	[tilespmem:s16+$0x18C10] =	vst v7;
	v7 =	vmul.f32 v9, v4  }
0x296: {  	v9 =	vld [tilespmem:s16+$0x18740];
	[tilespmem:s16+$0x18C20] =	vst v8;
	v8 =	vmul.f32 v11, v4  }
0x297: {  	v11 =	vld [tilespmem:s16+$0x18750];
	[tilespmem:s16+$0x18C30] =	vst v7;
	v7 =	vmul.f32 v13, v4  }
0x298: {  	[tilespmem:s16+$0x18C40] =	vst v8;
	v8 =	vmul.f32 v10, v4;
	v10 =	vbroadcast v1, $0xB;
	v13 =	vld [tilespmem:s16+$0x18CA0]  }
0x299: {  	v4 =	vbroadcast v1, $0xF;
	v14 =	vmul.f32 v2, v14;
	[tilespmem:s16+$0x18C50] =	vst v7;
	v7 =	vld [tilespmem:s16+$0x18CB0]  }
0x29a: {  	v12 =	vmul.f32 v12, v2;
	[tilespmem:s16+$0x18C60] =	vst v8;
	v5 =	vmul.f32 v5, v10;
	v8 =	vld [tilespmem:s16+$0x18CC0]  }
0x29b: {  	v6 =	vmul.f32 v6, v10;
	[tilespmem:s16+$0x18700] =	vst v14;
	v9 =	vmul.f32 v9, v2;
	v14 =	vld [tilespmem:s16+$0x18CD0]  }
0x29c: {  	v3 =	vmul.f32 v3, v4;
	v11 =	vmul.f32 v11, v2;
	[tilespmem:s16+$0x18C80] =	vst v5;
	v2 =	vld [tilespmem:s16+$0x18CE0]  }
0x29d: {  	[tilespmem:s16+$0x18C90] =	vst v6;
	v5 =	vmul.f32 v13, v10;
	v6 =	vld [tilespmem:s16+$0x18CF0]  }
0x29e: {  	v7 =	vmul.f32 v7, v10;
	v13 =	vld [tilespmem:s16+$0x18D00];
	[tilespmem:s16+$0x18ED0] =	vst v3  }
0x29f: {  	[tilespmem:s16+$0x18710] =	vst v12;
	v3 =	vmul.f32 v8, v10;
	v8 =	vld [tilespmem:s16+$0x18D10]  }
0x2a0: {  	[tilespmem:s16+$0x18740] =	vst v9;
	v9 =	vmul.f32 v14, v10;
	v12 =	vld [tilespmem:s16+$0x18D20]  }
0x2a1: {  	v14 =	vbroadcast v1, $0xC;
	[tilespmem:s16+$0x18CA0] =	vst v5;
	v5 =	vmul.f32 v2, v10;
	v15 =	vld [tilespmem:s16+$0x18D30]  }
0x2a2: {  	[tilespmem:s16+$0x18CD0] =	vst v9;
	v6 =	vmul.f32 v6, v10;
	v9 =	vld [tilespmem:s16+$0x18D40]  }
0x2a3: {  	[tilespmem:s16+$0x18CB0] =	vst v7;
	v2 =	vmul.f32 v13, v14;
	v7 =	vld [tilespmem:s16+$0x18D50]  }
0x2a4: {  	[tilespmem:s16+$0x18CC0] =	vst v3;
	v3 =	vmul.f32 v8, v14;
	v8 =	vld [tilespmem:s16+$0x18D60]  }
0x2a5: {  	[tilespmem:s16+$0x18D00] =	vst v2;
	v2 =	vmul.f32 v12, v14;
	v10 =	vld [tilespmem:s16+$0x18D70]  }
0x2a6: {  	[tilespmem:s16+$0x18D10] =	vst v3;
	v3 =	vld [tilespmem:s16+$0x18D80]  }
0x2a7: {  	[tilespmem:s16+$0x18750] =	vst v11;
	v9 =	vmul.f32 v9, v14;
	v11 =	vld [tilespmem:s16+$0x18D90]  }
0x2a8: {  	[tilespmem:s16+$0x18CE0] =	vst v5;
	v5 =	vmul.f32 v7, v14;
	v7 =	vld [tilespmem:s16+$0x18DA0]  }
0x2a9: {  	[tilespmem:s16+$0x18D40] =	vst v9;
	v8 =	vmul.f32 v8, v14;
	v9 =	vbroadcast v1, $0xD;
	v12 =	vld [tilespmem:s16+$0x18DB0]  }
0x2aa: {  	[tilespmem:s16+$0x18D50] =	vst v5;
	v5 =	vmul.f32 v10, v14;
	v10 =	vld [tilespmem:s16+$0x18DC0]  }
0x2ab: {  	[tilespmem:s16+$0x18D60] =	vst v8;
	v3 =	vmul.f32 v3, v9;
	v8 =	vld [tilespmem:s16+$0x18DD0]  }
0x2ac: {  	[tilespmem:s16+$0x18D70] =	vst v5;
	v5 =	vmul.f32 v11, v9;
	v11 =	vld [tilespmem:s16+$0x18DE0]  }
0x2ad: {  	[tilespmem:s16+$0x18D80] =	vst v3;
	v3 =	vmul.f32 v7, v9;
	v7 =	vld [tilespmem:s16+$0x18DF0]  }
0x2ae: {  	[tilespmem:s16+$0x18D90] =	vst v5;
	v5 =	vmul.f32 v12, v9;
	v12 =	vld [tilespmem:s16+$0x18E00]  }
0x2af: {  	[tilespmem:s16+$0x18DA0] =	vst v3;
	v3 =	vmul.f32 v10, v9;
	v10 =	vld [tilespmem:s16+$0x18E10]  }
0x2b0: {  	[tilespmem:s16+$0x18DB0] =	vst v5;
	v5 =	vmul.f32 v8, v9;
	v8 =	vld [tilespmem:s16+$0x18E20]  }
0x2b1: {  	v1 =	vbroadcast v1, $0xE;
	[tilespmem:s16+$0x18CF0] =	vst v6;
	v6 =	vmul.f32 v11, v9;
	v11 =	vld [tilespmem:s16+$0x18E30]  }
0x2b2: {  	[tilespmem:s16+$0x18DD0] =	vst v5;
	v5 =	vmul.f32 v7, v9;
	v7 =	vld [tilespmem:s16+$0x18E40]  }
0x2b3: {  	[tilespmem:s16+$0x18DE0] =	vst v6;
	v6 =	vmul.f32 v12, v1;
	v9 =	vld [tilespmem:s16+$0x18E50]  }
0x2b4: {  	[tilespmem:s16+$0x18DF0] =	vst v5;
	v5 =	vmul.f32 v10, v1;
	v10 =	vld [tilespmem:s16+$0x18E60]  }
0x2b5: {  	[tilespmem:s16+$0x18E00] =	vst v6;
	v6 =	vmul.f32 v8, v1;
	v8 =	vld [tilespmem:s16+$0x18E70]  }
0x2b6: {  	[tilespmem:s16+$0x18E10] =	vst v5;
	v5 =	vmul.f32 v11, v1;
	v11 =	vld [tilespmem:s16+$0x18E80]  }
0x2b7: {  	[tilespmem:s16+$0x18E20] =	vst v6;
	v6 =	vmul.f32 v7, v1;
	v7 =	vld [tilespmem:s16+$0x18E90]  }
0x2b8: {  	[tilespmem:s16+$0x18E30] =	vst v5;
	v5 =	vmul.f32 v9, v1;
	v9 =	vld [tilespmem:s16+$0x18EA0]  }
0x2b9: {  	[tilespmem:s16+$0x18E40] =	vst v6;
	v6 =	vmul.f32 v10, v1;
	v10 =	vld [tilespmem:s16+$0x18EB0]  }
0x2ba: {  	[tilespmem:s16+$0x18DC0] =	vst v3;
	v1 =	vmul.f32 v8, v1;
	v3 =	vld [tilespmem:s16+$0x18EC0]  }
0x2bb: {  	[tilespmem:s16+$0x18E60] =	vst v6;
	v6 =	vmul.f32 v11, v4;
	v8 =	vld [tilespmem:s16+$0x18EE0]  }
0x2bc: {  	[tilespmem:s16+$0x18E70] =	vst v1;
	v1 =	vmul.f32 v7, v4;
	v7 =	vld [tilespmem:s16+$0x18EF0]  }
0x2bd: {  	[tilespmem:s16+$0x18E80] =	vst v6;
	v6 =	vmul.f32 v9, v4  }
0x2be: {  	[tilespmem:s16+$0x18E90] =	vst v1;
	v1 =	vmul.f32 v10, v4  }
0x2bf: {  	v9 =	vmul.f32 v15, v14;
	[tilespmem:s16+$0x18EA0] =	vst v6  }
0x2c0: {  	[tilespmem:s16+$0x18EB0] =	vst v1;
	v1 =	vmul.f32 v3, v4  }
.Ltmp2:
0x2c1: {  	[tilespmem:s16+$0x18D30] =	vst v9;
	v3 =	vmul.f32 v7, v4;
	(pc) =	sbr.rel @p0 .LBB2_7-.Ltmp2, $4  }
0x2c2: {  	[tilespmem:s16+$0x18EC0] =	vst v1  }
0x2c3: {  	v1 =	vmul.f32 v8, v4;
	[tilespmem:s16+$0x18EF0] =	vst v3  }
0x2c4: {  	[tilespmem:s16+$0x18E50] =	vst v5  }
0x2c5: {  	[tilespmem:s16+$0x18EE0] =	vst v1  }
0x2c6: {  	[tilespmem:s16+$0x18D20] =	vst v2  }
0x2c7: {  	v1 =	vld [tilespmem:$0x18200]  }
0x2c8: {  	v2 =	vld [tilespmem:$0x18210]  }
0x2c9: {  	v3 =	vld [tilespmem:$0x18220]  }
0x2ca: {  	v4 =	vld [tilespmem:$0x18230]  }
0x2cb: {  	v5 =	vld [tilespmem:$0x18240]  }
0x2cc: {  	[tilespmem:$0x18280] =	vst v1;
	v1 =	vld [tilespmem:$0x18250]  }
0x2cd: {  	[tilespmem:$0x18290] =	vst v2;
	v2 =	vld [tilespmem:$0x18260]  }
0x2ce: {  	[tilespmem:$0x182A0] =	vst v3;
	v3 =	vld [tilespmem:$0x18270]  }
0x2cf: {  	[tilespmem:$0x182B0] =	vst v4  }
0x2d0: {  	s24 =	sadd.s32 $0x3, s24;
	[tilespmem:$0x182C0] =	vst v5  }
0x2d1: {  	s17 =	sadd.s32 s7, s24;
	[tilespmem:$0x182D0] =	vst v1  }
0x2d2: {  	s20 =	simm.s32 $0x18280;
	s17 =	smin.u32 s17, $0x9FF;
	[tilespmem:$0x182E0] =	vst v2  }
0x2d3: {  	s10 =	sadd.s32 $0x1, s10;
	s16 =	sshll.u32 s24, $0x3;
	s17 =	sshll.u32 s17, $0x4;
	[tilespmem:$0x182F0] =	vst v3  }
0x2d4: {  	[spmem:s5] =	stream.indirect.scatter.add.f32 [tilespmem:s15], [sflag:$0x6], $0x80, s20, s19, $0xb8;
	[tilespmem:$0x1C700] =	vst v63  }
0x2d5: {  	p0 =	sne.s32 s10, $0x28;
	s16 =	sadd.s32 s9, s16;
	s18 =	sadd.s32 s0, s17  }
0x2d6: {  	[tilespmem:s2], [sflag:$0x4] =	stream.linear.gather [hbm4b:s18+s6], $0x80, $0x38;
	[tilespmem:$0x1C700] =	vst v63  }
.Ltmp3:
0x2d7: {  	s16 =	smin.u32 s16, $0x4FF8;
	(pc) =	sbr.rel @p0 .LBB2_4-.Ltmp3, $4  }
0x2d8: {  	s17 =	sadd.s32 s1, s17;
	s16 =	sshll.u32 s16, $0x4  }
0x2d9: {  	[tilespmem:s11], [sflag:$0x4] =	stream.linear.gather [hbm4b:s17+s6], $0x80, $0x38;
	[tilespmem:$0x1C700] =	vst v63  }
0x2da: {  	s16 =	sadd.s32 s8, s16  }
0x2db: {  	[tilespmem:s12], [sflag:$0x4] =	stream.linear.gather [hbm4b:s16+s6], $0x400, $0x38;
	[tilespmem:$0x1C700] =	vst v63  }
0x2dc: {  	_ =	swait.ge [sflag:s13], $0x2000  }
0x2dd: {  	[sflag:s13] =	ssyncset.done $0x0  }
0x2de: {  	[sflag:s13] =	ssyncadd.s32 $0xFFFFE000  }
0x2df: {  	_ =	swait.ge [sflag:s13], $0x2000  }
0x2e0: {  	[sflag:s13] =	ssyncset.done $0x0  }
0x2e1: {  	[sflag:s13] =	ssyncadd.s32 $0xFFFFE000  }
0x2e2: {  	_ =	swait.ge [sflag:s14], $0x80  }
0x2e3: {  	[sflag:s14] =	ssyncset.done $0x0  }
0x2e4: {  	[sflag:s14] =	ssyncadd.s32 $0xFFFFFF80  }
0x2e5: {  	_ =	swait.ge [sflag:s14], $0x80  }
0x2e6: {  	[sflag:s14] =	ssyncset.done $0x0  }
0x2e7: {  	[sflag:s14] =	ssyncadd.s32 $0xFFFFFF80  }
0x2e8: {  	_ =	swait.ge [sflag:s14], $0x400  }
0x2e9: {  	[sflag:s14] =	ssyncset.done $0x0  }
0x2ea: {  	s10 =	simm.s32 $0x6;
	[sflag:s14] =	ssyncadd.s32 $0xFFFFFC00  }
0x2eb: {  	_ =	swait.ge [sflag:s10], $0x4000  }
0x2ec: {  	[sflag:s10] =	ssyncset.done $0x0  }
0x2ed: {  	[sflag:s10] =	ssyncadd.s32 $0xFFFFC000  }
0x2ee: {  	s18 =	stileid.u32;
	[bflag:$0x0] =	sbarrier.arrive $0xFFFF  }
0x2ef: {  	s10 =	sshll.u32 s18, $0x6;
	s17 =	rddreg [dreg:$0x7]  }
0x2f0: {  	s10 =	sor.u32 $0x1C07, s10;
	s18 =	rddreg [dreg:$0x12];
	s16 =	sshrl.u32 s17, $0x3  }
0x2f1: {  	[hbm:s18], [sflag:s10] =	dma.local [spmem:s16], $0x2780  }
0x2f2: {  	s18 =	simm.s32 $0x7  }
0x2f3: {  	_ =	swait.ge [sflag:s18], $0x2780  }
0x2f4: {  	s20 =	rddreg [dreg:$0x14]  }
0x2f5: {  	s24 =	rddreg [dreg:$0x13];
	s16 =	sadd.s32 $0x1, s20  }
0x2f6: {  	p0 =	sne.s32 s16, s24  }
.Ltmp4:
0x2f7: {  	_ = 	snop;
	(pc) =	sbr.rel @p0 .LBB2_1-.Ltmp4, $3  }
0x2f8: {  	_ =	sdelay $0x1  }
0x2f9: {  	[sflag:s18] =	ssyncset.done $0x0  }
0x2fa: {  	[sflag:s18] =	ssyncadd.s32 $0xFFFFD880  }
0x2fb: {  	_ =	sfence.sel $0x180000  }
0x2fc: {  	[bflag:$0x0] =	sbarrier.arrive $0xFFFF  }
0x2fd: {  	_ =	strace $0x90000047  }
0x2fe: {  	s0 =	stileid.u32;
	[bflag:$0x2] =	sbarrier.arrive $0xFFFF  }
0x2ff: {  	p0 =	sne.s32 s0, $0x0;
	s0 =	rddreg [dreg:$0x6]  }
0x300: {  	s0 =	sadd.s32 @!p0 $0x100000, s0  }
0x301: {  	[sflag:s0] =	ssyncadd.tile.s32 @!p0 $0x1;
	_ =	shalt  }
.Lfunc_end2:
_tile_overlayer_lowered:
.L_overlay_start_2:
0x302: {  	(tag) =	ssettag $0x2  }
0x303: {  	s0 =	rddreg [dreg:$0x0];
	s2 =	stileid.u32  }
0x304: {  	s1 =	rddreg [dreg:$0x1];
	p0 =	sne.s32 s2, $0x0  }
0x305: {  	s3 =	rddreg [dreg:$0x2];
	[bflag:$0x3] =	sbarrier.arrive $0xFFFF;
	s2 =	simm.s32 @!p0 $0x1C07  }
0x306: {  	[timem:s3], [sflag:s2] =	dma.local @!p0 [hbm:s0], s1  }
0x307: {  	s0 =	simm.s32 @!p0 $0x7  }
0x308: {  	_ =	swait.ge @!p0 [sflag:s0], s1  }
0x309: {  	s1 =	ssub.s32 @!p0 $0x0, s1;
	[sflag:s0] =	ssyncset.done @!p0 $0x0  }
0x30a: {  	[sflag:s0] =	ssyncadd.s32 @!p0 s1  }
0x30b: {  	[bflag:$0x3] =	sbarrier.arrive $0xFFFF  }
0x30c: {  	_ =	shalt  }

</sc_bundles>
